<compile_context>
chip_gen: v7x
topology: tpu7x:2x2x1
jax: 0.10.2.dev20260603
libtpu: 0.0.44.dev20260713+nightly
codegen_flags: <defaults>
</compile_context>

<pallas_src>
import functools

import jax
import jax.numpy as jnp
from jax import lax
from jax.experimental import pallas as pl
from jax.experimental.pallas import tpu as pltpu
from jax.experimental.pallas import tpu_sc as plsc

N = 10000
E = 160000
D = 256
H = 256
C = 10
K = 10
ALPHA = 0.1

TILES = 16
CHUNK = 640
N_PAD = TILES * CHUNK
ROW = 128
EC = 80
E_PAD = TILES * EC * ROW


def _rsqrt16(d):
    m = d
    scale = jnp.full((16,), 1.0, jnp.float32)
    for _unused in range(9):
        big = m >= 4.0
        m = jnp.where(big, m * 0.25, m)
        scale = jnp.where(big, scale * 0.5, scale)
    y = jnp.full((16,), 0.6, jnp.float32)
    for _unused in range(5):
        y = y * (1.5 - 0.5 * m * y * y)
    return y * scale


def _sc_body(ei_ref, v_ref, src_i, dst_i, t_buf, un_tab, z_c, norm_c, v_c,
             un_c, zero_c, z_sh, un_sh, sem_s):
    sid = lax.axis_index("s")
    ebase = sid * EC
    cbase = sid * CHUNK
    cslice = pl.ds(cbase, CHUNK)

    pltpu.sync_copy(ei_ref.at[0, pl.ds(ebase, EC)], src_i)
    pltpu.sync_copy(ei_ref.at[1, pl.ds(ebase, EC)], dst_i)

    def _zero(i, _):
        zero_c[pl.ds(i * 16, 16)] = jnp.zeros((16,), jnp.float32)
        return 0

    lax.fori_loop(0, CHUNK // 16, _zero, 0, unroll=4)
    pltpu.sync_copy(zero_c, z_sh.at[cslice])

    def _ones_row(j, _):
        for m in range(ROW // 16):
            t_buf[j, pl.ds(m * 16, 16)] = jnp.ones((16,), jnp.float32)
        return 0

    lax.fori_loop(0, EC, _ones_row, 0)
    plsc.subcore_barrier()

    def _deg(j, _):
        pltpu.async_copy(t_buf.at[j], z_sh.at[dst_i.at[j]], sem_s, add=True)
        return 0

    lax.fori_loop(0, EC, _deg, 0)
    pltpu.make_async_copy(v_ref, un_tab, sem_s).wait()
    plsc.subcore_barrier()

    pltpu.sync_copy(z_sh.at[cslice], z_c)

    def _norm(i, _):
        s = pl.ds(i * 16, 16)
        norm_c[s] = _rsqrt16(jnp.maximum(z_c[s], 1.0))
        v_c[s] = jnp.full((16,), ALPHA, jnp.float32)
        return 0

    lax.fori_loop(0, CHUNK // 16, _norm, 0)
    pltpu.sync_copy(norm_c, un_sh.at[cslice])
    pltpu.sync_copy(zero_c, z_sh.at[cslice])
    plsc.subcore_barrier()

    for step in range(1, K + 1):
        coef = ALPHA * (1.0 - ALPHA) ** step if step < K else (1.0 - ALPHA) ** K

        pltpu.sync_copy(un_sh, un_tab)

        def _edge(j, _):
            for m in range(ROW // 16):
                sl = pl.ds(m * 16, 16)
                t_buf[j, sl] = plsc.load_gather(un_tab, [dst_i[j, sl]])
            pltpu.async_copy(t_buf.at[j], z_sh.at[src_i.at[j]], sem_s,
                             add=True)
            return 0

        lax.fori_loop(0, EC, _edge, 0)
        pltpu.make_async_copy(v_ref, un_tab, sem_s).wait()
        plsc.subcore_barrier()

        pltpu.sync_copy(z_sh.at[cslice], z_c)

        def _upd(i, _):
            s = pl.ds(i * 16, 16)
            u = z_c[s] * norm_c[s]
            v_c[s] = v_c[s] + coef * u
            un_c[s] = u * norm_c[s]
            return 0

        lax.fori_loop(0, CHUNK // 16, _upd, 0, unroll=4)
        if step < K:
            pltpu.sync_copy(un_c, un_sh.at[cslice])
            pltpu.sync_copy(zero_c, z_sh.at[cslice])
            plsc.subcore_barrier()

    def _mask(i, _):
        s = pl.ds(i * 16, 16)
        ii = lax.iota(jnp.int32, 16) + (cbase + i * 16)
        v_c[s] = jnp.where(ii < N, v_c[s], 0.0)
        return 0

    lax.fori_loop(0, CHUNK // 16, _mask, 0)
    pltpu.sync_copy(v_c, v_ref.at[cslice])


_sc_propagate = functools.partial(
    pl.kernel,
    out_type=jax.ShapeDtypeStruct((N_PAD,), jnp.float32),
    mesh=plsc.VectorSubcoreMesh(core_axis_name="c", subcore_axis_name="s",
                                num_cores=1),
    compiler_params=pltpu.CompilerParams(needs_layout_passes=False),
    scratch_types=[
        pltpu.VMEM((EC, ROW), jnp.int32),
        pltpu.VMEM((EC, ROW), jnp.int32),
        pltpu.VMEM((EC, ROW), jnp.float32),
        pltpu.VMEM((N_PAD,), jnp.float32),
        pltpu.VMEM((CHUNK,), jnp.float32),
        pltpu.VMEM((CHUNK,), jnp.float32),
        pltpu.VMEM((CHUNK,), jnp.float32),
        pltpu.VMEM((CHUNK,), jnp.float32),
        pltpu.VMEM((CHUNK,), jnp.float32),
        pltpu.VMEM_SHARED((N_PAD,), jnp.float32),
        pltpu.VMEM_SHARED((N_PAD,), jnp.float32),
        pltpu.SemaphoreType.DMA,
    ],
)(_sc_body)


TILE_M = 1024
GRID_M = N_PAD // TILE_M


def _tc_mlp_body(x_ref, w0_ref, b0_ref, w1_ref, b1_ref, w2_ref, b2_ref,
                 wc_ref, g_ref):
    h = jnp.maximum(
        jnp.dot(x_ref[...], w0_ref[...], preferred_element_type=jnp.float32)
        + b0_ref[...], 0.0)
    h = jnp.maximum(
        jnp.dot(h, w1_ref[...], preferred_element_type=jnp.float32)
        + b1_ref[...], 0.0)
    h = jnp.maximum(
        jnp.dot(h, w2_ref[...], preferred_element_type=jnp.float32)
        + b2_ref[...], 0.0)
    g_ref[...] = jnp.dot(h, wc_ref[...], preferred_element_type=jnp.float32)


_tc_mlp = pl.pallas_call(
    _tc_mlp_body,
    grid=(GRID_M,),
    in_specs=[
        pl.BlockSpec((TILE_M, D), lambda i: (i, 0)),
        pl.BlockSpec((D, H), lambda i: (0, 0)),
        pl.BlockSpec((1, H), lambda i: (0, 0)),
        pl.BlockSpec((H, H), lambda i: (0, 0)),
        pl.BlockSpec((1, H), lambda i: (0, 0)),
        pl.BlockSpec((H, H), lambda i: (0, 0)),
        pl.BlockSpec((1, H), lambda i: (0, 0)),
        pl.BlockSpec((H, C), lambda i: (0, 0)),
    ],
    out_specs=pl.BlockSpec((TILE_M, C), lambda i: (i, 0)),
    out_shape=jax.ShapeDtypeStruct((N_PAD, C), jnp.float32),
    compiler_params=pltpu.CompilerParams(
        dimension_semantics=("arbitrary",)),
)


def _tc_out_body(v_ref, g_ref, bc_ref, out_ref):
    out_ref[...] = jnp.dot(
        v_ref[...] * (1.0 / N), g_ref[...],
        preferred_element_type=jnp.float32) + bc_ref[...]


_tc_readout = pl.pallas_call(
    _tc_out_body,
    grid=(1,),
    in_specs=[
        pl.BlockSpec((1, N_PAD), lambda i: (0, 0)),
        pl.BlockSpec((N_PAD, C), lambda i: (0, 0)),
        pl.BlockSpec((1, C), lambda i: (0, 0)),
    ],
    out_specs=pl.BlockSpec((1, C), lambda i: (0, 0)),
    out_shape=jax.ShapeDtypeStruct((1, C), jnp.float32),
)


def kernel(x, edge_index, W0, b0, W1, b1, W2, b2, Wc, bc):
    ei = jnp.pad(edge_index, ((0, 0), (0, E_PAD - E)), constant_values=N)
    ei3 = ei.reshape(2, TILES * EC, ROW)
    xp = jnp.pad(x, ((0, N_PAD - N), (0, 0)))
    g = _tc_mlp(xp, W0, b0.reshape(1, H), W1, b1.reshape(1, H),
                W2, b2.reshape(1, H), Wc)
    v = _sc_propagate(ei3)
    return _tc_readout(v.reshape(1, N_PAD), g, bc.reshape(1, C))

# --- scband reference (transcript-rebuilt; emitter-appended) ---
"""Pipeline reference for scband-classifier-13134009991243 (READ-ONLY COPY).

The authoritative reference and input builder live on the scoring server;
editing this copy changes nothing except your own understanding.
"""

import jax, jax.numpy as jnp
import numpy as np

N = 10000
E = 160000
D = 256
H = 256
C = 10
K = 10
ALPHA = 0.1


def setup_inputs(seed: int = 0) -> dict:
    key = jax.random.key(seed)
    ks = jax.random.split(key, 10)
    inp = {}
    inp["x"] = jax.random.normal(ks[0], (N, D), dtype=jnp.float32)
    inp["edge_index"] = jax.random.randint(ks[1], (2, E), 0, N, dtype=jnp.int32)
    # MLP: Linear(in_dim, hidden) + hidden_layers=2 x Linear(hidden, hidden)
    inp["W0"] = jax.random.normal(ks[2], (D, H), dtype=jnp.float32) * (1.0 / np.sqrt(D))
    inp["b0"] = jnp.zeros((H,), dtype=jnp.float32)
    inp["W1"] = jax.random.normal(ks[3], (H, H), dtype=jnp.float32) * (1.0 / np.sqrt(H))
    inp["b1"] = jnp.zeros((H,), dtype=jnp.float32)
    inp["W2"] = jax.random.normal(ks[4], (H, H), dtype=jnp.float32) * (1.0 / np.sqrt(H))
    inp["b2"] = jnp.zeros((H,), dtype=jnp.float32)
    # classifier head Linear(hidden, n_classes)
    inp["Wc"] = jax.random.normal(ks[5], (H, C), dtype=jnp.float32) * (1.0 / np.sqrt(H))
    inp["bc"] = jnp.zeros((C,), dtype=jnp.float32)
    return inp


def reference(x, edge_index, W0, b0, W1, b1, W2, b2, Wc, bc):
    # MLP encoder with relu activations (feat_drop=0 -> identity)
    h = jax.nn.relu(x @ W0 + b0)
    h = jax.nn.relu(h @ W1 + b1)
    h = jax.nn.relu(h @ W2 + b2)
    # APPNPConv (DGL): symmetric norm with in-degrees clamped to 1, K iterations
    src = edge_index[0]
    dst = edge_index[1]
    deg = jax.ops.segment_sum(jnp.ones((E,), dtype=jnp.float32), dst, num_segments=N)
    norm = jnp.power(jnp.clip(deg, 1.0, None), -0.5)[:, None]
    h0 = h
    for _ in range(K):
        hn = h * norm
        msg = hn[src]
        agg = jax.ops.segment_sum(msg, dst, num_segments=N)
        h = (1.0 - ALPHA) * (agg * norm) + ALPHA * h0
    # AvgPooling readout (single graph in batch) -> [1, H]
    hg = jnp.mean(h, axis=0, keepdims=True)
    # classifier
    return hg @ Wc + bc

if __name__ == "__main__":
    import jax
    _d = setup_inputs()
    print(jax.jit(kernel)(*tuple(_d.values())))

</pallas_src>

<mosaic_0001>
#map = affine_map<(d0, d1) -> (0, 0, 0)>
#map1 = affine_map<(d0, d1) -> (0)>
module attributes {stable_mosaic.version = 14 : i64} {
  func.func @_sc_body(%arg0: i32, %arg1: i32, %arg2: memref<2x1280x128xi32, #tpu.memory_space<hbm>>, %arg3: memref<10240xf32, #tpu.memory_space<hbm>>, %arg4: memref<80x128xi32, #tpu.memory_space<vmem>>, %arg5: memref<80x128xi32, #tpu.memory_space<vmem>>, %arg6: memref<80x128xf32, #tpu.memory_space<vmem>>, %arg7: memref<10240xf32, #tpu.memory_space<vmem>>, %arg8: memref<640xf32, #tpu.memory_space<vmem>>, %arg9: memref<640xf32, #tpu.memory_space<vmem>>, %arg10: memref<640xf32, #tpu.memory_space<vmem>>, %arg11: memref<640xf32, #tpu.memory_space<vmem>>, %arg12: memref<640xf32, #tpu.memory_space<vmem>>, %arg13: memref<10240xf32, #tpu.memory_space<vmem_shared>>, %arg14: memref<10240xf32, #tpu.memory_space<vmem_shared>>, %arg15: memref<!tpu.dma_semaphore, #tpu.memory_space<semaphore_mem>>) attributes {dimension_semantics = [#tpu.dimension_semantics<core_parallel>, #tpu.dimension_semantics<subcore_parallel>], iteration_bounds = array<i64: 1, 16>, scalar_prefetch = 0 : i64, scratch_operands = 12 : i64, tpu.core_type = #tpu.core_type<sc_vector_subcore>, window_params = [{transform_indices = #map}, {transform_indices = #map1}]} {
    %mul3A = arith.constant 80 : i32
    %mul3A_0 = arith.muli %arg1, %mul3A : i32
    %mul3A_1 = arith.constant 640 : i32
    %mul3A_2 = arith.muli %arg1, %mul3A_1 : i32
    %run_scoped3A = arith.constant 0 : i32
    "tpu.region"() ({
      %run_scoped3A_199 = tpu.sem_alloc : memref<!tpu.dma_semaphore, #tpu.memory_space<semaphore_mem>>
      %dma_start3A = arith.constant 0 : i32
      %dma_start3A_200 = tpu.memref_slice %arg2[%run_scoped3A, %mul3A_0, %dma_start3A] : memref<2x1280x128xi32, #tpu.memory_space<hbm>> -> memref<1x80x128xi32, #tpu.memory_space<hbm>>
      %dma_start3A_201 = tpu.memref_squeeze %dma_start3A_200 : memref<1x80x128xi32, #tpu.memory_space<hbm>> -> memref<80x128xi32, #tpu.memory_space<hbm>>
      %dma_start3A_202 = arith.constant 0 : i32
      %dma_start3A_203 = tpu.memref_slice %arg2[%run_scoped3A, %mul3A_0, %dma_start3A_202] : memref<2x1280x128xi32, #tpu.memory_space<hbm>> -> memref<1x80x128xi32, #tpu.memory_space<hbm>>
      %dma_start3A_204 = tpu.memref_squeeze %dma_start3A_203 : memref<1x80x128xi32, #tpu.memory_space<hbm>> -> memref<80x128xi32, #tpu.memory_space<hbm>>
      tpu.enqueue_dma source(%dma_start3A_204 : memref<80x128xi32, #tpu.memory_space<hbm>>) target(%arg4 : memref<80x128xi32, #tpu.memory_space<vmem>>) target_semaphore(%run_scoped3A_199 : memref<!tpu.dma_semaphore, #tpu.memory_space<semaphore_mem>>)
      %dma_wait3A = arith.constant 0 : i32
      %dma_wait3A_205 = tpu.memref_slice %arg2[%run_scoped3A, %mul3A_0, %dma_wait3A] : memref<2x1280x128xi32, #tpu.memory_space<hbm>> -> memref<1x80x128xi32, #tpu.memory_space<hbm>>
      %dma_wait3A_206 = tpu.memref_squeeze %dma_wait3A_205 : memref<1x80x128xi32, #tpu.memory_space<hbm>> -> memref<80x128xi32, #tpu.memory_space<hbm>>
      %dma_wait3A_207 = arith.constant 0 : i32
      %dma_wait3A_208 = tpu.memref_slice %arg2[%run_scoped3A, %mul3A_0, %dma_wait3A_207] : memref<2x1280x128xi32, #tpu.memory_space<hbm>> -> memref<1x80x128xi32, #tpu.memory_space<hbm>>
      %dma_wait3A_209 = tpu.memref_squeeze %dma_wait3A_208 : memref<1x80x128xi32, #tpu.memory_space<hbm>> -> memref<80x128xi32, #tpu.memory_space<hbm>>
      tpu.wait_dma2 semaphore(%run_scoped3A_199 : memref<!tpu.dma_semaphore, #tpu.memory_space<semaphore_mem>>) src(%dma_wait3A_209 : memref<80x128xi32, #tpu.memory_space<hbm>>) dst(%arg4 : memref<80x128xi32, #tpu.memory_space<vmem>>)
      tpu.yield
    }) : () -> ()
    %run_scoped3A_3 = arith.constant 1 : i32
    "tpu.region"() ({
      %run_scoped3A_199 = tpu.sem_alloc : memref<!tpu.dma_semaphore, #tpu.memory_space<semaphore_mem>>
      %dma_start3A = arith.constant 0 : i32
      %dma_start3A_200 = tpu.memref_slice %arg2[%run_scoped3A_3, %mul3A_0, %dma_start3A] : memref<2x1280x128xi32, #tpu.memory_space<hbm>> -> memref<1x80x128xi32, #tpu.memory_space<hbm>>
      %dma_start3A_201 = tpu.memref_squeeze %dma_start3A_200 : memref<1x80x128xi32, #tpu.memory_space<hbm>> -> memref<80x128xi32, #tpu.memory_space<hbm>>
      %dma_start3A_202 = arith.constant 0 : i32
      %dma_start3A_203 = tpu.memref_slice %arg2[%run_scoped3A_3, %mul3A_0, %dma_start3A_202] : memref<2x1280x128xi32, #tpu.memory_space<hbm>> -> memref<1x80x128xi32, #tpu.memory_space<hbm>>
      %dma_start3A_204 = tpu.memref_squeeze %dma_start3A_203 : memref<1x80x128xi32, #tpu.memory_space<hbm>> -> memref<80x128xi32, #tpu.memory_space<hbm>>
      tpu.enqueue_dma source(%dma_start3A_204 : memref<80x128xi32, #tpu.memory_space<hbm>>) target(%arg5 : memref<80x128xi32, #tpu.memory_space<vmem>>) target_semaphore(%run_scoped3A_199 : memref<!tpu.dma_semaphore, #tpu.memory_space<semaphore_mem>>)
      %dma_wait3A = arith.constant 0 : i32
      %dma_wait3A_205 = tpu.memref_slice %arg2[%run_scoped3A_3, %mul3A_0, %dma_wait3A] : memref<2x1280x128xi32, #tpu.memory_space<hbm>> -> memref<1x80x128xi32, #tpu.memory_space<hbm>>
      %dma_wait3A_206 = tpu.memref_squeeze %dma_wait3A_205 : memref<1x80x128xi32, #tpu.memory_space<hbm>> -> memref<80x128xi32, #tpu.memory_space<hbm>>
      %dma_wait3A_207 = arith.constant 0 : i32
      %dma_wait3A_208 = tpu.memref_slice %arg2[%run_scoped3A_3, %mul3A_0, %dma_wait3A_207] : memref<2x1280x128xi32, #tpu.memory_space<hbm>> -> memref<1x80x128xi32, #tpu.memory_space<hbm>>
      %dma_wait3A_209 = tpu.memref_squeeze %dma_wait3A_208 : memref<1x80x128xi32, #tpu.memory_space<hbm>> -> memref<80x128xi32, #tpu.memory_space<hbm>>
      tpu.wait_dma2 semaphore(%run_scoped3A_199 : memref<!tpu.dma_semaphore, #tpu.memory_space<semaphore_mem>>) src(%dma_wait3A_209 : memref<80x128xi32, #tpu.memory_space<hbm>>) dst(%arg5 : memref<80x128xi32, #tpu.memory_space<vmem>>)
      tpu.yield
    }) : () -> ()
    %scan3A = arith.constant 0 : i32
    %scan3A_4 = arith.constant 0 : i32
    %scan3A_5 = arith.constant 40 : i32
    %scan3A_6 = arith.addi %scan3A_4, %scan3A_5 : i32
    %scan3A_7 = arith.constant 4 : i32
    %scan3A_8 = scf.for %scan3A_199 = %scan3A_4 to %scan3A_6 step %scan3A_7 iter_args(%scan3A_200 = %scan3A) -> (i32)  : i32 {
      %broadcast_in_dim3A = arith.constant 0.000000e+00 : f32
      %broadcast_in_dim3A_201 = vector.broadcast %broadcast_in_dim3A : f32 to vector<16xf32>
      %mul3A_202 = arith.constant 16 : i32
      %mul3A_203 = arith.muli %scan3A_199, %mul3A_202 : i32
      %swap3A = arith.index_cast %mul3A_203 : i32 to index
      %swap3A_204 = tpu.vector_load %arg12[%swap3A] {strides = array<i32>} : memref<640xf32, #tpu.memory_space<vmem>>, vector<16xf32>,
      tpu.vector_store %arg12[%swap3A], %broadcast_in_dim3A_201 {strides = array<i32>} : memref<640xf32, #tpu.memory_space<vmem>>, vector<16xf32>,
      %scan3A_205 = arith.constant 0 : i32
      %scan3A_206 = arith.constant 1 : i32
      %scan3A_207 = arith.addi %scan3A_199, %scan3A_206 : i32
      %broadcast_in_dim3A_208 = arith.constant 0.000000e+00 : f32
      %broadcast_in_dim3A_209 = vector.broadcast %broadcast_in_dim3A_208 : f32 to vector<16xf32>
      %mul3A_210 = arith.constant 16 : i32
      %mul3A_211 = arith.muli %scan3A_207, %mul3A_210 : i32
      %swap3A_212 = arith.index_cast %mul3A_211 : i32 to index
      %swap3A_213 = tpu.vector_load %arg12[%swap3A_212] {strides = array<i32>} : memref<640xf32, #tpu.memory_space<vmem>>, vector<16xf32>,
      tpu.vector_store %arg12[%swap3A_212], %broadcast_in_dim3A_209 {strides = array<i32>} : memref<640xf32, #tpu.memory_space<vmem>>, vector<16xf32>,
      %scan3A_214 = arith.constant 0 : i32
      %scan3A_215 = arith.constant 2 : i32
      %scan3A_216 = arith.addi %scan3A_199, %scan3A_215 : i32
      %broadcast_in_dim3A_217 = arith.constant 0.000000e+00 : f32
      %broadcast_in_dim3A_218 = vector.broadcast %broadcast_in_dim3A_217 : f32 to vector<16xf32>
      %mul3A_219 = arith.constant 16 : i32
      %mul3A_220 = arith.muli %scan3A_216, %mul3A_219 : i32
      %swap3A_221 = arith.index_cast %mul3A_220 : i32 to index
      %swap3A_222 = tpu.vector_load %arg12[%swap3A_221] {strides = array<i32>} : memref<640xf32, #tpu.memory_space<vmem>>, vector<16xf32>,
      tpu.vector_store %arg12[%swap3A_221], %broadcast_in_dim3A_218 {strides = array<i32>} : memref<640xf32, #tpu.memory_space<vmem>>, vector<16xf32>,
      %scan3A_223 = arith.constant 0 : i32
      %scan3A_224 = arith.constant 3 : i32
      %scan3A_225 = arith.addi %scan3A_199, %scan3A_224 : i32
      %broadcast_in_dim3A_226 = arith.constant 0.000000e+00 : f32
      %broadcast_in_dim3A_227 = vector.broadcast %broadcast_in_dim3A_226 : f32 to vector<16xf32>
      %mul3A_228 = arith.constant 16 : i32
      %mul3A_229 = arith.muli %scan3A_225, %mul3A_228 : i32
      %swap3A_230 = arith.index_cast %mul3A_229 : i32 to index
      %swap3A_231 = tpu.vector_load %arg12[%swap3A_230] {strides = array<i32>} : memref<640xf32, #tpu.memory_space<vmem>>, vector<16xf32>,
      tpu.vector_store %arg12[%swap3A_230], %broadcast_in_dim3A_227 {strides = array<i32>} : memref<640xf32, #tpu.memory_space<vmem>>, vector<16xf32>,
      %scan3A_232 = arith.constant 0 : i32
      scf.yield %scan3A_232 : i32
    }
    %scan3A_9 = arith.constant 40 : i32
    "tpu.region"() ({
      %run_scoped3A_199 = tpu.sem_alloc : memref<!tpu.dma_semaphore, #tpu.memory_space<semaphore_mem>>
      %dma_start3A = tpu.memref_slice %arg13[%mul3A_2] : memref<10240xf32, #tpu.memory_space<vmem_shared>> -> memref<640xf32, #tpu.memory_space<vmem_shared>>
      %dma_start3A_200 = tpu.memref_slice %arg13[%mul3A_2] : memref<10240xf32, #tpu.memory_space<vmem_shared>> -> memref<640xf32, #tpu.memory_space<vmem_shared>>
      tpu.enqueue_dma source(%arg12 : memref<640xf32, #tpu.memory_space<vmem>>) target(%dma_start3A_200 : memref<640xf32, #tpu.memory_space<vmem_shared>>) target_semaphore(%run_scoped3A_199 : memref<!tpu.dma_semaphore, #tpu.memory_space<semaphore_mem>>)
      %dma_wait3A = tpu.memref_slice %arg13[%mul3A_2] : memref<10240xf32, #tpu.memory_space<vmem_shared>> -> memref<640xf32, #tpu.memory_space<vmem_shared>>
      %dma_wait3A_201 = tpu.memref_slice %arg13[%mul3A_2] : memref<10240xf32, #tpu.memory_space<vmem_shared>> -> memref<640xf32, #tpu.memory_space<vmem_shared>>
      tpu.wait_dma2 semaphore(%run_scoped3A_199 : memref<!tpu.dma_semaphore, #tpu.memory_space<semaphore_mem>>) src(%arg12 : memref<640xf32, #tpu.memory_space<vmem>>) dst(%dma_wait3A_201 : memref<640xf32, #tpu.memory_space<vmem_shared>>)
      tpu.yield
    }) : () -> ()
    %scan3A_10 = arith.constant 0 : i32
    %scan3A_11 = arith.constant 0 : i32
    %scan3A_12 = arith.constant 80 : i32
    %scan3A_13 = arith.addi %scan3A_11, %scan3A_12 : i32
    %scan3A_14 = arith.constant 1 : i32
    %scan3A_15 = scf.for %scan3A_199 = %scan3A_11 to %scan3A_13 step %scan3A_14 iter_args(%scan3A_200 = %scan3A_10) -> (i32)  : i32 {
      %broadcast_in_dim3A = arith.constant 1.000000e+00 : f32
      %broadcast_in_dim3A_201 = vector.broadcast %broadcast_in_dim3A : f32 to vector<16xf32>
      %swap3A = arith.index_cast %scan3A_199 : i32 to index
      %swap3A_202 = arith.constant 0 : index
      %swap3A_203 = tpu.vector_load %arg6[%swap3A, %swap3A_202] {strides = array<i32>} : memref<80x128xf32, #tpu.memory_space<vmem>>, vector<16xf32>,
      tpu.vector_store %arg6[%swap3A, %swap3A_202], %broadcast_in_dim3A_201 {strides = array<i32>} : memref<80x128xf32, #tpu.memory_space<vmem>>, vector<16xf32>,
      %broadcast_in_dim3A_204 = arith.constant 1.000000e+00 : f32
      %broadcast_in_dim3A_205 = vector.broadcast %broadcast_in_dim3A_204 : f32 to vector<16xf32>
      %swap3A_206 = arith.index_cast %scan3A_199 : i32 to index
      %swap3A_207 = arith.constant 16 : index
      %swap3A_208 = tpu.vector_load %arg6[%swap3A_206, %swap3A_207] {strides = array<i32>} : memref<80x128xf32, #tpu.memory_space<vmem>>, vector<16xf32>,
      tpu.vector_store %arg6[%swap3A_206, %swap3A_207], %broadcast_in_dim3A_205 {strides = array<i32>} : memref<80x128xf32, #tpu.memory_space<vmem>>, vector<16xf32>,
      %broadcast_in_dim3A_209 = arith.constant 1.000000e+00 : f32
      %broadcast_in_dim3A_210 = vector.broadcast %broadcast_in_dim3A_209 : f32 to vector<16xf32>
      %swap3A_211 = arith.index_cast %scan3A_199 : i32 to index
      %swap3A_212 = arith.constant 32 : index
      %swap3A_213 = tpu.vector_load %arg6[%swap3A_211, %swap3A_212] {strides = array<i32>} : memref<80x128xf32, #tpu.memory_space<vmem>>, vector<16xf32>,
      tpu.vector_store %arg6[%swap3A_211, %swap3A_212], %broadcast_in_dim3A_210 {strides = array<i32>} : memref<80x128xf32, #tpu.memory_space<vmem>>, vector<16xf32>,
      %broadcast_in_dim3A_214 = arith.constant 1.000000e+00 : f32
      %broadcast_in_dim3A_215 = vector.broadcast %broadcast_in_dim3A_214 : f32 to vector<16xf32>
      %swap3A_216 = arith.index_cast %scan3A_199 : i32 to index
      %swap3A_217 = arith.constant 48 : index
      %swap3A_218 = tpu.vector_load %arg6[%swap3A_216, %swap3A_217] {strides = array<i32>} : memref<80x128xf32, #tpu.memory_space<vmem>>, vector<16xf32>,
      tpu.vector_store %arg6[%swap3A_216, %swap3A_217], %broadcast_in_dim3A_215 {strides = array<i32>} : memref<80x128xf32, #tpu.memory_space<vmem>>, vector<16xf32>,
      %broadcast_in_dim3A_219 = arith.constant 1.000000e+00 : f32
      %broadcast_in_dim3A_220 = vector.broadcast %broadcast_in_dim3A_219 : f32 to vector<16xf32>
      %swap3A_221 = arith.index_cast %scan3A_199 : i32 to index
      %swap3A_222 = arith.constant 64 : index
      %swap3A_223 = tpu.vector_load %arg6[%swap3A_221, %swap3A_222] {strides = array<i32>} : memref<80x128xf32, #tpu.memory_space<vmem>>, vector<16xf32>,
      tpu.vector_store %arg6[%swap3A_221, %swap3A_222], %broadcast_in_dim3A_220 {strides = array<i32>} : memref<80x128xf32, #tpu.memory_space<vmem>>, vector<16xf32>,
      %broadcast_in_dim3A_224 = arith.constant 1.000000e+00 : f32
      %broadcast_in_dim3A_225 = vector.broadcast %broadcast_in_dim3A_224 : f32 to vector<16xf32>
      %swap3A_226 = arith.index_cast %scan3A_199 : i32 to index
      %swap3A_227 = arith.constant 80 : index
      %swap3A_228 = tpu.vector_load %arg6[%swap3A_226, %swap3A_227] {strides = array<i32>} : memref<80x128xf32, #tpu.memory_space<vmem>>, vector<16xf32>,
      tpu.vector_store %arg6[%swap3A_226, %swap3A_227], %broadcast_in_dim3A_225 {strides = array<i32>} : memref<80x128xf32, #tpu.memory_space<vmem>>, vector<16xf32>,
      %broadcast_in_dim3A_229 = arith.constant 1.000000e+00 : f32
      %broadcast_in_dim3A_230 = vector.broadcast %broadcast_in_dim3A_229 : f32 to vector<16xf32>
      %swap3A_231 = arith.index_cast %scan3A_199 : i32 to index
      %swap3A_232 = arith.constant 96 : index
      %swap3A_233 = tpu.vector_load %arg6[%swap3A_231, %swap3A_232] {strides = array<i32>} : memref<80x128xf32, #tpu.memory_space<vmem>>, vector<16xf32>,
      tpu.vector_store %arg6[%swap3A_231, %swap3A_232], %broadcast_in_dim3A_230 {strides = array<i32>} : memref<80x128xf32, #tpu.memory_space<vmem>>, vector<16xf32>,
      %broadcast_in_dim3A_234 = arith.constant 1.000000e+00 : f32
      %broadcast_in_dim3A_235 = vector.broadcast %broadcast_in_dim3A_234 : f32 to vector<16xf32>
      %swap3A_236 = arith.index_cast %scan3A_199 : i32 to index
      %swap3A_237 = arith.constant 112 : index
      %swap3A_238 = tpu.vector_load %arg6[%swap3A_236, %swap3A_237] {strides = array<i32>} : memref<80x128xf32, #tpu.memory_space<vmem>>, vector<16xf32>,
      tpu.vector_store %arg6[%swap3A_236, %swap3A_237], %broadcast_in_dim3A_235 {strides = array<i32>} : memref<80x128xf32, #tpu.memory_space<vmem>>, vector<16xf32>,
      %scan3A_239 = arith.constant 0 : i32
      scf.yield %scan3A_239 : i32
    }
    %scan3A_16 = arith.constant 80 : i32
    %barrier3A = arith.constant 0 : index
    tpu.barrier barrier_id(%barrier3A)
    %scan3A_17 = arith.constant 0 : i32
    %scan3A_18 = arith.constant 0 : i32
    %scan3A_19 = arith.constant 80 : i32
    %scan3A_20 = arith.addi %scan3A_18, %scan3A_19 : i32
    %scan3A_21 = arith.constant 1 : i32
    %scan3A_22 = scf.for %scan3A_199 = %scan3A_18 to %scan3A_20 step %scan3A_21 iter_args(%scan3A_200 = %scan3A_17) -> (i32)  : i32 {
      %dma_start3A = arith.constant 0 : i32
      %dma_start3A_201 = tpu.memref_slice %arg6[%scan3A_199, %dma_start3A] : memref<80x128xf32, #tpu.memory_space<vmem>> -> memref<1x128xf32, #tpu.memory_space<vmem>>
      %dma_start3A_202 = tpu.memref_squeeze %dma_start3A_201 : memref<1x128xf32, #tpu.memory_space<vmem>> -> memref<128xf32, #tpu.memory_space<vmem>>
      %dma_start3A_203 = arith.constant 0 : i32
      %dma_start3A_204 = tpu.memref_slice %arg5[%scan3A_199, %dma_start3A_203] : memref<80x128xi32, #tpu.memory_space<vmem>> -> memref<1x128xi32, #tpu.memory_space<vmem>>
      %dma_start3A_205 = tpu.memref_squeeze %dma_start3A_204 : memref<1x128xi32, #tpu.memory_space<vmem>> -> memref<128xi32, #tpu.memory_space<vmem>>
      %dma_start3A_206 = arith.constant 0 : i32
      %dma_start3A_207 = tpu.memref_slice %arg13[%dma_start3A_206] : memref<10240xf32, #tpu.memory_space<vmem_shared>> -> memref<10240xf32, #tpu.memory_space<vmem_shared>>
      tpu.enqueue_indirect_dma source(%dma_start3A_202 : memref<128xf32, #tpu.memory_space<vmem>>) target(%dma_start3A_207 : memref<10240xf32, #tpu.memory_space<vmem_shared>>) offsets(%dma_start3A_205 : memref<128xi32, #tpu.memory_space<vmem>>) semaphore(%arg15 : memref<!tpu.dma_semaphore, #tpu.memory_space<semaphore_mem>>) {add = true}
      %scan3A_208 = arith.constant 0 : i32
      scf.yield %scan3A_208 : i32
    }
    %scan3A_23 = arith.constant 80 : i32
    tpu.wait_dma2 semaphore(%arg15 : memref<!tpu.dma_semaphore, #tpu.memory_space<semaphore_mem>>) src(%arg3 : memref<10240xf32, #tpu.memory_space<hbm>>) dst(%arg7 : memref<10240xf32, #tpu.memory_space<vmem>>)
    %barrier3A_24 = arith.constant 0 : index
    tpu.barrier barrier_id(%barrier3A_24)
    "tpu.region"() ({
      %run_scoped3A_199 = tpu.sem_alloc : memref<!tpu.dma_semaphore, #tpu.memory_space<semaphore_mem>>
      %dma_start3A = tpu.memref_slice %arg13[%mul3A_2] : memref<10240xf32, #tpu.memory_space<vmem_shared>> -> memref<640xf32, #tpu.memory_space<vmem_shared>>
      %dma_start3A_200 = tpu.memref_slice %arg13[%mul3A_2] : memref<10240xf32, #tpu.memory_space<vmem_shared>> -> memref<640xf32, #tpu.memory_space<vmem_shared>>
      tpu.enqueue_dma source(%dma_start3A_200 : memref<640xf32, #tpu.memory_space<vmem_shared>>) target(%arg8 : memref<640xf32, #tpu.memory_space<vmem>>) target_semaphore(%run_scoped3A_199 : memref<!tpu.dma_semaphore, #tpu.memory_space<semaphore_mem>>)
      %dma_wait3A = tpu.memref_slice %arg13[%mul3A_2] : memref<10240xf32, #tpu.memory_space<vmem_shared>> -> memref<640xf32, #tpu.memory_space<vmem_shared>>
      %dma_wait3A_201 = tpu.memref_slice %arg13[%mul3A_2] : memref<10240xf32, #tpu.memory_space<vmem_shared>> -> memref<640xf32, #tpu.memory_space<vmem_shared>>
      tpu.wait_dma2 semaphore(%run_scoped3A_199 : memref<!tpu.dma_semaphore, #tpu.memory_space<semaphore_mem>>) src(%dma_wait3A_201 : memref<640xf32, #tpu.memory_space<vmem_shared>>) dst(%arg8 : memref<640xf32, #tpu.memory_space<vmem>>)
      tpu.yield
    }) : () -> ()
    %scan3A_25 = arith.constant 0 : i32
    %scan3A_26 = arith.constant 0 : i32
    %scan3A_27 = arith.constant 40 : i32
    %scan3A_28 = arith.addi %scan3A_26, %scan3A_27 : i32
    %scan3A_29 = arith.constant 1 : i32
    %scan3A_30 = scf.for %scan3A_199 = %scan3A_26 to %scan3A_28 step %scan3A_29 iter_args(%scan3A_200 = %scan3A_25) -> (i32)  : i32 {
      %mul3A_201 = arith.constant 16 : i32
      %mul3A_202 = arith.muli %scan3A_199, %mul3A_201 : i32
      %get3A = arith.index_cast %mul3A_202 : i32 to index
      %get3A_203 = tpu.vector_load %arg8[%get3A] {strides = array<i32>} : memref<640xf32, #tpu.memory_space<vmem>>, vector<16xf32>,
      %max3A = arith.constant 1.000000e+00 : f32
      %max3A_204 = vector.broadcast %max3A : f32 to vector<16xf32>
      %max3A_205 = arith.maximumf %get3A_203, %max3A_204 : vector<16xf32>
      %broadcast_in_dim3A = arith.constant 1.000000e+00 : f32
      %broadcast_in_dim3A_206 = vector.broadcast %broadcast_in_dim3A : f32 to vector<16xf32>
      %ge3A = arith.constant 4.000000e+00 : f32
      %ge3A_207 = vector.broadcast %ge3A : f32 to vector<16xf32>
      %ge3A_208 = arith.cmpf oge, %max3A_205, %ge3A_207 : vector<16xf32>
      %mul3A_209 = arith.constant 2.500000e-01 : f32
      %mul3A_210 = vector.broadcast %mul3A_209 : f32 to vector<16xf32>
      %mul3A_211 = arith.mulf %max3A_205, %mul3A_210 : vector<16xf32>
      %select_n3A = arith.select %ge3A_208, %mul3A_211, %max3A_205 : vector<16xi1>, vector<16xf32>
      %mul3A_212 = arith.constant 5.000000e-01 : f32
      %mul3A_213 = vector.broadcast %mul3A_212 : f32 to vector<16xf32>
      %mul3A_214 = arith.mulf %broadcast_in_dim3A_206, %mul3A_213 : vector<16xf32>
      %select_n3A_215 = arith.select %ge3A_208, %mul3A_214, %broadcast_in_dim3A_206 : vector<16xi1>, vector<16xf32>
      %ge3A_216 = arith.constant 4.000000e+00 : f32
      %ge3A_217 = vector.broadcast %ge3A_216 : f32 to vector<16xf32>
      %ge3A_218 = arith.cmpf oge, %select_n3A, %ge3A_217 : vector<16xf32>
      %mul3A_219 = arith.constant 2.500000e-01 : f32
      %mul3A_220 = vector.broadcast %mul3A_219 : f32 to vector<16xf32>
      %mul3A_221 = arith.mulf %select_n3A, %mul3A_220 : vector<16xf32>
      %select_n3A_222 = arith.select %ge3A_218, %mul3A_221, %select_n3A : vector<16xi1>, vector<16xf32>
      %mul3A_223 = arith.constant 5.000000e-01 : f32
      %mul3A_224 = vector.broadcast %mul3A_223 : f32 to vector<16xf32>
      %mul3A_225 = arith.mulf %select_n3A_215, %mul3A_224 : vector<16xf32>
      %select_n3A_226 = arith.select %ge3A_218, %mul3A_225, %select_n3A_215 : vector<16xi1>, vector<16xf32>
      %ge3A_227 = arith.constant 4.000000e+00 : f32
      %ge3A_228 = vector.broadcast %ge3A_227 : f32 to vector<16xf32>
      %ge3A_229 = arith.cmpf oge, %select_n3A_222, %ge3A_228 : vector<16xf32>
      %mul3A_230 = arith.constant 2.500000e-01 : f32
      %mul3A_231 = vector.broadcast %mul3A_230 : f32 to vector<16xf32>
      %mul3A_232 = arith.mulf %select_n3A_222, %mul3A_231 : vector<16xf32>
      %select_n3A_233 = arith.select %ge3A_229, %mul3A_232, %select_n3A_222 : vector<16xi1>, vector<16xf32>
      %mul3A_234 = arith.constant 5.000000e-01 : f32
      %mul3A_235 = vector.broadcast %mul3A_234 : f32 to vector<16xf32>
      %mul3A_236 = arith.mulf %select_n3A_226, %mul3A_235 : vector<16xf32>
      %select_n3A_237 = arith.select %ge3A_229, %mul3A_236, %select_n3A_226 : vector<16xi1>, vector<16xf32>
      %ge3A_238 = arith.constant 4.000000e+00 : f32
      %ge3A_239 = vector.broadcast %ge3A_238 : f32 to vector<16xf32>
      %ge3A_240 = arith.cmpf oge, %select_n3A_233, %ge3A_239 : vector<16xf32>
      %mul3A_241 = arith.constant 2.500000e-01 : f32
      %mul3A_242 = vector.broadcast %mul3A_241 : f32 to vector<16xf32>
      %mul3A_243 = arith.mulf %select_n3A_233, %mul3A_242 : vector<16xf32>
      %select_n3A_244 = arith.select %ge3A_240, %mul3A_243, %select_n3A_233 : vector<16xi1>, vector<16xf32>
      %mul3A_245 = arith.constant 5.000000e-01 : f32
      %mul3A_246 = vector.broadcast %mul3A_245 : f32 to vector<16xf32>
      %mul3A_247 = arith.mulf %select_n3A_237, %mul3A_246 : vector<16xf32>
      %select_n3A_248 = arith.select %ge3A_240, %mul3A_247, %select_n3A_237 : vector<16xi1>, vector<16xf32>
      %ge3A_249 = arith.constant 4.000000e+00 : f32
      %ge3A_250 = vector.broadcast %ge3A_249 : f32 to vector<16xf32>
      %ge3A_251 = arith.cmpf oge, %select_n3A_244, %ge3A_250 : vector<16xf32>
      %mul3A_252 = arith.constant 2.500000e-01 : f32
      %mul3A_253 = vector.broadcast %mul3A_252 : f32 to vector<16xf32>
      %mul3A_254 = arith.mulf %select_n3A_244, %mul3A_253 : vector<16xf32>
      %select_n3A_255 = arith.select %ge3A_251, %mul3A_254, %select_n3A_244 : vector<16xi1>, vector<16xf32>
      %mul3A_256 = arith.constant 5.000000e-01 : f32
      %mul3A_257 = vector.broadcast %mul3A_256 : f32 to vector<16xf32>
      %mul3A_258 = arith.mulf %select_n3A_248, %mul3A_257 : vector<16xf32>
      %select_n3A_259 = arith.select %ge3A_251, %mul3A_258, %select_n3A_248 : vector<16xi1>, vector<16xf32>
      %ge3A_260 = arith.constant 4.000000e+00 : f32
      %ge3A_261 = vector.broadcast %ge3A_260 : f32 to vector<16xf32>
      %ge3A_262 = arith.cmpf oge, %select_n3A_255, %ge3A_261 : vector<16xf32>
      %mul3A_263 = arith.constant 2.500000e-01 : f32
      %mul3A_264 = vector.broadcast %mul3A_263 : f32 to vector<16xf32>
      %mul3A_265 = arith.mulf %select_n3A_255, %mul3A_264 : vector<16xf32>
      %select_n3A_266 = arith.select %ge3A_262, %mul3A_265, %select_n3A_255 : vector<16xi1>, vector<16xf32>
      %mul3A_267 = arith.constant 5.000000e-01 : f32
      %mul3A_268 = vector.broadcast %mul3A_267 : f32 to vector<16xf32>
      %mul3A_269 = arith.mulf %select_n3A_259, %mul3A_268 : vector<16xf32>
      %select_n3A_270 = arith.select %ge3A_262, %mul3A_269, %select_n3A_259 : vector<16xi1>, vector<16xf32>
      %ge3A_271 = arith.constant 4.000000e+00 : f32
      %ge3A_272 = vector.broadcast %ge3A_271 : f32 to vector<16xf32>
      %ge3A_273 = arith.cmpf oge, %select_n3A_266, %ge3A_272 : vector<16xf32>
      %mul3A_274 = arith.constant 2.500000e-01 : f32
      %mul3A_275 = vector.broadcast %mul3A_274 : f32 to vector<16xf32>
      %mul3A_276 = arith.mulf %select_n3A_266, %mul3A_275 : vector<16xf32>
      %select_n3A_277 = arith.select %ge3A_273, %mul3A_276, %select_n3A_266 : vector<16xi1>, vector<16xf32>
      %mul3A_278 = arith.constant 5.000000e-01 : f32
      %mul3A_279 = vector.broadcast %mul3A_278 : f32 to vector<16xf32>
      %mul3A_280 = arith.mulf %select_n3A_270, %mul3A_279 : vector<16xf32>
      %select_n3A_281 = arith.select %ge3A_273, %mul3A_280, %select_n3A_270 : vector<16xi1>, vector<16xf32>
      %ge3A_282 = arith.constant 4.000000e+00 : f32
      %ge3A_283 = vector.broadcast %ge3A_282 : f32 to vector<16xf32>
      %ge3A_284 = arith.cmpf oge, %select_n3A_277, %ge3A_283 : vector<16xf32>
      %mul3A_285 = arith.constant 2.500000e-01 : f32
      %mul3A_286 = vector.broadcast %mul3A_285 : f32 to vector<16xf32>
      %mul3A_287 = arith.mulf %select_n3A_277, %mul3A_286 : vector<16xf32>
      %select_n3A_288 = arith.select %ge3A_284, %mul3A_287, %select_n3A_277 : vector<16xi1>, vector<16xf32>
      %mul3A_289 = arith.constant 5.000000e-01 : f32
      %mul3A_290 = vector.broadcast %mul3A_289 : f32 to vector<16xf32>
      %mul3A_291 = arith.mulf %select_n3A_281, %mul3A_290 : vector<16xf32>
      %select_n3A_292 = arith.select %ge3A_284, %mul3A_291, %select_n3A_281 : vector<16xi1>, vector<16xf32>
      %ge3A_293 = arith.constant 4.000000e+00 : f32
      %ge3A_294 = vector.broadcast %ge3A_293 : f32 to vector<16xf32>
      %ge3A_295 = arith.cmpf oge, %select_n3A_288, %ge3A_294 : vector<16xf32>
      %mul3A_296 = arith.constant 2.500000e-01 : f32
      %mul3A_297 = vector.broadcast %mul3A_296 : f32 to vector<16xf32>
      %mul3A_298 = arith.mulf %select_n3A_288, %mul3A_297 : vector<16xf32>
      %select_n3A_299 = arith.select %ge3A_295, %mul3A_298, %select_n3A_288 : vector<16xi1>, vector<16xf32>
      %mul3A_300 = arith.constant 5.000000e-01 : f32
      %mul3A_301 = vector.broadcast %mul3A_300 : f32 to vector<16xf32>
      %mul3A_302 = arith.mulf %select_n3A_292, %mul3A_301 : vector<16xf32>
      %select_n3A_303 = arith.select %ge3A_295, %mul3A_302, %select_n3A_292 : vector<16xi1>, vector<16xf32>
      %broadcast_in_dim3A_304 = arith.constant 6.000000e-01 : f32
      %broadcast_in_dim3A_305 = vector.broadcast %broadcast_in_dim3A_304 : f32 to vector<16xf32>
      %mul3A_306 = arith.constant 5.000000e-01 : f32
      %mul3A_307 = vector.broadcast %mul3A_306 : f32 to vector<16xf32>
      %mul3A_308 = arith.mulf %mul3A_307, %select_n3A_299 : vector<16xf32>
      %mul3A_309 = arith.mulf %mul3A_308, %broadcast_in_dim3A_305 : vector<16xf32>
      %mul3A_310 = arith.mulf %mul3A_309, %broadcast_in_dim3A_305 : vector<16xf32>
      %sub3A = arith.constant 1.500000e+00 : f32
      %sub3A_311 = vector.broadcast %sub3A : f32 to vector<16xf32>
      %sub3A_312 = arith.subf %sub3A_311, %mul3A_310 : vector<16xf32>
      %mul3A_313 = arith.mulf %broadcast_in_dim3A_305, %sub3A_312 : vector<16xf32>
      %mul3A_314 = arith.constant 5.000000e-01 : f32
      %mul3A_315 = vector.broadcast %mul3A_314 : f32 to vector<16xf32>
      %mul3A_316 = arith.mulf %mul3A_315, %select_n3A_299 : vector<16xf32>
      %mul3A_317 = arith.mulf %mul3A_316, %mul3A_313 : vector<16xf32>
      %mul3A_318 = arith.mulf %mul3A_317, %mul3A_313 : vector<16xf32>
      %sub3A_319 = arith.constant 1.500000e+00 : f32
      %sub3A_320 = vector.broadcast %sub3A_319 : f32 to vector<16xf32>
      %sub3A_321 = arith.subf %sub3A_320, %mul3A_318 : vector<16xf32>
      %mul3A_322 = arith.mulf %mul3A_313, %sub3A_321 : vector<16xf32>
      %mul3A_323 = arith.constant 5.000000e-01 : f32
      %mul3A_324 = vector.broadcast %mul3A_323 : f32 to vector<16xf32>
      %mul3A_325 = arith.mulf %mul3A_324, %select_n3A_299 : vector<16xf32>
      %mul3A_326 = arith.mulf %mul3A_325, %mul3A_322 : vector<16xf32>
      %mul3A_327 = arith.mulf %mul3A_326, %mul3A_322 : vector<16xf32>
      %sub3A_328 = arith.constant 1.500000e+00 : f32
      %sub3A_329 = vector.broadcast %sub3A_328 : f32 to vector<16xf32>
      %sub3A_330 = arith.subf %sub3A_329, %mul3A_327 : vector<16xf32>
      %mul3A_331 = arith.mulf %mul3A_322, %sub3A_330 : vector<16xf32>
      %mul3A_332 = arith.constant 5.000000e-01 : f32
      %mul3A_333 = vector.broadcast %mul3A_332 : f32 to vector<16xf32>
      %mul3A_334 = arith.mulf %mul3A_333, %select_n3A_299 : vector<16xf32>
      %mul3A_335 = arith.mulf %mul3A_334, %mul3A_331 : vector<16xf32>
      %mul3A_336 = arith.mulf %mul3A_335, %mul3A_331 : vector<16xf32>
      %sub3A_337 = arith.constant 1.500000e+00 : f32
      %sub3A_338 = vector.broadcast %sub3A_337 : f32 to vector<16xf32>
      %sub3A_339 = arith.subf %sub3A_338, %mul3A_336 : vector<16xf32>
      %mul3A_340 = arith.mulf %mul3A_331, %sub3A_339 : vector<16xf32>
      %mul3A_341 = arith.constant 5.000000e-01 : f32
      %mul3A_342 = vector.broadcast %mul3A_341 : f32 to vector<16xf32>
      %mul3A_343 = arith.mulf %mul3A_342, %select_n3A_299 : vector<16xf32>
      %mul3A_344 = arith.mulf %mul3A_343, %mul3A_340 : vector<16xf32>
      %mul3A_345 = arith.mulf %mul3A_344, %mul3A_340 : vector<16xf32>
      %sub3A_346 = arith.constant 1.500000e+00 : f32
      %sub3A_347 = vector.broadcast %sub3A_346 : f32 to vector<16xf32>
      %sub3A_348 = arith.subf %sub3A_347, %mul3A_345 : vector<16xf32>
      %mul3A_349 = arith.mulf %mul3A_340, %sub3A_348 : vector<16xf32>
      %mul3A_350 = arith.mulf %mul3A_349, %select_n3A_303 : vector<16xf32>
      %swap3A = arith.index_cast %mul3A_202 : i32 to index
      %swap3A_351 = tpu.vector_load %arg9[%swap3A] {strides = array<i32>} : memref<640xf32, #tpu.memory_space<vmem>>, vector<16xf32>,
      tpu.vector_store %arg9[%swap3A], %mul3A_350 {strides = array<i32>} : memref<640xf32, #tpu.memory_space<vmem>>, vector<16xf32>,
      %broadcast_in_dim3A_352 = arith.constant 1.000000e-01 : f32
      %broadcast_in_dim3A_353 = vector.broadcast %broadcast_in_dim3A_352 : f32 to vector<16xf32>
      %swap3A_354 = arith.index_cast %mul3A_202 : i32 to index
      %swap3A_355 = tpu.vector_load %arg10[%swap3A_354] {strides = array<i32>} : memref<640xf32, #tpu.memory_space<vmem>>, vector<16xf32>,
      tpu.vector_store %arg10[%swap3A_354], %broadcast_in_dim3A_353 {strides = array<i32>} : memref<640xf32, #tpu.memory_space<vmem>>, vector<16xf32>,
      %scan3A_356 = arith.constant 0 : i32
      scf.yield %scan3A_356 : i32
    }
    %scan3A_31 = arith.constant 40 : i32
    "tpu.region"() ({
      %run_scoped3A_199 = tpu.sem_alloc : memref<!tpu.dma_semaphore, #tpu.memory_space<semaphore_mem>>
      %dma_start3A = tpu.memref_slice %arg14[%mul3A_2] : memref<10240xf32, #tpu.memory_space<vmem_shared>> -> memref<640xf32, #tpu.memory_space<vmem_shared>>
      %dma_start3A_200 = tpu.memref_slice %arg14[%mul3A_2] : memref<10240xf32, #tpu.memory_space<vmem_shared>> -> memref<640xf32, #tpu.memory_space<vmem_shared>>
      tpu.enqueue_dma source(%arg9 : memref<640xf32, #tpu.memory_space<vmem>>) target(%dma_start3A_200 : memref<640xf32, #tpu.memory_space<vmem_shared>>) target_semaphore(%run_scoped3A_199 : memref<!tpu.dma_semaphore, #tpu.memory_space<semaphore_mem>>)
      %dma_wait3A = tpu.memref_slice %arg14[%mul3A_2] : memref<10240xf32, #tpu.memory_space<vmem_shared>> -> memref<640xf32, #tpu.memory_space<vmem_shared>>
      %dma_wait3A_201 = tpu.memref_slice %arg14[%mul3A_2] : memref<10240xf32, #tpu.memory_space<vmem_shared>> -> memref<640xf32, #tpu.memory_space<vmem_shared>>
      tpu.wait_dma2 semaphore(%run_scoped3A_199 : memref<!tpu.dma_semaphore, #tpu.memory_space<semaphore_mem>>) src(%arg9 : memref<640xf32, #tpu.memory_space<vmem>>) dst(%dma_wait3A_201 : memref<640xf32, #tpu.memory_space<vmem_shared>>)
      tpu.yield
    }) : () -> ()
    "tpu.region"() ({
      %run_scoped3A_199 = tpu.sem_alloc : memref<!tpu.dma_semaphore, #tpu.memory_space<semaphore_mem>>
      %dma_start3A = tpu.memref_slice %arg13[%mul3A_2] : memref<10240xf32, #tpu.memory_space<vmem_shared>> -> memref<640xf32, #tpu.memory_space<vmem_shared>>
      %dma_start3A_200 = tpu.memref_slice %arg13[%mul3A_2] : memref<10240xf32, #tpu.memory_space<vmem_shared>> -> memref<640xf32, #tpu.memory_space<vmem_shared>>
      tpu.enqueue_dma source(%arg12 : memref<640xf32, #tpu.memory_space<vmem>>) target(%dma_start3A_200 : memref<640xf32, #tpu.memory_space<vmem_shared>>) target_semaphore(%run_scoped3A_199 : memref<!tpu.dma_semaphore, #tpu.memory_space<semaphore_mem>>)
      %dma_wait3A = tpu.memref_slice %arg13[%mul3A_2] : memref<10240xf32, #tpu.memory_space<vmem_shared>> -> memref<640xf32, #tpu.memory_space<vmem_shared>>
      %dma_wait3A_201 = tpu.memref_slice %arg13[%mul3A_2] : memref<10240xf32, #tpu.memory_space<vmem_shared>> -> memref<640xf32, #tpu.memory_space<vmem_shared>>
      tpu.wait_dma2 semaphore(%run_scoped3A_199 : memref<!tpu.dma_semaphore, #tpu.memory_space<semaphore_mem>>) src(%arg12 : memref<640xf32, #tpu.memory_space<vmem>>) dst(%dma_wait3A_201 : memref<640xf32, #tpu.memory_space<vmem_shared>>)
      tpu.yield
    }) : () -> ()
    %barrier3A_32 = arith.constant 0 : index
    tpu.barrier barrier_id(%barrier3A_32)
    "tpu.region"() ({
      %run_scoped3A_199 = tpu.sem_alloc : memref<!tpu.dma_semaphore, #tpu.memory_space<semaphore_mem>>
      tpu.enqueue_dma source(%arg14 : memref<10240xf32, #tpu.memory_space<vmem_shared>>) target(%arg7 : memref<10240xf32, #tpu.memory_space<vmem>>) target_semaphore(%run_scoped3A_199 : memref<!tpu.dma_semaphore, #tpu.memory_space<semaphore_mem>>)
      tpu.wait_dma2 semaphore(%run_scoped3A_199 : memref<!tpu.dma_semaphore, #tpu.memory_space<semaphore_mem>>) src(%arg14 : memref<10240xf32, #tpu.memory_space<vmem_shared>>) dst(%arg7 : memref<10240xf32, #tpu.memory_space<vmem>>)
      tpu.yield
    }) : () -> ()
    %scan3A_33 = arith.constant 0 : i32
    %scan3A_34 = arith.constant 0 : i32
    %scan3A_35 = arith.constant 80 : i32
    %scan3A_36 = arith.addi %scan3A_34, %scan3A_35 : i32
    %scan3A_37 = arith.constant 1 : i32
    %scan3A_38 = scf.for %scan3A_199 = %scan3A_34 to %scan3A_36 step %scan3A_37 iter_args(%scan3A_200 = %scan3A_33) -> (i32)  : i32 {
      %get3A = arith.index_cast %scan3A_199 : i32 to index
      %get3A_201 = arith.constant 0 : index
      %get3A_202 = tpu.vector_load %arg5[%get3A, %get3A_201] {strides = array<i32>} : memref<80x128xi32, #tpu.memory_space<vmem>>, vector<16xi32>,
      %gather3A = tpu.vector_load_idx %arg7[%get3A_202] : memref<10240xf32, #tpu.memory_space<vmem>>[vector<16xi32>], vector<16xf32>,
      %swap3A = arith.index_cast %scan3A_199 : i32 to index
      %swap3A_203 = arith.constant 0 : index
      %swap3A_204 = tpu.vector_load %arg6[%swap3A, %swap3A_203] {strides = array<i32>} : memref<80x128xf32, #tpu.memory_space<vmem>>, vector<16xf32>,
      tpu.vector_store %arg6[%swap3A, %swap3A_203], %gather3A {strides = array<i32>} : memref<80x128xf32, #tpu.memory_space<vmem>>, vector<16xf32>,
      %get3A_205 = arith.index_cast %scan3A_199 : i32 to index
      %get3A_206 = arith.constant 16 : index
      %get3A_207 = tpu.vector_load %arg5[%get3A_205, %get3A_206] {strides = array<i32>} : memref<80x128xi32, #tpu.memory_space<vmem>>, vector<16xi32>,
      %gather3A_208 = tpu.vector_load_idx %arg7[%get3A_207] : memref<10240xf32, #tpu.memory_space<vmem>>[vector<16xi32>], vector<16xf32>,
      %swap3A_209 = arith.index_cast %scan3A_199 : i32 to index
      %swap3A_210 = arith.constant 16 : index
      %swap3A_211 = tpu.vector_load %arg6[%swap3A_209, %swap3A_210] {strides = array<i32>} : memref<80x128xf32, #tpu.memory_space<vmem>>, vector<16xf32>,
      tpu.vector_store %arg6[%swap3A_209, %swap3A_210], %gather3A_208 {strides = array<i32>} : memref<80x128xf32, #tpu.memory_space<vmem>>, vector<16xf32>,
      %get3A_212 = arith.index_cast %scan3A_199 : i32 to index
      %get3A_213 = arith.constant 32 : index
      %get3A_214 = tpu.vector_load %arg5[%get3A_212, %get3A_213] {strides = array<i32>} : memref<80x128xi32, #tpu.memory_space<vmem>>, vector<16xi32>,
      %gather3A_215 = tpu.vector_load_idx %arg7[%get3A_214] : memref<10240xf32, #tpu.memory_space<vmem>>[vector<16xi32>], vector<16xf32>,
      %swap3A_216 = arith.index_cast %scan3A_199 : i32 to index
      %swap3A_217 = arith.constant 32 : index
      %swap3A_218 = tpu.vector_load %arg6[%swap3A_216, %swap3A_217] {strides = array<i32>} : memref<80x128xf32, #tpu.memory_space<vmem>>, vector<16xf32>,
      tpu.vector_store %arg6[%swap3A_216, %swap3A_217], %gather3A_215 {strides = array<i32>} : memref<80x128xf32, #tpu.memory_space<vmem>>, vector<16xf32>,
      %get3A_219 = arith.index_cast %scan3A_199 : i32 to index
      %get3A_220 = arith.constant 48 : index
      %get3A_221 = tpu.vector_load %arg5[%get3A_219, %get3A_220] {strides = array<i32>} : memref<80x128xi32, #tpu.memory_space<vmem>>, vector<16xi32>,
      %gather3A_222 = tpu.vector_load_idx %arg7[%get3A_221] : memref<10240xf32, #tpu.memory_space<vmem>>[vector<16xi32>], vector<16xf32>,
      %swap3A_223 = arith.index_cast %scan3A_199 : i32 to index
      %swap3A_224 = arith.constant 48 : index
      %swap3A_225 = tpu.vector_load %arg6[%swap3A_223, %swap3A_224] {strides = array<i32>} : memref<80x128xf32, #tpu.memory_space<vmem>>, vector<16xf32>,
      tpu.vector_store %arg6[%swap3A_223, %swap3A_224], %gather3A_222 {strides = array<i32>} : memref<80x128xf32, #tpu.memory_space<vmem>>, vector<16xf32>,
      %get3A_226 = arith.index_cast %scan3A_199 : i32 to index
      %get3A_227 = arith.constant 64 : index
      %get3A_228 = tpu.vector_load %arg5[%get3A_226, %get3A_227] {strides = array<i32>} : memref<80x128xi32, #tpu.memory_space<vmem>>, vector<16xi32>,
      %gather3A_229 = tpu.vector_load_idx %arg7[%get3A_228] : memref<10240xf32, #tpu.memory_space<vmem>>[vector<16xi32>], vector<16xf32>,
      %swap3A_230 = arith.index_cast %scan3A_199 : i32 to index
      %swap3A_231 = arith.constant 64 : index
      %swap3A_232 = tpu.vector_load %arg6[%swap3A_230, %swap3A_231] {strides = array<i32>} : memref<80x128xf32, #tpu.memory_space<vmem>>, vector<16xf32>,
      tpu.vector_store %arg6[%swap3A_230, %swap3A_231], %gather3A_229 {strides = array<i32>} : memref<80x128xf32, #tpu.memory_space<vmem>>, vector<16xf32>,
      %get3A_233 = arith.index_cast %scan3A_199 : i32 to index
      %get3A_234 = arith.constant 80 : index
      %get3A_235 = tpu.vector_load %arg5[%get3A_233, %get3A_234] {strides = array<i32>} : memref<80x128xi32, #tpu.memory_space<vmem>>, vector<16xi32>,
      %gather3A_236 = tpu.vector_load_idx %arg7[%get3A_235] : memref<10240xf32, #tpu.memory_space<vmem>>[vector<16xi32>], vector<16xf32>,
      %swap3A_237 = arith.index_cast %scan3A_199 : i32 to index
      %swap3A_238 = arith.constant 80 : index
      %swap3A_239 = tpu.vector_load %arg6[%swap3A_237, %swap3A_238] {strides = array<i32>} : memref<80x128xf32, #tpu.memory_space<vmem>>, vector<16xf32>,
      tpu.vector_store %arg6[%swap3A_237, %swap3A_238], %gather3A_236 {strides = array<i32>} : memref<80x128xf32, #tpu.memory_space<vmem>>, vector<16xf32>,
      %get3A_240 = arith.index_cast %scan3A_199 : i32 to index
      %get3A_241 = arith.constant 96 : index
      %get3A_242 = tpu.vector_load %arg5[%get3A_240, %get3A_241] {strides = array<i32>} : memref<80x128xi32, #tpu.memory_space<vmem>>, vector<16xi32>,
      %gather3A_243 = tpu.vector_load_idx %arg7[%get3A_242] : memref<10240xf32, #tpu.memory_space<vmem>>[vector<16xi32>], vector<16xf32>,
      %swap3A_244 = arith.index_cast %scan3A_199 : i32 to index
      %swap3A_245 = arith.constant 96 : index
      %swap3A_246 = tpu.vector_load %arg6[%swap3A_244, %swap3A_245] {strides = array<i32>} : memref<80x128xf32, #tpu.memory_space<vmem>>, vector<16xf32>,
      tpu.vector_store %arg6[%swap3A_244, %swap3A_245], %gather3A_243 {strides = array<i32>} : memref<80x128xf32, #tpu.memory_space<vmem>>, vector<16xf32>,
      %get3A_247 = arith.index_cast %scan3A_199 : i32 to index
      %get3A_248 = arith.constant 112 : index
      %get3A_249 = tpu.vector_load %arg5[%get3A_247, %get3A_248] {strides = array<i32>} : memref<80x128xi32, #tpu.memory_space<vmem>>, vector<16xi32>,
      %gather3A_250 = tpu.vector_load_idx %arg7[%get3A_249] : memref<10240xf32, #tpu.memory_space<vmem>>[vector<16xi32>], vector<16xf32>,
      %swap3A_251 = arith.index_cast %scan3A_199 : i32 to index
      %swap3A_252 = arith.constant 112 : index
      %swap3A_253 = tpu.vector_load %arg6[%swap3A_251, %swap3A_252] {strides = array<i32>} : memref<80x128xf32, #tpu.memory_space<vmem>>, vector<16xf32>,
      tpu.vector_store %arg6[%swap3A_251, %swap3A_252], %gather3A_250 {strides = array<i32>} : memref<80x128xf32, #tpu.memory_space<vmem>>, vector<16xf32>,
      %dma_start3A = arith.constant 0 : i32
      %dma_start3A_254 = tpu.memref_slice %arg6[%scan3A_199, %dma_start3A] : memref<80x128xf32, #tpu.memory_space<vmem>> -> memref<1x128xf32, #tpu.memory_space<vmem>>
      %dma_start3A_255 = tpu.memref_squeeze %dma_start3A_254 : memref<1x128xf32, #tpu.memory_space<vmem>> -> memref<128xf32, #tpu.memory_space<vmem>>
      %dma_start3A_256 = arith.constant 0 : i32
      %dma_start3A_257 = tpu.memref_slice %arg4[%scan3A_199, %dma_start3A_256] : memref<80x128xi32, #tpu.memory_space<vmem>> -> memref<1x128xi32, #tpu.memory_space<vmem>>
      %dma_start3A_258 = tpu.memref_squeeze %dma_start3A_257 : memref<1x128xi32, #tpu.memory_space<vmem>> -> memref<128xi32, #tpu.memory_space<vmem>>
      %dma_start3A_259 = arith.constant 0 : i32
      %dma_start3A_260 = tpu.memref_slice %arg13[%dma_start3A_259] : memref<10240xf32, #tpu.memory_space<vmem_shared>> -> memref<10240xf32, #tpu.memory_space<vmem_shared>>
      tpu.enqueue_indirect_dma source(%dma_start3A_255 : memref<128xf32, #tpu.memory_space<vmem>>) target(%dma_start3A_260 : memref<10240xf32, #tpu.memory_space<vmem_shared>>) offsets(%dma_start3A_258 : memref<128xi32, #tpu.memory_space<vmem>>) semaphore(%arg15 : memref<!tpu.dma_semaphore, #tpu.memory_space<semaphore_mem>>) {add = true}
      %scan3A_261 = arith.constant 0 : i32
      scf.yield %scan3A_261 : i32
    }
    %scan3A_39 = arith.constant 80 : i32
    tpu.wait_dma2 semaphore(%arg15 : memref<!tpu.dma_semaphore, #tpu.memory_space<semaphore_mem>>) src(%arg3 : memref<10240xf32, #tpu.memory_space<hbm>>) dst(%arg7 : memref<10240xf32, #tpu.memory_space<vmem>>)
    %barrier3A_40 = arith.constant 0 : index
    tpu.barrier barrier_id(%barrier3A_40)
    "tpu.region"() ({
      %run_scoped3A_199 = tpu.sem_alloc : memref<!tpu.dma_semaphore, #tpu.memory_space<semaphore_mem>>
      %dma_start3A = tpu.memref_slice %arg13[%mul3A_2] : memref<10240xf32, #tpu.memory_space<vmem_shared>> -> memref<640xf32, #tpu.memory_space<vmem_shared>>
      %dma_start3A_200 = tpu.memref_slice %arg13[%mul3A_2] : memref<10240xf32, #tpu.memory_space<vmem_shared>> -> memref<640xf32, #tpu.memory_space<vmem_shared>>
      tpu.enqueue_dma source(%dma_start3A_200 : memref<640xf32, #tpu.memory_space<vmem_shared>>) target(%arg8 : memref<640xf32, #tpu.memory_space<vmem>>) target_semaphore(%run_scoped3A_199 : memref<!tpu.dma_semaphore, #tpu.memory_space<semaphore_mem>>)
      %dma_wait3A = tpu.memref_slice %arg13[%mul3A_2] : memref<10240xf32, #tpu.memory_space<vmem_shared>> -> memref<640xf32, #tpu.memory_space<vmem_shared>>
      %dma_wait3A_201 = tpu.memref_slice %arg13[%mul3A_2] : memref<10240xf32, #tpu.memory_space<vmem_shared>> -> memref<640xf32, #tpu.memory_space<vmem_shared>>
      tpu.wait_dma2 semaphore(%run_scoped3A_199 : memref<!tpu.dma_semaphore, #tpu.memory_space<semaphore_mem>>) src(%dma_wait3A_201 : memref<640xf32, #tpu.memory_space<vmem_shared>>) dst(%arg8 : memref<640xf32, #tpu.memory_space<vmem>>)
      tpu.yield
    }) : () -> ()
    %scan3A_41 = arith.constant 0 : i32
    %scan3A_42 = arith.constant 0 : i32
    %scan3A_43 = arith.constant 40 : i32
    %scan3A_44 = arith.addi %scan3A_42, %scan3A_43 : i32
    %scan3A_45 = arith.constant 4 : i32
    %scan3A_46 = scf.for %scan3A_199 = %scan3A_42 to %scan3A_44 step %scan3A_45 iter_args(%scan3A_200 = %scan3A_41) -> (i32)  : i32 {
      %mul3A_201 = arith.constant 16 : i32
      %mul3A_202 = arith.muli %scan3A_199, %mul3A_201 : i32
      %get3A = arith.index_cast %mul3A_202 : i32 to index
      %get3A_203 = tpu.vector_load %arg8[%get3A] {strides = array<i32>} : memref<640xf32, #tpu.memory_space<vmem>>, vector<16xf32>,
      %get3A_204 = arith.index_cast %mul3A_202 : i32 to index
      %get3A_205 = tpu.vector_load %arg9[%get3A_204] {strides = array<i32>} : memref<640xf32, #tpu.memory_space<vmem>>, vector<16xf32>,
      %mul3A_206 = arith.mulf %get3A_203, %get3A_205 : vector<16xf32>
      %get3A_207 = arith.index_cast %mul3A_202 : i32 to index
      %get3A_208 = tpu.vector_load %arg10[%get3A_207] {strides = array<i32>} : memref<640xf32, #tpu.memory_space<vmem>>, vector<16xf32>,
      %mul3A_209 = arith.constant 9.000000e-02 : f32
      %mul3A_210 = vector.broadcast %mul3A_209 : f32 to vector<16xf32>
      %mul3A_211 = arith.mulf %mul3A_210, %mul3A_206 : vector<16xf32>
      %add3A = arith.addf %get3A_208, %mul3A_211 : vector<16xf32>
      %swap3A = arith.index_cast %mul3A_202 : i32 to index
      %swap3A_212 = tpu.vector_load %arg10[%swap3A] {strides = array<i32>} : memref<640xf32, #tpu.memory_space<vmem>>, vector<16xf32>,
      tpu.vector_store %arg10[%swap3A], %add3A {strides = array<i32>} : memref<640xf32, #tpu.memory_space<vmem>>, vector<16xf32>,
      %get3A_213 = arith.index_cast %mul3A_202 : i32 to index
      %get3A_214 = tpu.vector_load %arg9[%get3A_213] {strides = array<i32>} : memref<640xf32, #tpu.memory_space<vmem>>, vector<16xf32>,
      %mul3A_215 = arith.mulf %mul3A_206, %get3A_214 : vector<16xf32>
      %swap3A_216 = arith.index_cast %mul3A_202 : i32 to index
      %swap3A_217 = tpu.vector_load %arg11[%swap3A_216] {strides = array<i32>} : memref<640xf32, #tpu.memory_space<vmem>>, vector<16xf32>,
      tpu.vector_store %arg11[%swap3A_216], %mul3A_215 {strides = array<i32>} : memref<640xf32, #tpu.memory_space<vmem>>, vector<16xf32>,
      %scan3A_218 = arith.constant 0 : i32
      %scan3A_219 = arith.constant 1 : i32
      %scan3A_220 = arith.addi %scan3A_199, %scan3A_219 : i32
      %mul3A_221 = arith.constant 16 : i32
      %mul3A_222 = arith.muli %scan3A_220, %mul3A_221 : i32
      %get3A_223 = arith.index_cast %mul3A_222 : i32 to index
      %get3A_224 = tpu.vector_load %arg8[%get3A_223] {strides = array<i32>} : memref<640xf32, #tpu.memory_space<vmem>>, vector<16xf32>,
      %get3A_225 = arith.index_cast %mul3A_222 : i32 to index
      %get3A_226 = tpu.vector_load %arg9[%get3A_225] {strides = array<i32>} : memref<640xf32, #tpu.memory_space<vmem>>, vector<16xf32>,
      %mul3A_227 = arith.mulf %get3A_224, %get3A_226 : vector<16xf32>
      %get3A_228 = arith.index_cast %mul3A_222 : i32 to index
      %get3A_229 = tpu.vector_load %arg10[%get3A_228] {strides = array<i32>} : memref<640xf32, #tpu.memory_space<vmem>>, vector<16xf32>,
      %mul3A_230 = arith.constant 9.000000e-02 : f32
      %mul3A_231 = vector.broadcast %mul3A_230 : f32 to vector<16xf32>
      %mul3A_232 = arith.mulf %mul3A_231, %mul3A_227 : vector<16xf32>
      %add3A_233 = arith.addf %get3A_229, %mul3A_232 : vector<16xf32>
      %swap3A_234 = arith.index_cast %mul3A_222 : i32 to index
      %swap3A_235 = tpu.vector_load %arg10[%swap3A_234] {strides = array<i32>} : memref<640xf32, #tpu.memory_space<vmem>>, vector<16xf32>,
      tpu.vector_store %arg10[%swap3A_234], %add3A_233 {strides = array<i32>} : memref<640xf32, #tpu.memory_space<vmem>>, vector<16xf32>,
      %get3A_236 = arith.index_cast %mul3A_222 : i32 to index
      %get3A_237 = tpu.vector_load %arg9[%get3A_236] {strides = array<i32>} : memref<640xf32, #tpu.memory_space<vmem>>, vector<16xf32>,
      %mul3A_238 = arith.mulf %mul3A_227, %get3A_237 : vector<16xf32>
      %swap3A_239 = arith.index_cast %mul3A_222 : i32 to index
      %swap3A_240 = tpu.vector_load %arg11[%swap3A_239] {strides = array<i32>} : memref<640xf32, #tpu.memory_space<vmem>>, vector<16xf32>,
      tpu.vector_store %arg11[%swap3A_239], %mul3A_238 {strides = array<i32>} : memref<640xf32, #tpu.memory_space<vmem>>, vector<16xf32>,
      %scan3A_241 = arith.constant 0 : i32
      %scan3A_242 = arith.constant 2 : i32
      %scan3A_243 = arith.addi %scan3A_199, %scan3A_242 : i32
      %mul3A_244 = arith.constant 16 : i32
      %mul3A_245 = arith.muli %scan3A_243, %mul3A_244 : i32
      %get3A_246 = arith.index_cast %mul3A_245 : i32 to index
      %get3A_247 = tpu.vector_load %arg8[%get3A_246] {strides = array<i32>} : memref<640xf32, #tpu.memory_space<vmem>>, vector<16xf32>,
      %get3A_248 = arith.index_cast %mul3A_245 : i32 to index
      %get3A_249 = tpu.vector_load %arg9[%get3A_248] {strides = array<i32>} : memref<640xf32, #tpu.memory_space<vmem>>, vector<16xf32>,
      %mul3A_250 = arith.mulf %get3A_247, %get3A_249 : vector<16xf32>
      %get3A_251 = arith.index_cast %mul3A_245 : i32 to index
      %get3A_252 = tpu.vector_load %arg10[%get3A_251] {strides = array<i32>} : memref<640xf32, #tpu.memory_space<vmem>>, vector<16xf32>,
      %mul3A_253 = arith.constant 9.000000e-02 : f32
      %mul3A_254 = vector.broadcast %mul3A_253 : f32 to vector<16xf32>
      %mul3A_255 = arith.mulf %mul3A_254, %mul3A_250 : vector<16xf32>
      %add3A_256 = arith.addf %get3A_252, %mul3A_255 : vector<16xf32>
      %swap3A_257 = arith.index_cast %mul3A_245 : i32 to index
      %swap3A_258 = tpu.vector_load %arg10[%swap3A_257] {strides = array<i32>} : memref<640xf32, #tpu.memory_space<vmem>>, vector<16xf32>,
      tpu.vector_store %arg10[%swap3A_257], %add3A_256 {strides = array<i32>} : memref<640xf32, #tpu.memory_space<vmem>>, vector<16xf32>,
      %get3A_259 = arith.index_cast %mul3A_245 : i32 to index
      %get3A_260 = tpu.vector_load %arg9[%get3A_259] {strides = array<i32>} : memref<640xf32, #tpu.memory_space<vmem>>, vector<16xf32>,
      %mul3A_261 = arith.mulf %mul3A_250, %get3A_260 : vector<16xf32>
      %swap3A_262 = arith.index_cast %mul3A_245 : i32 to index
      %swap3A_263 = tpu.vector_load %arg11[%swap3A_262] {strides = array<i32>} : memref<640xf32, #tpu.memory_space<vmem>>, vector<16xf32>,
      tpu.vector_store %arg11[%swap3A_262], %mul3A_261 {strides = array<i32>} : memref<640xf32, #tpu.memory_space<vmem>>, vector<16xf32>,
      %scan3A_264 = arith.constant 0 : i32
      %scan3A_265 = arith.constant 3 : i32
      %scan3A_266 = arith.addi %scan3A_199, %scan3A_265 : i32
      %mul3A_267 = arith.constant 16 : i32
      %mul3A_268 = arith.muli %scan3A_266, %mul3A_267 : i32
      %get3A_269 = arith.index_cast %mul3A_268 : i32 to index
      %get3A_270 = tpu.vector_load %arg8[%get3A_269] {strides = array<i32>} : memref<640xf32, #tpu.memory_space<vmem>>, vector<16xf32>,
      %get3A_271 = arith.index_cast %mul3A_268 : i32 to index
      %get3A_272 = tpu.vector_load %arg9[%get3A_271] {strides = array<i32>} : memref<640xf32, #tpu.memory_space<vmem>>, vector<16xf32>,
      %mul3A_273 = arith.mulf %get3A_270, %get3A_272 : vector<16xf32>
      %get3A_274 = arith.index_cast %mul3A_268 : i32 to index
      %get3A_275 = tpu.vector_load %arg10[%get3A_274] {strides = array<i32>} : memref<640xf32, #tpu.memory_space<vmem>>, vector<16xf32>,
      %mul3A_276 = arith.constant 9.000000e-02 : f32
      %mul3A_277 = vector.broadcast %mul3A_276 : f32 to vector<16xf32>
      %mul3A_278 = arith.mulf %mul3A_277, %mul3A_273 : vector<16xf32>
      %add3A_279 = arith.addf %get3A_275, %mul3A_278 : vector<16xf32>
      %swap3A_280 = arith.index_cast %mul3A_268 : i32 to index
      %swap3A_281 = tpu.vector_load %arg10[%swap3A_280] {strides = array<i32>} : memref<640xf32, #tpu.memory_space<vmem>>, vector<16xf32>,
      tpu.vector_store %arg10[%swap3A_280], %add3A_279 {strides = array<i32>} : memref<640xf32, #tpu.memory_space<vmem>>, vector<16xf32>,
      %get3A_282 = arith.index_cast %mul3A_268 : i32 to index
      %get3A_283 = tpu.vector_load %arg9[%get3A_282] {strides = array<i32>} : memref<640xf32, #tpu.memory_space<vmem>>, vector<16xf32>,
      %mul3A_284 = arith.mulf %mul3A_273, %get3A_283 : vector<16xf32>
      %swap3A_285 = arith.index_cast %mul3A_268 : i32 to index
      %swap3A_286 = tpu.vector_load %arg11[%swap3A_285] {strides = array<i32>} : memref<640xf32, #tpu.memory_space<vmem>>, vector<16xf32>,
      tpu.vector_store %arg11[%swap3A_285], %mul3A_284 {strides = array<i32>} : memref<640xf32, #tpu.memory_space<vmem>>, vector<16xf32>,
      %scan3A_287 = arith.constant 0 : i32
      scf.yield %scan3A_287 : i32
    }
    %scan3A_47 = arith.constant 40 : i32
    "tpu.region"() ({
      %run_scoped3A_199 = tpu.sem_alloc : memref<!tpu.dma_semaphore, #tpu.memory_space<semaphore_mem>>
      %dma_start3A = tpu.memref_slice %arg14[%mul3A_2] : memref<10240xf32, #tpu.memory_space<vmem_shared>> -> memref<640xf32, #tpu.memory_space<vmem_shared>>
      %dma_start3A_200 = tpu.memref_slice %arg14[%mul3A_2] : memref<10240xf32, #tpu.memory_space<vmem_shared>> -> memref<640xf32, #tpu.memory_space<vmem_shared>>
      tpu.enqueue_dma source(%arg11 : memref<640xf32, #tpu.memory_space<vmem>>) target(%dma_start3A_200 : memref<640xf32, #tpu.memory_space<vmem_shared>>) target_semaphore(%run_scoped3A_199 : memref<!tpu.dma_semaphore, #tpu.memory_space<semaphore_mem>>)
      %dma_wait3A = tpu.memref_slice %arg14[%mul3A_2] : memref<10240xf32, #tpu.memory_space<vmem_shared>> -> memref<640xf32, #tpu.memory_space<vmem_shared>>
      %dma_wait3A_201 = tpu.memref_slice %arg14[%mul3A_2] : memref<10240xf32, #tpu.memory_space<vmem_shared>> -> memref<640xf32, #tpu.memory_space<vmem_shared>>
      tpu.wait_dma2 semaphore(%run_scoped3A_199 : memref<!tpu.dma_semaphore, #tpu.memory_space<semaphore_mem>>) src(%arg11 : memref<640xf32, #tpu.memory_space<vmem>>) dst(%dma_wait3A_201 : memref<640xf32, #tpu.memory_space<vmem_shared>>)
      tpu.yield
    }) : () -> ()
    "tpu.region"() ({
      %run_scoped3A_199 = tpu.sem_alloc : memref<!tpu.dma_semaphore, #tpu.memory_space<semaphore_mem>>
      %dma_start3A = tpu.memref_slice %arg13[%mul3A_2] : memref<10240xf32, #tpu.memory_space<vmem_shared>> -> memref<640xf32, #tpu.memory_space<vmem_shared>>
      %dma_start3A_200 = tpu.memref_slice %arg13[%mul3A_2] : memref<10240xf32, #tpu.memory_space<vmem_shared>> -> memref<640xf32, #tpu.memory_space<vmem_shared>>
      tpu.enqueue_dma source(%arg12 : memref<640xf32, #tpu.memory_space<vmem>>) target(%dma_start3A_200 : memref<640xf32, #tpu.memory_space<vmem_shared>>) target_semaphore(%run_scoped3A_199 : memref<!tpu.dma_semaphore, #tpu.memory_space<semaphore_mem>>)
      %dma_wait3A = tpu.memref_slice %arg13[%mul3A_2] : memref<10240xf32, #tpu.memory_space<vmem_shared>> -> memref<640xf32, #tpu.memory_space<vmem_shared>>
      %dma_wait3A_201 = tpu.memref_slice %arg13[%mul3A_2] : memref<10240xf32, #tpu.memory_space<vmem_shared>> -> memref<640xf32, #tpu.memory_space<vmem_shared>>
      tpu.wait_dma2 semaphore(%run_scoped3A_199 : memref<!tpu.dma_semaphore, #tpu.memory_space<semaphore_mem>>) src(%arg12 : memref<640xf32, #tpu.memory_space<vmem>>) dst(%dma_wait3A_201 : memref<640xf32, #tpu.memory_space<vmem_shared>>)
      tpu.yield
    }) : () -> ()
    %barrier3A_48 = arith.constant 0 : index
    tpu.barrier barrier_id(%barrier3A_48)
    "tpu.region"() ({
      %run_scoped3A_199 = tpu.sem_alloc : memref<!tpu.dma_semaphore, #tpu.memory_space<semaphore_mem>>
      tpu.enqueue_dma source(%arg14 : memref<10240xf32, #tpu.memory_space<vmem_shared>>) target(%arg7 : memref<10240xf32, #tpu.memory_space<vmem>>) target_semaphore(%run_scoped3A_199 : memref<!tpu.dma_semaphore, #tpu.memory_space<semaphore_mem>>)
      tpu.wait_dma2 semaphore(%run_scoped3A_199 : memref<!tpu.dma_semaphore, #tpu.memory_space<semaphore_mem>>) src(%arg14 : memref<10240xf32, #tpu.memory_space<vmem_shared>>) dst(%arg7 : memref<10240xf32, #tpu.memory_space<vmem>>)
      tpu.yield
    }) : () -> ()
    %scan3A_49 = arith.constant 0 : i32
    %scan3A_50 = arith.constant 0 : i32
    %scan3A_51 = arith.constant 80 : i32
    %scan3A_52 = arith.addi %scan3A_50, %scan3A_51 : i32
    %scan3A_53 = arith.constant 1 : i32
    %scan3A_54 = scf.for %scan3A_199 = %scan3A_50 to %scan3A_52 step %scan3A_53 iter_args(%scan3A_200 = %scan3A_49) -> (i32)  : i32 {
      %get3A = arith.index_cast %scan3A_199 : i32 to index
      %get3A_201 = arith.constant 0 : index
      %get3A_202 = tpu.vector_load %arg5[%get3A, %get3A_201] {strides = array<i32>} : memref<80x128xi32, #tpu.memory_space<vmem>>, vector<16xi32>,
      %gather3A = tpu.vector_load_idx %arg7[%get3A_202] : memref<10240xf32, #tpu.memory_space<vmem>>[vector<16xi32>], vector<16xf32>,
      %swap3A = arith.index_cast %scan3A_199 : i32 to index
      %swap3A_203 = arith.constant 0 : index
      %swap3A_204 = tpu.vector_load %arg6[%swap3A, %swap3A_203] {strides = array<i32>} : memref<80x128xf32, #tpu.memory_space<vmem>>, vector<16xf32>,
      tpu.vector_store %arg6[%swap3A, %swap3A_203], %gather3A {strides = array<i32>} : memref<80x128xf32, #tpu.memory_space<vmem>>, vector<16xf32>,
      %get3A_205 = arith.index_cast %scan3A_199 : i32 to index
      %get3A_206 = arith.constant 16 : index
      %get3A_207 = tpu.vector_load %arg5[%get3A_205, %get3A_206] {strides = array<i32>} : memref<80x128xi32, #tpu.memory_space<vmem>>, vector<16xi32>,
      %gather3A_208 = tpu.vector_load_idx %arg7[%get3A_207] : memref<10240xf32, #tpu.memory_space<vmem>>[vector<16xi32>], vector<16xf32>,
      %swap3A_209 = arith.index_cast %scan3A_199 : i32 to index
      %swap3A_210 = arith.constant 16 : index
      %swap3A_211 = tpu.vector_load %arg6[%swap3A_209, %swap3A_210] {strides = array<i32>} : memref<80x128xf32, #tpu.memory_space<vmem>>, vector<16xf32>,
      tpu.vector_store %arg6[%swap3A_209, %swap3A_210], %gather3A_208 {strides = array<i32>} : memref<80x128xf32, #tpu.memory_space<vmem>>, vector<16xf32>,
      %get3A_212 = arith.index_cast %scan3A_199 : i32 to index
      %get3A_213 = arith.constant 32 : index
      %get3A_214 = tpu.vector_load %arg5[%get3A_212, %get3A_213] {strides = array<i32>} : memref<80x128xi32, #tpu.memory_space<vmem>>, vector<16xi32>,
      %gather3A_215 = tpu.vector_load_idx %arg7[%get3A_214] : memref<10240xf32, #tpu.memory_space<vmem>>[vector<16xi32>], vector<16xf32>,
      %swap3A_216 = arith.index_cast %scan3A_199 : i32 to index
      %swap3A_217 = arith.constant 32 : index
      %swap3A_218 = tpu.vector_load %arg6[%swap3A_216, %swap3A_217] {strides = array<i32>} : memref<80x128xf32, #tpu.memory_space<vmem>>, vector<16xf32>,
      tpu.vector_store %arg6[%swap3A_216, %swap3A_217], %gather3A_215 {strides = array<i32>} : memref<80x128xf32, #tpu.memory_space<vmem>>, vector<16xf32>,
      %get3A_219 = arith.index_cast %scan3A_199 : i32 to index
      %get3A_220 = arith.constant 48 : index
      %get3A_221 = tpu.vector_load %arg5[%get3A_219, %get3A_220] {strides = array<i32>} : memref<80x128xi32, #tpu.memory_space<vmem>>, vector<16xi32>,
      %gather3A_222 = tpu.vector_load_idx %arg7[%get3A_221] : memref<10240xf32, #tpu.memory_space<vmem>>[vector<16xi32>], vector<16xf32>,
      %swap3A_223 = arith.index_cast %scan3A_199 : i32 to index
      %swap3A_224 = arith.constant 48 : index
      %swap3A_225 = tpu.vector_load %arg6[%swap3A_223, %swap3A_224] {strides = array<i32>} : memref<80x128xf32, #tpu.memory_space<vmem>>, vector<16xf32>,
      tpu.vector_store %arg6[%swap3A_223, %swap3A_224], %gather3A_222 {strides = array<i32>} : memref<80x128xf32, #tpu.memory_space<vmem>>, vector<16xf32>,
      %get3A_226 = arith.index_cast %scan3A_199 : i32 to index
      %get3A_227 = arith.constant 64 : index
      %get3A_228 = tpu.vector_load %arg5[%get3A_226, %get3A_227] {strides = array<i32>} : memref<80x128xi32, #tpu.memory_space<vmem>>, vector<16xi32>,
      %gather3A_229 = tpu.vector_load_idx %arg7[%get3A_228] : memref<10240xf32, #tpu.memory_space<vmem>>[vector<16xi32>], vector<16xf32>,
      %swap3A_230 = arith.index_cast %scan3A_199 : i32 to index
      %swap3A_231 = arith.constant 64 : index
      %swap3A_232 = tpu.vector_load %arg6[%swap3A_230, %swap3A_231] {strides = array<i32>} : memref<80x128xf32, #tpu.memory_space<vmem>>, vector<16xf32>,
      tpu.vector_store %arg6[%swap3A_230, %swap3A_231], %gather3A_229 {strides = array<i32>} : memref<80x128xf32, #tpu.memory_space<vmem>>, vector<16xf32>,
      %get3A_233 = arith.index_cast %scan3A_199 : i32 to index
      %get3A_234 = arith.constant 80 : index
      %get3A_235 = tpu.vector_load %arg5[%get3A_233, %get3A_234] {strides = array<i32>} : memref<80x128xi32, #tpu.memory_space<vmem>>, vector<16xi32>,
      %gather3A_236 = tpu.vector_load_idx %arg7[%get3A_235] : memref<10240xf32, #tpu.memory_space<vmem>>[vector<16xi32>], vector<16xf32>,
      %swap3A_237 = arith.index_cast %scan3A_199 : i32 to index
      %swap3A_238 = arith.constant 80 : index
      %swap3A_239 = tpu.vector_load %arg6[%swap3A_237, %swap3A_238] {strides = array<i32>} : memref<80x128xf32, #tpu.memory_space<vmem>>, vector<16xf32>,
      tpu.vector_store %arg6[%swap3A_237, %swap3A_238], %gather3A_236 {strides = array<i32>} : memref<80x128xf32, #tpu.memory_space<vmem>>, vector<16xf32>,
      %get3A_240 = arith.index_cast %scan3A_199 : i32 to index
      %get3A_241 = arith.constant 96 : index
      %get3A_242 = tpu.vector_load %arg5[%get3A_240, %get3A_241] {strides = array<i32>} : memref<80x128xi32, #tpu.memory_space<vmem>>, vector<16xi32>,
      %gather3A_243 = tpu.vector_load_idx %arg7[%get3A_242] : memref<10240xf32, #tpu.memory_space<vmem>>[vector<16xi32>], vector<16xf32>,
      %swap3A_244 = arith.index_cast %scan3A_199 : i32 to index
      %swap3A_245 = arith.constant 96 : index
      %swap3A_246 = tpu.vector_load %arg6[%swap3A_244, %swap3A_245] {strides = array<i32>} : memref<80x128xf32, #tpu.memory_space<vmem>>, vector<16xf32>,
      tpu.vector_store %arg6[%swap3A_244, %swap3A_245], %gather3A_243 {strides = array<i32>} : memref<80x128xf32, #tpu.memory_space<vmem>>, vector<16xf32>,
      %get3A_247 = arith.index_cast %scan3A_199 : i32 to index
      %get3A_248 = arith.constant 112 : index
      %get3A_249 = tpu.vector_load %arg5[%get3A_247, %get3A_248] {strides = array<i32>} : memref<80x128xi32, #tpu.memory_space<vmem>>, vector<16xi32>,
      %gather3A_250 = tpu.vector_load_idx %arg7[%get3A_249] : memref<10240xf32, #tpu.memory_space<vmem>>[vector<16xi32>], vector<16xf32>,
      %swap3A_251 = arith.index_cast %scan3A_199 : i32 to index
      %swap3A_252 = arith.constant 112 : index
      %swap3A_253 = tpu.vector_load %arg6[%swap3A_251, %swap3A_252] {strides = array<i32>} : memref<80x128xf32, #tpu.memory_space<vmem>>, vector<16xf32>,
      tpu.vector_store %arg6[%swap3A_251, %swap3A_252], %gather3A_250 {strides = array<i32>} : memref<80x128xf32, #tpu.memory_space<vmem>>, vector<16xf32>,
      %dma_start3A = arith.constant 0 : i32
      %dma_start3A_254 = tpu.memref_slice %arg6[%scan3A_199, %dma_start3A] : memref<80x128xf32, #tpu.memory_space<vmem>> -> memref<1x128xf32, #tpu.memory_space<vmem>>
      %dma_start3A_255 = tpu.memref_squeeze %dma_start3A_254 : memref<1x128xf32, #tpu.memory_space<vmem>> -> memref<128xf32, #tpu.memory_space<vmem>>
      %dma_start3A_256 = arith.constant 0 : i32
      %dma_start3A_257 = tpu.memref_slice %arg4[%scan3A_199, %dma_start3A_256] : memref<80x128xi32, #tpu.memory_space<vmem>> -> memref<1x128xi32, #tpu.memory_space<vmem>>
      %dma_start3A_258 = tpu.memref_squeeze %dma_start3A_257 : memref<1x128xi32, #tpu.memory_space<vmem>> -> memref<128xi32, #tpu.memory_space<vmem>>
      %dma_start3A_259 = arith.constant 0 : i32
      %dma_start3A_260 = tpu.memref_slice %arg13[%dma_start3A_259] : memref<10240xf32, #tpu.memory_space<vmem_shared>> -> memref<10240xf32, #tpu.memory_space<vmem_shared>>
      tpu.enqueue_indirect_dma source(%dma_start3A_255 : memref<128xf32, #tpu.memory_space<vmem>>) target(%dma_start3A_260 : memref<10240xf32, #tpu.memory_space<vmem_shared>>) offsets(%dma_start3A_258 : memref<128xi32, #tpu.memory_space<vmem>>) semaphore(%arg15 : memref<!tpu.dma_semaphore, #tpu.memory_space<semaphore_mem>>) {add = true}
      %scan3A_261 = arith.constant 0 : i32
      scf.yield %scan3A_261 : i32
    }
    %scan3A_55 = arith.constant 80 : i32
    tpu.wait_dma2 semaphore(%arg15 : memref<!tpu.dma_semaphore, #tpu.memory_space<semaphore_mem>>) src(%arg3 : memref<10240xf32, #tpu.memory_space<hbm>>) dst(%arg7 : memref<10240xf32, #tpu.memory_space<vmem>>)
    %barrier3A_56 = arith.constant 0 : index
    tpu.barrier barrier_id(%barrier3A_56)
    "tpu.region"() ({
      %run_scoped3A_199 = tpu.sem_alloc : memref<!tpu.dma_semaphore, #tpu.memory_space<semaphore_mem>>
      %dma_start3A = tpu.memref_slice %arg13[%mul3A_2] : memref<10240xf32, #tpu.memory_space<vmem_shared>> -> memref<640xf32, #tpu.memory_space<vmem_shared>>
      %dma_start3A_200 = tpu.memref_slice %arg13[%mul3A_2] : memref<10240xf32, #tpu.memory_space<vmem_shared>> -> memref<640xf32, #tpu.memory_space<vmem_shared>>
      tpu.enqueue_dma source(%dma_start3A_200 : memref<640xf32, #tpu.memory_space<vmem_shared>>) target(%arg8 : memref<640xf32, #tpu.memory_space<vmem>>) target_semaphore(%run_scoped3A_199 : memref<!tpu.dma_semaphore, #tpu.memory_space<semaphore_mem>>)
      %dma_wait3A = tpu.memref_slice %arg13[%mul3A_2] : memref<10240xf32, #tpu.memory_space<vmem_shared>> -> memref<640xf32, #tpu.memory_space<vmem_shared>>
      %dma_wait3A_201 = tpu.memref_slice %arg13[%mul3A_2] : memref<10240xf32, #tpu.memory_space<vmem_shared>> -> memref<640xf32, #tpu.memory_space<vmem_shared>>
      tpu.wait_dma2 semaphore(%run_scoped3A_199 : memref<!tpu.dma_semaphore, #tpu.memory_space<semaphore_mem>>) src(%dma_wait3A_201 : memref<640xf32, #tpu.memory_space<vmem_shared>>) dst(%arg8 : memref<640xf32, #tpu.memory_space<vmem>>)
      tpu.yield
    }) : () -> ()
    %scan3A_57 = arith.constant 0 : i32
    %scan3A_58 = arith.constant 0 : i32
    %scan3A_59 = arith.constant 40 : i32
    %scan3A_60 = arith.addi %scan3A_58, %scan3A_59 : i32
    %scan3A_61 = arith.constant 4 : i32
    %scan3A_62 = scf.for %scan3A_199 = %scan3A_58 to %scan3A_60 step %scan3A_61 iter_args(%scan3A_200 = %scan3A_57) -> (i32)  : i32 {
      %mul3A_201 = arith.constant 16 : i32
      %mul3A_202 = arith.muli %scan3A_199, %mul3A_201 : i32
      %get3A = arith.index_cast %mul3A_202 : i32 to index
      %get3A_203 = tpu.vector_load %arg8[%get3A] {strides = array<i32>} : memref<640xf32, #tpu.memory_space<vmem>>, vector<16xf32>,
      %get3A_204 = arith.index_cast %mul3A_202 : i32 to index
      %get3A_205 = tpu.vector_load %arg9[%get3A_204] {strides = array<i32>} : memref<640xf32, #tpu.memory_space<vmem>>, vector<16xf32>,
      %mul3A_206 = arith.mulf %get3A_203, %get3A_205 : vector<16xf32>
      %get3A_207 = arith.index_cast %mul3A_202 : i32 to index
      %get3A_208 = tpu.vector_load %arg10[%get3A_207] {strides = array<i32>} : memref<640xf32, #tpu.memory_space<vmem>>, vector<16xf32>,
      %mul3A_209 = arith.constant 8.100000e-02 : f32
      %mul3A_210 = vector.broadcast %mul3A_209 : f32 to vector<16xf32>
      %mul3A_211 = arith.mulf %mul3A_210, %mul3A_206 : vector<16xf32>
      %add3A = arith.addf %get3A_208, %mul3A_211 : vector<16xf32>
      %swap3A = arith.index_cast %mul3A_202 : i32 to index
      %swap3A_212 = tpu.vector_load %arg10[%swap3A] {strides = array<i32>} : memref<640xf32, #tpu.memory_space<vmem>>, vector<16xf32>,
      tpu.vector_store %arg10[%swap3A], %add3A {strides = array<i32>} : memref<640xf32, #tpu.memory_space<vmem>>, vector<16xf32>,
      %get3A_213 = arith.index_cast %mul3A_202 : i32 to index
      %get3A_214 = tpu.vector_load %arg9[%get3A_213] {strides = array<i32>} : memref<640xf32, #tpu.memory_space<vmem>>, vector<16xf32>,
      %mul3A_215 = arith.mulf %mul3A_206, %get3A_214 : vector<16xf32>
      %swap3A_216 = arith.index_cast %mul3A_202 : i32 to index
      %swap3A_217 = tpu.vector_load %arg11[%swap3A_216] {strides = array<i32>} : memref<640xf32, #tpu.memory_space<vmem>>, vector<16xf32>,
      tpu.vector_store %arg11[%swap3A_216], %mul3A_215 {strides = array<i32>} : memref<640xf32, #tpu.memory_space<vmem>>, vector<16xf32>,
      %scan3A_218 = arith.constant 0 : i32
      %scan3A_219 = arith.constant 1 : i32
      %scan3A_220 = arith.addi %scan3A_199, %scan3A_219 : i32
      %mul3A_221 = arith.constant 16 : i32
      %mul3A_222 = arith.muli %scan3A_220, %mul3A_221 : i32
      %get3A_223 = arith.index_cast %mul3A_222 : i32 to index
      %get3A_224 = tpu.vector_load %arg8[%get3A_223] {strides = array<i32>} : memref<640xf32, #tpu.memory_space<vmem>>, vector<16xf32>,
      %get3A_225 = arith.index_cast %mul3A_222 : i32 to index
      %get3A_226 = tpu.vector_load %arg9[%get3A_225] {strides = array<i32>} : memref<640xf32, #tpu.memory_space<vmem>>, vector<16xf32>,
      %mul3A_227 = arith.mulf %get3A_224, %get3A_226 : vector<16xf32>
      %get3A_228 = arith.index_cast %mul3A_222 : i32 to index
      %get3A_229 = tpu.vector_load %arg10[%get3A_228] {strides = array<i32>} : memref<640xf32, #tpu.memory_space<vmem>>, vector<16xf32>,
      %mul3A_230 = arith.constant 8.100000e-02 : f32
      %mul3A_231 = vector.broadcast %mul3A_230 : f32 to vector<16xf32>
      %mul3A_232 = arith.mulf %mul3A_231, %mul3A_227 : vector<16xf32>
      %add3A_233 = arith.addf %get3A_229, %mul3A_232 : vector<16xf32>
      %swap3A_234 = arith.index_cast %mul3A_222 : i32 to index
      %swap3A_235 = tpu.vector_load %arg10[%swap3A_234] {strides = array<i32>} : memref<640xf32, #tpu.memory_space<vmem>>, vector<16xf32>,
      tpu.vector_store %arg10[%swap3A_234], %add3A_233 {strides = array<i32>} : memref<640xf32, #tpu.memory_space<vmem>>, vector<16xf32>,
      %get3A_236 = arith.index_cast %mul3A_222 : i32 to index
      %get3A_237 = tpu.vector_load %arg9[%get3A_236] {strides = array<i32>} : memref<640xf32, #tpu.memory_space<vmem>>, vector<16xf32>,
      %mul3A_238 = arith.mulf %mul3A_227, %get3A_237 : vector<16xf32>
      %swap3A_239 = arith.index_cast %mul3A_222 : i32 to index
      %swap3A_240 = tpu.vector_load %arg11[%swap3A_239] {strides = array<i32>} : memref<640xf32, #tpu.memory_space<vmem>>, vector<16xf32>,
      tpu.vector_store %arg11[%swap3A_239], %mul3A_238 {strides = array<i32>} : memref<640xf32, #tpu.memory_space<vmem>>, vector<16xf32>,
      %scan3A_241 = arith.constant 0 : i32
      %scan3A_242 = arith.constant 2 : i32
      %scan3A_243 = arith.addi %scan3A_199, %scan3A_242 : i32
      %mul3A_244 = arith.constant 16 : i32
      %mul3A_245 = arith.muli %scan3A_243, %mul3A_244 : i32
      %get3A_246 = arith.index_cast %mul3A_245 : i32 to index
      %get3A_247 = tpu.vector_load %arg8[%get3A_246] {strides = array<i32>} : memref<640xf32, #tpu.memory_space<vmem>>, vector<16xf32>,
      %get3A_248 = arith.index_cast %mul3A_245 : i32 to index
      %get3A_249 = tpu.vector_load %arg9[%get3A_248] {strides = array<i32>} : memref<640xf32, #tpu.memory_space<vmem>>, vector<16xf32>,
      %mul3A_250 = arith.mulf %get3A_247, %get3A_249 : vector<16xf32>
      %get3A_251 = arith.index_cast %mul3A_245 : i32 to index
      %get3A_252 = tpu.vector_load %arg10[%get3A_251] {strides = array<i32>} : memref<640xf32, #tpu.memory_space<vmem>>, vector<16xf32>,
      %mul3A_253 = arith.constant 8.100000e-02 : f32
      %mul3A_254 = vector.broadcast %mul3A_253 : f32 to vector<16xf32>
      %mul3A_255 = arith.mulf %mul3A_254, %mul3A_250 : vector<16xf32>
      %add3A_256 = arith.addf %get3A_252, %mul3A_255 : vector<16xf32>
      %swap3A_257 = arith.index_cast %mul3A_245 : i32 to index
      %swap3A_258 = tpu.vector_load %arg10[%swap3A_257] {strides = array<i32>} : memref<640xf32, #tpu.memory_space<vmem>>, vector<16xf32>,
      tpu.vector_store %arg10[%swap3A_257], %add3A_256 {strides = array<i32>} : memref<640xf32, #tpu.memory_space<vmem>>, vector<16xf32>,
      %get3A_259 = arith.index_cast %mul3A_245 : i32 to index
      %get3A_260 = tpu.vector_load %arg9[%get3A_259] {strides = array<i32>} : memref<640xf32, #tpu.memory_space<vmem>>, vector<16xf32>,
      %mul3A_261 = arith.mulf %mul3A_250, %get3A_260 : vector<16xf32>
      %swap3A_262 = arith.index_cast %mul3A_245 : i32 to index
      %swap3A_263 = tpu.vector_load %arg11[%swap3A_262] {strides = array<i32>} : memref<640xf32, #tpu.memory_space<vmem>>, vector<16xf32>,
      tpu.vector_store %arg11[%swap3A_262], %mul3A_261 {strides = array<i32>} : memref<640xf32, #tpu.memory_space<vmem>>, vector<16xf32>,
      %scan3A_264 = arith.constant 0 : i32
      %scan3A_265 = arith.constant 3 : i32
      %scan3A_266 = arith.addi %scan3A_199, %scan3A_265 : i32
      %mul3A_267 = arith.constant 16 : i32
      %mul3A_268 = arith.muli %scan3A_266, %mul3A_267 : i32
      %get3A_269 = arith.index_cast %mul3A_268 : i32 to index
      %get3A_270 = tpu.vector_load %arg8[%get3A_269] {strides = array<i32>} : memref<640xf32, #tpu.memory_space<vmem>>, vector<16xf32>,
      %get3A_271 = arith.index_cast %mul3A_268 : i32 to index
      %get3A_272 = tpu.vector_load %arg9[%get3A_271] {strides = array<i32>} : memref<640xf32, #tpu.memory_space<vmem>>, vector<16xf32>,
      %mul3A_273 = arith.mulf %get3A_270, %get3A_272 : vector<16xf32>
      %get3A_274 = arith.index_cast %mul3A_268 : i32 to index
      %get3A_275 = tpu.vector_load %arg10[%get3A_274] {strides = array<i32>} : memref<640xf32, #tpu.memory_space<vmem>>, vector<16xf32>,
      %mul3A_276 = arith.constant 8.100000e-02 : f32
      %mul3A_277 = vector.broadcast %mul3A_276 : f32 to vector<16xf32>
      %mul3A_278 = arith.mulf %mul3A_277, %mul3A_273 : vector<16xf32>
      %add3A_279 = arith.addf %get3A_275, %mul3A_278 : vector<16xf32>
      %swap3A_280 = arith.index_cast %mul3A_268 : i32 to index
      %swap3A_281 = tpu.vector_load %arg10[%swap3A_280] {strides = array<i32>} : memref<640xf32, #tpu.memory_space<vmem>>, vector<16xf32>,
      tpu.vector_store %arg10[%swap3A_280], %add3A_279 {strides = array<i32>} : memref<640xf32, #tpu.memory_space<vmem>>, vector<16xf32>,
      %get3A_282 = arith.index_cast %mul3A_268 : i32 to index
      %get3A_283 = tpu.vector_load %arg9[%get3A_282] {strides = array<i32>} : memref<640xf32, #tpu.memory_space<vmem>>, vector<16xf32>,
      %mul3A_284 = arith.mulf %mul3A_273, %get3A_283 : vector<16xf32>
      %swap3A_285 = arith.index_cast %mul3A_268 : i32 to index
      %swap3A_286 = tpu.vector_load %arg11[%swap3A_285] {strides = array<i32>} : memref<640xf32, #tpu.memory_space<vmem>>, vector<16xf32>,
      tpu.vector_store %arg11[%swap3A_285], %mul3A_284 {strides = array<i32>} : memref<640xf32, #tpu.memory_space<vmem>>, vector<16xf32>,
      %scan3A_287 = arith.constant 0 : i32
      scf.yield %scan3A_287 : i32
    }
    %scan3A_63 = arith.constant 40 : i32
    "tpu.region"() ({
      %run_scoped3A_199 = tpu.sem_alloc : memref<!tpu.dma_semaphore, #tpu.memory_space<semaphore_mem>>
      %dma_start3A = tpu.memref_slice %arg14[%mul3A_2] : memref<10240xf32, #tpu.memory_space<vmem_shared>> -> memref<640xf32, #tpu.memory_space<vmem_shared>>
      %dma_start3A_200 = tpu.memref_slice %arg14[%mul3A_2] : memref<10240xf32, #tpu.memory_space<vmem_shared>> -> memref<640xf32, #tpu.memory_space<vmem_shared>>
      tpu.enqueue_dma source(%arg11 : memref<640xf32, #tpu.memory_space<vmem>>) target(%dma_start3A_200 : memref<640xf32, #tpu.memory_space<vmem_shared>>) target_semaphore(%run_scoped3A_199 : memref<!tpu.dma_semaphore, #tpu.memory_space<semaphore_mem>>)
      %dma_wait3A = tpu.memref_slice %arg14[%mul3A_2] : memref<10240xf32, #tpu.memory_space<vmem_shared>> -> memref<640xf32, #tpu.memory_space<vmem_shared>>
      %dma_wait3A_201 = tpu.memref_slice %arg14[%mul3A_2] : memref<10240xf32, #tpu.memory_space<vmem_shared>> -> memref<640xf32, #tpu.memory_space<vmem_shared>>
      tpu.wait_dma2 semaphore(%run_scoped3A_199 : memref<!tpu.dma_semaphore, #tpu.memory_space<semaphore_mem>>) src(%arg11 : memref<640xf32, #tpu.memory_space<vmem>>) dst(%dma_wait3A_201 : memref<640xf32, #tpu.memory_space<vmem_shared>>)
      tpu.yield
    }) : () -> ()
    "tpu.region"() ({
      %run_scoped3A_199 = tpu.sem_alloc : memref<!tpu.dma_semaphore, #tpu.memory_space<semaphore_mem>>
      %dma_start3A = tpu.memref_slice %arg13[%mul3A_2] : memref<10240xf32, #tpu.memory_space<vmem_shared>> -> memref<640xf32, #tpu.memory_space<vmem_shared>>
      %dma_start3A_200 = tpu.memref_slice %arg13[%mul3A_2] : memref<10240xf32, #tpu.memory_space<vmem_shared>> -> memref<640xf32, #tpu.memory_space<vmem_shared>>
      tpu.enqueue_dma source(%arg12 : memref<640xf32, #tpu.memory_space<vmem>>) target(%dma_start3A_200 : memref<640xf32, #tpu.memory_space<vmem_shared>>) target_semaphore(%run_scoped3A_199 : memref<!tpu.dma_semaphore, #tpu.memory_space<semaphore_mem>>)
      %dma_wait3A = tpu.memref_slice %arg13[%mul3A_2] : memref<10240xf32, #tpu.memory_space<vmem_shared>> -> memref<640xf32, #tpu.memory_space<vmem_shared>>
      %dma_wait3A_201 = tpu.memref_slice %arg13[%mul3A_2] : memref<10240xf32, #tpu.memory_space<vmem_shared>> -> memref<640xf32, #tpu.memory_space<vmem_shared>>
      tpu.wait_dma2 semaphore(%run_scoped3A_199 : memref<!tpu.dma_semaphore, #tpu.memory_space<semaphore_mem>>) src(%arg12 : memref<640xf32, #tpu.memory_space<vmem>>) dst(%dma_wait3A_201 : memref<640xf32, #tpu.memory_space<vmem_shared>>)
      tpu.yield
    }) : () -> ()
    %barrier3A_64 = arith.constant 0 : index
    tpu.barrier barrier_id(%barrier3A_64)
    "tpu.region"() ({
      %run_scoped3A_199 = tpu.sem_alloc : memref<!tpu.dma_semaphore, #tpu.memory_space<semaphore_mem>>
      tpu.enqueue_dma source(%arg14 : memref<10240xf32, #tpu.memory_space<vmem_shared>>) target(%arg7 : memref<10240xf32, #tpu.memory_space<vmem>>) target_semaphore(%run_scoped3A_199 : memref<!tpu.dma_semaphore, #tpu.memory_space<semaphore_mem>>)
      tpu.wait_dma2 semaphore(%run_scoped3A_199 : memref<!tpu.dma_semaphore, #tpu.memory_space<semaphore_mem>>) src(%arg14 : memref<10240xf32, #tpu.memory_space<vmem_shared>>) dst(%arg7 : memref<10240xf32, #tpu.memory_space<vmem>>)
      tpu.yield
    }) : () -> ()
    %scan3A_65 = arith.constant 0 : i32
    %scan3A_66 = arith.constant 0 : i32
    %scan3A_67 = arith.constant 80 : i32
    %scan3A_68 = arith.addi %scan3A_66, %scan3A_67 : i32
    %scan3A_69 = arith.constant 1 : i32
    %scan3A_70 = scf.for %scan3A_199 = %scan3A_66 to %scan3A_68 step %scan3A_69 iter_args(%scan3A_200 = %scan3A_65) -> (i32)  : i32 {
      %get3A = arith.index_cast %scan3A_199 : i32 to index
      %get3A_201 = arith.constant 0 : index
      %get3A_202 = tpu.vector_load %arg5[%get3A, %get3A_201] {strides = array<i32>} : memref<80x128xi32, #tpu.memory_space<vmem>>, vector<16xi32>,
      %gather3A = tpu.vector_load_idx %arg7[%get3A_202] : memref<10240xf32, #tpu.memory_space<vmem>>[vector<16xi32>], vector<16xf32>,
      %swap3A = arith.index_cast %scan3A_199 : i32 to index
      %swap3A_203 = arith.constant 0 : index
      %swap3A_204 = tpu.vector_load %arg6[%swap3A, %swap3A_203] {strides = array<i32>} : memref<80x128xf32, #tpu.memory_space<vmem>>, vector<16xf32>,
      tpu.vector_store %arg6[%swap3A, %swap3A_203], %gather3A {strides = array<i32>} : memref<80x128xf32, #tpu.memory_space<vmem>>, vector<16xf32>,
      %get3A_205 = arith.index_cast %scan3A_199 : i32 to index
      %get3A_206 = arith.constant 16 : index
      %get3A_207 = tpu.vector_load %arg5[%get3A_205, %get3A_206] {strides = array<i32>} : memref<80x128xi32, #tpu.memory_space<vmem>>, vector<16xi32>,
      %gather3A_208 = tpu.vector_load_idx %arg7[%get3A_207] : memref<10240xf32, #tpu.memory_space<vmem>>[vector<16xi32>], vector<16xf32>,
      %swap3A_209 = arith.index_cast %scan3A_199 : i32 to index
      %swap3A_210 = arith.constant 16 : index
      %swap3A_211 = tpu.vector_load %arg6[%swap3A_209, %swap3A_210] {strides = array<i32>} : memref<80x128xf32, #tpu.memory_space<vmem>>, vector<16xf32>,
      tpu.vector_store %arg6[%swap3A_209, %swap3A_210], %gather3A_208 {strides = array<i32>} : memref<80x128xf32, #tpu.memory_space<vmem>>, vector<16xf32>,
      %get3A_212 = arith.index_cast %scan3A_199 : i32 to index
      %get3A_213 = arith.constant 32 : index
      %get3A_214 = tpu.vector_load %arg5[%get3A_212, %get3A_213] {strides = array<i32>} : memref<80x128xi32, #tpu.memory_space<vmem>>, vector<16xi32>,
      %gather3A_215 = tpu.vector_load_idx %arg7[%get3A_214] : memref<10240xf32, #tpu.memory_space<vmem>>[vector<16xi32>], vector<16xf32>,
      %swap3A_216 = arith.index_cast %scan3A_199 : i32 to index
      %swap3A_217 = arith.constant 32 : index
      %swap3A_218 = tpu.vector_load %arg6[%swap3A_216, %swap3A_217] {strides = array<i32>} : memref<80x128xf32, #tpu.memory_space<vmem>>, vector<16xf32>,
      tpu.vector_store %arg6[%swap3A_216, %swap3A_217], %gather3A_215 {strides = array<i32>} : memref<80x128xf32, #tpu.memory_space<vmem>>, vector<16xf32>,
      %get3A_219 = arith.index_cast %scan3A_199 : i32 to index
      %get3A_220 = arith.constant 48 : index
      %get3A_221 = tpu.vector_load %arg5[%get3A_219, %get3A_220] {strides = array<i32>} : memref<80x128xi32, #tpu.memory_space<vmem>>, vector<16xi32>,
      %gather3A_222 = tpu.vector_load_idx %arg7[%get3A_221] : memref<10240xf32, #tpu.memory_space<vmem>>[vector<16xi32>], vector<16xf32>,
      %swap3A_223 = arith.index_cast %scan3A_199 : i32 to index
      %swap3A_224 = arith.constant 48 : index
      %swap3A_225 = tpu.vector_load %arg6[%swap3A_223, %swap3A_224] {strides = array<i32>} : memref<80x128xf32, #tpu.memory_space<vmem>>, vector<16xf32>,
      tpu.vector_store %arg6[%swap3A_223, %swap3A_224], %gather3A_222 {strides = array<i32>} : memref<80x128xf32, #tpu.memory_space<vmem>>, vector<16xf32>,
      %get3A_226 = arith.index_cast %scan3A_199 : i32 to index
      %get3A_227 = arith.constant 64 : index
      %get3A_228 = tpu.vector_load %arg5[%get3A_226, %get3A_227] {strides = array<i32>} : memref<80x128xi32, #tpu.memory_space<vmem>>, vector<16xi32>,
      %gather3A_229 = tpu.vector_load_idx %arg7[%get3A_228] : memref<10240xf32, #tpu.memory_space<vmem>>[vector<16xi32>], vector<16xf32>,
      %swap3A_230 = arith.index_cast %scan3A_199 : i32 to index
      %swap3A_231 = arith.constant 64 : index
      %swap3A_232 = tpu.vector_load %arg6[%swap3A_230, %swap3A_231] {strides = array<i32>} : memref<80x128xf32, #tpu.memory_space<vmem>>, vector<16xf32>,
      tpu.vector_store %arg6[%swap3A_230, %swap3A_231], %gather3A_229 {strides = array<i32>} : memref<80x128xf32, #tpu.memory_space<vmem>>, vector<16xf32>,
      %get3A_233 = arith.index_cast %scan3A_199 : i32 to index
      %get3A_234 = arith.constant 80 : index
      %get3A_235 = tpu.vector_load %arg5[%get3A_233, %get3A_234] {strides = array<i32>} : memref<80x128xi32, #tpu.memory_space<vmem>>, vector<16xi32>,
      %gather3A_236 = tpu.vector_load_idx %arg7[%get3A_235] : memref<10240xf32, #tpu.memory_space<vmem>>[vector<16xi32>], vector<16xf32>,
      %swap3A_237 = arith.index_cast %scan3A_199 : i32 to index
      %swap3A_238 = arith.constant 80 : index
      %swap3A_239 = tpu.vector_load %arg6[%swap3A_237, %swap3A_238] {strides = array<i32>} : memref<80x128xf32, #tpu.memory_space<vmem>>, vector<16xf32>,
      tpu.vector_store %arg6[%swap3A_237, %swap3A_238], %gather3A_236 {strides = array<i32>} : memref<80x128xf32, #tpu.memory_space<vmem>>, vector<16xf32>,
      %get3A_240 = arith.index_cast %scan3A_199 : i32 to index
      %get3A_241 = arith.constant 96 : index
      %get3A_242 = tpu.vector_load %arg5[%get3A_240, %get3A_241] {strides = array<i32>} : memref<80x128xi32, #tpu.memory_space<vmem>>, vector<16xi32>,
      %gather3A_243 = tpu.vector_load_idx %arg7[%get3A_242] : memref<10240xf32, #tpu.memory_space<vmem>>[vector<16xi32>], vector<16xf32>,
      %swap3A_244 = arith.index_cast %scan3A_199 : i32 to index
      %swap3A_245 = arith.constant 96 : index
      %swap3A_246 = tpu.vector_load %arg6[%swap3A_244, %swap3A_245] {strides = array<i32>} : memref<80x128xf32, #tpu.memory_space<vmem>>, vector<16xf32>,
      tpu.vector_store %arg6[%swap3A_244, %swap3A_245], %gather3A_243 {strides = array<i32>} : memref<80x128xf32, #tpu.memory_space<vmem>>, vector<16xf32>,
      %get3A_247 = arith.index_cast %scan3A_199 : i32 to index
      %get3A_248 = arith.constant 112 : index
      %get3A_249 = tpu.vector_load %arg5[%get3A_247, %get3A_248] {strides = array<i32>} : memref<80x128xi32, #tpu.memory_space<vmem>>, vector<16xi32>,
      %gather3A_250 = tpu.vector_load_idx %arg7[%get3A_249] : memref<10240xf32, #tpu.memory_space<vmem>>[vector<16xi32>], vector<16xf32>,
      %swap3A_251 = arith.index_cast %scan3A_199 : i32 to index
      %swap3A_252 = arith.constant 112 : index
      %swap3A_253 = tpu.vector_load %arg6[%swap3A_251, %swap3A_252] {strides = array<i32>} : memref<80x128xf32, #tpu.memory_space<vmem>>, vector<16xf32>,
      tpu.vector_store %arg6[%swap3A_251, %swap3A_252], %gather3A_250 {strides = array<i32>} : memref<80x128xf32, #tpu.memory_space<vmem>>, vector<16xf32>,
      %dma_start3A = arith.constant 0 : i32
      %dma_start3A_254 = tpu.memref_slice %arg6[%scan3A_199, %dma_start3A] : memref<80x128xf32, #tpu.memory_space<vmem>> -> memref<1x128xf32, #tpu.memory_space<vmem>>
      %dma_start3A_255 = tpu.memref_squeeze %dma_start3A_254 : memref<1x128xf32, #tpu.memory_space<vmem>> -> memref<128xf32, #tpu.memory_space<vmem>>
      %dma_start3A_256 = arith.constant 0 : i32
      %dma_start3A_257 = tpu.memref_slice %arg4[%scan3A_199, %dma_start3A_256] : memref<80x128xi32, #tpu.memory_space<vmem>> -> memref<1x128xi32, #tpu.memory_space<vmem>>
      %dma_start3A_258 = tpu.memref_squeeze %dma_start3A_257 : memref<1x128xi32, #tpu.memory_space<vmem>> -> memref<128xi32, #tpu.memory_space<vmem>>
      %dma_start3A_259 = arith.constant 0 : i32
      %dma_start3A_260 = tpu.memref_slice %arg13[%dma_start3A_259] : memref<10240xf32, #tpu.memory_space<vmem_shared>> -> memref<10240xf32, #tpu.memory_space<vmem_shared>>
      tpu.enqueue_indirect_dma source(%dma_start3A_255 : memref<128xf32, #tpu.memory_space<vmem>>) target(%dma_start3A_260 : memref<10240xf32, #tpu.memory_space<vmem_shared>>) offsets(%dma_start3A_258 : memref<128xi32, #tpu.memory_space<vmem>>) semaphore(%arg15 : memref<!tpu.dma_semaphore, #tpu.memory_space<semaphore_mem>>) {add = true}
      %scan3A_261 = arith.constant 0 : i32
      scf.yield %scan3A_261 : i32
    }
    %scan3A_71 = arith.constant 80 : i32
    tpu.wait_dma2 semaphore(%arg15 : memref<!tpu.dma_semaphore, #tpu.memory_space<semaphore_mem>>) src(%arg3 : memref<10240xf32, #tpu.memory_space<hbm>>) dst(%arg7 : memref<10240xf32, #tpu.memory_space<vmem>>)
    %barrier3A_72 = arith.constant 0 : index
    tpu.barrier barrier_id(%barrier3A_72)
    "tpu.region"() ({
      %run_scoped3A_199 = tpu.sem_alloc : memref<!tpu.dma_semaphore, #tpu.memory_space<semaphore_mem>>
      %dma_start3A = tpu.memref_slice %arg13[%mul3A_2] : memref<10240xf32, #tpu.memory_space<vmem_shared>> -> memref<640xf32, #tpu.memory_space<vmem_shared>>
      %dma_start3A_200 = tpu.memref_slice %arg13[%mul3A_2] : memref<10240xf32, #tpu.memory_space<vmem_shared>> -> memref<640xf32, #tpu.memory_space<vmem_shared>>
      tpu.enqueue_dma source(%dma_start3A_200 : memref<640xf32, #tpu.memory_space<vmem_shared>>) target(%arg8 : memref<640xf32, #tpu.memory_space<vmem>>) target_semaphore(%run_scoped3A_199 : memref<!tpu.dma_semaphore, #tpu.memory_space<semaphore_mem>>)
      %dma_wait3A = tpu.memref_slice %arg13[%mul3A_2] : memref<10240xf32, #tpu.memory_space<vmem_shared>> -> memref<640xf32, #tpu.memory_space<vmem_shared>>
      %dma_wait3A_201 = tpu.memref_slice %arg13[%mul3A_2] : memref<10240xf32, #tpu.memory_space<vmem_shared>> -> memref<640xf32, #tpu.memory_space<vmem_shared>>
      tpu.wait_dma2 semaphore(%run_scoped3A_199 : memref<!tpu.dma_semaphore, #tpu.memory_space<semaphore_mem>>) src(%dma_wait3A_201 : memref<640xf32, #tpu.memory_space<vmem_shared>>) dst(%arg8 : memref<640xf32, #tpu.memory_space<vmem>>)
      tpu.yield
    }) : () -> ()
    %scan3A_73 = arith.constant 0 : i32
    %scan3A_74 = arith.constant 0 : i32
    %scan3A_75 = arith.constant 40 : i32
    %scan3A_76 = arith.addi %scan3A_74, %scan3A_75 : i32
    %scan3A_77 = arith.constant 4 : i32
    %scan3A_78 = scf.for %scan3A_199 = %scan3A_74 to %scan3A_76 step %scan3A_77 iter_args(%scan3A_200 = %scan3A_73) -> (i32)  : i32 {
      %mul3A_201 = arith.constant 16 : i32
      %mul3A_202 = arith.muli %scan3A_199, %mul3A_201 : i32
      %get3A = arith.index_cast %mul3A_202 : i32 to index
      %get3A_203 = tpu.vector_load %arg8[%get3A] {strides = array<i32>} : memref<640xf32, #tpu.memory_space<vmem>>, vector<16xf32>,
      %get3A_204 = arith.index_cast %mul3A_202 : i32 to index
      %get3A_205 = tpu.vector_load %arg9[%get3A_204] {strides = array<i32>} : memref<640xf32, #tpu.memory_space<vmem>>, vector<16xf32>,
      %mul3A_206 = arith.mulf %get3A_203, %get3A_205 : vector<16xf32>
      %get3A_207 = arith.index_cast %mul3A_202 : i32 to index
      %get3A_208 = tpu.vector_load %arg10[%get3A_207] {strides = array<i32>} : memref<640xf32, #tpu.memory_space<vmem>>, vector<16xf32>,
      %mul3A_209 = arith.constant 7.290000e-02 : f32
      %mul3A_210 = vector.broadcast %mul3A_209 : f32 to vector<16xf32>
      %mul3A_211 = arith.mulf %mul3A_210, %mul3A_206 : vector<16xf32>
      %add3A = arith.addf %get3A_208, %mul3A_211 : vector<16xf32>
      %swap3A = arith.index_cast %mul3A_202 : i32 to index
      %swap3A_212 = tpu.vector_load %arg10[%swap3A] {strides = array<i32>} : memref<640xf32, #tpu.memory_space<vmem>>, vector<16xf32>,
      tpu.vector_store %arg10[%swap3A], %add3A {strides = array<i32>} : memref<640xf32, #tpu.memory_space<vmem>>, vector<16xf32>,
      %get3A_213 = arith.index_cast %mul3A_202 : i32 to index
      %get3A_214 = tpu.vector_load %arg9[%get3A_213] {strides = array<i32>} : memref<640xf32, #tpu.memory_space<vmem>>, vector<16xf32>,
      %mul3A_215 = arith.mulf %mul3A_206, %get3A_214 : vector<16xf32>
      %swap3A_216 = arith.index_cast %mul3A_202 : i32 to index
      %swap3A_217 = tpu.vector_load %arg11[%swap3A_216] {strides = array<i32>} : memref<640xf32, #tpu.memory_space<vmem>>, vector<16xf32>,
      tpu.vector_store %arg11[%swap3A_216], %mul3A_215 {strides = array<i32>} : memref<640xf32, #tpu.memory_space<vmem>>, vector<16xf32>,
      %scan3A_218 = arith.constant 0 : i32
      %scan3A_219 = arith.constant 1 : i32
      %scan3A_220 = arith.addi %scan3A_199, %scan3A_219 : i32
      %mul3A_221 = arith.constant 16 : i32
      %mul3A_222 = arith.muli %scan3A_220, %mul3A_221 : i32
      %get3A_223 = arith.index_cast %mul3A_222 : i32 to index
      %get3A_224 = tpu.vector_load %arg8[%get3A_223] {strides = array<i32>} : memref<640xf32, #tpu.memory_space<vmem>>, vector<16xf32>,
      %get3A_225 = arith.index_cast %mul3A_222 : i32 to index
      %get3A_226 = tpu.vector_load %arg9[%get3A_225] {strides = array<i32>} : memref<640xf32, #tpu.memory_space<vmem>>, vector<16xf32>,
      %mul3A_227 = arith.mulf %get3A_224, %get3A_226 : vector<16xf32>
      %get3A_228 = arith.index_cast %mul3A_222 : i32 to index
      %get3A_229 = tpu.vector_load %arg10[%get3A_228] {strides = array<i32>} : memref<640xf32, #tpu.memory_space<vmem>>, vector<16xf32>,
      %mul3A_230 = arith.constant 7.290000e-02 : f32
      %mul3A_231 = vector.broadcast %mul3A_230 : f32 to vector<16xf32>
      %mul3A_232 = arith.mulf %mul3A_231, %mul3A_227 : vector<16xf32>
      %add3A_233 = arith.addf %get3A_229, %mul3A_232 : vector<16xf32>
      %swap3A_234 = arith.index_cast %mul3A_222 : i32 to index
      %swap3A_235 = tpu.vector_load %arg10[%swap3A_234] {strides = array<i32>} : memref<640xf32, #tpu.memory_space<vmem>>, vector<16xf32>,
      tpu.vector_store %arg10[%swap3A_234], %add3A_233 {strides = array<i32>} : memref<640xf32, #tpu.memory_space<vmem>>, vector<16xf32>,
      %get3A_236 = arith.index_cast %mul3A_222 : i32 to index
      %get3A_237 = tpu.vector_load %arg9[%get3A_236] {strides = array<i32>} : memref<640xf32, #tpu.memory_space<vmem>>, vector<16xf32>,
      %mul3A_238 = arith.mulf %mul3A_227, %get3A_237 : vector<16xf32>
      %swap3A_239 = arith.index_cast %mul3A_222 : i32 to index
      %swap3A_240 = tpu.vector_load %arg11[%swap3A_239] {strides = array<i32>} : memref<640xf32, #tpu.memory_space<vmem>>, vector<16xf32>,
      tpu.vector_store %arg11[%swap3A_239], %mul3A_238 {strides = array<i32>} : memref<640xf32, #tpu.memory_space<vmem>>, vector<16xf32>,
      %scan3A_241 = arith.constant 0 : i32
      %scan3A_242 = arith.constant 2 : i32
      %scan3A_243 = arith.addi %scan3A_199, %scan3A_242 : i32
      %mul3A_244 = arith.constant 16 : i32
      %mul3A_245 = arith.muli %scan3A_243, %mul3A_244 : i32
      %get3A_246 = arith.index_cast %mul3A_245 : i32 to index
      %get3A_247 = tpu.vector_load %arg8[%get3A_246] {strides = array<i32>} : memref<640xf32, #tpu.memory_space<vmem>>, vector<16xf32>,
      %get3A_248 = arith.index_cast %mul3A_245 : i32 to index
      %get3A_249 = tpu.vector_load %arg9[%get3A_248] {strides = array<i32>} : memref<640xf32, #tpu.memory_space<vmem>>, vector<16xf32>,
      %mul3A_250 = arith.mulf %get3A_247, %get3A_249 : vector<16xf32>
      %get3A_251 = arith.index_cast %mul3A_245 : i32 to index
      %get3A_252 = tpu.vector_load %arg10[%get3A_251] {strides = array<i32>} : memref<640xf32, #tpu.memory_space<vmem>>, vector<16xf32>,
      %mul3A_253 = arith.constant 7.290000e-02 : f32
      %mul3A_254 = vector.broadcast %mul3A_253 : f32 to vector<16xf32>
      %mul3A_255 = arith.mulf %mul3A_254, %mul3A_250 : vector<16xf32>
      %add3A_256 = arith.addf %get3A_252, %mul3A_255 : vector<16xf32>
      %swap3A_257 = arith.index_cast %mul3A_245 : i32 to index
      %swap3A_258 = tpu.vector_load %arg10[%swap3A_257] {strides = array<i32>} : memref<640xf32, #tpu.memory_space<vmem>>, vector<16xf32>,
      tpu.vector_store %arg10[%swap3A_257], %add3A_256 {strides = array<i32>} : memref<640xf32, #tpu.memory_space<vmem>>, vector<16xf32>,
      %get3A_259 = arith.index_cast %mul3A_245 : i32 to index
      %get3A_260 = tpu.vector_load %arg9[%get3A_259] {strides = array<i32>} : memref<640xf32, #tpu.memory_space<vmem>>, vector<16xf32>,
      %mul3A_261 = arith.mulf %mul3A_250, %get3A_260 : vector<16xf32>
      %swap3A_262 = arith.index_cast %mul3A_245 : i32 to index
      %swap3A_263 = tpu.vector_load %arg11[%swap3A_262] {strides = array<i32>} : memref<640xf32, #tpu.memory_space<vmem>>, vector<16xf32>,
      tpu.vector_store %arg11[%swap3A_262], %mul3A_261 {strides = array<i32>} : memref<640xf32, #tpu.memory_space<vmem>>, vector<16xf32>,
      %scan3A_264 = arith.constant 0 : i32
      %scan3A_265 = arith.constant 3 : i32
      %scan3A_266 = arith.addi %scan3A_199, %scan3A_265 : i32
      %mul3A_267 = arith.constant 16 : i32
      %mul3A_268 = arith.muli %scan3A_266, %mul3A_267 : i32
      %get3A_269 = arith.index_cast %mul3A_268 : i32 to index
      %get3A_270 = tpu.vector_load %arg8[%get3A_269] {strides = array<i32>} : memref<640xf32, #tpu.memory_space<vmem>>, vector<16xf32>,
      %get3A_271 = arith.index_cast %mul3A_268 : i32 to index
      %get3A_272 = tpu.vector_load %arg9[%get3A_271] {strides = array<i32>} : memref<640xf32, #tpu.memory_space<vmem>>, vector<16xf32>,
      %mul3A_273 = arith.mulf %get3A_270, %get3A_272 : vector<16xf32>
      %get3A_274 = arith.index_cast %mul3A_268 : i32 to index
      %get3A_275 = tpu.vector_load %arg10[%get3A_274] {strides = array<i32>} : memref<640xf32, #tpu.memory_space<vmem>>, vector<16xf32>,
      %mul3A_276 = arith.constant 7.290000e-02 : f32
      %mul3A_277 = vector.broadcast %mul3A_276 : f32 to vector<16xf32>
      %mul3A_278 = arith.mulf %mul3A_277, %mul3A_273 : vector<16xf32>
      %add3A_279 = arith.addf %get3A_275, %mul3A_278 : vector<16xf32>
      %swap3A_280 = arith.index_cast %mul3A_268 : i32 to index
      %swap3A_281 = tpu.vector_load %arg10[%swap3A_280] {strides = array<i32>} : memref<640xf32, #tpu.memory_space<vmem>>, vector<16xf32>,
      tpu.vector_store %arg10[%swap3A_280], %add3A_279 {strides = array<i32>} : memref<640xf32, #tpu.memory_space<vmem>>, vector<16xf32>,
      %get3A_282 = arith.index_cast %mul3A_268 : i32 to index
      %get3A_283 = tpu.vector_load %arg9[%get3A_282] {strides = array<i32>} : memref<640xf32, #tpu.memory_space<vmem>>, vector<16xf32>,
      %mul3A_284 = arith.mulf %mul3A_273, %get3A_283 : vector<16xf32>
      %swap3A_285 = arith.index_cast %mul3A_268 : i32 to index
      %swap3A_286 = tpu.vector_load %arg11[%swap3A_285] {strides = array<i32>} : memref<640xf32, #tpu.memory_space<vmem>>, vector<16xf32>,
      tpu.vector_store %arg11[%swap3A_285], %mul3A_284 {strides = array<i32>} : memref<640xf32, #tpu.memory_space<vmem>>, vector<16xf32>,
      %scan3A_287 = arith.constant 0 : i32
      scf.yield %scan3A_287 : i32
    }
    %scan3A_79 = arith.constant 40 : i32
    "tpu.region"() ({
      %run_scoped3A_199 = tpu.sem_alloc : memref<!tpu.dma_semaphore, #tpu.memory_space<semaphore_mem>>
      %dma_start3A = tpu.memref_slice %arg14[%mul3A_2] : memref<10240xf32, #tpu.memory_space<vmem_shared>> -> memref<640xf32, #tpu.memory_space<vmem_shared>>
      %dma_start3A_200 = tpu.memref_slice %arg14[%mul3A_2] : memref<10240xf32, #tpu.memory_space<vmem_shared>> -> memref<640xf32, #tpu.memory_space<vmem_shared>>
      tpu.enqueue_dma source(%arg11 : memref<640xf32, #tpu.memory_space<vmem>>) target(%dma_start3A_200 : memref<640xf32, #tpu.memory_space<vmem_shared>>) target_semaphore(%run_scoped3A_199 : memref<!tpu.dma_semaphore, #tpu.memory_space<semaphore_mem>>)
      %dma_wait3A = tpu.memref_slice %arg14[%mul3A_2] : memref<10240xf32, #tpu.memory_space<vmem_shared>> -> memref<640xf32, #tpu.memory_space<vmem_shared>>
      %dma_wait3A_201 = tpu.memref_slice %arg14[%mul3A_2] : memref<10240xf32, #tpu.memory_space<vmem_shared>> -> memref<640xf32, #tpu.memory_space<vmem_shared>>
      tpu.wait_dma2 semaphore(%run_scoped3A_199 : memref<!tpu.dma_semaphore, #tpu.memory_space<semaphore_mem>>) src(%arg11 : memref<640xf32, #tpu.memory_space<vmem>>) dst(%dma_wait3A_201 : memref<640xf32, #tpu.memory_space<vmem_shared>>)
      tpu.yield
    }) : () -> ()
    "tpu.region"() ({
      %run_scoped3A_199 = tpu.sem_alloc : memref<!tpu.dma_semaphore, #tpu.memory_space<semaphore_mem>>
      %dma_start3A = tpu.memref_slice %arg13[%mul3A_2] : memref<10240xf32, #tpu.memory_space<vmem_shared>> -> memref<640xf32, #tpu.memory_space<vmem_shared>>
      %dma_start3A_200 = tpu.memref_slice %arg13[%mul3A_2] : memref<10240xf32, #tpu.memory_space<vmem_shared>> -> memref<640xf32, #tpu.memory_space<vmem_shared>>
      tpu.enqueue_dma source(%arg12 : memref<640xf32, #tpu.memory_space<vmem>>) target(%dma_start3A_200 : memref<640xf32, #tpu.memory_space<vmem_shared>>) target_semaphore(%run_scoped3A_199 : memref<!tpu.dma_semaphore, #tpu.memory_space<semaphore_mem>>)
      %dma_wait3A = tpu.memref_slice %arg13[%mul3A_2] : memref<10240xf32, #tpu.memory_space<vmem_shared>> -> memref<640xf32, #tpu.memory_space<vmem_shared>>
      %dma_wait3A_201 = tpu.memref_slice %arg13[%mul3A_2] : memref<10240xf32, #tpu.memory_space<vmem_shared>> -> memref<640xf32, #tpu.memory_space<vmem_shared>>
      tpu.wait_dma2 semaphore(%run_scoped3A_199 : memref<!tpu.dma_semaphore, #tpu.memory_space<semaphore_mem>>) src(%arg12 : memref<640xf32, #tpu.memory_space<vmem>>) dst(%dma_wait3A_201 : memref<640xf32, #tpu.memory_space<vmem_shared>>)
      tpu.yield
    }) : () -> ()
    %barrier3A_80 = arith.constant 0 : index
    tpu.barrier barrier_id(%barrier3A_80)
    "tpu.region"() ({
      %run_scoped3A_199 = tpu.sem_alloc : memref<!tpu.dma_semaphore, #tpu.memory_space<semaphore_mem>>
      tpu.enqueue_dma source(%arg14 : memref<10240xf32, #tpu.memory_space<vmem_shared>>) target(%arg7 : memref<10240xf32, #tpu.memory_space<vmem>>) target_semaphore(%run_scoped3A_199 : memref<!tpu.dma_semaphore, #tpu.memory_space<semaphore_mem>>)
      tpu.wait_dma2 semaphore(%run_scoped3A_199 : memref<!tpu.dma_semaphore, #tpu.memory_space<semaphore_mem>>) src(%arg14 : memref<10240xf32, #tpu.memory_space<vmem_shared>>) dst(%arg7 : memref<10240xf32, #tpu.memory_space<vmem>>)
      tpu.yield
    }) : () -> ()
    %scan3A_81 = arith.constant 0 : i32
    %scan3A_82 = arith.constant 0 : i32
    %scan3A_83 = arith.constant 80 : i32
    %scan3A_84 = arith.addi %scan3A_82, %scan3A_83 : i32
    %scan3A_85 = arith.constant 1 : i32
    %scan3A_86 = scf.for %scan3A_199 = %scan3A_82 to %scan3A_84 step %scan3A_85 iter_args(%scan3A_200 = %scan3A_81) -> (i32)  : i32 {
      %get3A = arith.index_cast %scan3A_199 : i32 to index
      %get3A_201 = arith.constant 0 : index
      %get3A_202 = tpu.vector_load %arg5[%get3A, %get3A_201] {strides = array<i32>} : memref<80x128xi32, #tpu.memory_space<vmem>>, vector<16xi32>,
      %gather3A = tpu.vector_load_idx %arg7[%get3A_202] : memref<10240xf32, #tpu.memory_space<vmem>>[vector<16xi32>], vector<16xf32>,
      %swap3A = arith.index_cast %scan3A_199 : i32 to index
      %swap3A_203 = arith.constant 0 : index
      %swap3A_204 = tpu.vector_load %arg6[%swap3A, %swap3A_203] {strides = array<i32>} : memref<80x128xf32, #tpu.memory_space<vmem>>, vector<16xf32>,
      tpu.vector_store %arg6[%swap3A, %swap3A_203], %gather3A {strides = array<i32>} : memref<80x128xf32, #tpu.memory_space<vmem>>, vector<16xf32>,
      %get3A_205 = arith.index_cast %scan3A_199 : i32 to index
      %get3A_206 = arith.constant 16 : index
      %get3A_207 = tpu.vector_load %arg5[%get3A_205, %get3A_206] {strides = array<i32>} : memref<80x128xi32, #tpu.memory_space<vmem>>, vector<16xi32>,
      %gather3A_208 = tpu.vector_load_idx %arg7[%get3A_207] : memref<10240xf32, #tpu.memory_space<vmem>>[vector<16xi32>], vector<16xf32>,
      %swap3A_209 = arith.index_cast %scan3A_199 : i32 to index
      %swap3A_210 = arith.constant 16 : index
      %swap3A_211 = tpu.vector_load %arg6[%swap3A_209, %swap3A_210] {strides = array<i32>} : memref<80x128xf32, #tpu.memory_space<vmem>>, vector<16xf32>,
      tpu.vector_store %arg6[%swap3A_209, %swap3A_210], %gather3A_208 {strides = array<i32>} : memref<80x128xf32, #tpu.memory_space<vmem>>, vector<16xf32>,
      %get3A_212 = arith.index_cast %scan3A_199 : i32 to index
      %get3A_213 = arith.constant 32 : index
      %get3A_214 = tpu.vector_load %arg5[%get3A_212, %get3A_213] {strides = array<i32>} : memref<80x128xi32, #tpu.memory_space<vmem>>, vector<16xi32>,
      %gather3A_215 = tpu.vector_load_idx %arg7[%get3A_214] : memref<10240xf32, #tpu.memory_space<vmem>>[vector<16xi32>], vector<16xf32>,
      %swap3A_216 = arith.index_cast %scan3A_199 : i32 to index
      %swap3A_217 = arith.constant 32 : index
      %swap3A_218 = tpu.vector_load %arg6[%swap3A_216, %swap3A_217] {strides = array<i32>} : memref<80x128xf32, #tpu.memory_space<vmem>>, vector<16xf32>,
      tpu.vector_store %arg6[%swap3A_216, %swap3A_217], %gather3A_215 {strides = array<i32>} : memref<80x128xf32, #tpu.memory_space<vmem>>, vector<16xf32>,
      %get3A_219 = arith.index_cast %scan3A_199 : i32 to index
      %get3A_220 = arith.constant 48 : index
      %get3A_221 = tpu.vector_load %arg5[%get3A_219, %get3A_220] {strides = array<i32>} : memref<80x128xi32, #tpu.memory_space<vmem>>, vector<16xi32>,
      %gather3A_222 = tpu.vector_load_idx %arg7[%get3A_221] : memref<10240xf32, #tpu.memory_space<vmem>>[vector<16xi32>], vector<16xf32>,
      %swap3A_223 = arith.index_cast %scan3A_199 : i32 to index
      %swap3A_224 = arith.constant 48 : index
      %swap3A_225 = tpu.vector_load %arg6[%swap3A_223, %swap3A_224] {strides = array<i32>} : memref<80x128xf32, #tpu.memory_space<vmem>>, vector<16xf32>,
      tpu.vector_store %arg6[%swap3A_223, %swap3A_224], %gather3A_222 {strides = array<i32>} : memref<80x128xf32, #tpu.memory_space<vmem>>, vector<16xf32>,
      %get3A_226 = arith.index_cast %scan3A_199 : i32 to index
      %get3A_227 = arith.constant 64 : index
      %get3A_228 = tpu.vector_load %arg5[%get3A_226, %get3A_227] {strides = array<i32>} : memref<80x128xi32, #tpu.memory_space<vmem>>, vector<16xi32>,
      %gather3A_229 = tpu.vector_load_idx %arg7[%get3A_228] : memref<10240xf32, #tpu.memory_space<vmem>>[vector<16xi32>], vector<16xf32>,
      %swap3A_230 = arith.index_cast %scan3A_199 : i32 to index
      %swap3A_231 = arith.constant 64 : index
      %swap3A_232 = tpu.vector_load %arg6[%swap3A_230, %swap3A_231] {strides = array<i32>} : memref<80x128xf32, #tpu.memory_space<vmem>>, vector<16xf32>,
      tpu.vector_store %arg6[%swap3A_230, %swap3A_231], %gather3A_229 {strides = array<i32>} : memref<80x128xf32, #tpu.memory_space<vmem>>, vector<16xf32>,
      %get3A_233 = arith.index_cast %scan3A_199 : i32 to index
      %get3A_234 = arith.constant 80 : index
      %get3A_235 = tpu.vector_load %arg5[%get3A_233, %get3A_234] {strides = array<i32>} : memref<80x128xi32, #tpu.memory_space<vmem>>, vector<16xi32>,
      %gather3A_236 = tpu.vector_load_idx %arg7[%get3A_235] : memref<10240xf32, #tpu.memory_space<vmem>>[vector<16xi32>], vector<16xf32>,
      %swap3A_237 = arith.index_cast %scan3A_199 : i32 to index
      %swap3A_238 = arith.constant 80 : index
      %swap3A_239 = tpu.vector_load %arg6[%swap3A_237, %swap3A_238] {strides = array<i32>} : memref<80x128xf32, #tpu.memory_space<vmem>>, vector<16xf32>,
      tpu.vector_store %arg6[%swap3A_237, %swap3A_238], %gather3A_236 {strides = array<i32>} : memref<80x128xf32, #tpu.memory_space<vmem>>, vector<16xf32>,
      %get3A_240 = arith.index_cast %scan3A_199 : i32 to index
      %get3A_241 = arith.constant 96 : index
      %get3A_242 = tpu.vector_load %arg5[%get3A_240, %get3A_241] {strides = array<i32>} : memref<80x128xi32, #tpu.memory_space<vmem>>, vector<16xi32>,
      %gather3A_243 = tpu.vector_load_idx %arg7[%get3A_242] : memref<10240xf32, #tpu.memory_space<vmem>>[vector<16xi32>], vector<16xf32>,
      %swap3A_244 = arith.index_cast %scan3A_199 : i32 to index
      %swap3A_245 = arith.constant 96 : index
      %swap3A_246 = tpu.vector_load %arg6[%swap3A_244, %swap3A_245] {strides = array<i32>} : memref<80x128xf32, #tpu.memory_space<vmem>>, vector<16xf32>,
      tpu.vector_store %arg6[%swap3A_244, %swap3A_245], %gather3A_243 {strides = array<i32>} : memref<80x128xf32, #tpu.memory_space<vmem>>, vector<16xf32>,
      %get3A_247 = arith.index_cast %scan3A_199 : i32 to index
      %get3A_248 = arith.constant 112 : index
      %get3A_249 = tpu.vector_load %arg5[%get3A_247, %get3A_248] {strides = array<i32>} : memref<80x128xi32, #tpu.memory_space<vmem>>, vector<16xi32>,
      %gather3A_250 = tpu.vector_load_idx %arg7[%get3A_249] : memref<10240xf32, #tpu.memory_space<vmem>>[vector<16xi32>], vector<16xf32>,
      %swap3A_251 = arith.index_cast %scan3A_199 : i32 to index
      %swap3A_252 = arith.constant 112 : index
      %swap3A_253 = tpu.vector_load %arg6[%swap3A_251, %swap3A_252] {strides = array<i32>} : memref<80x128xf32, #tpu.memory_space<vmem>>, vector<16xf32>,
      tpu.vector_store %arg6[%swap3A_251, %swap3A_252], %gather3A_250 {strides = array<i32>} : memref<80x128xf32, #tpu.memory_space<vmem>>, vector<16xf32>,
      %dma_start3A = arith.constant 0 : i32
      %dma_start3A_254 = tpu.memref_slice %arg6[%scan3A_199, %dma_start3A] : memref<80x128xf32, #tpu.memory_space<vmem>> -> memref<1x128xf32, #tpu.memory_space<vmem>>
      %dma_start3A_255 = tpu.memref_squeeze %dma_start3A_254 : memref<1x128xf32, #tpu.memory_space<vmem>> -> memref<128xf32, #tpu.memory_space<vmem>>
      %dma_start3A_256 = arith.constant 0 : i32
      %dma_start3A_257 = tpu.memref_slice %arg4[%scan3A_199, %dma_start3A_256] : memref<80x128xi32, #tpu.memory_space<vmem>> -> memref<1x128xi32, #tpu.memory_space<vmem>>
      %dma_start3A_258 = tpu.memref_squeeze %dma_start3A_257 : memref<1x128xi32, #tpu.memory_space<vmem>> -> memref<128xi32, #tpu.memory_space<vmem>>
      %dma_start3A_259 = arith.constant 0 : i32
      %dma_start3A_260 = tpu.memref_slice %arg13[%dma_start3A_259] : memref<10240xf32, #tpu.memory_space<vmem_shared>> -> memref<10240xf32, #tpu.memory_space<vmem_shared>>
      tpu.enqueue_indirect_dma source(%dma_start3A_255 : memref<128xf32, #tpu.memory_space<vmem>>) target(%dma_start3A_260 : memref<10240xf32, #tpu.memory_space<vmem_shared>>) offsets(%dma_start3A_258 : memref<128xi32, #tpu.memory_space<vmem>>) semaphore(%arg15 : memref<!tpu.dma_semaphore, #tpu.memory_space<semaphore_mem>>) {add = true}
      %scan3A_261 = arith.constant 0 : i32
      scf.yield %scan3A_261 : i32
    }
    %scan3A_87 = arith.constant 80 : i32
    tpu.wait_dma2 semaphore(%arg15 : memref<!tpu.dma_semaphore, #tpu.memory_space<semaphore_mem>>) src(%arg3 : memref<10240xf32, #tpu.memory_space<hbm>>) dst(%arg7 : memref<10240xf32, #tpu.memory_space<vmem>>)
    %barrier3A_88 = arith.constant 0 : index
    tpu.barrier barrier_id(%barrier3A_88)
    "tpu.region"() ({
      %run_scoped3A_199 = tpu.sem_alloc : memref<!tpu.dma_semaphore, #tpu.memory_space<semaphore_mem>>
      %dma_start3A = tpu.memref_slice %arg13[%mul3A_2] : memref<10240xf32, #tpu.memory_space<vmem_shared>> -> memref<640xf32, #tpu.memory_space<vmem_shared>>
      %dma_start3A_200 = tpu.memref_slice %arg13[%mul3A_2] : memref<10240xf32, #tpu.memory_space<vmem_shared>> -> memref<640xf32, #tpu.memory_space<vmem_shared>>
      tpu.enqueue_dma source(%dma_start3A_200 : memref<640xf32, #tpu.memory_space<vmem_shared>>) target(%arg8 : memref<640xf32, #tpu.memory_space<vmem>>) target_semaphore(%run_scoped3A_199 : memref<!tpu.dma_semaphore, #tpu.memory_space<semaphore_mem>>)
      %dma_wait3A = tpu.memref_slice %arg13[%mul3A_2] : memref<10240xf32, #tpu.memory_space<vmem_shared>> -> memref<640xf32, #tpu.memory_space<vmem_shared>>
      %dma_wait3A_201 = tpu.memref_slice %arg13[%mul3A_2] : memref<10240xf32, #tpu.memory_space<vmem_shared>> -> memref<640xf32, #tpu.memory_space<vmem_shared>>
      tpu.wait_dma2 semaphore(%run_scoped3A_199 : memref<!tpu.dma_semaphore, #tpu.memory_space<semaphore_mem>>) src(%dma_wait3A_201 : memref<640xf32, #tpu.memory_space<vmem_shared>>) dst(%arg8 : memref<640xf32, #tpu.memory_space<vmem>>)
      tpu.yield
    }) : () -> ()
    %scan3A_89 = arith.constant 0 : i32
    %scan3A_90 = arith.constant 0 : i32
    %scan3A_91 = arith.constant 40 : i32
    %scan3A_92 = arith.addi %scan3A_90, %scan3A_91 : i32
    %scan3A_93 = arith.constant 4 : i32
    %scan3A_94 = scf.for %scan3A_199 = %scan3A_90 to %scan3A_92 step %scan3A_93 iter_args(%scan3A_200 = %scan3A_89) -> (i32)  : i32 {
      %mul3A_201 = arith.constant 16 : i32
      %mul3A_202 = arith.muli %scan3A_199, %mul3A_201 : i32
      %get3A = arith.index_cast %mul3A_202 : i32 to index
      %get3A_203 = tpu.vector_load %arg8[%get3A] {strides = array<i32>} : memref<640xf32, #tpu.memory_space<vmem>>, vector<16xf32>,
      %get3A_204 = arith.index_cast %mul3A_202 : i32 to index
      %get3A_205 = tpu.vector_load %arg9[%get3A_204] {strides = array<i32>} : memref<640xf32, #tpu.memory_space<vmem>>, vector<16xf32>,
      %mul3A_206 = arith.mulf %get3A_203, %get3A_205 : vector<16xf32>
      %get3A_207 = arith.index_cast %mul3A_202 : i32 to index
      %get3A_208 = tpu.vector_load %arg10[%get3A_207] {strides = array<i32>} : memref<640xf32, #tpu.memory_space<vmem>>, vector<16xf32>,
      %mul3A_209 = arith.constant 6.561000e-02 : f32
      %mul3A_210 = vector.broadcast %mul3A_209 : f32 to vector<16xf32>
      %mul3A_211 = arith.mulf %mul3A_210, %mul3A_206 : vector<16xf32>
      %add3A = arith.addf %get3A_208, %mul3A_211 : vector<16xf32>
      %swap3A = arith.index_cast %mul3A_202 : i32 to index
      %swap3A_212 = tpu.vector_load %arg10[%swap3A] {strides = array<i32>} : memref<640xf32, #tpu.memory_space<vmem>>, vector<16xf32>,
      tpu.vector_store %arg10[%swap3A], %add3A {strides = array<i32>} : memref<640xf32, #tpu.memory_space<vmem>>, vector<16xf32>,
      %get3A_213 = arith.index_cast %mul3A_202 : i32 to index
      %get3A_214 = tpu.vector_load %arg9[%get3A_213] {strides = array<i32>} : memref<640xf32, #tpu.memory_space<vmem>>, vector<16xf32>,
      %mul3A_215 = arith.mulf %mul3A_206, %get3A_214 : vector<16xf32>
      %swap3A_216 = arith.index_cast %mul3A_202 : i32 to index
      %swap3A_217 = tpu.vector_load %arg11[%swap3A_216] {strides = array<i32>} : memref<640xf32, #tpu.memory_space<vmem>>, vector<16xf32>,
      tpu.vector_store %arg11[%swap3A_216], %mul3A_215 {strides = array<i32>} : memref<640xf32, #tpu.memory_space<vmem>>, vector<16xf32>,
      %scan3A_218 = arith.constant 0 : i32
      %scan3A_219 = arith.constant 1 : i32
      %scan3A_220 = arith.addi %scan3A_199, %scan3A_219 : i32
      %mul3A_221 = arith.constant 16 : i32
      %mul3A_222 = arith.muli %scan3A_220, %mul3A_221 : i32
      %get3A_223 = arith.index_cast %mul3A_222 : i32 to index
      %get3A_224 = tpu.vector_load %arg8[%get3A_223] {strides = array<i32>} : memref<640xf32, #tpu.memory_space<vmem>>, vector<16xf32>,
      %get3A_225 = arith.index_cast %mul3A_222 : i32 to index
      %get3A_226 = tpu.vector_load %arg9[%get3A_225] {strides = array<i32>} : memref<640xf32, #tpu.memory_space<vmem>>, vector<16xf32>,
      %mul3A_227 = arith.mulf %get3A_224, %get3A_226 : vector<16xf32>
      %get3A_228 = arith.index_cast %mul3A_222 : i32 to index
      %get3A_229 = tpu.vector_load %arg10[%get3A_228] {strides = array<i32>} : memref<640xf32, #tpu.memory_space<vmem>>, vector<16xf32>,
      %mul3A_230 = arith.constant 6.561000e-02 : f32
      %mul3A_231 = vector.broadcast %mul3A_230 : f32 to vector<16xf32>
      %mul3A_232 = arith.mulf %mul3A_231, %mul3A_227 : vector<16xf32>
      %add3A_233 = arith.addf %get3A_229, %mul3A_232 : vector<16xf32>
      %swap3A_234 = arith.index_cast %mul3A_222 : i32 to index
      %swap3A_235 = tpu.vector_load %arg10[%swap3A_234] {strides = array<i32>} : memref<640xf32, #tpu.memory_space<vmem>>, vector<16xf32>,
      tpu.vector_store %arg10[%swap3A_234], %add3A_233 {strides = array<i32>} : memref<640xf32, #tpu.memory_space<vmem>>, vector<16xf32>,
      %get3A_236 = arith.index_cast %mul3A_222 : i32 to index
      %get3A_237 = tpu.vector_load %arg9[%get3A_236] {strides = array<i32>} : memref<640xf32, #tpu.memory_space<vmem>>, vector<16xf32>,
      %mul3A_238 = arith.mulf %mul3A_227, %get3A_237 : vector<16xf32>
      %swap3A_239 = arith.index_cast %mul3A_222 : i32 to index
      %swap3A_240 = tpu.vector_load %arg11[%swap3A_239] {strides = array<i32>} : memref<640xf32, #tpu.memory_space<vmem>>, vector<16xf32>,
      tpu.vector_store %arg11[%swap3A_239], %mul3A_238 {strides = array<i32>} : memref<640xf32, #tpu.memory_space<vmem>>, vector<16xf32>,
      %scan3A_241 = arith.constant 0 : i32
      %scan3A_242 = arith.constant 2 : i32
      %scan3A_243 = arith.addi %scan3A_199, %scan3A_242 : i32
      %mul3A_244 = arith.constant 16 : i32
      %mul3A_245 = arith.muli %scan3A_243, %mul3A_244 : i32
      %get3A_246 = arith.index_cast %mul3A_245 : i32 to index
      %get3A_247 = tpu.vector_load %arg8[%get3A_246] {strides = array<i32>} : memref<640xf32, #tpu.memory_space<vmem>>, vector<16xf32>,
      %get3A_248 = arith.index_cast %mul3A_245 : i32 to index
      %get3A_249 = tpu.vector_load %arg9[%get3A_248] {strides = array<i32>} : memref<640xf32, #tpu.memory_space<vmem>>, vector<16xf32>,
      %mul3A_250 = arith.mulf %get3A_247, %get3A_249 : vector<16xf32>
      %get3A_251 = arith.index_cast %mul3A_245 : i32 to index
      %get3A_252 = tpu.vector_load %arg10[%get3A_251] {strides = array<i32>} : memref<640xf32, #tpu.memory_space<vmem>>, vector<16xf32>,
      %mul3A_253 = arith.constant 6.561000e-02 : f32
      %mul3A_254 = vector.broadcast %mul3A_253 : f32 to vector<16xf32>
      %mul3A_255 = arith.mulf %mul3A_254, %mul3A_250 : vector<16xf32>
      %add3A_256 = arith.addf %get3A_252, %mul3A_255 : vector<16xf32>
      %swap3A_257 = arith.index_cast %mul3A_245 : i32 to index
      %swap3A_258 = tpu.vector_load %arg10[%swap3A_257] {strides = array<i32>} : memref<640xf32, #tpu.memory_space<vmem>>, vector<16xf32>,
      tpu.vector_store %arg10[%swap3A_257], %add3A_256 {strides = array<i32>} : memref<640xf32, #tpu.memory_space<vmem>>, vector<16xf32>,
      %get3A_259 = arith.index_cast %mul3A_245 : i32 to index
      %get3A_260 = tpu.vector_load %arg9[%get3A_259] {strides = array<i32>} : memref<640xf32, #tpu.memory_space<vmem>>, vector<16xf32>,
      %mul3A_261 = arith.mulf %mul3A_250, %get3A_260 : vector<16xf32>
      %swap3A_262 = arith.index_cast %mul3A_245 : i32 to index
      %swap3A_263 = tpu.vector_load %arg11[%swap3A_262] {strides = array<i32>} : memref<640xf32, #tpu.memory_space<vmem>>, vector<16xf32>,
      tpu.vector_store %arg11[%swap3A_262], %mul3A_261 {strides = array<i32>} : memref<640xf32, #tpu.memory_space<vmem>>, vector<16xf32>,
      %scan3A_264 = arith.constant 0 : i32
      %scan3A_265 = arith.constant 3 : i32
      %scan3A_266 = arith.addi %scan3A_199, %scan3A_265 : i32
      %mul3A_267 = arith.constant 16 : i32
      %mul3A_268 = arith.muli %scan3A_266, %mul3A_267 : i32
      %get3A_269 = arith.index_cast %mul3A_268 : i32 to index
      %get3A_270 = tpu.vector_load %arg8[%get3A_269] {strides = array<i32>} : memref<640xf32, #tpu.memory_space<vmem>>, vector<16xf32>,
      %get3A_271 = arith.index_cast %mul3A_268 : i32 to index
      %get3A_272 = tpu.vector_load %arg9[%get3A_271] {strides = array<i32>} : memref<640xf32, #tpu.memory_space<vmem>>, vector<16xf32>,
      %mul3A_273 = arith.mulf %get3A_270, %get3A_272 : vector<16xf32>
      %get3A_274 = arith.index_cast %mul3A_268 : i32 to index
      %get3A_275 = tpu.vector_load %arg10[%get3A_274] {strides = array<i32>} : memref<640xf32, #tpu.memory_space<vmem>>, vector<16xf32>,
      %mul3A_276 = arith.constant 6.561000e-02 : f32
      %mul3A_277 = vector.broadcast %mul3A_276 : f32 to vector<16xf32>
      %mul3A_278 = arith.mulf %mul3A_277, %mul3A_273 : vector<16xf32>
      %add3A_279 = arith.addf %get3A_275, %mul3A_278 : vector<16xf32>
      %swap3A_280 = arith.index_cast %mul3A_268 : i32 to index
      %swap3A_281 = tpu.vector_load %arg10[%swap3A_280] {strides = array<i32>} : memref<640xf32, #tpu.memory_space<vmem>>, vector<16xf32>,
      tpu.vector_store %arg10[%swap3A_280], %add3A_279 {strides = array<i32>} : memref<640xf32, #tpu.memory_space<vmem>>, vector<16xf32>,
      %get3A_282 = arith.index_cast %mul3A_268 : i32 to index
      %get3A_283 = tpu.vector_load %arg9[%get3A_282] {strides = array<i32>} : memref<640xf32, #tpu.memory_space<vmem>>, vector<16xf32>,
      %mul3A_284 = arith.mulf %mul3A_273, %get3A_283 : vector<16xf32>
      %swap3A_285 = arith.index_cast %mul3A_268 : i32 to index
      %swap3A_286 = tpu.vector_load %arg11[%swap3A_285] {strides = array<i32>} : memref<640xf32, #tpu.memory_space<vmem>>, vector<16xf32>,
      tpu.vector_store %arg11[%swap3A_285], %mul3A_284 {strides = array<i32>} : memref<640xf32, #tpu.memory_space<vmem>>, vector<16xf32>,
      %scan3A_287 = arith.constant 0 : i32
      scf.yield %scan3A_287 : i32
    }
    %scan3A_95 = arith.constant 40 : i32
    "tpu.region"() ({
      %run_scoped3A_199 = tpu.sem_alloc : memref<!tpu.dma_semaphore, #tpu.memory_space<semaphore_mem>>
      %dma_start3A = tpu.memref_slice %arg14[%mul3A_2] : memref<10240xf32, #tpu.memory_space<vmem_shared>> -> memref<640xf32, #tpu.memory_space<vmem_shared>>
      %dma_start3A_200 = tpu.memref_slice %arg14[%mul3A_2] : memref<10240xf32, #tpu.memory_space<vmem_shared>> -> memref<640xf32, #tpu.memory_space<vmem_shared>>
      tpu.enqueue_dma source(%arg11 : memref<640xf32, #tpu.memory_space<vmem>>) target(%dma_start3A_200 : memref<640xf32, #tpu.memory_space<vmem_shared>>) target_semaphore(%run_scoped3A_199 : memref<!tpu.dma_semaphore, #tpu.memory_space<semaphore_mem>>)
      %dma_wait3A = tpu.memref_slice %arg14[%mul3A_2] : memref<10240xf32, #tpu.memory_space<vmem_shared>> -> memref<640xf32, #tpu.memory_space<vmem_shared>>
      %dma_wait3A_201 = tpu.memref_slice %arg14[%mul3A_2] : memref<10240xf32, #tpu.memory_space<vmem_shared>> -> memref<640xf32, #tpu.memory_space<vmem_shared>>
      tpu.wait_dma2 semaphore(%run_scoped3A_199 : memref<!tpu.dma_semaphore, #tpu.memory_space<semaphore_mem>>) src(%arg11 : memref<640xf32, #tpu.memory_space<vmem>>) dst(%dma_wait3A_201 : memref<640xf32, #tpu.memory_space<vmem_shared>>)
      tpu.yield
    }) : () -> ()
    "tpu.region"() ({
      %run_scoped3A_199 = tpu.sem_alloc : memref<!tpu.dma_semaphore, #tpu.memory_space<semaphore_mem>>
      %dma_start3A = tpu.memref_slice %arg13[%mul3A_2] : memref<10240xf32, #tpu.memory_space<vmem_shared>> -> memref<640xf32, #tpu.memory_space<vmem_shared>>
      %dma_start3A_200 = tpu.memref_slice %arg13[%mul3A_2] : memref<10240xf32, #tpu.memory_space<vmem_shared>> -> memref<640xf32, #tpu.memory_space<vmem_shared>>
      tpu.enqueue_dma source(%arg12 : memref<640xf32, #tpu.memory_space<vmem>>) target(%dma_start3A_200 : memref<640xf32, #tpu.memory_space<vmem_shared>>) target_semaphore(%run_scoped3A_199 : memref<!tpu.dma_semaphore, #tpu.memory_space<semaphore_mem>>)
      %dma_wait3A = tpu.memref_slice %arg13[%mul3A_2] : memref<10240xf32, #tpu.memory_space<vmem_shared>> -> memref<640xf32, #tpu.memory_space<vmem_shared>>
      %dma_wait3A_201 = tpu.memref_slice %arg13[%mul3A_2] : memref<10240xf32, #tpu.memory_space<vmem_shared>> -> memref<640xf32, #tpu.memory_space<vmem_shared>>
      tpu.wait_dma2 semaphore(%run_scoped3A_199 : memref<!tpu.dma_semaphore, #tpu.memory_space<semaphore_mem>>) src(%arg12 : memref<640xf32, #tpu.memory_space<vmem>>) dst(%dma_wait3A_201 : memref<640xf32, #tpu.memory_space<vmem_shared>>)
      tpu.yield
    }) : () -> ()
    %barrier3A_96 = arith.constant 0 : index
    tpu.barrier barrier_id(%barrier3A_96)
    "tpu.region"() ({
      %run_scoped3A_199 = tpu.sem_alloc : memref<!tpu.dma_semaphore, #tpu.memory_space<semaphore_mem>>
      tpu.enqueue_dma source(%arg14 : memref<10240xf32, #tpu.memory_space<vmem_shared>>) target(%arg7 : memref<10240xf32, #tpu.memory_space<vmem>>) target_semaphore(%run_scoped3A_199 : memref<!tpu.dma_semaphore, #tpu.memory_space<semaphore_mem>>)
      tpu.wait_dma2 semaphore(%run_scoped3A_199 : memref<!tpu.dma_semaphore, #tpu.memory_space<semaphore_mem>>) src(%arg14 : memref<10240xf32, #tpu.memory_space<vmem_shared>>) dst(%arg7 : memref<10240xf32, #tpu.memory_space<vmem>>)
      tpu.yield
    }) : () -> ()
    %scan3A_97 = arith.constant 0 : i32
    %scan3A_98 = arith.constant 0 : i32
    %scan3A_99 = arith.constant 80 : i32
    %scan3A_100 = arith.addi %scan3A_98, %scan3A_99 : i32
    %scan3A_101 = arith.constant 1 : i32
    %scan3A_102 = scf.for %scan3A_199 = %scan3A_98 to %scan3A_100 step %scan3A_101 iter_args(%scan3A_200 = %scan3A_97) -> (i32)  : i32 {
      %get3A = arith.index_cast %scan3A_199 : i32 to index
      %get3A_201 = arith.constant 0 : index
      %get3A_202 = tpu.vector_load %arg5[%get3A, %get3A_201] {strides = array<i32>} : memref<80x128xi32, #tpu.memory_space<vmem>>, vector<16xi32>,
      %gather3A = tpu.vector_load_idx %arg7[%get3A_202] : memref<10240xf32, #tpu.memory_space<vmem>>[vector<16xi32>], vector<16xf32>,
      %swap3A = arith.index_cast %scan3A_199 : i32 to index
      %swap3A_203 = arith.constant 0 : index
      %swap3A_204 = tpu.vector_load %arg6[%swap3A, %swap3A_203] {strides = array<i32>} : memref<80x128xf32, #tpu.memory_space<vmem>>, vector<16xf32>,
      tpu.vector_store %arg6[%swap3A, %swap3A_203], %gather3A {strides = array<i32>} : memref<80x128xf32, #tpu.memory_space<vmem>>, vector<16xf32>,
      %get3A_205 = arith.index_cast %scan3A_199 : i32 to index
      %get3A_206 = arith.constant 16 : index
      %get3A_207 = tpu.vector_load %arg5[%get3A_205, %get3A_206] {strides = array<i32>} : memref<80x128xi32, #tpu.memory_space<vmem>>, vector<16xi32>,
      %gather3A_208 = tpu.vector_load_idx %arg7[%get3A_207] : memref<10240xf32, #tpu.memory_space<vmem>>[vector<16xi32>], vector<16xf32>,
      %swap3A_209 = arith.index_cast %scan3A_199 : i32 to index
      %swap3A_210 = arith.constant 16 : index
      %swap3A_211 = tpu.vector_load %arg6[%swap3A_209, %swap3A_210] {strides = array<i32>} : memref<80x128xf32, #tpu.memory_space<vmem>>, vector<16xf32>,
      tpu.vector_store %arg6[%swap3A_209, %swap3A_210], %gather3A_208 {strides = array<i32>} : memref<80x128xf32, #tpu.memory_space<vmem>>, vector<16xf32>,
      %get3A_212 = arith.index_cast %scan3A_199 : i32 to index
      %get3A_213 = arith.constant 32 : index
      %get3A_214 = tpu.vector_load %arg5[%get3A_212, %get3A_213] {strides = array<i32>} : memref<80x128xi32, #tpu.memory_space<vmem>>, vector<16xi32>,
      %gather3A_215 = tpu.vector_load_idx %arg7[%get3A_214] : memref<10240xf32, #tpu.memory_space<vmem>>[vector<16xi32>], vector<16xf32>,
      %swap3A_216 = arith.index_cast %scan3A_199 : i32 to index
      %swap3A_217 = arith.constant 32 : index
      %swap3A_218 = tpu.vector_load %arg6[%swap3A_216, %swap3A_217] {strides = array<i32>} : memref<80x128xf32, #tpu.memory_space<vmem>>, vector<16xf32>,
      tpu.vector_store %arg6[%swap3A_216, %swap3A_217], %gather3A_215 {strides = array<i32>} : memref<80x128xf32, #tpu.memory_space<vmem>>, vector<16xf32>,
      %get3A_219 = arith.index_cast %scan3A_199 : i32 to index
      %get3A_220 = arith.constant 48 : index
      %get3A_221 = tpu.vector_load %arg5[%get3A_219, %get3A_220] {strides = array<i32>} : memref<80x128xi32, #tpu.memory_space<vmem>>, vector<16xi32>,
      %gather3A_222 = tpu.vector_load_idx %arg7[%get3A_221] : memref<10240xf32, #tpu.memory_space<vmem>>[vector<16xi32>], vector<16xf32>,
      %swap3A_223 = arith.index_cast %scan3A_199 : i32 to index
      %swap3A_224 = arith.constant 48 : index
      %swap3A_225 = tpu.vector_load %arg6[%swap3A_223, %swap3A_224] {strides = array<i32>} : memref<80x128xf32, #tpu.memory_space<vmem>>, vector<16xf32>,
      tpu.vector_store %arg6[%swap3A_223, %swap3A_224], %gather3A_222 {strides = array<i32>} : memref<80x128xf32, #tpu.memory_space<vmem>>, vector<16xf32>,
      %get3A_226 = arith.index_cast %scan3A_199 : i32 to index
      %get3A_227 = arith.constant 64 : index
      %get3A_228 = tpu.vector_load %arg5[%get3A_226, %get3A_227] {strides = array<i32>} : memref<80x128xi32, #tpu.memory_space<vmem>>, vector<16xi32>,
      %gather3A_229 = tpu.vector_load_idx %arg7[%get3A_228] : memref<10240xf32, #tpu.memory_space<vmem>>[vector<16xi32>], vector<16xf32>,
      %swap3A_230 = arith.index_cast %scan3A_199 : i32 to index
      %swap3A_231 = arith.constant 64 : index
      %swap3A_232 = tpu.vector_load %arg6[%swap3A_230, %swap3A_231] {strides = array<i32>} : memref<80x128xf32, #tpu.memory_space<vmem>>, vector<16xf32>,
      tpu.vector_store %arg6[%swap3A_230, %swap3A_231], %gather3A_229 {strides = array<i32>} : memref<80x128xf32, #tpu.memory_space<vmem>>, vector<16xf32>,
      %get3A_233 = arith.index_cast %scan3A_199 : i32 to index
      %get3A_234 = arith.constant 80 : index
      %get3A_235 = tpu.vector_load %arg5[%get3A_233, %get3A_234] {strides = array<i32>} : memref<80x128xi32, #tpu.memory_space<vmem>>, vector<16xi32>,
      %gather3A_236 = tpu.vector_load_idx %arg7[%get3A_235] : memref<10240xf32, #tpu.memory_space<vmem>>[vector<16xi32>], vector<16xf32>,
      %swap3A_237 = arith.index_cast %scan3A_199 : i32 to index
      %swap3A_238 = arith.constant 80 : index
      %swap3A_239 = tpu.vector_load %arg6[%swap3A_237, %swap3A_238] {strides = array<i32>} : memref<80x128xf32, #tpu.memory_space<vmem>>, vector<16xf32>,
      tpu.vector_store %arg6[%swap3A_237, %swap3A_238], %gather3A_236 {strides = array<i32>} : memref<80x128xf32, #tpu.memory_space<vmem>>, vector<16xf32>,
      %get3A_240 = arith.index_cast %scan3A_199 : i32 to index
      %get3A_241 = arith.constant 96 : index
      %get3A_242 = tpu.vector_load %arg5[%get3A_240, %get3A_241] {strides = array<i32>} : memref<80x128xi32, #tpu.memory_space<vmem>>, vector<16xi32>,
      %gather3A_243 = tpu.vector_load_idx %arg7[%get3A_242] : memref<10240xf32, #tpu.memory_space<vmem>>[vector<16xi32>], vector<16xf32>,
      %swap3A_244 = arith.index_cast %scan3A_199 : i32 to index
      %swap3A_245 = arith.constant 96 : index
      %swap3A_246 = tpu.vector_load %arg6[%swap3A_244, %swap3A_245] {strides = array<i32>} : memref<80x128xf32, #tpu.memory_space<vmem>>, vector<16xf32>,
      tpu.vector_store %arg6[%swap3A_244, %swap3A_245], %gather3A_243 {strides = array<i32>} : memref<80x128xf32, #tpu.memory_space<vmem>>, vector<16xf32>,
      %get3A_247 = arith.index_cast %scan3A_199 : i32 to index
      %get3A_248 = arith.constant 112 : index
      %get3A_249 = tpu.vector_load %arg5[%get3A_247, %get3A_248] {strides = array<i32>} : memref<80x128xi32, #tpu.memory_space<vmem>>, vector<16xi32>,
      %gather3A_250 = tpu.vector_load_idx %arg7[%get3A_249] : memref<10240xf32, #tpu.memory_space<vmem>>[vector<16xi32>], vector<16xf32>,
      %swap3A_251 = arith.index_cast %scan3A_199 : i32 to index
      %swap3A_252 = arith.constant 112 : index
      %swap3A_253 = tpu.vector_load %arg6[%swap3A_251, %swap3A_252] {strides = array<i32>} : memref<80x128xf32, #tpu.memory_space<vmem>>, vector<16xf32>,
      tpu.vector_store %arg6[%swap3A_251, %swap3A_252], %gather3A_250 {strides = array<i32>} : memref<80x128xf32, #tpu.memory_space<vmem>>, vector<16xf32>,
      %dma_start3A = arith.constant 0 : i32
      %dma_start3A_254 = tpu.memref_slice %arg6[%scan3A_199, %dma_start3A] : memref<80x128xf32, #tpu.memory_space<vmem>> -> memref<1x128xf32, #tpu.memory_space<vmem>>
      %dma_start3A_255 = tpu.memref_squeeze %dma_start3A_254 : memref<1x128xf32, #tpu.memory_space<vmem>> -> memref<128xf32, #tpu.memory_space<vmem>>
      %dma_start3A_256 = arith.constant 0 : i32
      %dma_start3A_257 = tpu.memref_slice %arg4[%scan3A_199, %dma_start3A_256] : memref<80x128xi32, #tpu.memory_space<vmem>> -> memref<1x128xi32, #tpu.memory_space<vmem>>
      %dma_start3A_258 = tpu.memref_squeeze %dma_start3A_257 : memref<1x128xi32, #tpu.memory_space<vmem>> -> memref<128xi32, #tpu.memory_space<vmem>>
      %dma_start3A_259 = arith.constant 0 : i32
      %dma_start3A_260 = tpu.memref_slice %arg13[%dma_start3A_259] : memref<10240xf32, #tpu.memory_space<vmem_shared>> -> memref<10240xf32, #tpu.memory_space<vmem_shared>>
      tpu.enqueue_indirect_dma source(%dma_start3A_255 : memref<128xf32, #tpu.memory_space<vmem>>) target(%dma_start3A_260 : memref<10240xf32, #tpu.memory_space<vmem_shared>>) offsets(%dma_start3A_258 : memref<128xi32, #tpu.memory_space<vmem>>) semaphore(%arg15 : memref<!tpu.dma_semaphore, #tpu.memory_space<semaphore_mem>>) {add = true}
      %scan3A_261 = arith.constant 0 : i32
      scf.yield %scan3A_261 : i32
    }
    %scan3A_103 = arith.constant 80 : i32
    tpu.wait_dma2 semaphore(%arg15 : memref<!tpu.dma_semaphore, #tpu.memory_space<semaphore_mem>>) src(%arg3 : memref<10240xf32, #tpu.memory_space<hbm>>) dst(%arg7 : memref<10240xf32, #tpu.memory_space<vmem>>)
    %barrier3A_104 = arith.constant 0 : index
    tpu.barrier barrier_id(%barrier3A_104)
    "tpu.region"() ({
      %run_scoped3A_199 = tpu.sem_alloc : memref<!tpu.dma_semaphore, #tpu.memory_space<semaphore_mem>>
      %dma_start3A = tpu.memref_slice %arg13[%mul3A_2] : memref<10240xf32, #tpu.memory_space<vmem_shared>> -> memref<640xf32, #tpu.memory_space<vmem_shared>>
      %dma_start3A_200 = tpu.memref_slice %arg13[%mul3A_2] : memref<10240xf32, #tpu.memory_space<vmem_shared>> -> memref<640xf32, #tpu.memory_space<vmem_shared>>
      tpu.enqueue_dma source(%dma_start3A_200 : memref<640xf32, #tpu.memory_space<vmem_shared>>) target(%arg8 : memref<640xf32, #tpu.memory_space<vmem>>) target_semaphore(%run_scoped3A_199 : memref<!tpu.dma_semaphore, #tpu.memory_space<semaphore_mem>>)
      %dma_wait3A = tpu.memref_slice %arg13[%mul3A_2] : memref<10240xf32, #tpu.memory_space<vmem_shared>> -> memref<640xf32, #tpu.memory_space<vmem_shared>>
      %dma_wait3A_201 = tpu.memref_slice %arg13[%mul3A_2] : memref<10240xf32, #tpu.memory_space<vmem_shared>> -> memref<640xf32, #tpu.memory_space<vmem_shared>>
      tpu.wait_dma2 semaphore(%run_scoped3A_199 : memref<!tpu.dma_semaphore, #tpu.memory_space<semaphore_mem>>) src(%dma_wait3A_201 : memref<640xf32, #tpu.memory_space<vmem_shared>>) dst(%arg8 : memref<640xf32, #tpu.memory_space<vmem>>)
      tpu.yield
    }) : () -> ()
    %scan3A_105 = arith.constant 0 : i32
    %scan3A_106 = arith.constant 0 : i32
    %scan3A_107 = arith.constant 40 : i32
    %scan3A_108 = arith.addi %scan3A_106, %scan3A_107 : i32
    %scan3A_109 = arith.constant 4 : i32
    %scan3A_110 = scf.for %scan3A_199 = %scan3A_106 to %scan3A_108 step %scan3A_109 iter_args(%scan3A_200 = %scan3A_105) -> (i32)  : i32 {
      %mul3A_201 = arith.constant 16 : i32
      %mul3A_202 = arith.muli %scan3A_199, %mul3A_201 : i32
      %get3A = arith.index_cast %mul3A_202 : i32 to index
      %get3A_203 = tpu.vector_load %arg8[%get3A] {strides = array<i32>} : memref<640xf32, #tpu.memory_space<vmem>>, vector<16xf32>,
      %get3A_204 = arith.index_cast %mul3A_202 : i32 to index
      %get3A_205 = tpu.vector_load %arg9[%get3A_204] {strides = array<i32>} : memref<640xf32, #tpu.memory_space<vmem>>, vector<16xf32>,
      %mul3A_206 = arith.mulf %get3A_203, %get3A_205 : vector<16xf32>
      %get3A_207 = arith.index_cast %mul3A_202 : i32 to index
      %get3A_208 = tpu.vector_load %arg10[%get3A_207] {strides = array<i32>} : memref<640xf32, #tpu.memory_space<vmem>>, vector<16xf32>,
      %mul3A_209 = arith.constant 5.904900e-02 : f32
      %mul3A_210 = vector.broadcast %mul3A_209 : f32 to vector<16xf32>
      %mul3A_211 = arith.mulf %mul3A_210, %mul3A_206 : vector<16xf32>
      %add3A = arith.addf %get3A_208, %mul3A_211 : vector<16xf32>
      %swap3A = arith.index_cast %mul3A_202 : i32 to index
      %swap3A_212 = tpu.vector_load %arg10[%swap3A] {strides = array<i32>} : memref<640xf32, #tpu.memory_space<vmem>>, vector<16xf32>,
      tpu.vector_store %arg10[%swap3A], %add3A {strides = array<i32>} : memref<640xf32, #tpu.memory_space<vmem>>, vector<16xf32>,
      %get3A_213 = arith.index_cast %mul3A_202 : i32 to index
      %get3A_214 = tpu.vector_load %arg9[%get3A_213] {strides = array<i32>} : memref<640xf32, #tpu.memory_space<vmem>>, vector<16xf32>,
      %mul3A_215 = arith.mulf %mul3A_206, %get3A_214 : vector<16xf32>
      %swap3A_216 = arith.index_cast %mul3A_202 : i32 to index
      %swap3A_217 = tpu.vector_load %arg11[%swap3A_216] {strides = array<i32>} : memref<640xf32, #tpu.memory_space<vmem>>, vector<16xf32>,
      tpu.vector_store %arg11[%swap3A_216], %mul3A_215 {strides = array<i32>} : memref<640xf32, #tpu.memory_space<vmem>>, vector<16xf32>,
      %scan3A_218 = arith.constant 0 : i32
      %scan3A_219 = arith.constant 1 : i32
      %scan3A_220 = arith.addi %scan3A_199, %scan3A_219 : i32
      %mul3A_221 = arith.constant 16 : i32
      %mul3A_222 = arith.muli %scan3A_220, %mul3A_221 : i32
      %get3A_223 = arith.index_cast %mul3A_222 : i32 to index
      %get3A_224 = tpu.vector_load %arg8[%get3A_223] {strides = array<i32>} : memref<640xf32, #tpu.memory_space<vmem>>, vector<16xf32>,
      %get3A_225 = arith.index_cast %mul3A_222 : i32 to index
      %get3A_226 = tpu.vector_load %arg9[%get3A_225] {strides = array<i32>} : memref<640xf32, #tpu.memory_space<vmem>>, vector<16xf32>,
      %mul3A_227 = arith.mulf %get3A_224, %get3A_226 : vector<16xf32>
      %get3A_228 = arith.index_cast %mul3A_222 : i32 to index
      %get3A_229 = tpu.vector_load %arg10[%get3A_228] {strides = array<i32>} : memref<640xf32, #tpu.memory_space<vmem>>, vector<16xf32>,
      %mul3A_230 = arith.constant 5.904900e-02 : f32
      %mul3A_231 = vector.broadcast %mul3A_230 : f32 to vector<16xf32>
      %mul3A_232 = arith.mulf %mul3A_231, %mul3A_227 : vector<16xf32>
      %add3A_233 = arith.addf %get3A_229, %mul3A_232 : vector<16xf32>
      %swap3A_234 = arith.index_cast %mul3A_222 : i32 to index
      %swap3A_235 = tpu.vector_load %arg10[%swap3A_234] {strides = array<i32>} : memref<640xf32, #tpu.memory_space<vmem>>, vector<16xf32>,
      tpu.vector_store %arg10[%swap3A_234], %add3A_233 {strides = array<i32>} : memref<640xf32, #tpu.memory_space<vmem>>, vector<16xf32>,
      %get3A_236 = arith.index_cast %mul3A_222 : i32 to index
      %get3A_237 = tpu.vector_load %arg9[%get3A_236] {strides = array<i32>} : memref<640xf32, #tpu.memory_space<vmem>>, vector<16xf32>,
      %mul3A_238 = arith.mulf %mul3A_227, %get3A_237 : vector<16xf32>
      %swap3A_239 = arith.index_cast %mul3A_222 : i32 to index
      %swap3A_240 = tpu.vector_load %arg11[%swap3A_239] {strides = array<i32>} : memref<640xf32, #tpu.memory_space<vmem>>, vector<16xf32>,
      tpu.vector_store %arg11[%swap3A_239], %mul3A_238 {strides = array<i32>} : memref<640xf32, #tpu.memory_space<vmem>>, vector<16xf32>,
      %scan3A_241 = arith.constant 0 : i32
      %scan3A_242 = arith.constant 2 : i32
      %scan3A_243 = arith.addi %scan3A_199, %scan3A_242 : i32
      %mul3A_244 = arith.constant 16 : i32
      %mul3A_245 = arith.muli %scan3A_243, %mul3A_244 : i32
      %get3A_246 = arith.index_cast %mul3A_245 : i32 to index
      %get3A_247 = tpu.vector_load %arg8[%get3A_246] {strides = array<i32>} : memref<640xf32, #tpu.memory_space<vmem>>, vector<16xf32>,
      %get3A_248 = arith.index_cast %mul3A_245 : i32 to index
      %get3A_249 = tpu.vector_load %arg9[%get3A_248] {strides = array<i32>} : memref<640xf32, #tpu.memory_space<vmem>>, vector<16xf32>,
      %mul3A_250 = arith.mulf %get3A_247, %get3A_249 : vector<16xf32>
      %get3A_251 = arith.index_cast %mul3A_245 : i32 to index
      %get3A_252 = tpu.vector_load %arg10[%get3A_251] {strides = array<i32>} : memref<640xf32, #tpu.memory_space<vmem>>, vector<16xf32>,
      %mul3A_253 = arith.constant 5.904900e-02 : f32
      %mul3A_254 = vector.broadcast %mul3A_253 : f32 to vector<16xf32>
      %mul3A_255 = arith.mulf %mul3A_254, %mul3A_250 : vector<16xf32>
      %add3A_256 = arith.addf %get3A_252, %mul3A_255 : vector<16xf32>
      %swap3A_257 = arith.index_cast %mul3A_245 : i32 to index
      %swap3A_258 = tpu.vector_load %arg10[%swap3A_257] {strides = array<i32>} : memref<640xf32, #tpu.memory_space<vmem>>, vector<16xf32>,
      tpu.vector_store %arg10[%swap3A_257], %add3A_256 {strides = array<i32>} : memref<640xf32, #tpu.memory_space<vmem>>, vector<16xf32>,
      %get3A_259 = arith.index_cast %mul3A_245 : i32 to index
      %get3A_260 = tpu.vector_load %arg9[%get3A_259] {strides = array<i32>} : memref<640xf32, #tpu.memory_space<vmem>>, vector<16xf32>,
      %mul3A_261 = arith.mulf %mul3A_250, %get3A_260 : vector<16xf32>
      %swap3A_262 = arith.index_cast %mul3A_245 : i32 to index
      %swap3A_263 = tpu.vector_load %arg11[%swap3A_262] {strides = array<i32>} : memref<640xf32, #tpu.memory_space<vmem>>, vector<16xf32>,
      tpu.vector_store %arg11[%swap3A_262], %mul3A_261 {strides = array<i32>} : memref<640xf32, #tpu.memory_space<vmem>>, vector<16xf32>,
      %scan3A_264 = arith.constant 0 : i32
      %scan3A_265 = arith.constant 3 : i32
      %scan3A_266 = arith.addi %scan3A_199, %scan3A_265 : i32
      %mul3A_267 = arith.constant 16 : i32
      %mul3A_268 = arith.muli %scan3A_266, %mul3A_267 : i32
      %get3A_269 = arith.index_cast %mul3A_268 : i32 to index
      %get3A_270 = tpu.vector_load %arg8[%get3A_269] {strides = array<i32>} : memref<640xf32, #tpu.memory_space<vmem>>, vector<16xf32>,
      %get3A_271 = arith.index_cast %mul3A_268 : i32 to index
      %get3A_272 = tpu.vector_load %arg9[%get3A_271] {strides = array<i32>} : memref<640xf32, #tpu.memory_space<vmem>>, vector<16xf32>,
      %mul3A_273 = arith.mulf %get3A_270, %get3A_272 : vector<16xf32>
      %get3A_274 = arith.index_cast %mul3A_268 : i32 to index
      %get3A_275 = tpu.vector_load %arg10[%get3A_274] {strides = array<i32>} : memref<640xf32, #tpu.memory_space<vmem>>, vector<16xf32>,
      %mul3A_276 = arith.constant 5.904900e-02 : f32
      %mul3A_277 = vector.broadcast %mul3A_276 : f32 to vector<16xf32>
      %mul3A_278 = arith.mulf %mul3A_277, %mul3A_273 : vector<16xf32>
      %add3A_279 = arith.addf %get3A_275, %mul3A_278 : vector<16xf32>
      %swap3A_280 = arith.index_cast %mul3A_268 : i32 to index
      %swap3A_281 = tpu.vector_load %arg10[%swap3A_280] {strides = array<i32>} : memref<640xf32, #tpu.memory_space<vmem>>, vector<16xf32>,
      tpu.vector_store %arg10[%swap3A_280], %add3A_279 {strides = array<i32>} : memref<640xf32, #tpu.memory_space<vmem>>, vector<16xf32>,
      %get3A_282 = arith.index_cast %mul3A_268 : i32 to index
      %get3A_283 = tpu.vector_load %arg9[%get3A_282] {strides = array<i32>} : memref<640xf32, #tpu.memory_space<vmem>>, vector<16xf32>,
      %mul3A_284 = arith.mulf %mul3A_273, %get3A_283 : vector<16xf32>
      %swap3A_285 = arith.index_cast %mul3A_268 : i32 to index
      %swap3A_286 = tpu.vector_load %arg11[%swap3A_285] {strides = array<i32>} : memref<640xf32, #tpu.memory_space<vmem>>, vector<16xf32>,
      tpu.vector_store %arg11[%swap3A_285], %mul3A_284 {strides = array<i32>} : memref<640xf32, #tpu.memory_space<vmem>>, vector<16xf32>,
      %scan3A_287 = arith.constant 0 : i32
      scf.yield %scan3A_287 : i32
    }
    %scan3A_111 = arith.constant 40 : i32
    "tpu.region"() ({
      %run_scoped3A_199 = tpu.sem_alloc : memref<!tpu.dma_semaphore, #tpu.memory_space<semaphore_mem>>
      %dma_start3A = tpu.memref_slice %arg14[%mul3A_2] : memref<10240xf32, #tpu.memory_space<vmem_shared>> -> memref<640xf32, #tpu.memory_space<vmem_shared>>
      %dma_start3A_200 = tpu.memref_slice %arg14[%mul3A_2] : memref<10240xf32, #tpu.memory_space<vmem_shared>> -> memref<640xf32, #tpu.memory_space<vmem_shared>>
      tpu.enqueue_dma source(%arg11 : memref<640xf32, #tpu.memory_space<vmem>>) target(%dma_start3A_200 : memref<640xf32, #tpu.memory_space<vmem_shared>>) target_semaphore(%run_scoped3A_199 : memref<!tpu.dma_semaphore, #tpu.memory_space<semaphore_mem>>)
      %dma_wait3A = tpu.memref_slice %arg14[%mul3A_2] : memref<10240xf32, #tpu.memory_space<vmem_shared>> -> memref<640xf32, #tpu.memory_space<vmem_shared>>
      %dma_wait3A_201 = tpu.memref_slice %arg14[%mul3A_2] : memref<10240xf32, #tpu.memory_space<vmem_shared>> -> memref<640xf32, #tpu.memory_space<vmem_shared>>
      tpu.wait_dma2 semaphore(%run_scoped3A_199 : memref<!tpu.dma_semaphore, #tpu.memory_space<semaphore_mem>>) src(%arg11 : memref<640xf32, #tpu.memory_space<vmem>>) dst(%dma_wait3A_201 : memref<640xf32, #tpu.memory_space<vmem_shared>>)
      tpu.yield
    }) : () -> ()
    "tpu.region"() ({
      %run_scoped3A_199 = tpu.sem_alloc : memref<!tpu.dma_semaphore, #tpu.memory_space<semaphore_mem>>
      %dma_start3A = tpu.memref_slice %arg13[%mul3A_2] : memref<10240xf32, #tpu.memory_space<vmem_shared>> -> memref<640xf32, #tpu.memory_space<vmem_shared>>
      %dma_start3A_200 = tpu.memref_slice %arg13[%mul3A_2] : memref<10240xf32, #tpu.memory_space<vmem_shared>> -> memref<640xf32, #tpu.memory_space<vmem_shared>>
      tpu.enqueue_dma source(%arg12 : memref<640xf32, #tpu.memory_space<vmem>>) target(%dma_start3A_200 : memref<640xf32, #tpu.memory_space<vmem_shared>>) target_semaphore(%run_scoped3A_199 : memref<!tpu.dma_semaphore, #tpu.memory_space<semaphore_mem>>)
      %dma_wait3A = tpu.memref_slice %arg13[%mul3A_2] : memref<10240xf32, #tpu.memory_space<vmem_shared>> -> memref<640xf32, #tpu.memory_space<vmem_shared>>
      %dma_wait3A_201 = tpu.memref_slice %arg13[%mul3A_2] : memref<10240xf32, #tpu.memory_space<vmem_shared>> -> memref<640xf32, #tpu.memory_space<vmem_shared>>
      tpu.wait_dma2 semaphore(%run_scoped3A_199 : memref<!tpu.dma_semaphore, #tpu.memory_space<semaphore_mem>>) src(%arg12 : memref<640xf32, #tpu.memory_space<vmem>>) dst(%dma_wait3A_201 : memref<640xf32, #tpu.memory_space<vmem_shared>>)
      tpu.yield
    }) : () -> ()
    %barrier3A_112 = arith.constant 0 : index
    tpu.barrier barrier_id(%barrier3A_112)
    "tpu.region"() ({
      %run_scoped3A_199 = tpu.sem_alloc : memref<!tpu.dma_semaphore, #tpu.memory_space<semaphore_mem>>
      tpu.enqueue_dma source(%arg14 : memref<10240xf32, #tpu.memory_space<vmem_shared>>) target(%arg7 : memref<10240xf32, #tpu.memory_space<vmem>>) target_semaphore(%run_scoped3A_199 : memref<!tpu.dma_semaphore, #tpu.memory_space<semaphore_mem>>)
      tpu.wait_dma2 semaphore(%run_scoped3A_199 : memref<!tpu.dma_semaphore, #tpu.memory_space<semaphore_mem>>) src(%arg14 : memref<10240xf32, #tpu.memory_space<vmem_shared>>) dst(%arg7 : memref<10240xf32, #tpu.memory_space<vmem>>)
      tpu.yield
    }) : () -> ()
    %scan3A_113 = arith.constant 0 : i32
    %scan3A_114 = arith.constant 0 : i32
    %scan3A_115 = arith.constant 80 : i32
    %scan3A_116 = arith.addi %scan3A_114, %scan3A_115 : i32
    %scan3A_117 = arith.constant 1 : i32
    %scan3A_118 = scf.for %scan3A_199 = %scan3A_114 to %scan3A_116 step %scan3A_117 iter_args(%scan3A_200 = %scan3A_113) -> (i32)  : i32 {
      %get3A = arith.index_cast %scan3A_199 : i32 to index
      %get3A_201 = arith.constant 0 : index
      %get3A_202 = tpu.vector_load %arg5[%get3A, %get3A_201] {strides = array<i32>} : memref<80x128xi32, #tpu.memory_space<vmem>>, vector<16xi32>,
      %gather3A = tpu.vector_load_idx %arg7[%get3A_202] : memref<10240xf32, #tpu.memory_space<vmem>>[vector<16xi32>], vector<16xf32>,
      %swap3A = arith.index_cast %scan3A_199 : i32 to index
      %swap3A_203 = arith.constant 0 : index
      %swap3A_204 = tpu.vector_load %arg6[%swap3A, %swap3A_203] {strides = array<i32>} : memref<80x128xf32, #tpu.memory_space<vmem>>, vector<16xf32>,
      tpu.vector_store %arg6[%swap3A, %swap3A_203], %gather3A {strides = array<i32>} : memref<80x128xf32, #tpu.memory_space<vmem>>, vector<16xf32>,
      %get3A_205 = arith.index_cast %scan3A_199 : i32 to index
      %get3A_206 = arith.constant 16 : index
      %get3A_207 = tpu.vector_load %arg5[%get3A_205, %get3A_206] {strides = array<i32>} : memref<80x128xi32, #tpu.memory_space<vmem>>, vector<16xi32>,
      %gather3A_208 = tpu.vector_load_idx %arg7[%get3A_207] : memref<10240xf32, #tpu.memory_space<vmem>>[vector<16xi32>], vector<16xf32>,
      %swap3A_209 = arith.index_cast %scan3A_199 : i32 to index
      %swap3A_210 = arith.constant 16 : index
      %swap3A_211 = tpu.vector_load %arg6[%swap3A_209, %swap3A_210] {strides = array<i32>} : memref<80x128xf32, #tpu.memory_space<vmem>>, vector<16xf32>,
      tpu.vector_store %arg6[%swap3A_209, %swap3A_210], %gather3A_208 {strides = array<i32>} : memref<80x128xf32, #tpu.memory_space<vmem>>, vector<16xf32>,
      %get3A_212 = arith.index_cast %scan3A_199 : i32 to index
      %get3A_213 = arith.constant 32 : index
      %get3A_214 = tpu.vector_load %arg5[%get3A_212, %get3A_213] {strides = array<i32>} : memref<80x128xi32, #tpu.memory_space<vmem>>, vector<16xi32>,
      %gather3A_215 = tpu.vector_load_idx %arg7[%get3A_214] : memref<10240xf32, #tpu.memory_space<vmem>>[vector<16xi32>], vector<16xf32>,
      %swap3A_216 = arith.index_cast %scan3A_199 : i32 to index
      %swap3A_217 = arith.constant 32 : index
      %swap3A_218 = tpu.vector_load %arg6[%swap3A_216, %swap3A_217] {strides = array<i32>} : memref<80x128xf32, #tpu.memory_space<vmem>>, vector<16xf32>,
      tpu.vector_store %arg6[%swap3A_216, %swap3A_217], %gather3A_215 {strides = array<i32>} : memref<80x128xf32, #tpu.memory_space<vmem>>, vector<16xf32>,
      %get3A_219 = arith.index_cast %scan3A_199 : i32 to index
      %get3A_220 = arith.constant 48 : index
      %get3A_221 = tpu.vector_load %arg5[%get3A_219, %get3A_220] {strides = array<i32>} : memref<80x128xi32, #tpu.memory_space<vmem>>, vector<16xi32>,
      %gather3A_222 = tpu.vector_load_idx %arg7[%get3A_221] : memref<10240xf32, #tpu.memory_space<vmem>>[vector<16xi32>], vector<16xf32>,
      %swap3A_223 = arith.index_cast %scan3A_199 : i32 to index
      %swap3A_224 = arith.constant 48 : index
      %swap3A_225 = tpu.vector_load %arg6[%swap3A_223, %swap3A_224] {strides = array<i32>} : memref<80x128xf32, #tpu.memory_space<vmem>>, vector<16xf32>,
      tpu.vector_store %arg6[%swap3A_223, %swap3A_224], %gather3A_222 {strides = array<i32>} : memref<80x128xf32, #tpu.memory_space<vmem>>, vector<16xf32>,
      %get3A_226 = arith.index_cast %scan3A_199 : i32 to index
      %get3A_227 = arith.constant 64 : index
      %get3A_228 = tpu.vector_load %arg5[%get3A_226, %get3A_227] {strides = array<i32>} : memref<80x128xi32, #tpu.memory_space<vmem>>, vector<16xi32>,
      %gather3A_229 = tpu.vector_load_idx %arg7[%get3A_228] : memref<10240xf32, #tpu.memory_space<vmem>>[vector<16xi32>], vector<16xf32>,
      %swap3A_230 = arith.index_cast %scan3A_199 : i32 to index
      %swap3A_231 = arith.constant 64 : index
      %swap3A_232 = tpu.vector_load %arg6[%swap3A_230, %swap3A_231] {strides = array<i32>} : memref<80x128xf32, #tpu.memory_space<vmem>>, vector<16xf32>,
      tpu.vector_store %arg6[%swap3A_230, %swap3A_231], %gather3A_229 {strides = array<i32>} : memref<80x128xf32, #tpu.memory_space<vmem>>, vector<16xf32>,
      %get3A_233 = arith.index_cast %scan3A_199 : i32 to index
      %get3A_234 = arith.constant 80 : index
      %get3A_235 = tpu.vector_load %arg5[%get3A_233, %get3A_234] {strides = array<i32>} : memref<80x128xi32, #tpu.memory_space<vmem>>, vector<16xi32>,
      %gather3A_236 = tpu.vector_load_idx %arg7[%get3A_235] : memref<10240xf32, #tpu.memory_space<vmem>>[vector<16xi32>], vector<16xf32>,
      %swap3A_237 = arith.index_cast %scan3A_199 : i32 to index
      %swap3A_238 = arith.constant 80 : index
      %swap3A_239 = tpu.vector_load %arg6[%swap3A_237, %swap3A_238] {strides = array<i32>} : memref<80x128xf32, #tpu.memory_space<vmem>>, vector<16xf32>,
      tpu.vector_store %arg6[%swap3A_237, %swap3A_238], %gather3A_236 {strides = array<i32>} : memref<80x128xf32, #tpu.memory_space<vmem>>, vector<16xf32>,
      %get3A_240 = arith.index_cast %scan3A_199 : i32 to index
      %get3A_241 = arith.constant 96 : index
      %get3A_242 = tpu.vector_load %arg5[%get3A_240, %get3A_241] {strides = array<i32>} : memref<80x128xi32, #tpu.memory_space<vmem>>, vector<16xi32>,
      %gather3A_243 = tpu.vector_load_idx %arg7[%get3A_242] : memref<10240xf32, #tpu.memory_space<vmem>>[vector<16xi32>], vector<16xf32>,
      %swap3A_244 = arith.index_cast %scan3A_199 : i32 to index
      %swap3A_245 = arith.constant 96 : index
      %swap3A_246 = tpu.vector_load %arg6[%swap3A_244, %swap3A_245] {strides = array<i32>} : memref<80x128xf32, #tpu.memory_space<vmem>>, vector<16xf32>,
      tpu.vector_store %arg6[%swap3A_244, %swap3A_245], %gather3A_243 {strides = array<i32>} : memref<80x128xf32, #tpu.memory_space<vmem>>, vector<16xf32>,
      %get3A_247 = arith.index_cast %scan3A_199 : i32 to index
      %get3A_248 = arith.constant 112 : index
      %get3A_249 = tpu.vector_load %arg5[%get3A_247, %get3A_248] {strides = array<i32>} : memref<80x128xi32, #tpu.memory_space<vmem>>, vector<16xi32>,
      %gather3A_250 = tpu.vector_load_idx %arg7[%get3A_249] : memref<10240xf32, #tpu.memory_space<vmem>>[vector<16xi32>], vector<16xf32>,
      %swap3A_251 = arith.index_cast %scan3A_199 : i32 to index
      %swap3A_252 = arith.constant 112 : index
      %swap3A_253 = tpu.vector_load %arg6[%swap3A_251, %swap3A_252] {strides = array<i32>} : memref<80x128xf32, #tpu.memory_space<vmem>>, vector<16xf32>,
      tpu.vector_store %arg6[%swap3A_251, %swap3A_252], %gather3A_250 {strides = array<i32>} : memref<80x128xf32, #tpu.memory_space<vmem>>, vector<16xf32>,
      %dma_start3A = arith.constant 0 : i32
      %dma_start3A_254 = tpu.memref_slice %arg6[%scan3A_199, %dma_start3A] : memref<80x128xf32, #tpu.memory_space<vmem>> -> memref<1x128xf32, #tpu.memory_space<vmem>>
      %dma_start3A_255 = tpu.memref_squeeze %dma_start3A_254 : memref<1x128xf32, #tpu.memory_space<vmem>> -> memref<128xf32, #tpu.memory_space<vmem>>
      %dma_start3A_256 = arith.constant 0 : i32
      %dma_start3A_257 = tpu.memref_slice %arg4[%scan3A_199, %dma_start3A_256] : memref<80x128xi32, #tpu.memory_space<vmem>> -> memref<1x128xi32, #tpu.memory_space<vmem>>
      %dma_start3A_258 = tpu.memref_squeeze %dma_start3A_257 : memref<1x128xi32, #tpu.memory_space<vmem>> -> memref<128xi32, #tpu.memory_space<vmem>>
      %dma_start3A_259 = arith.constant 0 : i32
      %dma_start3A_260 = tpu.memref_slice %arg13[%dma_start3A_259] : memref<10240xf32, #tpu.memory_space<vmem_shared>> -> memref<10240xf32, #tpu.memory_space<vmem_shared>>
      tpu.enqueue_indirect_dma source(%dma_start3A_255 : memref<128xf32, #tpu.memory_space<vmem>>) target(%dma_start3A_260 : memref<10240xf32, #tpu.memory_space<vmem_shared>>) offsets(%dma_start3A_258 : memref<128xi32, #tpu.memory_space<vmem>>) semaphore(%arg15 : memref<!tpu.dma_semaphore, #tpu.memory_space<semaphore_mem>>) {add = true}
      %scan3A_261 = arith.constant 0 : i32
      scf.yield %scan3A_261 : i32
    }
    %scan3A_119 = arith.constant 80 : i32
    tpu.wait_dma2 semaphore(%arg15 : memref<!tpu.dma_semaphore, #tpu.memory_space<semaphore_mem>>) src(%arg3 : memref<10240xf32, #tpu.memory_space<hbm>>) dst(%arg7 : memref<10240xf32, #tpu.memory_space<vmem>>)
    %barrier3A_120 = arith.constant 0 : index
    tpu.barrier barrier_id(%barrier3A_120)
    "tpu.region"() ({
      %run_scoped3A_199 = tpu.sem_alloc : memref<!tpu.dma_semaphore, #tpu.memory_space<semaphore_mem>>
      %dma_start3A = tpu.memref_slice %arg13[%mul3A_2] : memref<10240xf32, #tpu.memory_space<vmem_shared>> -> memref<640xf32, #tpu.memory_space<vmem_shared>>
      %dma_start3A_200 = tpu.memref_slice %arg13[%mul3A_2] : memref<10240xf32, #tpu.memory_space<vmem_shared>> -> memref<640xf32, #tpu.memory_space<vmem_shared>>
      tpu.enqueue_dma source(%dma_start3A_200 : memref<640xf32, #tpu.memory_space<vmem_shared>>) target(%arg8 : memref<640xf32, #tpu.memory_space<vmem>>) target_semaphore(%run_scoped3A_199 : memref<!tpu.dma_semaphore, #tpu.memory_space<semaphore_mem>>)
      %dma_wait3A = tpu.memref_slice %arg13[%mul3A_2] : memref<10240xf32, #tpu.memory_space<vmem_shared>> -> memref<640xf32, #tpu.memory_space<vmem_shared>>
      %dma_wait3A_201 = tpu.memref_slice %arg13[%mul3A_2] : memref<10240xf32, #tpu.memory_space<vmem_shared>> -> memref<640xf32, #tpu.memory_space<vmem_shared>>
      tpu.wait_dma2 semaphore(%run_scoped3A_199 : memref<!tpu.dma_semaphore, #tpu.memory_space<semaphore_mem>>) src(%dma_wait3A_201 : memref<640xf32, #tpu.memory_space<vmem_shared>>) dst(%arg8 : memref<640xf32, #tpu.memory_space<vmem>>)
      tpu.yield
    }) : () -> ()
    %scan3A_121 = arith.constant 0 : i32
    %scan3A_122 = arith.constant 0 : i32
    %scan3A_123 = arith.constant 40 : i32
    %scan3A_124 = arith.addi %scan3A_122, %scan3A_123 : i32
    %scan3A_125 = arith.constant 4 : i32
    %scan3A_126 = scf.for %scan3A_199 = %scan3A_122 to %scan3A_124 step %scan3A_125 iter_args(%scan3A_200 = %scan3A_121) -> (i32)  : i32 {
      %mul3A_201 = arith.constant 16 : i32
      %mul3A_202 = arith.muli %scan3A_199, %mul3A_201 : i32
      %get3A = arith.index_cast %mul3A_202 : i32 to index
      %get3A_203 = tpu.vector_load %arg8[%get3A] {strides = array<i32>} : memref<640xf32, #tpu.memory_space<vmem>>, vector<16xf32>,
      %get3A_204 = arith.index_cast %mul3A_202 : i32 to index
      %get3A_205 = tpu.vector_load %arg9[%get3A_204] {strides = array<i32>} : memref<640xf32, #tpu.memory_space<vmem>>, vector<16xf32>,
      %mul3A_206 = arith.mulf %get3A_203, %get3A_205 : vector<16xf32>
      %get3A_207 = arith.index_cast %mul3A_202 : i32 to index
      %get3A_208 = tpu.vector_load %arg10[%get3A_207] {strides = array<i32>} : memref<640xf32, #tpu.memory_space<vmem>>, vector<16xf32>,
      %mul3A_209 = arith.constant 5.314410e-02 : f32
      %mul3A_210 = vector.broadcast %mul3A_209 : f32 to vector<16xf32>
      %mul3A_211 = arith.mulf %mul3A_210, %mul3A_206 : vector<16xf32>
      %add3A = arith.addf %get3A_208, %mul3A_211 : vector<16xf32>
      %swap3A = arith.index_cast %mul3A_202 : i32 to index
      %swap3A_212 = tpu.vector_load %arg10[%swap3A] {strides = array<i32>} : memref<640xf32, #tpu.memory_space<vmem>>, vector<16xf32>,
      tpu.vector_store %arg10[%swap3A], %add3A {strides = array<i32>} : memref<640xf32, #tpu.memory_space<vmem>>, vector<16xf32>,
      %get3A_213 = arith.index_cast %mul3A_202 : i32 to index
      %get3A_214 = tpu.vector_load %arg9[%get3A_213] {strides = array<i32>} : memref<640xf32, #tpu.memory_space<vmem>>, vector<16xf32>,
      %mul3A_215 = arith.mulf %mul3A_206, %get3A_214 : vector<16xf32>
      %swap3A_216 = arith.index_cast %mul3A_202 : i32 to index
      %swap3A_217 = tpu.vector_load %arg11[%swap3A_216] {strides = array<i32>} : memref<640xf32, #tpu.memory_space<vmem>>, vector<16xf32>,
      tpu.vector_store %arg11[%swap3A_216], %mul3A_215 {strides = array<i32>} : memref<640xf32, #tpu.memory_space<vmem>>, vector<16xf32>,
      %scan3A_218 = arith.constant 0 : i32
      %scan3A_219 = arith.constant 1 : i32
      %scan3A_220 = arith.addi %scan3A_199, %scan3A_219 : i32
      %mul3A_221 = arith.constant 16 : i32
      %mul3A_222 = arith.muli %scan3A_220, %mul3A_221 : i32
      %get3A_223 = arith.index_cast %mul3A_222 : i32 to index
      %get3A_224 = tpu.vector_load %arg8[%get3A_223] {strides = array<i32>} : memref<640xf32, #tpu.memory_space<vmem>>, vector<16xf32>,
      %get3A_225 = arith.index_cast %mul3A_222 : i32 to index
      %get3A_226 = tpu.vector_load %arg9[%get3A_225] {strides = array<i32>} : memref<640xf32, #tpu.memory_space<vmem>>, vector<16xf32>,
      %mul3A_227 = arith.mulf %get3A_224, %get3A_226 : vector<16xf32>
      %get3A_228 = arith.index_cast %mul3A_222 : i32 to index
      %get3A_229 = tpu.vector_load %arg10[%get3A_228] {strides = array<i32>} : memref<640xf32, #tpu.memory_space<vmem>>, vector<16xf32>,
      %mul3A_230 = arith.constant 5.314410e-02 : f32
      %mul3A_231 = vector.broadcast %mul3A_230 : f32 to vector<16xf32>
      %mul3A_232 = arith.mulf %mul3A_231, %mul3A_227 : vector<16xf32>
      %add3A_233 = arith.addf %get3A_229, %mul3A_232 : vector<16xf32>
      %swap3A_234 = arith.index_cast %mul3A_222 : i32 to index
      %swap3A_235 = tpu.vector_load %arg10[%swap3A_234] {strides = array<i32>} : memref<640xf32, #tpu.memory_space<vmem>>, vector<16xf32>,
      tpu.vector_store %arg10[%swap3A_234], %add3A_233 {strides = array<i32>} : memref<640xf32, #tpu.memory_space<vmem>>, vector<16xf32>,
      %get3A_236 = arith.index_cast %mul3A_222 : i32 to index
      %get3A_237 = tpu.vector_load %arg9[%get3A_236] {strides = array<i32>} : memref<640xf32, #tpu.memory_space<vmem>>, vector<16xf32>,
      %mul3A_238 = arith.mulf %mul3A_227, %get3A_237 : vector<16xf32>
      %swap3A_239 = arith.index_cast %mul3A_222 : i32 to index
      %swap3A_240 = tpu.vector_load %arg11[%swap3A_239] {strides = array<i32>} : memref<640xf32, #tpu.memory_space<vmem>>, vector<16xf32>,
      tpu.vector_store %arg11[%swap3A_239], %mul3A_238 {strides = array<i32>} : memref<640xf32, #tpu.memory_space<vmem>>, vector<16xf32>,
      %scan3A_241 = arith.constant 0 : i32
      %scan3A_242 = arith.constant 2 : i32
      %scan3A_243 = arith.addi %scan3A_199, %scan3A_242 : i32
      %mul3A_244 = arith.constant 16 : i32
      %mul3A_245 = arith.muli %scan3A_243, %mul3A_244 : i32
      %get3A_246 = arith.index_cast %mul3A_245 : i32 to index
      %get3A_247 = tpu.vector_load %arg8[%get3A_246] {strides = array<i32>} : memref<640xf32, #tpu.memory_space<vmem>>, vector<16xf32>,
      %get3A_248 = arith.index_cast %mul3A_245 : i32 to index
      %get3A_249 = tpu.vector_load %arg9[%get3A_248] {strides = array<i32>} : memref<640xf32, #tpu.memory_space<vmem>>, vector<16xf32>,
      %mul3A_250 = arith.mulf %get3A_247, %get3A_249 : vector<16xf32>
      %get3A_251 = arith.index_cast %mul3A_245 : i32 to index
      %get3A_252 = tpu.vector_load %arg10[%get3A_251] {strides = array<i32>} : memref<640xf32, #tpu.memory_space<vmem>>, vector<16xf32>,
      %mul3A_253 = arith.constant 5.314410e-02 : f32
      %mul3A_254 = vector.broadcast %mul3A_253 : f32 to vector<16xf32>
      %mul3A_255 = arith.mulf %mul3A_254, %mul3A_250 : vector<16xf32>
      %add3A_256 = arith.addf %get3A_252, %mul3A_255 : vector<16xf32>
      %swap3A_257 = arith.index_cast %mul3A_245 : i32 to index
      %swap3A_258 = tpu.vector_load %arg10[%swap3A_257] {strides = array<i32>} : memref<640xf32, #tpu.memory_space<vmem>>, vector<16xf32>,
      tpu.vector_store %arg10[%swap3A_257], %add3A_256 {strides = array<i32>} : memref<640xf32, #tpu.memory_space<vmem>>, vector<16xf32>,
      %get3A_259 = arith.index_cast %mul3A_245 : i32 to index
      %get3A_260 = tpu.vector_load %arg9[%get3A_259] {strides = array<i32>} : memref<640xf32, #tpu.memory_space<vmem>>, vector<16xf32>,
      %mul3A_261 = arith.mulf %mul3A_250, %get3A_260 : vector<16xf32>
      %swap3A_262 = arith.index_cast %mul3A_245 : i32 to index
      %swap3A_263 = tpu.vector_load %arg11[%swap3A_262] {strides = array<i32>} : memref<640xf32, #tpu.memory_space<vmem>>, vector<16xf32>,
      tpu.vector_store %arg11[%swap3A_262], %mul3A_261 {strides = array<i32>} : memref<640xf32, #tpu.memory_space<vmem>>, vector<16xf32>,
      %scan3A_264 = arith.constant 0 : i32
      %scan3A_265 = arith.constant 3 : i32
      %scan3A_266 = arith.addi %scan3A_199, %scan3A_265 : i32
      %mul3A_267 = arith.constant 16 : i32
      %mul3A_268 = arith.muli %scan3A_266, %mul3A_267 : i32
      %get3A_269 = arith.index_cast %mul3A_268 : i32 to index
      %get3A_270 = tpu.vector_load %arg8[%get3A_269] {strides = array<i32>} : memref<640xf32, #tpu.memory_space<vmem>>, vector<16xf32>,
      %get3A_271 = arith.index_cast %mul3A_268 : i32 to index
      %get3A_272 = tpu.vector_load %arg9[%get3A_271] {strides = array<i32>} : memref<640xf32, #tpu.memory_space<vmem>>, vector<16xf32>,
      %mul3A_273 = arith.mulf %get3A_270, %get3A_272 : vector<16xf32>
      %get3A_274 = arith.index_cast %mul3A_268 : i32 to index
      %get3A_275 = tpu.vector_load %arg10[%get3A_274] {strides = array<i32>} : memref<640xf32, #tpu.memory_space<vmem>>, vector<16xf32>,
      %mul3A_276 = arith.constant 5.314410e-02 : f32
      %mul3A_277 = vector.broadcast %mul3A_276 : f32 to vector<16xf32>
      %mul3A_278 = arith.mulf %mul3A_277, %mul3A_273 : vector<16xf32>
      %add3A_279 = arith.addf %get3A_275, %mul3A_278 : vector<16xf32>
      %swap3A_280 = arith.index_cast %mul3A_268 : i32 to index
      %swap3A_281 = tpu.vector_load %arg10[%swap3A_280] {strides = array<i32>} : memref<640xf32, #tpu.memory_space<vmem>>, vector<16xf32>,
      tpu.vector_store %arg10[%swap3A_280], %add3A_279 {strides = array<i32>} : memref<640xf32, #tpu.memory_space<vmem>>, vector<16xf32>,
      %get3A_282 = arith.index_cast %mul3A_268 : i32 to index
      %get3A_283 = tpu.vector_load %arg9[%get3A_282] {strides = array<i32>} : memref<640xf32, #tpu.memory_space<vmem>>, vector<16xf32>,
      %mul3A_284 = arith.mulf %mul3A_273, %get3A_283 : vector<16xf32>
      %swap3A_285 = arith.index_cast %mul3A_268 : i32 to index
      %swap3A_286 = tpu.vector_load %arg11[%swap3A_285] {strides = array<i32>} : memref<640xf32, #tpu.memory_space<vmem>>, vector<16xf32>,
      tpu.vector_store %arg11[%swap3A_285], %mul3A_284 {strides = array<i32>} : memref<640xf32, #tpu.memory_space<vmem>>, vector<16xf32>,
      %scan3A_287 = arith.constant 0 : i32
      scf.yield %scan3A_287 : i32
    }
    %scan3A_127 = arith.constant 40 : i32
    "tpu.region"() ({
      %run_scoped3A_199 = tpu.sem_alloc : memref<!tpu.dma_semaphore, #tpu.memory_space<semaphore_mem>>
      %dma_start3A = tpu.memref_slice %arg14[%mul3A_2] : memref<10240xf32, #tpu.memory_space<vmem_shared>> -> memref<640xf32, #tpu.memory_space<vmem_shared>>
      %dma_start3A_200 = tpu.memref_slice %arg14[%mul3A_2] : memref<10240xf32, #tpu.memory_space<vmem_shared>> -> memref<640xf32, #tpu.memory_space<vmem_shared>>
      tpu.enqueue_dma source(%arg11 : memref<640xf32, #tpu.memory_space<vmem>>) target(%dma_start3A_200 : memref<640xf32, #tpu.memory_space<vmem_shared>>) target_semaphore(%run_scoped3A_199 : memref<!tpu.dma_semaphore, #tpu.memory_space<semaphore_mem>>)
      %dma_wait3A = tpu.memref_slice %arg14[%mul3A_2] : memref<10240xf32, #tpu.memory_space<vmem_shared>> -> memref<640xf32, #tpu.memory_space<vmem_shared>>
      %dma_wait3A_201 = tpu.memref_slice %arg14[%mul3A_2] : memref<10240xf32, #tpu.memory_space<vmem_shared>> -> memref<640xf32, #tpu.memory_space<vmem_shared>>
      tpu.wait_dma2 semaphore(%run_scoped3A_199 : memref<!tpu.dma_semaphore, #tpu.memory_space<semaphore_mem>>) src(%arg11 : memref<640xf32, #tpu.memory_space<vmem>>) dst(%dma_wait3A_201 : memref<640xf32, #tpu.memory_space<vmem_shared>>)
      tpu.yield
    }) : () -> ()
    "tpu.region"() ({
      %run_scoped3A_199 = tpu.sem_alloc : memref<!tpu.dma_semaphore, #tpu.memory_space<semaphore_mem>>
      %dma_start3A = tpu.memref_slice %arg13[%mul3A_2] : memref<10240xf32, #tpu.memory_space<vmem_shared>> -> memref<640xf32, #tpu.memory_space<vmem_shared>>
      %dma_start3A_200 = tpu.memref_slice %arg13[%mul3A_2] : memref<10240xf32, #tpu.memory_space<vmem_shared>> -> memref<640xf32, #tpu.memory_space<vmem_shared>>
      tpu.enqueue_dma source(%arg12 : memref<640xf32, #tpu.memory_space<vmem>>) target(%dma_start3A_200 : memref<640xf32, #tpu.memory_space<vmem_shared>>) target_semaphore(%run_scoped3A_199 : memref<!tpu.dma_semaphore, #tpu.memory_space<semaphore_mem>>)
      %dma_wait3A = tpu.memref_slice %arg13[%mul3A_2] : memref<10240xf32, #tpu.memory_space<vmem_shared>> -> memref<640xf32, #tpu.memory_space<vmem_shared>>
      %dma_wait3A_201 = tpu.memref_slice %arg13[%mul3A_2] : memref<10240xf32, #tpu.memory_space<vmem_shared>> -> memref<640xf32, #tpu.memory_space<vmem_shared>>
      tpu.wait_dma2 semaphore(%run_scoped3A_199 : memref<!tpu.dma_semaphore, #tpu.memory_space<semaphore_mem>>) src(%arg12 : memref<640xf32, #tpu.memory_space<vmem>>) dst(%dma_wait3A_201 : memref<640xf32, #tpu.memory_space<vmem_shared>>)
      tpu.yield
    }) : () -> ()
    %barrier3A_128 = arith.constant 0 : index
    tpu.barrier barrier_id(%barrier3A_128)
    "tpu.region"() ({
      %run_scoped3A_199 = tpu.sem_alloc : memref<!tpu.dma_semaphore, #tpu.memory_space<semaphore_mem>>
      tpu.enqueue_dma source(%arg14 : memref<10240xf32, #tpu.memory_space<vmem_shared>>) target(%arg7 : memref<10240xf32, #tpu.memory_space<vmem>>) target_semaphore(%run_scoped3A_199 : memref<!tpu.dma_semaphore, #tpu.memory_space<semaphore_mem>>)
      tpu.wait_dma2 semaphore(%run_scoped3A_199 : memref<!tpu.dma_semaphore, #tpu.memory_space<semaphore_mem>>) src(%arg14 : memref<10240xf32, #tpu.memory_space<vmem_shared>>) dst(%arg7 : memref<10240xf32, #tpu.memory_space<vmem>>)
      tpu.yield
    }) : () -> ()
    %scan3A_129 = arith.constant 0 : i32
    %scan3A_130 = arith.constant 0 : i32
    %scan3A_131 = arith.constant 80 : i32
    %scan3A_132 = arith.addi %scan3A_130, %scan3A_131 : i32
    %scan3A_133 = arith.constant 1 : i32
    %scan3A_134 = scf.for %scan3A_199 = %scan3A_130 to %scan3A_132 step %scan3A_133 iter_args(%scan3A_200 = %scan3A_129) -> (i32)  : i32 {
      %get3A = arith.index_cast %scan3A_199 : i32 to index
      %get3A_201 = arith.constant 0 : index
      %get3A_202 = tpu.vector_load %arg5[%get3A, %get3A_201] {strides = array<i32>} : memref<80x128xi32, #tpu.memory_space<vmem>>, vector<16xi32>,
      %gather3A = tpu.vector_load_idx %arg7[%get3A_202] : memref<10240xf32, #tpu.memory_space<vmem>>[vector<16xi32>], vector<16xf32>,
      %swap3A = arith.index_cast %scan3A_199 : i32 to index
      %swap3A_203 = arith.constant 0 : index
      %swap3A_204 = tpu.vector_load %arg6[%swap3A, %swap3A_203] {strides = array<i32>} : memref<80x128xf32, #tpu.memory_space<vmem>>, vector<16xf32>,
      tpu.vector_store %arg6[%swap3A, %swap3A_203], %gather3A {strides = array<i32>} : memref<80x128xf32, #tpu.memory_space<vmem>>, vector<16xf32>,
      %get3A_205 = arith.index_cast %scan3A_199 : i32 to index
      %get3A_206 = arith.constant 16 : index
      %get3A_207 = tpu.vector_load %arg5[%get3A_205, %get3A_206] {strides = array<i32>} : memref<80x128xi32, #tpu.memory_space<vmem>>, vector<16xi32>,
      %gather3A_208 = tpu.vector_load_idx %arg7[%get3A_207] : memref<10240xf32, #tpu.memory_space<vmem>>[vector<16xi32>], vector<16xf32>,
      %swap3A_209 = arith.index_cast %scan3A_199 : i32 to index
      %swap3A_210 = arith.constant 16 : index
      %swap3A_211 = tpu.vector_load %arg6[%swap3A_209, %swap3A_210] {strides = array<i32>} : memref<80x128xf32, #tpu.memory_space<vmem>>, vector<16xf32>,
      tpu.vector_store %arg6[%swap3A_209, %swap3A_210], %gather3A_208 {strides = array<i32>} : memref<80x128xf32, #tpu.memory_space<vmem>>, vector<16xf32>,
      %get3A_212 = arith.index_cast %scan3A_199 : i32 to index
      %get3A_213 = arith.constant 32 : index
      %get3A_214 = tpu.vector_load %arg5[%get3A_212, %get3A_213] {strides = array<i32>} : memref<80x128xi32, #tpu.memory_space<vmem>>, vector<16xi32>,
      %gather3A_215 = tpu.vector_load_idx %arg7[%get3A_214] : memref<10240xf32, #tpu.memory_space<vmem>>[vector<16xi32>], vector<16xf32>,
      %swap3A_216 = arith.index_cast %scan3A_199 : i32 to index
      %swap3A_217 = arith.constant 32 : index
      %swap3A_218 = tpu.vector_load %arg6[%swap3A_216, %swap3A_217] {strides = array<i32>} : memref<80x128xf32, #tpu.memory_space<vmem>>, vector<16xf32>,
      tpu.vector_store %arg6[%swap3A_216, %swap3A_217], %gather3A_215 {strides = array<i32>} : memref<80x128xf32, #tpu.memory_space<vmem>>, vector<16xf32>,
      %get3A_219 = arith.index_cast %scan3A_199 : i32 to index
      %get3A_220 = arith.constant 48 : index
      %get3A_221 = tpu.vector_load %arg5[%get3A_219, %get3A_220] {strides = array<i32>} : memref<80x128xi32, #tpu.memory_space<vmem>>, vector<16xi32>,
      %gather3A_222 = tpu.vector_load_idx %arg7[%get3A_221] : memref<10240xf32, #tpu.memory_space<vmem>>[vector<16xi32>], vector<16xf32>,
      %swap3A_223 = arith.index_cast %scan3A_199 : i32 to index
      %swap3A_224 = arith.constant 48 : index
      %swap3A_225 = tpu.vector_load %arg6[%swap3A_223, %swap3A_224] {strides = array<i32>} : memref<80x128xf32, #tpu.memory_space<vmem>>, vector<16xf32>,
      tpu.vector_store %arg6[%swap3A_223, %swap3A_224], %gather3A_222 {strides = array<i32>} : memref<80x128xf32, #tpu.memory_space<vmem>>, vector<16xf32>,
      %get3A_226 = arith.index_cast %scan3A_199 : i32 to index
      %get3A_227 = arith.constant 64 : index
      %get3A_228 = tpu.vector_load %arg5[%get3A_226, %get3A_227] {strides = array<i32>} : memref<80x128xi32, #tpu.memory_space<vmem>>, vector<16xi32>,
      %gather3A_229 = tpu.vector_load_idx %arg7[%get3A_228] : memref<10240xf32, #tpu.memory_space<vmem>>[vector<16xi32>], vector<16xf32>,
      %swap3A_230 = arith.index_cast %scan3A_199 : i32 to index
      %swap3A_231 = arith.constant 64 : index
      %swap3A_232 = tpu.vector_load %arg6[%swap3A_230, %swap3A_231] {strides = array<i32>} : memref<80x128xf32, #tpu.memory_space<vmem>>, vector<16xf32>,
      tpu.vector_store %arg6[%swap3A_230, %swap3A_231], %gather3A_229 {strides = array<i32>} : memref<80x128xf32, #tpu.memory_space<vmem>>, vector<16xf32>,
      %get3A_233 = arith.index_cast %scan3A_199 : i32 to index
      %get3A_234 = arith.constant 80 : index
      %get3A_235 = tpu.vector_load %arg5[%get3A_233, %get3A_234] {strides = array<i32>} : memref<80x128xi32, #tpu.memory_space<vmem>>, vector<16xi32>,
      %gather3A_236 = tpu.vector_load_idx %arg7[%get3A_235] : memref<10240xf32, #tpu.memory_space<vmem>>[vector<16xi32>], vector<16xf32>,
      %swap3A_237 = arith.index_cast %scan3A_199 : i32 to index
      %swap3A_238 = arith.constant 80 : index
      %swap3A_239 = tpu.vector_load %arg6[%swap3A_237, %swap3A_238] {strides = array<i32>} : memref<80x128xf32, #tpu.memory_space<vmem>>, vector<16xf32>,
      tpu.vector_store %arg6[%swap3A_237, %swap3A_238], %gather3A_236 {strides = array<i32>} : memref<80x128xf32, #tpu.memory_space<vmem>>, vector<16xf32>,
      %get3A_240 = arith.index_cast %scan3A_199 : i32 to index
      %get3A_241 = arith.constant 96 : index
      %get3A_242 = tpu.vector_load %arg5[%get3A_240, %get3A_241] {strides = array<i32>} : memref<80x128xi32, #tpu.memory_space<vmem>>, vector<16xi32>,
      %gather3A_243 = tpu.vector_load_idx %arg7[%get3A_242] : memref<10240xf32, #tpu.memory_space<vmem>>[vector<16xi32>], vector<16xf32>,
      %swap3A_244 = arith.index_cast %scan3A_199 : i32 to index
      %swap3A_245 = arith.constant 96 : index
      %swap3A_246 = tpu.vector_load %arg6[%swap3A_244, %swap3A_245] {strides = array<i32>} : memref<80x128xf32, #tpu.memory_space<vmem>>, vector<16xf32>,
      tpu.vector_store %arg6[%swap3A_244, %swap3A_245], %gather3A_243 {strides = array<i32>} : memref<80x128xf32, #tpu.memory_space<vmem>>, vector<16xf32>,
      %get3A_247 = arith.index_cast %scan3A_199 : i32 to index
      %get3A_248 = arith.constant 112 : index
      %get3A_249 = tpu.vector_load %arg5[%get3A_247, %get3A_248] {strides = array<i32>} : memref<80x128xi32, #tpu.memory_space<vmem>>, vector<16xi32>,
      %gather3A_250 = tpu.vector_load_idx %arg7[%get3A_249] : memref<10240xf32, #tpu.memory_space<vmem>>[vector<16xi32>], vector<16xf32>,
      %swap3A_251 = arith.index_cast %scan3A_199 : i32 to index
      %swap3A_252 = arith.constant 112 : index
      %swap3A_253 = tpu.vector_load %arg6[%swap3A_251, %swap3A_252] {strides = array<i32>} : memref<80x128xf32, #tpu.memory_space<vmem>>, vector<16xf32>,
      tpu.vector_store %arg6[%swap3A_251, %swap3A_252], %gather3A_250 {strides = array<i32>} : memref<80x128xf32, #tpu.memory_space<vmem>>, vector<16xf32>,
      %dma_start3A = arith.constant 0 : i32
      %dma_start3A_254 = tpu.memref_slice %arg6[%scan3A_199, %dma_start3A] : memref<80x128xf32, #tpu.memory_space<vmem>> -> memref<1x128xf32, #tpu.memory_space<vmem>>
      %dma_start3A_255 = tpu.memref_squeeze %dma_start3A_254 : memref<1x128xf32, #tpu.memory_space<vmem>> -> memref<128xf32, #tpu.memory_space<vmem>>
      %dma_start3A_256 = arith.constant 0 : i32
      %dma_start3A_257 = tpu.memref_slice %arg4[%scan3A_199, %dma_start3A_256] : memref<80x128xi32, #tpu.memory_space<vmem>> -> memref<1x128xi32, #tpu.memory_space<vmem>>
      %dma_start3A_258 = tpu.memref_squeeze %dma_start3A_257 : memref<1x128xi32, #tpu.memory_space<vmem>> -> memref<128xi32, #tpu.memory_space<vmem>>
      %dma_start3A_259 = arith.constant 0 : i32
      %dma_start3A_260 = tpu.memref_slice %arg13[%dma_start3A_259] : memref<10240xf32, #tpu.memory_space<vmem_shared>> -> memref<10240xf32, #tpu.memory_space<vmem_shared>>
      tpu.enqueue_indirect_dma source(%dma_start3A_255 : memref<128xf32, #tpu.memory_space<vmem>>) target(%dma_start3A_260 : memref<10240xf32, #tpu.memory_space<vmem_shared>>) offsets(%dma_start3A_258 : memref<128xi32, #tpu.memory_space<vmem>>) semaphore(%arg15 : memref<!tpu.dma_semaphore, #tpu.memory_space<semaphore_mem>>) {add = true}
      %scan3A_261 = arith.constant 0 : i32
      scf.yield %scan3A_261 : i32
    }
    %scan3A_135 = arith.constant 80 : i32
    tpu.wait_dma2 semaphore(%arg15 : memref<!tpu.dma_semaphore, #tpu.memory_space<semaphore_mem>>) src(%arg3 : memref<10240xf32, #tpu.memory_space<hbm>>) dst(%arg7 : memref<10240xf32, #tpu.memory_space<vmem>>)
    %barrier3A_136 = arith.constant 0 : index
    tpu.barrier barrier_id(%barrier3A_136)
    "tpu.region"() ({
      %run_scoped3A_199 = tpu.sem_alloc : memref<!tpu.dma_semaphore, #tpu.memory_space<semaphore_mem>>
      %dma_start3A = tpu.memref_slice %arg13[%mul3A_2] : memref<10240xf32, #tpu.memory_space<vmem_shared>> -> memref<640xf32, #tpu.memory_space<vmem_shared>>
      %dma_start3A_200 = tpu.memref_slice %arg13[%mul3A_2] : memref<10240xf32, #tpu.memory_space<vmem_shared>> -> memref<640xf32, #tpu.memory_space<vmem_shared>>
      tpu.enqueue_dma source(%dma_start3A_200 : memref<640xf32, #tpu.memory_space<vmem_shared>>) target(%arg8 : memref<640xf32, #tpu.memory_space<vmem>>) target_semaphore(%run_scoped3A_199 : memref<!tpu.dma_semaphore, #tpu.memory_space<semaphore_mem>>)
      %dma_wait3A = tpu.memref_slice %arg13[%mul3A_2] : memref<10240xf32, #tpu.memory_space<vmem_shared>> -> memref<640xf32, #tpu.memory_space<vmem_shared>>
      %dma_wait3A_201 = tpu.memref_slice %arg13[%mul3A_2] : memref<10240xf32, #tpu.memory_space<vmem_shared>> -> memref<640xf32, #tpu.memory_space<vmem_shared>>
      tpu.wait_dma2 semaphore(%run_scoped3A_199 : memref<!tpu.dma_semaphore, #tpu.memory_space<semaphore_mem>>) src(%dma_wait3A_201 : memref<640xf32, #tpu.memory_space<vmem_shared>>) dst(%arg8 : memref<640xf32, #tpu.memory_space<vmem>>)
      tpu.yield
    }) : () -> ()
    %scan3A_137 = arith.constant 0 : i32
    %scan3A_138 = arith.constant 0 : i32
    %scan3A_139 = arith.constant 40 : i32
    %scan3A_140 = arith.addi %scan3A_138, %scan3A_139 : i32
    %scan3A_141 = arith.constant 4 : i32
    %scan3A_142 = scf.for %scan3A_199 = %scan3A_138 to %scan3A_140 step %scan3A_141 iter_args(%scan3A_200 = %scan3A_137) -> (i32)  : i32 {
      %mul3A_201 = arith.constant 16 : i32
      %mul3A_202 = arith.muli %scan3A_199, %mul3A_201 : i32
      %get3A = arith.index_cast %mul3A_202 : i32 to index
      %get3A_203 = tpu.vector_load %arg8[%get3A] {strides = array<i32>} : memref<640xf32, #tpu.memory_space<vmem>>, vector<16xf32>,
      %get3A_204 = arith.index_cast %mul3A_202 : i32 to index
      %get3A_205 = tpu.vector_load %arg9[%get3A_204] {strides = array<i32>} : memref<640xf32, #tpu.memory_space<vmem>>, vector<16xf32>,
      %mul3A_206 = arith.mulf %get3A_203, %get3A_205 : vector<16xf32>
      %get3A_207 = arith.index_cast %mul3A_202 : i32 to index
      %get3A_208 = tpu.vector_load %arg10[%get3A_207] {strides = array<i32>} : memref<640xf32, #tpu.memory_space<vmem>>, vector<16xf32>,
      %mul3A_209 = arith.constant 0.0478296913 : f32
      %mul3A_210 = vector.broadcast %mul3A_209 : f32 to vector<16xf32>
      %mul3A_211 = arith.mulf %mul3A_210, %mul3A_206 : vector<16xf32>
      %add3A = arith.addf %get3A_208, %mul3A_211 : vector<16xf32>
      %swap3A = arith.index_cast %mul3A_202 : i32 to index
      %swap3A_212 = tpu.vector_load %arg10[%swap3A] {strides = array<i32>} : memref<640xf32, #tpu.memory_space<vmem>>, vector<16xf32>,
      tpu.vector_store %arg10[%swap3A], %add3A {strides = array<i32>} : memref<640xf32, #tpu.memory_space<vmem>>, vector<16xf32>,
      %get3A_213 = arith.index_cast %mul3A_202 : i32 to index
      %get3A_214 = tpu.vector_load %arg9[%get3A_213] {strides = array<i32>} : memref<640xf32, #tpu.memory_space<vmem>>, vector<16xf32>,
      %mul3A_215 = arith.mulf %mul3A_206, %get3A_214 : vector<16xf32>
      %swap3A_216 = arith.index_cast %mul3A_202 : i32 to index
      %swap3A_217 = tpu.vector_load %arg11[%swap3A_216] {strides = array<i32>} : memref<640xf32, #tpu.memory_space<vmem>>, vector<16xf32>,
      tpu.vector_store %arg11[%swap3A_216], %mul3A_215 {strides = array<i32>} : memref<640xf32, #tpu.memory_space<vmem>>, vector<16xf32>,
      %scan3A_218 = arith.constant 0 : i32
      %scan3A_219 = arith.constant 1 : i32
      %scan3A_220 = arith.addi %scan3A_199, %scan3A_219 : i32
      %mul3A_221 = arith.constant 16 : i32
      %mul3A_222 = arith.muli %scan3A_220, %mul3A_221 : i32
      %get3A_223 = arith.index_cast %mul3A_222 : i32 to index
      %get3A_224 = tpu.vector_load %arg8[%get3A_223] {strides = array<i32>} : memref<640xf32, #tpu.memory_space<vmem>>, vector<16xf32>,
      %get3A_225 = arith.index_cast %mul3A_222 : i32 to index
      %get3A_226 = tpu.vector_load %arg9[%get3A_225] {strides = array<i32>} : memref<640xf32, #tpu.memory_space<vmem>>, vector<16xf32>,
      %mul3A_227 = arith.mulf %get3A_224, %get3A_226 : vector<16xf32>
      %get3A_228 = arith.index_cast %mul3A_222 : i32 to index
      %get3A_229 = tpu.vector_load %arg10[%get3A_228] {strides = array<i32>} : memref<640xf32, #tpu.memory_space<vmem>>, vector<16xf32>,
      %mul3A_230 = arith.constant 0.0478296913 : f32
      %mul3A_231 = vector.broadcast %mul3A_230 : f32 to vector<16xf32>
      %mul3A_232 = arith.mulf %mul3A_231, %mul3A_227 : vector<16xf32>
      %add3A_233 = arith.addf %get3A_229, %mul3A_232 : vector<16xf32>
      %swap3A_234 = arith.index_cast %mul3A_222 : i32 to index
      %swap3A_235 = tpu.vector_load %arg10[%swap3A_234] {strides = array<i32>} : memref<640xf32, #tpu.memory_space<vmem>>, vector<16xf32>,
      tpu.vector_store %arg10[%swap3A_234], %add3A_233 {strides = array<i32>} : memref<640xf32, #tpu.memory_space<vmem>>, vector<16xf32>,
      %get3A_236 = arith.index_cast %mul3A_222 : i32 to index
      %get3A_237 = tpu.vector_load %arg9[%get3A_236] {strides = array<i32>} : memref<640xf32, #tpu.memory_space<vmem>>, vector<16xf32>,
      %mul3A_238 = arith.mulf %mul3A_227, %get3A_237 : vector<16xf32>
      %swap3A_239 = arith.index_cast %mul3A_222 : i32 to index
      %swap3A_240 = tpu.vector_load %arg11[%swap3A_239] {strides = array<i32>} : memref<640xf32, #tpu.memory_space<vmem>>, vector<16xf32>,
      tpu.vector_store %arg11[%swap3A_239], %mul3A_238 {strides = array<i32>} : memref<640xf32, #tpu.memory_space<vmem>>, vector<16xf32>,
      %scan3A_241 = arith.constant 0 : i32
      %scan3A_242 = arith.constant 2 : i32
      %scan3A_243 = arith.addi %scan3A_199, %scan3A_242 : i32
      %mul3A_244 = arith.constant 16 : i32
      %mul3A_245 = arith.muli %scan3A_243, %mul3A_244 : i32
      %get3A_246 = arith.index_cast %mul3A_245 : i32 to index
      %get3A_247 = tpu.vector_load %arg8[%get3A_246] {strides = array<i32>} : memref<640xf32, #tpu.memory_space<vmem>>, vector<16xf32>,
      %get3A_248 = arith.index_cast %mul3A_245 : i32 to index
      %get3A_249 = tpu.vector_load %arg9[%get3A_248] {strides = array<i32>} : memref<640xf32, #tpu.memory_space<vmem>>, vector<16xf32>,
      %mul3A_250 = arith.mulf %get3A_247, %get3A_249 : vector<16xf32>
      %get3A_251 = arith.index_cast %mul3A_245 : i32 to index
      %get3A_252 = tpu.vector_load %arg10[%get3A_251] {strides = array<i32>} : memref<640xf32, #tpu.memory_space<vmem>>, vector<16xf32>,
      %mul3A_253 = arith.constant 0.0478296913 : f32
      %mul3A_254 = vector.broadcast %mul3A_253 : f32 to vector<16xf32>
      %mul3A_255 = arith.mulf %mul3A_254, %mul3A_250 : vector<16xf32>
      %add3A_256 = arith.addf %get3A_252, %mul3A_255 : vector<16xf32>
      %swap3A_257 = arith.index_cast %mul3A_245 : i32 to index
      %swap3A_258 = tpu.vector_load %arg10[%swap3A_257] {strides = array<i32>} : memref<640xf32, #tpu.memory_space<vmem>>, vector<16xf32>,
      tpu.vector_store %arg10[%swap3A_257], %add3A_256 {strides = array<i32>} : memref<640xf32, #tpu.memory_space<vmem>>, vector<16xf32>,
      %get3A_259 = arith.index_cast %mul3A_245 : i32 to index
      %get3A_260 = tpu.vector_load %arg9[%get3A_259] {strides = array<i32>} : memref<640xf32, #tpu.memory_space<vmem>>, vector<16xf32>,
      %mul3A_261 = arith.mulf %mul3A_250, %get3A_260 : vector<16xf32>
      %swap3A_262 = arith.index_cast %mul3A_245 : i32 to index
      %swap3A_263 = tpu.vector_load %arg11[%swap3A_262] {strides = array<i32>} : memref<640xf32, #tpu.memory_space<vmem>>, vector<16xf32>,
      tpu.vector_store %arg11[%swap3A_262], %mul3A_261 {strides = array<i32>} : memref<640xf32, #tpu.memory_space<vmem>>, vector<16xf32>,
      %scan3A_264 = arith.constant 0 : i32
      %scan3A_265 = arith.constant 3 : i32
      %scan3A_266 = arith.addi %scan3A_199, %scan3A_265 : i32
      %mul3A_267 = arith.constant 16 : i32
      %mul3A_268 = arith.muli %scan3A_266, %mul3A_267 : i32
      %get3A_269 = arith.index_cast %mul3A_268 : i32 to index
      %get3A_270 = tpu.vector_load %arg8[%get3A_269] {strides = array<i32>} : memref<640xf32, #tpu.memory_space<vmem>>, vector<16xf32>,
      %get3A_271 = arith.index_cast %mul3A_268 : i32 to index
      %get3A_272 = tpu.vector_load %arg9[%get3A_271] {strides = array<i32>} : memref<640xf32, #tpu.memory_space<vmem>>, vector<16xf32>,
      %mul3A_273 = arith.mulf %get3A_270, %get3A_272 : vector<16xf32>
      %get3A_274 = arith.index_cast %mul3A_268 : i32 to index
      %get3A_275 = tpu.vector_load %arg10[%get3A_274] {strides = array<i32>} : memref<640xf32, #tpu.memory_space<vmem>>, vector<16xf32>,
      %mul3A_276 = arith.constant 0.0478296913 : f32
      %mul3A_277 = vector.broadcast %mul3A_276 : f32 to vector<16xf32>
      %mul3A_278 = arith.mulf %mul3A_277, %mul3A_273 : vector<16xf32>
      %add3A_279 = arith.addf %get3A_275, %mul3A_278 : vector<16xf32>
      %swap3A_280 = arith.index_cast %mul3A_268 : i32 to index
      %swap3A_281 = tpu.vector_load %arg10[%swap3A_280] {strides = array<i32>} : memref<640xf32, #tpu.memory_space<vmem>>, vector<16xf32>,
      tpu.vector_store %arg10[%swap3A_280], %add3A_279 {strides = array<i32>} : memref<640xf32, #tpu.memory_space<vmem>>, vector<16xf32>,
      %get3A_282 = arith.index_cast %mul3A_268 : i32 to index
      %get3A_283 = tpu.vector_load %arg9[%get3A_282] {strides = array<i32>} : memref<640xf32, #tpu.memory_space<vmem>>, vector<16xf32>,
      %mul3A_284 = arith.mulf %mul3A_273, %get3A_283 : vector<16xf32>
      %swap3A_285 = arith.index_cast %mul3A_268 : i32 to index
      %swap3A_286 = tpu.vector_load %arg11[%swap3A_285] {strides = array<i32>} : memref<640xf32, #tpu.memory_space<vmem>>, vector<16xf32>,
      tpu.vector_store %arg11[%swap3A_285], %mul3A_284 {strides = array<i32>} : memref<640xf32, #tpu.memory_space<vmem>>, vector<16xf32>,
      %scan3A_287 = arith.constant 0 : i32
      scf.yield %scan3A_287 : i32
    }
    %scan3A_143 = arith.constant 40 : i32
    "tpu.region"() ({
      %run_scoped3A_199 = tpu.sem_alloc : memref<!tpu.dma_semaphore, #tpu.memory_space<semaphore_mem>>
      %dma_start3A = tpu.memref_slice %arg14[%mul3A_2] : memref<10240xf32, #tpu.memory_space<vmem_shared>> -> memref<640xf32, #tpu.memory_space<vmem_shared>>
      %dma_start3A_200 = tpu.memref_slice %arg14[%mul3A_2] : memref<10240xf32, #tpu.memory_space<vmem_shared>> -> memref<640xf32, #tpu.memory_space<vmem_shared>>
      tpu.enqueue_dma source(%arg11 : memref<640xf32, #tpu.memory_space<vmem>>) target(%dma_start3A_200 : memref<640xf32, #tpu.memory_space<vmem_shared>>) target_semaphore(%run_scoped3A_199 : memref<!tpu.dma_semaphore, #tpu.memory_space<semaphore_mem>>)
      %dma_wait3A = tpu.memref_slice %arg14[%mul3A_2] : memref<10240xf32, #tpu.memory_space<vmem_shared>> -> memref<640xf32, #tpu.memory_space<vmem_shared>>
      %dma_wait3A_201 = tpu.memref_slice %arg14[%mul3A_2] : memref<10240xf32, #tpu.memory_space<vmem_shared>> -> memref<640xf32, #tpu.memory_space<vmem_shared>>
      tpu.wait_dma2 semaphore(%run_scoped3A_199 : memref<!tpu.dma_semaphore, #tpu.memory_space<semaphore_mem>>) src(%arg11 : memref<640xf32, #tpu.memory_space<vmem>>) dst(%dma_wait3A_201 : memref<640xf32, #tpu.memory_space<vmem_shared>>)
      tpu.yield
    }) : () -> ()
    "tpu.region"() ({
      %run_scoped3A_199 = tpu.sem_alloc : memref<!tpu.dma_semaphore, #tpu.memory_space<semaphore_mem>>
      %dma_start3A = tpu.memref_slice %arg13[%mul3A_2] : memref<10240xf32, #tpu.memory_space<vmem_shared>> -> memref<640xf32, #tpu.memory_space<vmem_shared>>
      %dma_start3A_200 = tpu.memref_slice %arg13[%mul3A_2] : memref<10240xf32, #tpu.memory_space<vmem_shared>> -> memref<640xf32, #tpu.memory_space<vmem_shared>>
      tpu.enqueue_dma source(%arg12 : memref<640xf32, #tpu.memory_space<vmem>>) target(%dma_start3A_200 : memref<640xf32, #tpu.memory_space<vmem_shared>>) target_semaphore(%run_scoped3A_199 : memref<!tpu.dma_semaphore, #tpu.memory_space<semaphore_mem>>)
      %dma_wait3A = tpu.memref_slice %arg13[%mul3A_2] : memref<10240xf32, #tpu.memory_space<vmem_shared>> -> memref<640xf32, #tpu.memory_space<vmem_shared>>
      %dma_wait3A_201 = tpu.memref_slice %arg13[%mul3A_2] : memref<10240xf32, #tpu.memory_space<vmem_shared>> -> memref<640xf32, #tpu.memory_space<vmem_shared>>
      tpu.wait_dma2 semaphore(%run_scoped3A_199 : memref<!tpu.dma_semaphore, #tpu.memory_space<semaphore_mem>>) src(%arg12 : memref<640xf32, #tpu.memory_space<vmem>>) dst(%dma_wait3A_201 : memref<640xf32, #tpu.memory_space<vmem_shared>>)
      tpu.yield
    }) : () -> ()
    %barrier3A_144 = arith.constant 0 : index
    tpu.barrier barrier_id(%barrier3A_144)
    "tpu.region"() ({
      %run_scoped3A_199 = tpu.sem_alloc : memref<!tpu.dma_semaphore, #tpu.memory_space<semaphore_mem>>
      tpu.enqueue_dma source(%arg14 : memref<10240xf32, #tpu.memory_space<vmem_shared>>) target(%arg7 : memref<10240xf32, #tpu.memory_space<vmem>>) target_semaphore(%run_scoped3A_199 : memref<!tpu.dma_semaphore, #tpu.memory_space<semaphore_mem>>)
      tpu.wait_dma2 semaphore(%run_scoped3A_199 : memref<!tpu.dma_semaphore, #tpu.memory_space<semaphore_mem>>) src(%arg14 : memref<10240xf32, #tpu.memory_space<vmem_shared>>) dst(%arg7 : memref<10240xf32, #tpu.memory_space<vmem>>)
      tpu.yield
    }) : () -> ()
    %scan3A_145 = arith.constant 0 : i32
    %scan3A_146 = arith.constant 0 : i32
    %scan3A_147 = arith.constant 80 : i32
    %scan3A_148 = arith.addi %scan3A_146, %scan3A_147 : i32
    %scan3A_149 = arith.constant 1 : i32
    %scan3A_150 = scf.for %scan3A_199 = %scan3A_146 to %scan3A_148 step %scan3A_149 iter_args(%scan3A_200 = %scan3A_145) -> (i32)  : i32 {
      %get3A = arith.index_cast %scan3A_199 : i32 to index
      %get3A_201 = arith.constant 0 : index
      %get3A_202 = tpu.vector_load %arg5[%get3A, %get3A_201] {strides = array<i32>} : memref<80x128xi32, #tpu.memory_space<vmem>>, vector<16xi32>,
      %gather3A = tpu.vector_load_idx %arg7[%get3A_202] : memref<10240xf32, #tpu.memory_space<vmem>>[vector<16xi32>], vector<16xf32>,
      %swap3A = arith.index_cast %scan3A_199 : i32 to index
      %swap3A_203 = arith.constant 0 : index
      %swap3A_204 = tpu.vector_load %arg6[%swap3A, %swap3A_203] {strides = array<i32>} : memref<80x128xf32, #tpu.memory_space<vmem>>, vector<16xf32>,
      tpu.vector_store %arg6[%swap3A, %swap3A_203], %gather3A {strides = array<i32>} : memref<80x128xf32, #tpu.memory_space<vmem>>, vector<16xf32>,
      %get3A_205 = arith.index_cast %scan3A_199 : i32 to index
      %get3A_206 = arith.constant 16 : index
      %get3A_207 = tpu.vector_load %arg5[%get3A_205, %get3A_206] {strides = array<i32>} : memref<80x128xi32, #tpu.memory_space<vmem>>, vector<16xi32>,
      %gather3A_208 = tpu.vector_load_idx %arg7[%get3A_207] : memref<10240xf32, #tpu.memory_space<vmem>>[vector<16xi32>], vector<16xf32>,
      %swap3A_209 = arith.index_cast %scan3A_199 : i32 to index
      %swap3A_210 = arith.constant 16 : index
      %swap3A_211 = tpu.vector_load %arg6[%swap3A_209, %swap3A_210] {strides = array<i32>} : memref<80x128xf32, #tpu.memory_space<vmem>>, vector<16xf32>,
      tpu.vector_store %arg6[%swap3A_209, %swap3A_210], %gather3A_208 {strides = array<i32>} : memref<80x128xf32, #tpu.memory_space<vmem>>, vector<16xf32>,
      %get3A_212 = arith.index_cast %scan3A_199 : i32 to index
      %get3A_213 = arith.constant 32 : index
      %get3A_214 = tpu.vector_load %arg5[%get3A_212, %get3A_213] {strides = array<i32>} : memref<80x128xi32, #tpu.memory_space<vmem>>, vector<16xi32>,
      %gather3A_215 = tpu.vector_load_idx %arg7[%get3A_214] : memref<10240xf32, #tpu.memory_space<vmem>>[vector<16xi32>], vector<16xf32>,
      %swap3A_216 = arith.index_cast %scan3A_199 : i32 to index
      %swap3A_217 = arith.constant 32 : index
      %swap3A_218 = tpu.vector_load %arg6[%swap3A_216, %swap3A_217] {strides = array<i32>} : memref<80x128xf32, #tpu.memory_space<vmem>>, vector<16xf32>,
      tpu.vector_store %arg6[%swap3A_216, %swap3A_217], %gather3A_215 {strides = array<i32>} : memref<80x128xf32, #tpu.memory_space<vmem>>, vector<16xf32>,
      %get3A_219 = arith.index_cast %scan3A_199 : i32 to index
      %get3A_220 = arith.constant 48 : index
      %get3A_221 = tpu.vector_load %arg5[%get3A_219, %get3A_220] {strides = array<i32>} : memref<80x128xi32, #tpu.memory_space<vmem>>, vector<16xi32>,
      %gather3A_222 = tpu.vector_load_idx %arg7[%get3A_221] : memref<10240xf32, #tpu.memory_space<vmem>>[vector<16xi32>], vector<16xf32>,
      %swap3A_223 = arith.index_cast %scan3A_199 : i32 to index
      %swap3A_224 = arith.constant 48 : index
      %swap3A_225 = tpu.vector_load %arg6[%swap3A_223, %swap3A_224] {strides = array<i32>} : memref<80x128xf32, #tpu.memory_space<vmem>>, vector<16xf32>,
      tpu.vector_store %arg6[%swap3A_223, %swap3A_224], %gather3A_222 {strides = array<i32>} : memref<80x128xf32, #tpu.memory_space<vmem>>, vector<16xf32>,
      %get3A_226 = arith.index_cast %scan3A_199 : i32 to index
      %get3A_227 = arith.constant 64 : index
      %get3A_228 = tpu.vector_load %arg5[%get3A_226, %get3A_227] {strides = array<i32>} : memref<80x128xi32, #tpu.memory_space<vmem>>, vector<16xi32>,
      %gather3A_229 = tpu.vector_load_idx %arg7[%get3A_228] : memref<10240xf32, #tpu.memory_space<vmem>>[vector<16xi32>], vector<16xf32>,
      %swap3A_230 = arith.index_cast %scan3A_199 : i32 to index
      %swap3A_231 = arith.constant 64 : index
      %swap3A_232 = tpu.vector_load %arg6[%swap3A_230, %swap3A_231] {strides = array<i32>} : memref<80x128xf32, #tpu.memory_space<vmem>>, vector<16xf32>,
      tpu.vector_store %arg6[%swap3A_230, %swap3A_231], %gather3A_229 {strides = array<i32>} : memref<80x128xf32, #tpu.memory_space<vmem>>, vector<16xf32>,
      %get3A_233 = arith.index_cast %scan3A_199 : i32 to index
      %get3A_234 = arith.constant 80 : index
      %get3A_235 = tpu.vector_load %arg5[%get3A_233, %get3A_234] {strides = array<i32>} : memref<80x128xi32, #tpu.memory_space<vmem>>, vector<16xi32>,
      %gather3A_236 = tpu.vector_load_idx %arg7[%get3A_235] : memref<10240xf32, #tpu.memory_space<vmem>>[vector<16xi32>], vector<16xf32>,
      %swap3A_237 = arith.index_cast %scan3A_199 : i32 to index
      %swap3A_238 = arith.constant 80 : index
      %swap3A_239 = tpu.vector_load %arg6[%swap3A_237, %swap3A_238] {strides = array<i32>} : memref<80x128xf32, #tpu.memory_space<vmem>>, vector<16xf32>,
      tpu.vector_store %arg6[%swap3A_237, %swap3A_238], %gather3A_236 {strides = array<i32>} : memref<80x128xf32, #tpu.memory_space<vmem>>, vector<16xf32>,
      %get3A_240 = arith.index_cast %scan3A_199 : i32 to index
      %get3A_241 = arith.constant 96 : index
      %get3A_242 = tpu.vector_load %arg5[%get3A_240, %get3A_241] {strides = array<i32>} : memref<80x128xi32, #tpu.memory_space<vmem>>, vector<16xi32>,
      %gather3A_243 = tpu.vector_load_idx %arg7[%get3A_242] : memref<10240xf32, #tpu.memory_space<vmem>>[vector<16xi32>], vector<16xf32>,
      %swap3A_244 = arith.index_cast %scan3A_199 : i32 to index
      %swap3A_245 = arith.constant 96 : index
      %swap3A_246 = tpu.vector_load %arg6[%swap3A_244, %swap3A_245] {strides = array<i32>} : memref<80x128xf32, #tpu.memory_space<vmem>>, vector<16xf32>,
      tpu.vector_store %arg6[%swap3A_244, %swap3A_245], %gather3A_243 {strides = array<i32>} : memref<80x128xf32, #tpu.memory_space<vmem>>, vector<16xf32>,
      %get3A_247 = arith.index_cast %scan3A_199 : i32 to index
      %get3A_248 = arith.constant 112 : index
      %get3A_249 = tpu.vector_load %arg5[%get3A_247, %get3A_248] {strides = array<i32>} : memref<80x128xi32, #tpu.memory_space<vmem>>, vector<16xi32>,
      %gather3A_250 = tpu.vector_load_idx %arg7[%get3A_249] : memref<10240xf32, #tpu.memory_space<vmem>>[vector<16xi32>], vector<16xf32>,
      %swap3A_251 = arith.index_cast %scan3A_199 : i32 to index
      %swap3A_252 = arith.constant 112 : index
      %swap3A_253 = tpu.vector_load %arg6[%swap3A_251, %swap3A_252] {strides = array<i32>} : memref<80x128xf32, #tpu.memory_space<vmem>>, vector<16xf32>,
      tpu.vector_store %arg6[%swap3A_251, %swap3A_252], %gather3A_250 {strides = array<i32>} : memref<80x128xf32, #tpu.memory_space<vmem>>, vector<16xf32>,
      %dma_start3A = arith.constant 0 : i32
      %dma_start3A_254 = tpu.memref_slice %arg6[%scan3A_199, %dma_start3A] : memref<80x128xf32, #tpu.memory_space<vmem>> -> memref<1x128xf32, #tpu.memory_space<vmem>>
      %dma_start3A_255 = tpu.memref_squeeze %dma_start3A_254 : memref<1x128xf32, #tpu.memory_space<vmem>> -> memref<128xf32, #tpu.memory_space<vmem>>
      %dma_start3A_256 = arith.constant 0 : i32
      %dma_start3A_257 = tpu.memref_slice %arg4[%scan3A_199, %dma_start3A_256] : memref<80x128xi32, #tpu.memory_space<vmem>> -> memref<1x128xi32, #tpu.memory_space<vmem>>
      %dma_start3A_258 = tpu.memref_squeeze %dma_start3A_257 : memref<1x128xi32, #tpu.memory_space<vmem>> -> memref<128xi32, #tpu.memory_space<vmem>>
      %dma_start3A_259 = arith.constant 0 : i32
      %dma_start3A_260 = tpu.memref_slice %arg13[%dma_start3A_259] : memref<10240xf32, #tpu.memory_space<vmem_shared>> -> memref<10240xf32, #tpu.memory_space<vmem_shared>>
      tpu.enqueue_indirect_dma source(%dma_start3A_255 : memref<128xf32, #tpu.memory_space<vmem>>) target(%dma_start3A_260 : memref<10240xf32, #tpu.memory_space<vmem_shared>>) offsets(%dma_start3A_258 : memref<128xi32, #tpu.memory_space<vmem>>) semaphore(%arg15 : memref<!tpu.dma_semaphore, #tpu.memory_space<semaphore_mem>>) {add = true}
      %scan3A_261 = arith.constant 0 : i32
      scf.yield %scan3A_261 : i32
    }
    %scan3A_151 = arith.constant 80 : i32
    tpu.wait_dma2 semaphore(%arg15 : memref<!tpu.dma_semaphore, #tpu.memory_space<semaphore_mem>>) src(%arg3 : memref<10240xf32, #tpu.memory_space<hbm>>) dst(%arg7 : memref<10240xf32, #tpu.memory_space<vmem>>)
    %barrier3A_152 = arith.constant 0 : index
    tpu.barrier barrier_id(%barrier3A_152)
    "tpu.region"() ({
      %run_scoped3A_199 = tpu.sem_alloc : memref<!tpu.dma_semaphore, #tpu.memory_space<semaphore_mem>>
      %dma_start3A = tpu.memref_slice %arg13[%mul3A_2] : memref<10240xf32, #tpu.memory_space<vmem_shared>> -> memref<640xf32, #tpu.memory_space<vmem_shared>>
      %dma_start3A_200 = tpu.memref_slice %arg13[%mul3A_2] : memref<10240xf32, #tpu.memory_space<vmem_shared>> -> memref<640xf32, #tpu.memory_space<vmem_shared>>
      tpu.enqueue_dma source(%dma_start3A_200 : memref<640xf32, #tpu.memory_space<vmem_shared>>) target(%arg8 : memref<640xf32, #tpu.memory_space<vmem>>) target_semaphore(%run_scoped3A_199 : memref<!tpu.dma_semaphore, #tpu.memory_space<semaphore_mem>>)
      %dma_wait3A = tpu.memref_slice %arg13[%mul3A_2] : memref<10240xf32, #tpu.memory_space<vmem_shared>> -> memref<640xf32, #tpu.memory_space<vmem_shared>>
      %dma_wait3A_201 = tpu.memref_slice %arg13[%mul3A_2] : memref<10240xf32, #tpu.memory_space<vmem_shared>> -> memref<640xf32, #tpu.memory_space<vmem_shared>>
      tpu.wait_dma2 semaphore(%run_scoped3A_199 : memref<!tpu.dma_semaphore, #tpu.memory_space<semaphore_mem>>) src(%dma_wait3A_201 : memref<640xf32, #tpu.memory_space<vmem_shared>>) dst(%arg8 : memref<640xf32, #tpu.memory_space<vmem>>)
      tpu.yield
    }) : () -> ()
    %scan3A_153 = arith.constant 0 : i32
    %scan3A_154 = arith.constant 0 : i32
    %scan3A_155 = arith.constant 40 : i32
    %scan3A_156 = arith.addi %scan3A_154, %scan3A_155 : i32
    %scan3A_157 = arith.constant 4 : i32
    %scan3A_158 = scf.for %scan3A_199 = %scan3A_154 to %scan3A_156 step %scan3A_157 iter_args(%scan3A_200 = %scan3A_153) -> (i32)  : i32 {
      %mul3A_201 = arith.constant 16 : i32
      %mul3A_202 = arith.muli %scan3A_199, %mul3A_201 : i32
      %get3A = arith.index_cast %mul3A_202 : i32 to index
      %get3A_203 = tpu.vector_load %arg8[%get3A] {strides = array<i32>} : memref<640xf32, #tpu.memory_space<vmem>>, vector<16xf32>,
      %get3A_204 = arith.index_cast %mul3A_202 : i32 to index
      %get3A_205 = tpu.vector_load %arg9[%get3A_204] {strides = array<i32>} : memref<640xf32, #tpu.memory_space<vmem>>, vector<16xf32>,
      %mul3A_206 = arith.mulf %get3A_203, %get3A_205 : vector<16xf32>
      %get3A_207 = arith.index_cast %mul3A_202 : i32 to index
      %get3A_208 = tpu.vector_load %arg10[%get3A_207] {strides = array<i32>} : memref<640xf32, #tpu.memory_space<vmem>>, vector<16xf32>,
      %mul3A_209 = arith.constant 0.0430467203 : f32
      %mul3A_210 = vector.broadcast %mul3A_209 : f32 to vector<16xf32>
      %mul3A_211 = arith.mulf %mul3A_210, %mul3A_206 : vector<16xf32>
      %add3A = arith.addf %get3A_208, %mul3A_211 : vector<16xf32>
      %swap3A = arith.index_cast %mul3A_202 : i32 to index
      %swap3A_212 = tpu.vector_load %arg10[%swap3A] {strides = array<i32>} : memref<640xf32, #tpu.memory_space<vmem>>, vector<16xf32>,
      tpu.vector_store %arg10[%swap3A], %add3A {strides = array<i32>} : memref<640xf32, #tpu.memory_space<vmem>>, vector<16xf32>,
      %get3A_213 = arith.index_cast %mul3A_202 : i32 to index
      %get3A_214 = tpu.vector_load %arg9[%get3A_213] {strides = array<i32>} : memref<640xf32, #tpu.memory_space<vmem>>, vector<16xf32>,
      %mul3A_215 = arith.mulf %mul3A_206, %get3A_214 : vector<16xf32>
      %swap3A_216 = arith.index_cast %mul3A_202 : i32 to index
      %swap3A_217 = tpu.vector_load %arg11[%swap3A_216] {strides = array<i32>} : memref<640xf32, #tpu.memory_space<vmem>>, vector<16xf32>,
      tpu.vector_store %arg11[%swap3A_216], %mul3A_215 {strides = array<i32>} : memref<640xf32, #tpu.memory_space<vmem>>, vector<16xf32>,
      %scan3A_218 = arith.constant 0 : i32
      %scan3A_219 = arith.constant 1 : i32
      %scan3A_220 = arith.addi %scan3A_199, %scan3A_219 : i32
      %mul3A_221 = arith.constant 16 : i32
      %mul3A_222 = arith.muli %scan3A_220, %mul3A_221 : i32
      %get3A_223 = arith.index_cast %mul3A_222 : i32 to index
      %get3A_224 = tpu.vector_load %arg8[%get3A_223] {strides = array<i32>} : memref<640xf32, #tpu.memory_space<vmem>>, vector<16xf32>,
      %get3A_225 = arith.index_cast %mul3A_222 : i32 to index
      %get3A_226 = tpu.vector_load %arg9[%get3A_225] {strides = array<i32>} : memref<640xf32, #tpu.memory_space<vmem>>, vector<16xf32>,
      %mul3A_227 = arith.mulf %get3A_224, %get3A_226 : vector<16xf32>
      %get3A_228 = arith.index_cast %mul3A_222 : i32 to index
      %get3A_229 = tpu.vector_load %arg10[%get3A_228] {strides = array<i32>} : memref<640xf32, #tpu.memory_space<vmem>>, vector<16xf32>,
      %mul3A_230 = arith.constant 0.0430467203 : f32
      %mul3A_231 = vector.broadcast %mul3A_230 : f32 to vector<16xf32>
      %mul3A_232 = arith.mulf %mul3A_231, %mul3A_227 : vector<16xf32>
      %add3A_233 = arith.addf %get3A_229, %mul3A_232 : vector<16xf32>
      %swap3A_234 = arith.index_cast %mul3A_222 : i32 to index
      %swap3A_235 = tpu.vector_load %arg10[%swap3A_234] {strides = array<i32>} : memref<640xf32, #tpu.memory_space<vmem>>, vector<16xf32>,
      tpu.vector_store %arg10[%swap3A_234], %add3A_233 {strides = array<i32>} : memref<640xf32, #tpu.memory_space<vmem>>, vector<16xf32>,
      %get3A_236 = arith.index_cast %mul3A_222 : i32 to index
      %get3A_237 = tpu.vector_load %arg9[%get3A_236] {strides = array<i32>} : memref<640xf32, #tpu.memory_space<vmem>>, vector<16xf32>,
      %mul3A_238 = arith.mulf %mul3A_227, %get3A_237 : vector<16xf32>
      %swap3A_239 = arith.index_cast %mul3A_222 : i32 to index
      %swap3A_240 = tpu.vector_load %arg11[%swap3A_239] {strides = array<i32>} : memref<640xf32, #tpu.memory_space<vmem>>, vector<16xf32>,
      tpu.vector_store %arg11[%swap3A_239], %mul3A_238 {strides = array<i32>} : memref<640xf32, #tpu.memory_space<vmem>>, vector<16xf32>,
      %scan3A_241 = arith.constant 0 : i32
      %scan3A_242 = arith.constant 2 : i32
      %scan3A_243 = arith.addi %scan3A_199, %scan3A_242 : i32
      %mul3A_244 = arith.constant 16 : i32
      %mul3A_245 = arith.muli %scan3A_243, %mul3A_244 : i32
      %get3A_246 = arith.index_cast %mul3A_245 : i32 to index
      %get3A_247 = tpu.vector_load %arg8[%get3A_246] {strides = array<i32>} : memref<640xf32, #tpu.memory_space<vmem>>, vector<16xf32>,
      %get3A_248 = arith.index_cast %mul3A_245 : i32 to index
      %get3A_249 = tpu.vector_load %arg9[%get3A_248] {strides = array<i32>} : memref<640xf32, #tpu.memory_space<vmem>>, vector<16xf32>,
      %mul3A_250 = arith.mulf %get3A_247, %get3A_249 : vector<16xf32>
      %get3A_251 = arith.index_cast %mul3A_245 : i32 to index
      %get3A_252 = tpu.vector_load %arg10[%get3A_251] {strides = array<i32>} : memref<640xf32, #tpu.memory_space<vmem>>, vector<16xf32>,
      %mul3A_253 = arith.constant 0.0430467203 : f32
      %mul3A_254 = vector.broadcast %mul3A_253 : f32 to vector<16xf32>
      %mul3A_255 = arith.mulf %mul3A_254, %mul3A_250 : vector<16xf32>
      %add3A_256 = arith.addf %get3A_252, %mul3A_255 : vector<16xf32>
      %swap3A_257 = arith.index_cast %mul3A_245 : i32 to index
      %swap3A_258 = tpu.vector_load %arg10[%swap3A_257] {strides = array<i32>} : memref<640xf32, #tpu.memory_space<vmem>>, vector<16xf32>,
      tpu.vector_store %arg10[%swap3A_257], %add3A_256 {strides = array<i32>} : memref<640xf32, #tpu.memory_space<vmem>>, vector<16xf32>,
      %get3A_259 = arith.index_cast %mul3A_245 : i32 to index
      %get3A_260 = tpu.vector_load %arg9[%get3A_259] {strides = array<i32>} : memref<640xf32, #tpu.memory_space<vmem>>, vector<16xf32>,
      %mul3A_261 = arith.mulf %mul3A_250, %get3A_260 : vector<16xf32>
      %swap3A_262 = arith.index_cast %mul3A_245 : i32 to index
      %swap3A_263 = tpu.vector_load %arg11[%swap3A_262] {strides = array<i32>} : memref<640xf32, #tpu.memory_space<vmem>>, vector<16xf32>,
      tpu.vector_store %arg11[%swap3A_262], %mul3A_261 {strides = array<i32>} : memref<640xf32, #tpu.memory_space<vmem>>, vector<16xf32>,
      %scan3A_264 = arith.constant 0 : i32
      %scan3A_265 = arith.constant 3 : i32
      %scan3A_266 = arith.addi %scan3A_199, %scan3A_265 : i32
      %mul3A_267 = arith.constant 16 : i32
      %mul3A_268 = arith.muli %scan3A_266, %mul3A_267 : i32
      %get3A_269 = arith.index_cast %mul3A_268 : i32 to index
      %get3A_270 = tpu.vector_load %arg8[%get3A_269] {strides = array<i32>} : memref<640xf32, #tpu.memory_space<vmem>>, vector<16xf32>,
      %get3A_271 = arith.index_cast %mul3A_268 : i32 to index
      %get3A_272 = tpu.vector_load %arg9[%get3A_271] {strides = array<i32>} : memref<640xf32, #tpu.memory_space<vmem>>, vector<16xf32>,
      %mul3A_273 = arith.mulf %get3A_270, %get3A_272 : vector<16xf32>
      %get3A_274 = arith.index_cast %mul3A_268 : i32 to index
      %get3A_275 = tpu.vector_load %arg10[%get3A_274] {strides = array<i32>} : memref<640xf32, #tpu.memory_space<vmem>>, vector<16xf32>,
      %mul3A_276 = arith.constant 0.0430467203 : f32
      %mul3A_277 = vector.broadcast %mul3A_276 : f32 to vector<16xf32>
      %mul3A_278 = arith.mulf %mul3A_277, %mul3A_273 : vector<16xf32>
      %add3A_279 = arith.addf %get3A_275, %mul3A_278 : vector<16xf32>
      %swap3A_280 = arith.index_cast %mul3A_268 : i32 to index
      %swap3A_281 = tpu.vector_load %arg10[%swap3A_280] {strides = array<i32>} : memref<640xf32, #tpu.memory_space<vmem>>, vector<16xf32>,
      tpu.vector_store %arg10[%swap3A_280], %add3A_279 {strides = array<i32>} : memref<640xf32, #tpu.memory_space<vmem>>, vector<16xf32>,
      %get3A_282 = arith.index_cast %mul3A_268 : i32 to index
      %get3A_283 = tpu.vector_load %arg9[%get3A_282] {strides = array<i32>} : memref<640xf32, #tpu.memory_space<vmem>>, vector<16xf32>,
      %mul3A_284 = arith.mulf %mul3A_273, %get3A_283 : vector<16xf32>
      %swap3A_285 = arith.index_cast %mul3A_268 : i32 to index
      %swap3A_286 = tpu.vector_load %arg11[%swap3A_285] {strides = array<i32>} : memref<640xf32, #tpu.memory_space<vmem>>, vector<16xf32>,
      tpu.vector_store %arg11[%swap3A_285], %mul3A_284 {strides = array<i32>} : memref<640xf32, #tpu.memory_space<vmem>>, vector<16xf32>,
      %scan3A_287 = arith.constant 0 : i32
      scf.yield %scan3A_287 : i32
    }
    %scan3A_159 = arith.constant 40 : i32
    "tpu.region"() ({
      %run_scoped3A_199 = tpu.sem_alloc : memref<!tpu.dma_semaphore, #tpu.memory_space<semaphore_mem>>
      %dma_start3A = tpu.memref_slice %arg14[%mul3A_2] : memref<10240xf32, #tpu.memory_space<vmem_shared>> -> memref<640xf32, #tpu.memory_space<vmem_shared>>
      %dma_start3A_200 = tpu.memref_slice %arg14[%mul3A_2] : memref<10240xf32, #tpu.memory_space<vmem_shared>> -> memref<640xf32, #tpu.memory_space<vmem_shared>>
      tpu.enqueue_dma source(%arg11 : memref<640xf32, #tpu.memory_space<vmem>>) target(%dma_start3A_200 : memref<640xf32, #tpu.memory_space<vmem_shared>>) target_semaphore(%run_scoped3A_199 : memref<!tpu.dma_semaphore, #tpu.memory_space<semaphore_mem>>)
      %dma_wait3A = tpu.memref_slice %arg14[%mul3A_2] : memref<10240xf32, #tpu.memory_space<vmem_shared>> -> memref<640xf32, #tpu.memory_space<vmem_shared>>
      %dma_wait3A_201 = tpu.memref_slice %arg14[%mul3A_2] : memref<10240xf32, #tpu.memory_space<vmem_shared>> -> memref<640xf32, #tpu.memory_space<vmem_shared>>
      tpu.wait_dma2 semaphore(%run_scoped3A_199 : memref<!tpu.dma_semaphore, #tpu.memory_space<semaphore_mem>>) src(%arg11 : memref<640xf32, #tpu.memory_space<vmem>>) dst(%dma_wait3A_201 : memref<640xf32, #tpu.memory_space<vmem_shared>>)
      tpu.yield
    }) : () -> ()
    "tpu.region"() ({
      %run_scoped3A_199 = tpu.sem_alloc : memref<!tpu.dma_semaphore, #tpu.memory_space<semaphore_mem>>
      %dma_start3A = tpu.memref_slice %arg13[%mul3A_2] : memref<10240xf32, #tpu.memory_space<vmem_shared>> -> memref<640xf32, #tpu.memory_space<vmem_shared>>
      %dma_start3A_200 = tpu.memref_slice %arg13[%mul3A_2] : memref<10240xf32, #tpu.memory_space<vmem_shared>> -> memref<640xf32, #tpu.memory_space<vmem_shared>>
      tpu.enqueue_dma source(%arg12 : memref<640xf32, #tpu.memory_space<vmem>>) target(%dma_start3A_200 : memref<640xf32, #tpu.memory_space<vmem_shared>>) target_semaphore(%run_scoped3A_199 : memref<!tpu.dma_semaphore, #tpu.memory_space<semaphore_mem>>)
      %dma_wait3A = tpu.memref_slice %arg13[%mul3A_2] : memref<10240xf32, #tpu.memory_space<vmem_shared>> -> memref<640xf32, #tpu.memory_space<vmem_shared>>
      %dma_wait3A_201 = tpu.memref_slice %arg13[%mul3A_2] : memref<10240xf32, #tpu.memory_space<vmem_shared>> -> memref<640xf32, #tpu.memory_space<vmem_shared>>
      tpu.wait_dma2 semaphore(%run_scoped3A_199 : memref<!tpu.dma_semaphore, #tpu.memory_space<semaphore_mem>>) src(%arg12 : memref<640xf32, #tpu.memory_space<vmem>>) dst(%dma_wait3A_201 : memref<640xf32, #tpu.memory_space<vmem_shared>>)
      tpu.yield
    }) : () -> ()
    %barrier3A_160 = arith.constant 0 : index
    tpu.barrier barrier_id(%barrier3A_160)
    "tpu.region"() ({
      %run_scoped3A_199 = tpu.sem_alloc : memref<!tpu.dma_semaphore, #tpu.memory_space<semaphore_mem>>
      tpu.enqueue_dma source(%arg14 : memref<10240xf32, #tpu.memory_space<vmem_shared>>) target(%arg7 : memref<10240xf32, #tpu.memory_space<vmem>>) target_semaphore(%run_scoped3A_199 : memref<!tpu.dma_semaphore, #tpu.memory_space<semaphore_mem>>)
      tpu.wait_dma2 semaphore(%run_scoped3A_199 : memref<!tpu.dma_semaphore, #tpu.memory_space<semaphore_mem>>) src(%arg14 : memref<10240xf32, #tpu.memory_space<vmem_shared>>) dst(%arg7 : memref<10240xf32, #tpu.memory_space<vmem>>)
      tpu.yield
    }) : () -> ()
    %scan3A_161 = arith.constant 0 : i32
    %scan3A_162 = arith.constant 0 : i32
    %scan3A_163 = arith.constant 80 : i32
    %scan3A_164 = arith.addi %scan3A_162, %scan3A_163 : i32
    %scan3A_165 = arith.constant 1 : i32
    %scan3A_166 = scf.for %scan3A_199 = %scan3A_162 to %scan3A_164 step %scan3A_165 iter_args(%scan3A_200 = %scan3A_161) -> (i32)  : i32 {
      %get3A = arith.index_cast %scan3A_199 : i32 to index
      %get3A_201 = arith.constant 0 : index
      %get3A_202 = tpu.vector_load %arg5[%get3A, %get3A_201] {strides = array<i32>} : memref<80x128xi32, #tpu.memory_space<vmem>>, vector<16xi32>,
      %gather3A = tpu.vector_load_idx %arg7[%get3A_202] : memref<10240xf32, #tpu.memory_space<vmem>>[vector<16xi32>], vector<16xf32>,
      %swap3A = arith.index_cast %scan3A_199 : i32 to index
      %swap3A_203 = arith.constant 0 : index
      %swap3A_204 = tpu.vector_load %arg6[%swap3A, %swap3A_203] {strides = array<i32>} : memref<80x128xf32, #tpu.memory_space<vmem>>, vector<16xf32>,
      tpu.vector_store %arg6[%swap3A, %swap3A_203], %gather3A {strides = array<i32>} : memref<80x128xf32, #tpu.memory_space<vmem>>, vector<16xf32>,
      %get3A_205 = arith.index_cast %scan3A_199 : i32 to index
      %get3A_206 = arith.constant 16 : index
      %get3A_207 = tpu.vector_load %arg5[%get3A_205, %get3A_206] {strides = array<i32>} : memref<80x128xi32, #tpu.memory_space<vmem>>, vector<16xi32>,
      %gather3A_208 = tpu.vector_load_idx %arg7[%get3A_207] : memref<10240xf32, #tpu.memory_space<vmem>>[vector<16xi32>], vector<16xf32>,
      %swap3A_209 = arith.index_cast %scan3A_199 : i32 to index
      %swap3A_210 = arith.constant 16 : index
      %swap3A_211 = tpu.vector_load %arg6[%swap3A_209, %swap3A_210] {strides = array<i32>} : memref<80x128xf32, #tpu.memory_space<vmem>>, vector<16xf32>,
      tpu.vector_store %arg6[%swap3A_209, %swap3A_210], %gather3A_208 {strides = array<i32>} : memref<80x128xf32, #tpu.memory_space<vmem>>, vector<16xf32>,
      %get3A_212 = arith.index_cast %scan3A_199 : i32 to index
      %get3A_213 = arith.constant 32 : index
      %get3A_214 = tpu.vector_load %arg5[%get3A_212, %get3A_213] {strides = array<i32>} : memref<80x128xi32, #tpu.memory_space<vmem>>, vector<16xi32>,
      %gather3A_215 = tpu.vector_load_idx %arg7[%get3A_214] : memref<10240xf32, #tpu.memory_space<vmem>>[vector<16xi32>], vector<16xf32>,
      %swap3A_216 = arith.index_cast %scan3A_199 : i32 to index
      %swap3A_217 = arith.constant 32 : index
      %swap3A_218 = tpu.vector_load %arg6[%swap3A_216, %swap3A_217] {strides = array<i32>} : memref<80x128xf32, #tpu.memory_space<vmem>>, vector<16xf32>,
      tpu.vector_store %arg6[%swap3A_216, %swap3A_217], %gather3A_215 {strides = array<i32>} : memref<80x128xf32, #tpu.memory_space<vmem>>, vector<16xf32>,
      %get3A_219 = arith.index_cast %scan3A_199 : i32 to index
      %get3A_220 = arith.constant 48 : index
      %get3A_221 = tpu.vector_load %arg5[%get3A_219, %get3A_220] {strides = array<i32>} : memref<80x128xi32, #tpu.memory_space<vmem>>, vector<16xi32>,
      %gather3A_222 = tpu.vector_load_idx %arg7[%get3A_221] : memref<10240xf32, #tpu.memory_space<vmem>>[vector<16xi32>], vector<16xf32>,
      %swap3A_223 = arith.index_cast %scan3A_199 : i32 to index
      %swap3A_224 = arith.constant 48 : index
      %swap3A_225 = tpu.vector_load %arg6[%swap3A_223, %swap3A_224] {strides = array<i32>} : memref<80x128xf32, #tpu.memory_space<vmem>>, vector<16xf32>,
      tpu.vector_store %arg6[%swap3A_223, %swap3A_224], %gather3A_222 {strides = array<i32>} : memref<80x128xf32, #tpu.memory_space<vmem>>, vector<16xf32>,
      %get3A_226 = arith.index_cast %scan3A_199 : i32 to index
      %get3A_227 = arith.constant 64 : index
      %get3A_228 = tpu.vector_load %arg5[%get3A_226, %get3A_227] {strides = array<i32>} : memref<80x128xi32, #tpu.memory_space<vmem>>, vector<16xi32>,
      %gather3A_229 = tpu.vector_load_idx %arg7[%get3A_228] : memref<10240xf32, #tpu.memory_space<vmem>>[vector<16xi32>], vector<16xf32>,
      %swap3A_230 = arith.index_cast %scan3A_199 : i32 to index
      %swap3A_231 = arith.constant 64 : index
      %swap3A_232 = tpu.vector_load %arg6[%swap3A_230, %swap3A_231] {strides = array<i32>} : memref<80x128xf32, #tpu.memory_space<vmem>>, vector<16xf32>,
      tpu.vector_store %arg6[%swap3A_230, %swap3A_231], %gather3A_229 {strides = array<i32>} : memref<80x128xf32, #tpu.memory_space<vmem>>, vector<16xf32>,
      %get3A_233 = arith.index_cast %scan3A_199 : i32 to index
      %get3A_234 = arith.constant 80 : index
      %get3A_235 = tpu.vector_load %arg5[%get3A_233, %get3A_234] {strides = array<i32>} : memref<80x128xi32, #tpu.memory_space<vmem>>, vector<16xi32>,
      %gather3A_236 = tpu.vector_load_idx %arg7[%get3A_235] : memref<10240xf32, #tpu.memory_space<vmem>>[vector<16xi32>], vector<16xf32>,
      %swap3A_237 = arith.index_cast %scan3A_199 : i32 to index
      %swap3A_238 = arith.constant 80 : index
      %swap3A_239 = tpu.vector_load %arg6[%swap3A_237, %swap3A_238] {strides = array<i32>} : memref<80x128xf32, #tpu.memory_space<vmem>>, vector<16xf32>,
      tpu.vector_store %arg6[%swap3A_237, %swap3A_238], %gather3A_236 {strides = array<i32>} : memref<80x128xf32, #tpu.memory_space<vmem>>, vector<16xf32>,
      %get3A_240 = arith.index_cast %scan3A_199 : i32 to index
      %get3A_241 = arith.constant 96 : index
      %get3A_242 = tpu.vector_load %arg5[%get3A_240, %get3A_241] {strides = array<i32>} : memref<80x128xi32, #tpu.memory_space<vmem>>, vector<16xi32>,
      %gather3A_243 = tpu.vector_load_idx %arg7[%get3A_242] : memref<10240xf32, #tpu.memory_space<vmem>>[vector<16xi32>], vector<16xf32>,
      %swap3A_244 = arith.index_cast %scan3A_199 : i32 to index
      %swap3A_245 = arith.constant 96 : index
      %swap3A_246 = tpu.vector_load %arg6[%swap3A_244, %swap3A_245] {strides = array<i32>} : memref<80x128xf32, #tpu.memory_space<vmem>>, vector<16xf32>,
      tpu.vector_store %arg6[%swap3A_244, %swap3A_245], %gather3A_243 {strides = array<i32>} : memref<80x128xf32, #tpu.memory_space<vmem>>, vector<16xf32>,
      %get3A_247 = arith.index_cast %scan3A_199 : i32 to index
      %get3A_248 = arith.constant 112 : index
      %get3A_249 = tpu.vector_load %arg5[%get3A_247, %get3A_248] {strides = array<i32>} : memref<80x128xi32, #tpu.memory_space<vmem>>, vector<16xi32>,
      %gather3A_250 = tpu.vector_load_idx %arg7[%get3A_249] : memref<10240xf32, #tpu.memory_space<vmem>>[vector<16xi32>], vector<16xf32>,
      %swap3A_251 = arith.index_cast %scan3A_199 : i32 to index
      %swap3A_252 = arith.constant 112 : index
      %swap3A_253 = tpu.vector_load %arg6[%swap3A_251, %swap3A_252] {strides = array<i32>} : memref<80x128xf32, #tpu.memory_space<vmem>>, vector<16xf32>,
      tpu.vector_store %arg6[%swap3A_251, %swap3A_252], %gather3A_250 {strides = array<i32>} : memref<80x128xf32, #tpu.memory_space<vmem>>, vector<16xf32>,
      %dma_start3A = arith.constant 0 : i32
      %dma_start3A_254 = tpu.memref_slice %arg6[%scan3A_199, %dma_start3A] : memref<80x128xf32, #tpu.memory_space<vmem>> -> memref<1x128xf32, #tpu.memory_space<vmem>>
      %dma_start3A_255 = tpu.memref_squeeze %dma_start3A_254 : memref<1x128xf32, #tpu.memory_space<vmem>> -> memref<128xf32, #tpu.memory_space<vmem>>
      %dma_start3A_256 = arith.constant 0 : i32
      %dma_start3A_257 = tpu.memref_slice %arg4[%scan3A_199, %dma_start3A_256] : memref<80x128xi32, #tpu.memory_space<vmem>> -> memref<1x128xi32, #tpu.memory_space<vmem>>
      %dma_start3A_258 = tpu.memref_squeeze %dma_start3A_257 : memref<1x128xi32, #tpu.memory_space<vmem>> -> memref<128xi32, #tpu.memory_space<vmem>>
      %dma_start3A_259 = arith.constant 0 : i32
      %dma_start3A_260 = tpu.memref_slice %arg13[%dma_start3A_259] : memref<10240xf32, #tpu.memory_space<vmem_shared>> -> memref<10240xf32, #tpu.memory_space<vmem_shared>>
      tpu.enqueue_indirect_dma source(%dma_start3A_255 : memref<128xf32, #tpu.memory_space<vmem>>) target(%dma_start3A_260 : memref<10240xf32, #tpu.memory_space<vmem_shared>>) offsets(%dma_start3A_258 : memref<128xi32, #tpu.memory_space<vmem>>) semaphore(%arg15 : memref<!tpu.dma_semaphore, #tpu.memory_space<semaphore_mem>>) {add = true}
      %scan3A_261 = arith.constant 0 : i32
      scf.yield %scan3A_261 : i32
    }
    %scan3A_167 = arith.constant 80 : i32
    tpu.wait_dma2 semaphore(%arg15 : memref<!tpu.dma_semaphore, #tpu.memory_space<semaphore_mem>>) src(%arg3 : memref<10240xf32, #tpu.memory_space<hbm>>) dst(%arg7 : memref<10240xf32, #tpu.memory_space<vmem>>)
    %barrier3A_168 = arith.constant 0 : index
    tpu.barrier barrier_id(%barrier3A_168)
    "tpu.region"() ({
      %run_scoped3A_199 = tpu.sem_alloc : memref<!tpu.dma_semaphore, #tpu.memory_space<semaphore_mem>>
      %dma_start3A = tpu.memref_slice %arg13[%mul3A_2] : memref<10240xf32, #tpu.memory_space<vmem_shared>> -> memref<640xf32, #tpu.memory_space<vmem_shared>>
      %dma_start3A_200 = tpu.memref_slice %arg13[%mul3A_2] : memref<10240xf32, #tpu.memory_space<vmem_shared>> -> memref<640xf32, #tpu.memory_space<vmem_shared>>
      tpu.enqueue_dma source(%dma_start3A_200 : memref<640xf32, #tpu.memory_space<vmem_shared>>) target(%arg8 : memref<640xf32, #tpu.memory_space<vmem>>) target_semaphore(%run_scoped3A_199 : memref<!tpu.dma_semaphore, #tpu.memory_space<semaphore_mem>>)
      %dma_wait3A = tpu.memref_slice %arg13[%mul3A_2] : memref<10240xf32, #tpu.memory_space<vmem_shared>> -> memref<640xf32, #tpu.memory_space<vmem_shared>>
      %dma_wait3A_201 = tpu.memref_slice %arg13[%mul3A_2] : memref<10240xf32, #tpu.memory_space<vmem_shared>> -> memref<640xf32, #tpu.memory_space<vmem_shared>>
      tpu.wait_dma2 semaphore(%run_scoped3A_199 : memref<!tpu.dma_semaphore, #tpu.memory_space<semaphore_mem>>) src(%dma_wait3A_201 : memref<640xf32, #tpu.memory_space<vmem_shared>>) dst(%arg8 : memref<640xf32, #tpu.memory_space<vmem>>)
      tpu.yield
    }) : () -> ()
    %scan3A_169 = arith.constant 0 : i32
    %scan3A_170 = arith.constant 0 : i32
    %scan3A_171 = arith.constant 40 : i32
    %scan3A_172 = arith.addi %scan3A_170, %scan3A_171 : i32
    %scan3A_173 = arith.constant 4 : i32
    %scan3A_174 = scf.for %scan3A_199 = %scan3A_170 to %scan3A_172 step %scan3A_173 iter_args(%scan3A_200 = %scan3A_169) -> (i32)  : i32 {
      %mul3A_201 = arith.constant 16 : i32
      %mul3A_202 = arith.muli %scan3A_199, %mul3A_201 : i32
      %get3A = arith.index_cast %mul3A_202 : i32 to index
      %get3A_203 = tpu.vector_load %arg8[%get3A] {strides = array<i32>} : memref<640xf32, #tpu.memory_space<vmem>>, vector<16xf32>,
      %get3A_204 = arith.index_cast %mul3A_202 : i32 to index
      %get3A_205 = tpu.vector_load %arg9[%get3A_204] {strides = array<i32>} : memref<640xf32, #tpu.memory_space<vmem>>, vector<16xf32>,
      %mul3A_206 = arith.mulf %get3A_203, %get3A_205 : vector<16xf32>
      %get3A_207 = arith.index_cast %mul3A_202 : i32 to index
      %get3A_208 = tpu.vector_load %arg10[%get3A_207] {strides = array<i32>} : memref<640xf32, #tpu.memory_space<vmem>>, vector<16xf32>,
      %mul3A_209 = arith.constant 0.0387420505 : f32
      %mul3A_210 = vector.broadcast %mul3A_209 : f32 to vector<16xf32>
      %mul3A_211 = arith.mulf %mul3A_210, %mul3A_206 : vector<16xf32>
      %add3A = arith.addf %get3A_208, %mul3A_211 : vector<16xf32>
      %swap3A = arith.index_cast %mul3A_202 : i32 to index
      %swap3A_212 = tpu.vector_load %arg10[%swap3A] {strides = array<i32>} : memref<640xf32, #tpu.memory_space<vmem>>, vector<16xf32>,
      tpu.vector_store %arg10[%swap3A], %add3A {strides = array<i32>} : memref<640xf32, #tpu.memory_space<vmem>>, vector<16xf32>,
      %get3A_213 = arith.index_cast %mul3A_202 : i32 to index
      %get3A_214 = tpu.vector_load %arg9[%get3A_213] {strides = array<i32>} : memref<640xf32, #tpu.memory_space<vmem>>, vector<16xf32>,
      %mul3A_215 = arith.mulf %mul3A_206, %get3A_214 : vector<16xf32>
      %swap3A_216 = arith.index_cast %mul3A_202 : i32 to index
      %swap3A_217 = tpu.vector_load %arg11[%swap3A_216] {strides = array<i32>} : memref<640xf32, #tpu.memory_space<vmem>>, vector<16xf32>,
      tpu.vector_store %arg11[%swap3A_216], %mul3A_215 {strides = array<i32>} : memref<640xf32, #tpu.memory_space<vmem>>, vector<16xf32>,
      %scan3A_218 = arith.constant 0 : i32
      %scan3A_219 = arith.constant 1 : i32
      %scan3A_220 = arith.addi %scan3A_199, %scan3A_219 : i32
      %mul3A_221 = arith.constant 16 : i32
      %mul3A_222 = arith.muli %scan3A_220, %mul3A_221 : i32
      %get3A_223 = arith.index_cast %mul3A_222 : i32 to index
      %get3A_224 = tpu.vector_load %arg8[%get3A_223] {strides = array<i32>} : memref<640xf32, #tpu.memory_space<vmem>>, vector<16xf32>,
      %get3A_225 = arith.index_cast %mul3A_222 : i32 to index
      %get3A_226 = tpu.vector_load %arg9[%get3A_225] {strides = array<i32>} : memref<640xf32, #tpu.memory_space<vmem>>, vector<16xf32>,
      %mul3A_227 = arith.mulf %get3A_224, %get3A_226 : vector<16xf32>
      %get3A_228 = arith.index_cast %mul3A_222 : i32 to index
      %get3A_229 = tpu.vector_load %arg10[%get3A_228] {strides = array<i32>} : memref<640xf32, #tpu.memory_space<vmem>>, vector<16xf32>,
      %mul3A_230 = arith.constant 0.0387420505 : f32
      %mul3A_231 = vector.broadcast %mul3A_230 : f32 to vector<16xf32>
      %mul3A_232 = arith.mulf %mul3A_231, %mul3A_227 : vector<16xf32>
      %add3A_233 = arith.addf %get3A_229, %mul3A_232 : vector<16xf32>
      %swap3A_234 = arith.index_cast %mul3A_222 : i32 to index
      %swap3A_235 = tpu.vector_load %arg10[%swap3A_234] {strides = array<i32>} : memref<640xf32, #tpu.memory_space<vmem>>, vector<16xf32>,
      tpu.vector_store %arg10[%swap3A_234], %add3A_233 {strides = array<i32>} : memref<640xf32, #tpu.memory_space<vmem>>, vector<16xf32>,
      %get3A_236 = arith.index_cast %mul3A_222 : i32 to index
      %get3A_237 = tpu.vector_load %arg9[%get3A_236] {strides = array<i32>} : memref<640xf32, #tpu.memory_space<vmem>>, vector<16xf32>,
      %mul3A_238 = arith.mulf %mul3A_227, %get3A_237 : vector<16xf32>
      %swap3A_239 = arith.index_cast %mul3A_222 : i32 to index
      %swap3A_240 = tpu.vector_load %arg11[%swap3A_239] {strides = array<i32>} : memref<640xf32, #tpu.memory_space<vmem>>, vector<16xf32>,
      tpu.vector_store %arg11[%swap3A_239], %mul3A_238 {strides = array<i32>} : memref<640xf32, #tpu.memory_space<vmem>>, vector<16xf32>,
      %scan3A_241 = arith.constant 0 : i32
      %scan3A_242 = arith.constant 2 : i32
      %scan3A_243 = arith.addi %scan3A_199, %scan3A_242 : i32
      %mul3A_244 = arith.constant 16 : i32
      %mul3A_245 = arith.muli %scan3A_243, %mul3A_244 : i32
      %get3A_246 = arith.index_cast %mul3A_245 : i32 to index
      %get3A_247 = tpu.vector_load %arg8[%get3A_246] {strides = array<i32>} : memref<640xf32, #tpu.memory_space<vmem>>, vector<16xf32>,
      %get3A_248 = arith.index_cast %mul3A_245 : i32 to index
      %get3A_249 = tpu.vector_load %arg9[%get3A_248] {strides = array<i32>} : memref<640xf32, #tpu.memory_space<vmem>>, vector<16xf32>,
      %mul3A_250 = arith.mulf %get3A_247, %get3A_249 : vector<16xf32>
      %get3A_251 = arith.index_cast %mul3A_245 : i32 to index
      %get3A_252 = tpu.vector_load %arg10[%get3A_251] {strides = array<i32>} : memref<640xf32, #tpu.memory_space<vmem>>, vector<16xf32>,
      %mul3A_253 = arith.constant 0.0387420505 : f32
      %mul3A_254 = vector.broadcast %mul3A_253 : f32 to vector<16xf32>
      %mul3A_255 = arith.mulf %mul3A_254, %mul3A_250 : vector<16xf32>
      %add3A_256 = arith.addf %get3A_252, %mul3A_255 : vector<16xf32>
      %swap3A_257 = arith.index_cast %mul3A_245 : i32 to index
      %swap3A_258 = tpu.vector_load %arg10[%swap3A_257] {strides = array<i32>} : memref<640xf32, #tpu.memory_space<vmem>>, vector<16xf32>,
      tpu.vector_store %arg10[%swap3A_257], %add3A_256 {strides = array<i32>} : memref<640xf32, #tpu.memory_space<vmem>>, vector<16xf32>,
      %get3A_259 = arith.index_cast %mul3A_245 : i32 to index
      %get3A_260 = tpu.vector_load %arg9[%get3A_259] {strides = array<i32>} : memref<640xf32, #tpu.memory_space<vmem>>, vector<16xf32>,
      %mul3A_261 = arith.mulf %mul3A_250, %get3A_260 : vector<16xf32>
      %swap3A_262 = arith.index_cast %mul3A_245 : i32 to index
      %swap3A_263 = tpu.vector_load %arg11[%swap3A_262] {strides = array<i32>} : memref<640xf32, #tpu.memory_space<vmem>>, vector<16xf32>,
      tpu.vector_store %arg11[%swap3A_262], %mul3A_261 {strides = array<i32>} : memref<640xf32, #tpu.memory_space<vmem>>, vector<16xf32>,
      %scan3A_264 = arith.constant 0 : i32
      %scan3A_265 = arith.constant 3 : i32
      %scan3A_266 = arith.addi %scan3A_199, %scan3A_265 : i32
      %mul3A_267 = arith.constant 16 : i32
      %mul3A_268 = arith.muli %scan3A_266, %mul3A_267 : i32
      %get3A_269 = arith.index_cast %mul3A_268 : i32 to index
      %get3A_270 = tpu.vector_load %arg8[%get3A_269] {strides = array<i32>} : memref<640xf32, #tpu.memory_space<vmem>>, vector<16xf32>,
      %get3A_271 = arith.index_cast %mul3A_268 : i32 to index
      %get3A_272 = tpu.vector_load %arg9[%get3A_271] {strides = array<i32>} : memref<640xf32, #tpu.memory_space<vmem>>, vector<16xf32>,
      %mul3A_273 = arith.mulf %get3A_270, %get3A_272 : vector<16xf32>
      %get3A_274 = arith.index_cast %mul3A_268 : i32 to index
      %get3A_275 = tpu.vector_load %arg10[%get3A_274] {strides = array<i32>} : memref<640xf32, #tpu.memory_space<vmem>>, vector<16xf32>,
      %mul3A_276 = arith.constant 0.0387420505 : f32
      %mul3A_277 = vector.broadcast %mul3A_276 : f32 to vector<16xf32>
      %mul3A_278 = arith.mulf %mul3A_277, %mul3A_273 : vector<16xf32>
      %add3A_279 = arith.addf %get3A_275, %mul3A_278 : vector<16xf32>
      %swap3A_280 = arith.index_cast %mul3A_268 : i32 to index
      %swap3A_281 = tpu.vector_load %arg10[%swap3A_280] {strides = array<i32>} : memref<640xf32, #tpu.memory_space<vmem>>, vector<16xf32>,
      tpu.vector_store %arg10[%swap3A_280], %add3A_279 {strides = array<i32>} : memref<640xf32, #tpu.memory_space<vmem>>, vector<16xf32>,
      %get3A_282 = arith.index_cast %mul3A_268 : i32 to index
      %get3A_283 = tpu.vector_load %arg9[%get3A_282] {strides = array<i32>} : memref<640xf32, #tpu.memory_space<vmem>>, vector<16xf32>,
      %mul3A_284 = arith.mulf %mul3A_273, %get3A_283 : vector<16xf32>
      %swap3A_285 = arith.index_cast %mul3A_268 : i32 to index
      %swap3A_286 = tpu.vector_load %arg11[%swap3A_285] {strides = array<i32>} : memref<640xf32, #tpu.memory_space<vmem>>, vector<16xf32>,
      tpu.vector_store %arg11[%swap3A_285], %mul3A_284 {strides = array<i32>} : memref<640xf32, #tpu.memory_space<vmem>>, vector<16xf32>,
      %scan3A_287 = arith.constant 0 : i32
      scf.yield %scan3A_287 : i32
    }
    %scan3A_175 = arith.constant 40 : i32
    "tpu.region"() ({
      %run_scoped3A_199 = tpu.sem_alloc : memref<!tpu.dma_semaphore, #tpu.memory_space<semaphore_mem>>
      %dma_start3A = tpu.memref_slice %arg14[%mul3A_2] : memref<10240xf32, #tpu.memory_space<vmem_shared>> -> memref<640xf32, #tpu.memory_space<vmem_shared>>
      %dma_start3A_200 = tpu.memref_slice %arg14[%mul3A_2] : memref<10240xf32, #tpu.memory_space<vmem_shared>> -> memref<640xf32, #tpu.memory_space<vmem_shared>>
      tpu.enqueue_dma source(%arg11 : memref<640xf32, #tpu.memory_space<vmem>>) target(%dma_start3A_200 : memref<640xf32, #tpu.memory_space<vmem_shared>>) target_semaphore(%run_scoped3A_199 : memref<!tpu.dma_semaphore, #tpu.memory_space<semaphore_mem>>)
      %dma_wait3A = tpu.memref_slice %arg14[%mul3A_2] : memref<10240xf32, #tpu.memory_space<vmem_shared>> -> memref<640xf32, #tpu.memory_space<vmem_shared>>
      %dma_wait3A_201 = tpu.memref_slice %arg14[%mul3A_2] : memref<10240xf32, #tpu.memory_space<vmem_shared>> -> memref<640xf32, #tpu.memory_space<vmem_shared>>
      tpu.wait_dma2 semaphore(%run_scoped3A_199 : memref<!tpu.dma_semaphore, #tpu.memory_space<semaphore_mem>>) src(%arg11 : memref<640xf32, #tpu.memory_space<vmem>>) dst(%dma_wait3A_201 : memref<640xf32, #tpu.memory_space<vmem_shared>>)
      tpu.yield
    }) : () -> ()
    "tpu.region"() ({
      %run_scoped3A_199 = tpu.sem_alloc : memref<!tpu.dma_semaphore, #tpu.memory_space<semaphore_mem>>
      %dma_start3A = tpu.memref_slice %arg13[%mul3A_2] : memref<10240xf32, #tpu.memory_space<vmem_shared>> -> memref<640xf32, #tpu.memory_space<vmem_shared>>
      %dma_start3A_200 = tpu.memref_slice %arg13[%mul3A_2] : memref<10240xf32, #tpu.memory_space<vmem_shared>> -> memref<640xf32, #tpu.memory_space<vmem_shared>>
      tpu.enqueue_dma source(%arg12 : memref<640xf32, #tpu.memory_space<vmem>>) target(%dma_start3A_200 : memref<640xf32, #tpu.memory_space<vmem_shared>>) target_semaphore(%run_scoped3A_199 : memref<!tpu.dma_semaphore, #tpu.memory_space<semaphore_mem>>)
      %dma_wait3A = tpu.memref_slice %arg13[%mul3A_2] : memref<10240xf32, #tpu.memory_space<vmem_shared>> -> memref<640xf32, #tpu.memory_space<vmem_shared>>
      %dma_wait3A_201 = tpu.memref_slice %arg13[%mul3A_2] : memref<10240xf32, #tpu.memory_space<vmem_shared>> -> memref<640xf32, #tpu.memory_space<vmem_shared>>
      tpu.wait_dma2 semaphore(%run_scoped3A_199 : memref<!tpu.dma_semaphore, #tpu.memory_space<semaphore_mem>>) src(%arg12 : memref<640xf32, #tpu.memory_space<vmem>>) dst(%dma_wait3A_201 : memref<640xf32, #tpu.memory_space<vmem_shared>>)
      tpu.yield
    }) : () -> ()
    %barrier3A_176 = arith.constant 0 : index
    tpu.barrier barrier_id(%barrier3A_176)
    "tpu.region"() ({
      %run_scoped3A_199 = tpu.sem_alloc : memref<!tpu.dma_semaphore, #tpu.memory_space<semaphore_mem>>
      tpu.enqueue_dma source(%arg14 : memref<10240xf32, #tpu.memory_space<vmem_shared>>) target(%arg7 : memref<10240xf32, #tpu.memory_space<vmem>>) target_semaphore(%run_scoped3A_199 : memref<!tpu.dma_semaphore, #tpu.memory_space<semaphore_mem>>)
      tpu.wait_dma2 semaphore(%run_scoped3A_199 : memref<!tpu.dma_semaphore, #tpu.memory_space<semaphore_mem>>) src(%arg14 : memref<10240xf32, #tpu.memory_space<vmem_shared>>) dst(%arg7 : memref<10240xf32, #tpu.memory_space<vmem>>)
      tpu.yield
    }) : () -> ()
    %scan3A_177 = arith.constant 0 : i32
    %scan3A_178 = arith.constant 0 : i32
    %scan3A_179 = arith.constant 80 : i32
    %scan3A_180 = arith.addi %scan3A_178, %scan3A_179 : i32
    %scan3A_181 = arith.constant 1 : i32
    %scan3A_182 = scf.for %scan3A_199 = %scan3A_178 to %scan3A_180 step %scan3A_181 iter_args(%scan3A_200 = %scan3A_177) -> (i32)  : i32 {
      %get3A = arith.index_cast %scan3A_199 : i32 to index
      %get3A_201 = arith.constant 0 : index
      %get3A_202 = tpu.vector_load %arg5[%get3A, %get3A_201] {strides = array<i32>} : memref<80x128xi32, #tpu.memory_space<vmem>>, vector<16xi32>,
      %gather3A = tpu.vector_load_idx %arg7[%get3A_202] : memref<10240xf32, #tpu.memory_space<vmem>>[vector<16xi32>], vector<16xf32>,
      %swap3A = arith.index_cast %scan3A_199 : i32 to index
      %swap3A_203 = arith.constant 0 : index
      %swap3A_204 = tpu.vector_load %arg6[%swap3A, %swap3A_203] {strides = array<i32>} : memref<80x128xf32, #tpu.memory_space<vmem>>, vector<16xf32>,
      tpu.vector_store %arg6[%swap3A, %swap3A_203], %gather3A {strides = array<i32>} : memref<80x128xf32, #tpu.memory_space<vmem>>, vector<16xf32>,
      %get3A_205 = arith.index_cast %scan3A_199 : i32 to index
      %get3A_206 = arith.constant 16 : index
      %get3A_207 = tpu.vector_load %arg5[%get3A_205, %get3A_206] {strides = array<i32>} : memref<80x128xi32, #tpu.memory_space<vmem>>, vector<16xi32>,
      %gather3A_208 = tpu.vector_load_idx %arg7[%get3A_207] : memref<10240xf32, #tpu.memory_space<vmem>>[vector<16xi32>], vector<16xf32>,
      %swap3A_209 = arith.index_cast %scan3A_199 : i32 to index
      %swap3A_210 = arith.constant 16 : index
      %swap3A_211 = tpu.vector_load %arg6[%swap3A_209, %swap3A_210] {strides = array<i32>} : memref<80x128xf32, #tpu.memory_space<vmem>>, vector<16xf32>,
      tpu.vector_store %arg6[%swap3A_209, %swap3A_210], %gather3A_208 {strides = array<i32>} : memref<80x128xf32, #tpu.memory_space<vmem>>, vector<16xf32>,
      %get3A_212 = arith.index_cast %scan3A_199 : i32 to index
      %get3A_213 = arith.constant 32 : index
      %get3A_214 = tpu.vector_load %arg5[%get3A_212, %get3A_213] {strides = array<i32>} : memref<80x128xi32, #tpu.memory_space<vmem>>, vector<16xi32>,
      %gather3A_215 = tpu.vector_load_idx %arg7[%get3A_214] : memref<10240xf32, #tpu.memory_space<vmem>>[vector<16xi32>], vector<16xf32>,
      %swap3A_216 = arith.index_cast %scan3A_199 : i32 to index
      %swap3A_217 = arith.constant 32 : index
      %swap3A_218 = tpu.vector_load %arg6[%swap3A_216, %swap3A_217] {strides = array<i32>} : memref<80x128xf32, #tpu.memory_space<vmem>>, vector<16xf32>,
      tpu.vector_store %arg6[%swap3A_216, %swap3A_217], %gather3A_215 {strides = array<i32>} : memref<80x128xf32, #tpu.memory_space<vmem>>, vector<16xf32>,
      %get3A_219 = arith.index_cast %scan3A_199 : i32 to index
      %get3A_220 = arith.constant 48 : index
      %get3A_221 = tpu.vector_load %arg5[%get3A_219, %get3A_220] {strides = array<i32>} : memref<80x128xi32, #tpu.memory_space<vmem>>, vector<16xi32>,
      %gather3A_222 = tpu.vector_load_idx %arg7[%get3A_221] : memref<10240xf32, #tpu.memory_space<vmem>>[vector<16xi32>], vector<16xf32>,
      %swap3A_223 = arith.index_cast %scan3A_199 : i32 to index
      %swap3A_224 = arith.constant 48 : index
      %swap3A_225 = tpu.vector_load %arg6[%swap3A_223, %swap3A_224] {strides = array<i32>} : memref<80x128xf32, #tpu.memory_space<vmem>>, vector<16xf32>,
      tpu.vector_store %arg6[%swap3A_223, %swap3A_224], %gather3A_222 {strides = array<i32>} : memref<80x128xf32, #tpu.memory_space<vmem>>, vector<16xf32>,
      %get3A_226 = arith.index_cast %scan3A_199 : i32 to index
      %get3A_227 = arith.constant 64 : index
      %get3A_228 = tpu.vector_load %arg5[%get3A_226, %get3A_227] {strides = array<i32>} : memref<80x128xi32, #tpu.memory_space<vmem>>, vector<16xi32>,
      %gather3A_229 = tpu.vector_load_idx %arg7[%get3A_228] : memref<10240xf32, #tpu.memory_space<vmem>>[vector<16xi32>], vector<16xf32>,
      %swap3A_230 = arith.index_cast %scan3A_199 : i32 to index
      %swap3A_231 = arith.constant 64 : index
      %swap3A_232 = tpu.vector_load %arg6[%swap3A_230, %swap3A_231] {strides = array<i32>} : memref<80x128xf32, #tpu.memory_space<vmem>>, vector<16xf32>,
      tpu.vector_store %arg6[%swap3A_230, %swap3A_231], %gather3A_229 {strides = array<i32>} : memref<80x128xf32, #tpu.memory_space<vmem>>, vector<16xf32>,
      %get3A_233 = arith.index_cast %scan3A_199 : i32 to index
      %get3A_234 = arith.constant 80 : index
      %get3A_235 = tpu.vector_load %arg5[%get3A_233, %get3A_234] {strides = array<i32>} : memref<80x128xi32, #tpu.memory_space<vmem>>, vector<16xi32>,
      %gather3A_236 = tpu.vector_load_idx %arg7[%get3A_235] : memref<10240xf32, #tpu.memory_space<vmem>>[vector<16xi32>], vector<16xf32>,
      %swap3A_237 = arith.index_cast %scan3A_199 : i32 to index
      %swap3A_238 = arith.constant 80 : index
      %swap3A_239 = tpu.vector_load %arg6[%swap3A_237, %swap3A_238] {strides = array<i32>} : memref<80x128xf32, #tpu.memory_space<vmem>>, vector<16xf32>,
      tpu.vector_store %arg6[%swap3A_237, %swap3A_238], %gather3A_236 {strides = array<i32>} : memref<80x128xf32, #tpu.memory_space<vmem>>, vector<16xf32>,
      %get3A_240 = arith.index_cast %scan3A_199 : i32 to index
      %get3A_241 = arith.constant 96 : index
      %get3A_242 = tpu.vector_load %arg5[%get3A_240, %get3A_241] {strides = array<i32>} : memref<80x128xi32, #tpu.memory_space<vmem>>, vector<16xi32>,
      %gather3A_243 = tpu.vector_load_idx %arg7[%get3A_242] : memref<10240xf32, #tpu.memory_space<vmem>>[vector<16xi32>], vector<16xf32>,
      %swap3A_244 = arith.index_cast %scan3A_199 : i32 to index
      %swap3A_245 = arith.constant 96 : index
      %swap3A_246 = tpu.vector_load %arg6[%swap3A_244, %swap3A_245] {strides = array<i32>} : memref<80x128xf32, #tpu.memory_space<vmem>>, vector<16xf32>,
      tpu.vector_store %arg6[%swap3A_244, %swap3A_245], %gather3A_243 {strides = array<i32>} : memref<80x128xf32, #tpu.memory_space<vmem>>, vector<16xf32>,
      %get3A_247 = arith.index_cast %scan3A_199 : i32 to index
      %get3A_248 = arith.constant 112 : index
      %get3A_249 = tpu.vector_load %arg5[%get3A_247, %get3A_248] {strides = array<i32>} : memref<80x128xi32, #tpu.memory_space<vmem>>, vector<16xi32>,
      %gather3A_250 = tpu.vector_load_idx %arg7[%get3A_249] : memref<10240xf32, #tpu.memory_space<vmem>>[vector<16xi32>], vector<16xf32>,
      %swap3A_251 = arith.index_cast %scan3A_199 : i32 to index
      %swap3A_252 = arith.constant 112 : index
      %swap3A_253 = tpu.vector_load %arg6[%swap3A_251, %swap3A_252] {strides = array<i32>} : memref<80x128xf32, #tpu.memory_space<vmem>>, vector<16xf32>,
      tpu.vector_store %arg6[%swap3A_251, %swap3A_252], %gather3A_250 {strides = array<i32>} : memref<80x128xf32, #tpu.memory_space<vmem>>, vector<16xf32>,
      %dma_start3A = arith.constant 0 : i32
      %dma_start3A_254 = tpu.memref_slice %arg6[%scan3A_199, %dma_start3A] : memref<80x128xf32, #tpu.memory_space<vmem>> -> memref<1x128xf32, #tpu.memory_space<vmem>>
      %dma_start3A_255 = tpu.memref_squeeze %dma_start3A_254 : memref<1x128xf32, #tpu.memory_space<vmem>> -> memref<128xf32, #tpu.memory_space<vmem>>
      %dma_start3A_256 = arith.constant 0 : i32
      %dma_start3A_257 = tpu.memref_slice %arg4[%scan3A_199, %dma_start3A_256] : memref<80x128xi32, #tpu.memory_space<vmem>> -> memref<1x128xi32, #tpu.memory_space<vmem>>
      %dma_start3A_258 = tpu.memref_squeeze %dma_start3A_257 : memref<1x128xi32, #tpu.memory_space<vmem>> -> memref<128xi32, #tpu.memory_space<vmem>>
      %dma_start3A_259 = arith.constant 0 : i32
      %dma_start3A_260 = tpu.memref_slice %arg13[%dma_start3A_259] : memref<10240xf32, #tpu.memory_space<vmem_shared>> -> memref<10240xf32, #tpu.memory_space<vmem_shared>>
      tpu.enqueue_indirect_dma source(%dma_start3A_255 : memref<128xf32, #tpu.memory_space<vmem>>) target(%dma_start3A_260 : memref<10240xf32, #tpu.memory_space<vmem_shared>>) offsets(%dma_start3A_258 : memref<128xi32, #tpu.memory_space<vmem>>) semaphore(%arg15 : memref<!tpu.dma_semaphore, #tpu.memory_space<semaphore_mem>>) {add = true}
      %scan3A_261 = arith.constant 0 : i32
      scf.yield %scan3A_261 : i32
    }
    %scan3A_183 = arith.constant 80 : i32
    tpu.wait_dma2 semaphore(%arg15 : memref<!tpu.dma_semaphore, #tpu.memory_space<semaphore_mem>>) src(%arg3 : memref<10240xf32, #tpu.memory_space<hbm>>) dst(%arg7 : memref<10240xf32, #tpu.memory_space<vmem>>)
    %barrier3A_184 = arith.constant 0 : index
    tpu.barrier barrier_id(%barrier3A_184)
    "tpu.region"() ({
      %run_scoped3A_199 = tpu.sem_alloc : memref<!tpu.dma_semaphore, #tpu.memory_space<semaphore_mem>>
      %dma_start3A = tpu.memref_slice %arg13[%mul3A_2] : memref<10240xf32, #tpu.memory_space<vmem_shared>> -> memref<640xf32, #tpu.memory_space<vmem_shared>>
      %dma_start3A_200 = tpu.memref_slice %arg13[%mul3A_2] : memref<10240xf32, #tpu.memory_space<vmem_shared>> -> memref<640xf32, #tpu.memory_space<vmem_shared>>
      tpu.enqueue_dma source(%dma_start3A_200 : memref<640xf32, #tpu.memory_space<vmem_shared>>) target(%arg8 : memref<640xf32, #tpu.memory_space<vmem>>) target_semaphore(%run_scoped3A_199 : memref<!tpu.dma_semaphore, #tpu.memory_space<semaphore_mem>>)
      %dma_wait3A = tpu.memref_slice %arg13[%mul3A_2] : memref<10240xf32, #tpu.memory_space<vmem_shared>> -> memref<640xf32, #tpu.memory_space<vmem_shared>>
      %dma_wait3A_201 = tpu.memref_slice %arg13[%mul3A_2] : memref<10240xf32, #tpu.memory_space<vmem_shared>> -> memref<640xf32, #tpu.memory_space<vmem_shared>>
      tpu.wait_dma2 semaphore(%run_scoped3A_199 : memref<!tpu.dma_semaphore, #tpu.memory_space<semaphore_mem>>) src(%dma_wait3A_201 : memref<640xf32, #tpu.memory_space<vmem_shared>>) dst(%arg8 : memref<640xf32, #tpu.memory_space<vmem>>)
      tpu.yield
    }) : () -> ()
    %scan3A_185 = arith.constant 0 : i32
    %scan3A_186 = arith.constant 0 : i32
    %scan3A_187 = arith.constant 40 : i32
    %scan3A_188 = arith.addi %scan3A_186, %scan3A_187 : i32
    %scan3A_189 = arith.constant 4 : i32
    %scan3A_190 = scf.for %scan3A_199 = %scan3A_186 to %scan3A_188 step %scan3A_189 iter_args(%scan3A_200 = %scan3A_185) -> (i32)  : i32 {
      %mul3A_201 = arith.constant 16 : i32
      %mul3A_202 = arith.muli %scan3A_199, %mul3A_201 : i32
      %get3A = arith.index_cast %mul3A_202 : i32 to index
      %get3A_203 = tpu.vector_load %arg8[%get3A] {strides = array<i32>} : memref<640xf32, #tpu.memory_space<vmem>>, vector<16xf32>,
      %get3A_204 = arith.index_cast %mul3A_202 : i32 to index
      %get3A_205 = tpu.vector_load %arg9[%get3A_204] {strides = array<i32>} : memref<640xf32, #tpu.memory_space<vmem>>, vector<16xf32>,
      %mul3A_206 = arith.mulf %get3A_203, %get3A_205 : vector<16xf32>
      %get3A_207 = arith.index_cast %mul3A_202 : i32 to index
      %get3A_208 = tpu.vector_load %arg10[%get3A_207] {strides = array<i32>} : memref<640xf32, #tpu.memory_space<vmem>>, vector<16xf32>,
      %mul3A_209 = arith.constant 0.34867844 : f32
      %mul3A_210 = vector.broadcast %mul3A_209 : f32 to vector<16xf32>
      %mul3A_211 = arith.mulf %mul3A_210, %mul3A_206 : vector<16xf32>
      %add3A = arith.addf %get3A_208, %mul3A_211 : vector<16xf32>
      %swap3A = arith.index_cast %mul3A_202 : i32 to index
      %swap3A_212 = tpu.vector_load %arg10[%swap3A] {strides = array<i32>} : memref<640xf32, #tpu.memory_space<vmem>>, vector<16xf32>,
      tpu.vector_store %arg10[%swap3A], %add3A {strides = array<i32>} : memref<640xf32, #tpu.memory_space<vmem>>, vector<16xf32>,
      %get3A_213 = arith.index_cast %mul3A_202 : i32 to index
      %get3A_214 = tpu.vector_load %arg9[%get3A_213] {strides = array<i32>} : memref<640xf32, #tpu.memory_space<vmem>>, vector<16xf32>,
      %mul3A_215 = arith.mulf %mul3A_206, %get3A_214 : vector<16xf32>
      %swap3A_216 = arith.index_cast %mul3A_202 : i32 to index
      %swap3A_217 = tpu.vector_load %arg11[%swap3A_216] {strides = array<i32>} : memref<640xf32, #tpu.memory_space<vmem>>, vector<16xf32>,
      tpu.vector_store %arg11[%swap3A_216], %mul3A_215 {strides = array<i32>} : memref<640xf32, #tpu.memory_space<vmem>>, vector<16xf32>,
      %scan3A_218 = arith.constant 0 : i32
      %scan3A_219 = arith.constant 1 : i32
      %scan3A_220 = arith.addi %scan3A_199, %scan3A_219 : i32
      %mul3A_221 = arith.constant 16 : i32
      %mul3A_222 = arith.muli %scan3A_220, %mul3A_221 : i32
      %get3A_223 = arith.index_cast %mul3A_222 : i32 to index
      %get3A_224 = tpu.vector_load %arg8[%get3A_223] {strides = array<i32>} : memref<640xf32, #tpu.memory_space<vmem>>, vector<16xf32>,
      %get3A_225 = arith.index_cast %mul3A_222 : i32 to index
      %get3A_226 = tpu.vector_load %arg9[%get3A_225] {strides = array<i32>} : memref<640xf32, #tpu.memory_space<vmem>>, vector<16xf32>,
      %mul3A_227 = arith.mulf %get3A_224, %get3A_226 : vector<16xf32>
      %get3A_228 = arith.index_cast %mul3A_222 : i32 to index
      %get3A_229 = tpu.vector_load %arg10[%get3A_228] {strides = array<i32>} : memref<640xf32, #tpu.memory_space<vmem>>, vector<16xf32>,
      %mul3A_230 = arith.constant 0.34867844 : f32
      %mul3A_231 = vector.broadcast %mul3A_230 : f32 to vector<16xf32>
      %mul3A_232 = arith.mulf %mul3A_231, %mul3A_227 : vector<16xf32>
      %add3A_233 = arith.addf %get3A_229, %mul3A_232 : vector<16xf32>
      %swap3A_234 = arith.index_cast %mul3A_222 : i32 to index
      %swap3A_235 = tpu.vector_load %arg10[%swap3A_234] {strides = array<i32>} : memref<640xf32, #tpu.memory_space<vmem>>, vector<16xf32>,
      tpu.vector_store %arg10[%swap3A_234], %add3A_233 {strides = array<i32>} : memref<640xf32, #tpu.memory_space<vmem>>, vector<16xf32>,
      %get3A_236 = arith.index_cast %mul3A_222 : i32 to index
      %get3A_237 = tpu.vector_load %arg9[%get3A_236] {strides = array<i32>} : memref<640xf32, #tpu.memory_space<vmem>>, vector<16xf32>,
      %mul3A_238 = arith.mulf %mul3A_227, %get3A_237 : vector<16xf32>
      %swap3A_239 = arith.index_cast %mul3A_222 : i32 to index
      %swap3A_240 = tpu.vector_load %arg11[%swap3A_239] {strides = array<i32>} : memref<640xf32, #tpu.memory_space<vmem>>, vector<16xf32>,
      tpu.vector_store %arg11[%swap3A_239], %mul3A_238 {strides = array<i32>} : memref<640xf32, #tpu.memory_space<vmem>>, vector<16xf32>,
      %scan3A_241 = arith.constant 0 : i32
      %scan3A_242 = arith.constant 2 : i32
      %scan3A_243 = arith.addi %scan3A_199, %scan3A_242 : i32
      %mul3A_244 = arith.constant 16 : i32
      %mul3A_245 = arith.muli %scan3A_243, %mul3A_244 : i32
      %get3A_246 = arith.index_cast %mul3A_245 : i32 to index
      %get3A_247 = tpu.vector_load %arg8[%get3A_246] {strides = array<i32>} : memref<640xf32, #tpu.memory_space<vmem>>, vector<16xf32>,
      %get3A_248 = arith.index_cast %mul3A_245 : i32 to index
      %get3A_249 = tpu.vector_load %arg9[%get3A_248] {strides = array<i32>} : memref<640xf32, #tpu.memory_space<vmem>>, vector<16xf32>,
      %mul3A_250 = arith.mulf %get3A_247, %get3A_249 : vector<16xf32>
      %get3A_251 = arith.index_cast %mul3A_245 : i32 to index
      %get3A_252 = tpu.vector_load %arg10[%get3A_251] {strides = array<i32>} : memref<640xf32, #tpu.memory_space<vmem>>, vector<16xf32>,
      %mul3A_253 = arith.constant 0.34867844 : f32
      %mul3A_254 = vector.broadcast %mul3A_253 : f32 to vector<16xf32>
      %mul3A_255 = arith.mulf %mul3A_254, %mul3A_250 : vector<16xf32>
      %add3A_256 = arith.addf %get3A_252, %mul3A_255 : vector<16xf32>
      %swap3A_257 = arith.index_cast %mul3A_245 : i32 to index
      %swap3A_258 = tpu.vector_load %arg10[%swap3A_257] {strides = array<i32>} : memref<640xf32, #tpu.memory_space<vmem>>, vector<16xf32>,
      tpu.vector_store %arg10[%swap3A_257], %add3A_256 {strides = array<i32>} : memref<640xf32, #tpu.memory_space<vmem>>, vector<16xf32>,
      %get3A_259 = arith.index_cast %mul3A_245 : i32 to index
      %get3A_260 = tpu.vector_load %arg9[%get3A_259] {strides = array<i32>} : memref<640xf32, #tpu.memory_space<vmem>>, vector<16xf32>,
      %mul3A_261 = arith.mulf %mul3A_250, %get3A_260 : vector<16xf32>
      %swap3A_262 = arith.index_cast %mul3A_245 : i32 to index
      %swap3A_263 = tpu.vector_load %arg11[%swap3A_262] {strides = array<i32>} : memref<640xf32, #tpu.memory_space<vmem>>, vector<16xf32>,
      tpu.vector_store %arg11[%swap3A_262], %mul3A_261 {strides = array<i32>} : memref<640xf32, #tpu.memory_space<vmem>>, vector<16xf32>,
      %scan3A_264 = arith.constant 0 : i32
      %scan3A_265 = arith.constant 3 : i32
      %scan3A_266 = arith.addi %scan3A_199, %scan3A_265 : i32
      %mul3A_267 = arith.constant 16 : i32
      %mul3A_268 = arith.muli %scan3A_266, %mul3A_267 : i32
      %get3A_269 = arith.index_cast %mul3A_268 : i32 to index
      %get3A_270 = tpu.vector_load %arg8[%get3A_269] {strides = array<i32>} : memref<640xf32, #tpu.memory_space<vmem>>, vector<16xf32>,
      %get3A_271 = arith.index_cast %mul3A_268 : i32 to index
      %get3A_272 = tpu.vector_load %arg9[%get3A_271] {strides = array<i32>} : memref<640xf32, #tpu.memory_space<vmem>>, vector<16xf32>,
      %mul3A_273 = arith.mulf %get3A_270, %get3A_272 : vector<16xf32>
      %get3A_274 = arith.index_cast %mul3A_268 : i32 to index
      %get3A_275 = tpu.vector_load %arg10[%get3A_274] {strides = array<i32>} : memref<640xf32, #tpu.memory_space<vmem>>, vector<16xf32>,
      %mul3A_276 = arith.constant 0.34867844 : f32
      %mul3A_277 = vector.broadcast %mul3A_276 : f32 to vector<16xf32>
      %mul3A_278 = arith.mulf %mul3A_277, %mul3A_273 : vector<16xf32>
      %add3A_279 = arith.addf %get3A_275, %mul3A_278 : vector<16xf32>
      %swap3A_280 = arith.index_cast %mul3A_268 : i32 to index
      %swap3A_281 = tpu.vector_load %arg10[%swap3A_280] {strides = array<i32>} : memref<640xf32, #tpu.memory_space<vmem>>, vector<16xf32>,
      tpu.vector_store %arg10[%swap3A_280], %add3A_279 {strides = array<i32>} : memref<640xf32, #tpu.memory_space<vmem>>, vector<16xf32>,
      %get3A_282 = arith.index_cast %mul3A_268 : i32 to index
      %get3A_283 = tpu.vector_load %arg9[%get3A_282] {strides = array<i32>} : memref<640xf32, #tpu.memory_space<vmem>>, vector<16xf32>,
      %mul3A_284 = arith.mulf %mul3A_273, %get3A_283 : vector<16xf32>
      %swap3A_285 = arith.index_cast %mul3A_268 : i32 to index
      %swap3A_286 = tpu.vector_load %arg11[%swap3A_285] {strides = array<i32>} : memref<640xf32, #tpu.memory_space<vmem>>, vector<16xf32>,
      tpu.vector_store %arg11[%swap3A_285], %mul3A_284 {strides = array<i32>} : memref<640xf32, #tpu.memory_space<vmem>>, vector<16xf32>,
      %scan3A_287 = arith.constant 0 : i32
      scf.yield %scan3A_287 : i32
    }
    %scan3A_191 = arith.constant 40 : i32
    %scan3A_192 = arith.constant 0 : i32
    %scan3A_193 = arith.constant 0 : i32
    %scan3A_194 = arith.constant 40 : i32
    %scan3A_195 = arith.addi %scan3A_193, %scan3A_194 : i32
    %scan3A_196 = arith.constant 1 : i32
    %scan3A_197 = scf.for %scan3A_199 = %scan3A_193 to %scan3A_195 step %scan3A_196 iter_args(%scan3A_200 = %scan3A_192) -> (i32)  : i32 {
      %mul3A_201 = arith.constant 16 : i32
      %mul3A_202 = arith.muli %scan3A_199, %mul3A_201 : i32
      %iota3A = tpu.iota {dimensions = array<i32: 0>} : vector<16xi32>
      %mul3A_203 = arith.constant 16 : i32
      %mul3A_204 = arith.muli %scan3A_199, %mul3A_203 : i32
      %add3A = arith.addi %mul3A_2, %mul3A_204 : i32
      %add3A_205 = vector.broadcast %add3A : i32 to vector<16xi32>
      %add3A_206 = arith.addi %iota3A, %add3A_205 : vector<16xi32>
      %lt3A = arith.constant 10000 : i32
      %lt3A_207 = vector.broadcast %lt3A : i32 to vector<16xi32>
      %lt3A_208 = arith.cmpi slt, %add3A_206, %lt3A_207 : vector<16xi32>
      %get3A = arith.index_cast %mul3A_202 : i32 to index
      %get3A_209 = tpu.vector_load %arg10[%get3A] {strides = array<i32>} : memref<640xf32, #tpu.memory_space<vmem>>, vector<16xf32>,
      %jit3A = arith.constant 0.000000e+00 : f32
      %broadcast_in_dim3A = vector.broadcast %jit3A : f32 to vector<16xf32>
      %select_n3A = arith.select %lt3A_208, %get3A_209, %broadcast_in_dim3A : vector<16xi1>, vector<16xf32>
      %swap3A = arith.index_cast %mul3A_202 : i32 to index
      %swap3A_210 = tpu.vector_load %arg10[%swap3A] {strides = array<i32>} : memref<640xf32, #tpu.memory_space<vmem>>, vector<16xf32>,
      tpu.vector_store %arg10[%swap3A], %select_n3A {strides = array<i32>} : memref<640xf32, #tpu.memory_space<vmem>>, vector<16xf32>,
      %scan3A_211 = arith.constant 0 : i32
      scf.yield %scan3A_211 : i32
    }
    %scan3A_198 = arith.constant 40 : i32
    "tpu.region"() ({
      %run_scoped3A_199 = tpu.sem_alloc : memref<!tpu.dma_semaphore, #tpu.memory_space<semaphore_mem>>
      %dma_start3A = tpu.memref_slice %arg3[%mul3A_2] : memref<10240xf32, #tpu.memory_space<hbm>> -> memref<640xf32, #tpu.memory_space<hbm>>
      %dma_start3A_200 = tpu.memref_slice %arg3[%mul3A_2] : memref<10240xf32, #tpu.memory_space<hbm>> -> memref<640xf32, #tpu.memory_space<hbm>>
      tpu.enqueue_dma source(%arg10 : memref<640xf32, #tpu.memory_space<vmem>>) target(%dma_start3A_200 : memref<640xf32, #tpu.memory_space<hbm>>) target_semaphore(%run_scoped3A_199 : memref<!tpu.dma_semaphore, #tpu.memory_space<semaphore_mem>>)
      %dma_wait3A = tpu.memref_slice %arg3[%mul3A_2] : memref<10240xf32, #tpu.memory_space<hbm>> -> memref<640xf32, #tpu.memory_space<hbm>>
      %dma_wait3A_201 = tpu.memref_slice %arg3[%mul3A_2] : memref<10240xf32, #tpu.memory_space<hbm>> -> memref<640xf32, #tpu.memory_space<hbm>>
      tpu.wait_dma2 semaphore(%run_scoped3A_199 : memref<!tpu.dma_semaphore, #tpu.memory_space<semaphore_mem>>) src(%arg10 : memref<640xf32, #tpu.memory_space<vmem>>) dst(%dma_wait3A_201 : memref<640xf32, #tpu.memory_space<hbm>>)
      tpu.yield
    }) : () -> ()
    return
  }
}

module attributes {stable_mosaic.version = 14 : i64} {
  func.func @_tc_mlp_body(%arg0: i32, %arg1: memref<1024x256xf32, #tpu.memory_space<vmem>>, %arg2: memref<256x256xf32, #tpu.memory_space<vmem>>, %arg3: memref<1x256xf32, #tpu.memory_space<vmem>>, %arg4: memref<256x256xf32, #tpu.memory_space<vmem>>, %arg5: memref<1x256xf32, #tpu.memory_space<vmem>>, %arg6: memref<256x256xf32, #tpu.memory_space<vmem>>, %arg7: memref<1x256xf32, #tpu.memory_space<vmem>>, %arg8: memref<256x10xf32, #tpu.memory_space<vmem>>, %arg9: memref<1024x10xf32, #tpu.memory_space<vmem>>) attributes {dimension_semantics = [#tpu.dimension_semantics<arbitrary>], iteration_bounds = array<i64: 10>, scalar_prefetch = 0 : i64, scratch_operands = 0 : i64, tpu.core_type = #tpu.core_type<tc>, window_params = [{transform_indices = @transform_0, window_bounds = array<i64: 1024, 256>}, {pipeline_mode = #tpu.pipeline_mode<synchronous>, transform_indices = @transform_1, window_bounds = array<i64: 256, 256>}, {pipeline_mode = #tpu.pipeline_mode<synchronous>, transform_indices = @transform_2, window_bounds = array<i64: 1, 256>}, {pipeline_mode = #tpu.pipeline_mode<synchronous>, transform_indices = @transform_3, window_bounds = array<i64: 256, 256>}, {pipeline_mode = #tpu.pipeline_mode<synchronous>, transform_indices = @transform_4, window_bounds = array<i64: 1, 256>}, {pipeline_mode = #tpu.pipeline_mode<synchronous>, transform_indices = @transform_5, window_bounds = array<i64: 256, 256>}, {pipeline_mode = #tpu.pipeline_mode<synchronous>, transform_indices = @transform_6, window_bounds = array<i64: 1, 256>}, {pipeline_mode = #tpu.pipeline_mode<synchronous>, transform_indices = @transform_7, window_bounds = array<i64: 256, 10>}, {transform_indices = @transform_8, window_bounds = array<i64: 1024, 10>}]} {
    %get3A = arith.constant 0 : index
    %get3A_0 = arith.constant 0 : index
    %get3A_1 = vector.load %arg1[%get3A, %get3A_0] : memref<1024x256xf32, #tpu.memory_space<vmem>>, vector<1024x256xf32>
    %get3A_2 = arith.constant 0 : index
    %get3A_3 = arith.constant 0 : index
    %get3A_4 = vector.load %arg2[%get3A_2, %get3A_3] : memref<256x256xf32, #tpu.memory_space<vmem>>, vector<256x256xf32>
    %dot_general3A = arith.constant dense<0.000000e+00> : vector<1024x256xf32>
    %dot_general3A_5 = tpu.matmul %get3A_1, %get3A_4, %dot_general3A {dimension_numbers = #tpu.dot_dimension_numbers<[1], [0], [0], [1], [0, 0, 1, 1], [], []>, transpose_lhs_hint = false} : vector<1024x256xf32>, vector<256x256xf32>, vector<1024x256xf32> -> vector<1024x256xf32>
    %get3A_6 = arith.constant 0 : index
    %get3A_7 = arith.constant 0 : index
    %get3A_8 = vector.load %arg3[%get3A_6, %get3A_7] : memref<1x256xf32, #tpu.memory_space<vmem>>, vector<1x256xf32>
    %add3A = vector.broadcast %get3A_8 : vector<1x256xf32> to vector<1024x256xf32>
    %add3A_9 = arith.addf %dot_general3A_5, %add3A : vector<1024x256xf32>
    %max3A = arith.constant 0.000000e+00 : f32
    %max3A_10 = vector.broadcast %max3A : f32 to vector<1024x256xf32>
    %max3A_11 = arith.maximumf %add3A_9, %max3A_10 : vector<1024x256xf32>
    %get3A_12 = arith.constant 0 : index
    %get3A_13 = arith.constant 0 : index
    %get3A_14 = vector.load %arg4[%get3A_12, %get3A_13] : memref<256x256xf32, #tpu.memory_space<vmem>>, vector<256x256xf32>
    %dot_general3A_15 = arith.constant dense<0.000000e+00> : vector<1024x256xf32>
    %dot_general3A_16 = tpu.matmul %max3A_11, %get3A_14, %dot_general3A_15 {dimension_numbers = #tpu.dot_dimension_numbers<[1], [0], [0], [1], [0, 0, 1, 1], [], []>, transpose_lhs_hint = false} : vector<1024x256xf32>, vector<256x256xf32>, vector<1024x256xf32> -> vector<1024x256xf32>
    %get3A_17 = arith.constant 0 : index
    %get3A_18 = arith.constant 0 : index
    %get3A_19 = vector.load %arg5[%get3A_17, %get3A_18] : memref<1x256xf32, #tpu.memory_space<vmem>>, vector<1x256xf32>
    %add3A_20 = vector.broadcast %get3A_19 : vector<1x256xf32> to vector<1024x256xf32>
    %add3A_21 = arith.addf %dot_general3A_16, %add3A_20 : vector<1024x256xf32>
    %max3A_22 = arith.constant 0.000000e+00 : f32
    %max3A_23 = vector.broadcast %max3A_22 : f32 to vector<1024x256xf32>
    %max3A_24 = arith.maximumf %add3A_21, %max3A_23 : vector<1024x256xf32>
    %get3A_25 = arith.constant 0 : index
    %get3A_26 = arith.constant 0 : index
    %get3A_27 = vector.load %arg6[%get3A_25, %get3A_26] : memref<256x256xf32, #tpu.memory_space<vmem>>, vector<256x256xf32>
    %dot_general3A_28 = arith.constant dense<0.000000e+00> : vector<1024x256xf32>
    %dot_general3A_29 = tpu.matmul %max3A_24, %get3A_27, %dot_general3A_28 {dimension_numbers = #tpu.dot_dimension_numbers<[1], [0], [0], [1], [0, 0, 1, 1], [], []>, transpose_lhs_hint = false} : vector<1024x256xf32>, vector<256x256xf32>, vector<1024x256xf32> -> vector<1024x256xf32>
    %get3A_30 = arith.constant 0 : index
    %get3A_31 = arith.constant 0 : index
    %get3A_32 = vector.load %arg7[%get3A_30, %get3A_31] : memref<1x256xf32, #tpu.memory_space<vmem>>, vector<1x256xf32>
    %add3A_33 = vector.broadcast %get3A_32 : vector<1x256xf32> to vector<1024x256xf32>
    %add3A_34 = arith.addf %dot_general3A_29, %add3A_33 : vector<1024x256xf32>
    %max3A_35 = arith.constant 0.000000e+00 : f32
    %max3A_36 = vector.broadcast %max3A_35 : f32 to vector<1024x256xf32>
    %max3A_37 = arith.maximumf %add3A_34, %max3A_36 : vector<1024x256xf32>
    %get3A_38 = arith.constant 0 : index
    %get3A_39 = arith.constant 0 : index
    %get3A_40 = vector.load %arg8[%get3A_38, %get3A_39] : memref<256x10xf32, #tpu.memory_space<vmem>>, vector<256x10xf32>
    %dot_general3A_41 = arith.constant dense<0.000000e+00> : vector<1024x10xf32>
    %dot_general3A_42 = tpu.matmul %max3A_37, %get3A_40, %dot_general3A_41 {dimension_numbers = #tpu.dot_dimension_numbers<[1], [0], [0], [1], [0, 0, 1, 1], [], []>, transpose_lhs_hint = false} : vector<1024x256xf32>, vector<256x10xf32>, vector<1024x10xf32> -> vector<1024x10xf32>
    %swap3A = arith.constant 0 : index
    %swap3A_43 = arith.constant 0 : index
    %swap3A_44 = vector.load %arg9[%swap3A, %swap3A_43] : memref<1024x10xf32, #tpu.memory_space<vmem>>, vector<1024x10xf32>
    tpu.vector_store %arg9[%swap3A, %swap3A_43], %dot_general3A_42 {strides = array<i32>} : memref<1024x10xf32, #tpu.memory_space<vmem>>, vector<1024x10xf32>,
    return
  }
  func.func @transform_0(%arg0: i32) -> (i32, i32) {
    %c0_i32 = arith.constant 0 : i32
    %c0_i32_0 = arith.constant 0 : i32
    return %arg0, %c0_i32 : i32, i32
  }
  func.func @transform_1(%arg0: i32) -> (i32, i32) {
    %c0_i32 = arith.constant 0 : i32
    %c0_i32_0 = arith.constant 0 : i32
    %c0_i32_1 = arith.constant 0 : i32
    return %c0_i32, %c0_i32_0 : i32, i32
  }
  func.func @transform_2(%arg0: i32) -> (i32, i32) {
    %c0_i32 = arith.constant 0 : i32
    %c0_i32_0 = arith.constant 0 : i32
    %c0_i32_1 = arith.constant 0 : i32
    return %c0_i32, %c0_i32_0 : i32, i32
  }
  func.func @transform_3(%arg0: i32) -> (i32, i32) {
    %c0_i32 = arith.constant 0 : i32
    %c0_i32_0 = arith.constant 0 : i32
    %c0_i32_1 = arith.constant 0 : i32
    return %c0_i32, %c0_i32_0 : i32, i32
  }
  func.func @transform_4(%arg0: i32) -> (i32, i32) {
    %c0_i32 = arith.constant 0 : i32
    %c0_i32_0 = arith.constant 0 : i32
    %c0_i32_1 = arith.constant 0 : i32
    return %c0_i32, %c0_i32_0 : i32, i32
  }
  func.func @transform_5(%arg0: i32) -> (i32, i32) {
    %c0_i32 = arith.constant 0 : i32
    %c0_i32_0 = arith.constant 0 : i32
    %c0_i32_1 = arith.constant 0 : i32
    return %c0_i32, %c0_i32_0 : i32, i32
  }
  func.func @transform_6(%arg0: i32) -> (i32, i32) {
    %c0_i32 = arith.constant 0 : i32
    %c0_i32_0 = arith.constant 0 : i32
    %c0_i32_1 = arith.constant 0 : i32
    return %c0_i32, %c0_i32_0 : i32, i32
  }
  func.func @transform_7(%arg0: i32) -> (i32, i32) {
    %c0_i32 = arith.constant 0 : i32
    %c0_i32_0 = arith.constant 0 : i32
    %c0_i32_1 = arith.constant 0 : i32
    return %c0_i32, %c0_i32_0 : i32, i32
  }
  func.func @transform_8(%arg0: i32) -> (i32, i32) {
    %c0_i32 = arith.constant 0 : i32
    %c0_i32_0 = arith.constant 0 : i32
    return %arg0, %c0_i32 : i32, i32
  }
}

module attributes {stable_mosaic.version = 14 : i64} {
  func.func @_tc_out_body(%arg0: i32, %arg1: memref<1x10240xf32, #tpu.memory_space<vmem>>, %arg2: memref<10240x10xf32, #tpu.memory_space<vmem>>, %arg3: memref<1x10xf32, #tpu.memory_space<vmem>>, %arg4: memref<1x10xf32, #tpu.memory_space<vmem>>) attributes {dimension_semantics = [#tpu.dimension_semantics<arbitrary>], iteration_bounds = array<i64: 1>, scalar_prefetch = 0 : i64, scratch_operands = 0 : i64, tpu.core_type = #tpu.core_type<tc>, window_params = [{pipeline_mode = #tpu.pipeline_mode<synchronous>, transform_indices = @transform_0, window_bounds = array<i64: 1, 10240>}, {pipeline_mode = #tpu.pipeline_mode<synchronous>, transform_indices = @transform_1, window_bounds = array<i64: 10240, 10>}, {pipeline_mode = #tpu.pipeline_mode<synchronous>, transform_indices = @transform_2, window_bounds = array<i64: 1, 10>}, {pipeline_mode = #tpu.pipeline_mode<synchronous>, transform_indices = @transform_3, window_bounds = array<i64: 1, 10>}]} {
    %get3A = arith.constant 0 : index
    %get3A_0 = arith.constant 0 : index
    %get3A_1 = vector.load %arg1[%get3A, %get3A_0] : memref<1x10240xf32, #tpu.memory_space<vmem>>, vector<1x10240xf32>
    %mul3A = arith.constant 9.99999974E-5 : f32
    %mul3A_2 = vector.broadcast %mul3A : f32 to vector<1x10240xf32>
    %mul3A_3 = arith.mulf %get3A_1, %mul3A_2 : vector<1x10240xf32>
    %get3A_4 = arith.constant 0 : index
    %get3A_5 = arith.constant 0 : index
    %get3A_6 = vector.load %arg2[%get3A_4, %get3A_5] : memref<10240x10xf32, #tpu.memory_space<vmem>>, vector<10240x10xf32>
    %dot_general3A = arith.constant dense<0.000000e+00> : vector<1x10xf32>
    %dot_general3A_7 = tpu.matmul %mul3A_3, %get3A_6, %dot_general3A {dimension_numbers = #tpu.dot_dimension_numbers<[1], [0], [0], [1], [0, 0, 1, 1], [], []>, transpose_lhs_hint = false} : vector<1x10240xf32>, vector<10240x10xf32>, vector<1x10xf32> -> vector<1x10xf32>
    %get3A_8 = arith.constant 0 : index
    %get3A_9 = arith.constant 0 : index
    %get3A_10 = vector.load %arg3[%get3A_8, %get3A_9] : memref<1x10xf32, #tpu.memory_space<vmem>>, vector<1x10xf32>
    %add3A = arith.addf %dot_general3A_7, %get3A_10 : vector<1x10xf32>
    %swap3A = arith.constant 0 : index
    %swap3A_11 = arith.constant 0 : index
    %swap3A_12 = vector.load %arg4[%swap3A, %swap3A_11] : memref<1x10xf32, #tpu.memory_space<vmem>>, vector<1x10xf32>
    tpu.vector_store %arg4[%swap3A, %swap3A_11], %add3A {strides = array<i32>} : memref<1x10xf32, #tpu.memory_space<vmem>>, vector<1x10xf32>,
    return
  }
  func.func @transform_0(%arg0: i32) -> (i32, i32) {
    %c0_i32 = arith.constant 0 : i32
    %c0_i32_0 = arith.constant 0 : i32
    %c0_i32_1 = arith.constant 0 : i32
    return %c0_i32, %c0_i32_0 : i32, i32
  }
  func.func @transform_1(%arg0: i32) -> (i32, i32) {
    %c0_i32 = arith.constant 0 : i32
    %c0_i32_0 = arith.constant 0 : i32
    %c0_i32_1 = arith.constant 0 : i32
    return %c0_i32, %c0_i32_0 : i32, i32
  }
  func.func @transform_2(%arg0: i32) -> (i32, i32) {
    %c0_i32 = arith.constant 0 : i32
    %c0_i32_0 = arith.constant 0 : i32
    %c0_i32_1 = arith.constant 0 : i32
    return %c0_i32, %c0_i32_0 : i32, i32
  }
  func.func @transform_3(%arg0: i32) -> (i32, i32) {
    %c0_i32 = arith.constant 0 : i32
    %c0_i32_0 = arith.constant 0 : i32
    %c0_i32_1 = arith.constant 0 : i32
    return %c0_i32, %c0_i32_0 : i32, i32
  }
}

</mosaic_0001>

<sc_bundles>
// kernel: kernel.5.cloned.1.call-start
scs
__scs_entry_jumppad:
0x0: {  	(pc) =	sbr.rel $0x88, $3  }
0x1: {  	(tag) =	ssettag $0x0;
	lr =	simm.s32 $0x1  }
0x2: {  	[smem:$0x3F97] =	sst lr;
	_ =	strace $0xD0000000  }
0x3: {  	_ = 	snop  }
0x4: {  	_ = 	snop  }
0x5: {  	_ = 	snop  }
0x6: {  	_ = 	snop  }
0x7: {  	_ = 	snop  }
__scs_overlays_trampoline_lowered:
0x8: {  	[smem:$0x3FA6] =	sst s0  }
0x9: {  	[smem:$0x3FA7] =	sst s1  }
0xa: {  	[smem:$0x3FA8] =	sst s2  }
0xb: {  	[smem:$0x3FA9] =	sst s3  }
0xc: {  	[smem:$0x3FAA] =	sst s4  }
0xd: {  	[smem:$0x3FAB] =	sst s5  }
0xe: {  	[smem:$0x3FAC] =	sst s6  }
0xf: {  	[smem:$0x3FAD] =	sst s7  }
0x10: {  	[smem:$0x3FAE] =	sst s8  }
0x11: {  	[smem:$0x3FAF] =	sst s9;
	s0 =	simm.s32 @!p0 $0x0  }
0x12: {  	s1 =	sld [smem:$0x3F95];
	s0 =	simm.s32 @p0 $0x1  }
0x13: {  	[smem:$0x3FB0] =	sst s0;
	s0 =	simm.s32 @!p1 $0x0  }
0x14: {  	s2 =	sld [smem:$0x3F94];
	s0 =	simm.s32 @p1 $0x1  }
0x15: {  	[smem:$0x3FB1] =	sst s0;
	s0 =	simm.s32 @!p2 $0x0  }
0x16: {  	s3 =	sld [smem:$0x3FDB];
	s0 =	simm.s32 @p2 $0x1  }
0x17: {  	s4 =	simm.s32 $0x1BF5;
	[smem:$0x3FB3] =	sst s0  }
0x18: {  	s0 =	sld [smem:$0x3F96];
	_ =	swait.ge [sflag:s4], $0x0  }
0x19: {  	s7 =	sld [smem:$0x3F97]  }
0x1a: {  	s8 =	sadd.s32 $0xFFFFE003, lr  }
0x1b: {  	s9 =	sadd.s32 $0xFFFFFEF7, lr;
	s5 =	simm.s32 $0xFFFFFFFF;
	p2 =	slt.u32 s8, $0xFFFFF086  }
0x1c: {  	p1 =	slt.u32 s9, $0xF7A;
	s5 =	simm.s32 @!p2 $0x0  }
0x1d: {  	s5 =	simm.s32 @p1 $0x1;
	p0 =	seq.s32 s7, s2  }
0x1e: {  	s7 =	smul.u32 @!p0 $0xF7A, s2;
	p2 =	seq.s32 @!p0 s5, $0x0  }
0x1f: {  	s9 =	smul.u32 $0xF7A, s1;
	s8 =	simm.s32 @!p0 $0x1BF5;
	p2 =	por !p2, p0  }
0x20: {  	[sflag:s8] =	ssyncset.s32 @!p0 $0xFFFFF086;
	s6 =	sadd.s32 @!p0 s3, s7;
	s7 =	simm.s32 @!p0 $0x108  }
0x21: {  	s3 =	sadd.s32 s3, s9;
	s6 =	sadd.s32 @!p0 $0x88, s6;
	s7 =	simm.s32 @p2 $0x1082  }
0x22: {  	[simem:s7], [sflag:s8] =	dma.local @!p0 [hbm:s6], $0xF7A  }
0x23: {  	s9 =	sor.u32 $0xD0000000, s2;
	s6 =	simm.s32 $0x108;
	_ =	swait.ge @!p0 [sflag:s8], $0x0  }
0x24: {  	s3 =	sadd.s32 $0x88, s3;
	s6 =	simm.s32 @!p1 $0x1082;
	[sflag:s4] =	ssyncset.s32 $0xFFFFF086  }
0x25: {  	[simem:s6], [sflag:s4] =	dma.local [hbm:s3], $0xF7A  }
0x26: {  	[smem:$0x3F97] =	sst s1;
	(tag) =	ssettag s2;
	_ =	strace s9  }
0x27: {  	s1 =	sld [smem:$0x3FA7]  }
0x28: {  	s2 =	sld [smem:$0x3FA8]  }
0x29: {  	s4 =	sld [smem:$0x3FAA]  }
0x2a: {  	p0 =	seq.s32 s5, $0x0;
	s5 =	sld [smem:$0x3FAB]  }
0x2b: {  	s6 =	sld [smem:$0x3FAC]  }
0x2c: {  	s7 =	sld [smem:$0x3FAD]  }
0x2d: {  	s3 =	simm.s32 $0x108;
	s8 =	sld [smem:$0x3FAE]  }
0x2e: {  	s3 =	simm.s32 @!p0 $0x1082;
	s9 =	sld [smem:$0x3FAF]  }
0x2f: {  	lr =	sadd.s32 s0, s3;
	s0 =	sld [smem:$0x3FA6]  }
0x30: {  	s3 =	sld [smem:$0x3FA9]  }
0x31: {  	[smem:$0x3FB2] =	sst s10  }
0x32: {  	s10 =	sld [smem:$0x3FB0];
	_ =	sdelay $0x3  }
0x33: {  	p0 =	seq.s32 s10, $0x1;
	s10 =	sld [smem:$0x3FB2];
	_ =	sdelay $0x3  }
0x34: {  	[smem:$0x3FB2] =	sst s10  }
0x35: {  	s10 =	sld [smem:$0x3FB1];
	_ =	sdelay $0x3  }
0x36: {  	p1 =	seq.s32 s10, $0x1;
	s10 =	sld [smem:$0x3FB2];
	_ =	sdelay $0x3  }
0x37: {  	[smem:$0x3FB2] =	sst s10  }
0x38: {  	s10 =	sld [smem:$0x3FB3]  }
0x39: {  	_ = 	snop;
	(pc) =	sbr.ind lr, $3  }
0x3a: {  	_ = 	snop  }
0x3b: {  	_ = 	snop  }
0x3c: {  	p2 =	seq.s32 s10, $0x1;
	s10 =	sld [smem:$0x3FB2]  }
0x3d: {  	_ =	shalt  }
0x3e: {  	_ =	shalt  }
0x3f: {  	_ =	shalt  }
0x40: {  	_ =	shalt  }
0x41: {  	_ =	shalt  }
0x42: {  	_ =	shalt  }
0x43: {  	_ =	shalt  }
0x44: {  	_ =	shalt  }
0x45: {  	_ =	shalt  }
0x46: {  	_ =	shalt  }
0x47: {  	_ =	shalt  }
0x48: {  	_ =	shalt  }
0x49: {  	_ =	shalt  }
0x4a: {  	_ =	shalt  }
0x4b: {  	_ =	shalt  }
0x4c: {  	_ =	shalt  }
0x4d: {  	_ =	shalt  }
0x4e: {  	_ =	shalt  }
0x4f: {  	_ =	shalt  }
0x50: {  	_ =	shalt  }
0x51: {  	_ =	shalt  }
0x52: {  	_ =	shalt  }
0x53: {  	_ =	shalt  }
0x54: {  	_ =	shalt  }
0x55: {  	_ =	shalt  }
0x56: {  	_ =	shalt  }
0x57: {  	_ =	shalt  }
0x58: {  	_ =	shalt  }
0x59: {  	_ =	shalt  }
0x5a: {  	_ =	shalt  }
0x5b: {  	_ =	shalt  }
0x5c: {  	_ =	shalt  }
0x5d: {  	_ =	shalt  }
0x5e: {  	_ =	shalt  }
0x5f: {  	_ =	shalt  }
0x60: {  	_ =	shalt  }
0x61: {  	_ =	shalt  }
0x62: {  	_ =	shalt  }
0x63: {  	_ =	shalt  }
0x64: {  	_ =	shalt  }
0x65: {  	_ =	shalt  }
0x66: {  	_ =	shalt  }
0x67: {  	_ =	shalt  }
0x68: {  	_ =	shalt  }
0x69: {  	_ =	shalt  }
0x6a: {  	_ =	shalt  }
0x6b: {  	_ =	shalt  }
0x6c: {  	_ =	shalt  }
0x6d: {  	_ =	shalt  }
0x6e: {  	_ =	shalt  }
0x6f: {  	_ =	shalt  }
0x70: {  	_ =	shalt  }
0x71: {  	_ =	shalt  }
0x72: {  	_ =	shalt  }
0x73: {  	_ =	shalt  }
0x74: {  	_ =	shalt  }
0x75: {  	_ =	shalt  }
0x76: {  	_ =	shalt  }
0x77: {  	_ =	shalt  }
0x78: {  	_ =	shalt  }
0x79: {  	_ =	shalt  }
0x7a: {  	_ =	shalt  }
0x7b: {  	_ =	shalt  }
0x7c: {  	_ =	shalt  }
0x7d: {  	_ =	shalt  }
0x7e: {  	_ =	shalt  }
0x7f: {  	_ =	shalt  }
0x80: {  	_ =	shalt  }
0x81: {  	_ =	shalt  }
0x82: {  	_ =	shalt  }
0x83: {  	_ =	shalt  }
0x84: {  	_ =	shalt  }
0x85: {  	_ =	shalt  }
0x86: {  	_ =	shalt  }
0x87: {  	_ =	shalt  }
.Lfunc_end0:
.L_simem_size_0:
called_computation_lowered:
.L_overlay_start_0:
0x88: {  	s0 =	sld [smem:$0x3FD9]  }
0x89: {  	s1 =	sld [smem:$0x3FFE];
	_ =	sdelay $0x3  }
0x8a: {  	s0 =	sadd.s32 s1, s0  }
0x8b: {  	[smem:$0x3FBE] =	sst s0  }
0x8c: {  	_ = 	snop  }
0x8d: {  	(tm) =	ssettm $0x1  }
0x8e: {  	s15 =	sld [smem:$0x3FFB];
	_ =	sdelay $0x3  }
0x8f: {  	_ =	strace s15  }
0x90: {  	s0 =	sld [smem:$0x3FFC];
	_ =	sdelay $0x3  }
0x91: {  	_ =	strace s0  }
0x92: {  	s0 =	sld [smem:$0x3FFD];
	_ =	sdelay $0x3  }
0x93: {  	_ =	strace s0  }
0x94: {  	_ =	strace $0x8FFFFFFF  }
0x95: {  	s16 =	sld [smem:$0x3FDB];
	_ =	sdelay $0x1  }
0x96: {  	s17 =	simm.s32 $_scs_section_size  }
0x97: {  	s2 =	simm.s32 $_size__tile_overlayer_lowered;
	s3 =	simm.s32 $_tile_overlayer_lowered  }
0x98: {  	s20 =	simm.s32 $0x1BFF;
	s19 =	sshll.u32 s3, $0x1;
	s0 =	sadd.s32 s17, s16  }
0x99: {  	s4 =	simm.s32 $0x0;
	s18 =	sshll.u32 s2, $0x1;
	s2 =	sadd.s32 s19, s0  }
0x9a: {  	[timem:s4], [sflag:s20] =	dma.local [hbm:s2], s18  }
0x9b: {  	_ =	swait.ge [sflag:s20], s18  }
0x9c: {  	s1 =	ssub.s32 $0x0, s18;
	[sflag:s20] =	ssyncset.done $0x0  }
0x9d: {  	[sflag:s20] =	ssyncadd.s32 s1;
	_ =	sdelay $0x1  }
0x9e: {  	s21 =	simm.s32 $0x1B8B  }
0x9f: {  	_ =	swait.ge [sflag:s21], $0x1  }
0xa0: {  	[sflag:s21] =	ssyncset.done $0x0  }
0xa1: {  	s23 =	simm.s32 $0x1B8E;
	s22 =	sld [smem:$0x3FFE];
	[sflag:s21] =	ssyncadd.s32 $0xFFFFFFFF  }
0xa2: {  	s24 =	simm.s32 $execute0_lowered;
	[smem:$0x3FD2] =	sst s23  }
0xa3: {  	s2 =	sshll.u32 s24, $0x1;
	_ =	strace $0x80000046;
	[dreg:$0x1] =	wrdreg $0xFFFFFFFF  }
0xa4: {  	s25 =	simm.s32 $_size_execute0_lowered;
	s0 =	sadd.s32 s0, s2;
	[dreg:$0x0] =	wrdreg $0x0  }
0xa5: {  	s2 =	sshll.u32 s25, $0x1;
	[dreg:$0x2] =	wrdreg s0  }
0xa6: {  	[dreg:$0x3] =	wrdreg s2  }
0xa7: {  	[dreg:$0x4] =	wrdreg $0xC0  }
0xa8: {  	_ =	task [dreg:s4], $0x5FFFF  }
0xa9: {  	[dreg:$0x1] =	wrdreg $0xFFFFFFFF  }
0xaa: {  	[dreg:$0x0] =	wrdreg $0x60  }
0xab: {  	[dreg:$0x2] =	wrdreg s22  }
0xac: {  	[dreg:$0x3] =	wrdreg $0xAC800  }
0xad: {  	[dreg:$0x4] =	wrdreg $0xAF000  }
0xae: {  	[dreg:$0x5] =	wrdreg $0x9  }
0xaf: {  	_ =	task.clear_ibuf [dreg:s4], $0x6FFFF;
	_ =	strace $0x90000046  }
0xb0: {  	s26 =	simm.s32 $0x9;
	_ =	strace $0x80000048  }
0xb1: {  	_ =	swait.ge [sflag:s26], $0x1  }
0xb2: {  	[sflag:s26] =	ssyncadd.s32 $0xFFFFFFFF  }
0xb3: {  	_ =	strace $0x90000048  }
0xb4: {  	_ =	sfence  }
0xb5: {  	s28 =	sld [smem:$0x0];
	_ =	sdelay $0x1  }
0xb6: {  	s29 =	srdreg.scid  }
0xb7: {  	s30 =	sshll.u32 s29, $0xD;
	s31 =	sshrl.u32 s29, $0x2  }
0xb8: {  	s1 =	sand.u32 $0x1, s29;
	s2 =	sand.u32 $0x4000, s30;
	s0 =	sadd.s32 s31, s28  }
0xb9: {  	s1 =	sor.u32 s2, s1;
	s0 =	sshll.u32 s0, $0x11  }
0xba: {  	s0 =	sor.u32 s0, s1  }
0xbb: {  	s0 =	sadd.s32 $0x8F2B, s0  }
0xbc: {  	[sflag:s0] =	ssyncadd.remote.s32 $0x1  }
0xbd: {  	_ =	sfence.sel $0xFFFF  }
0xbe: {  	[dreg:$0x0] =	wrdreg $0xFFFFFFFF;
	(pc) =	sbr.abs _section_cstart, $3  }
0xbf: {  	[dreg:$0x1] =	wrdreg $0xFFFFFFFF  }
0xc0: {  	_ =	task.clear_ibuf [dreg:s4], $0x2FFFF;
	_ =	strace $0x9FFFFFFF  }
0xc1: {  	(tm) =	ssettm $0x7FFFFFFF  }
tec
execute0_lowered:
.L_overlay_start_1:
0x0: {  	(tag) =	ssettag $0x1  }
0x1: {  	s3 =	rddreg [dreg:$0x0];
	s0 =	stileid.u32  }
0x2: {  	s4 =	rddreg [dreg:$0x1];
	s2 =	smul.u32 $0x2800, s0  }
0x3: {  	s6 =	rddreg [dreg:$0x2]  }
0x4: {  	s1 =	rddreg [dreg:$0x3];
	s5 =	simm.s32 $0x0;
	s2 =	sshrl.u32 s2, $0x3  }
0x5: {  	[smem:$0x7FF] =	sst s5;
	s2 =	sadd.s32 s2, s3  }
0x6: {  	s30 =	simm.s32 $0x2;
	_ =	strace $0x80000047;
	s7 =	sadd.s32 $0x1600, s2  }
0x7: {  	[tilespmem:s5], [sflag:$0x2] =	stream.linear.gather [hbm4b:s7+s5], $0x2800, $0x38;
	[tilespmem:$0xB180] =	vst v63  }
0x8: {  	_ =	swait.ge [sflag:s30], $0x2800  }
0x9: {  	[sflag:s30] =	ssyncset.done $0x0  }
0xa: {  	s8 =	simm.s32 $0x2800;
	s2 =	sadd.s32 $0x6600, s2;
	[sflag:s30] =	ssyncadd.s32 $0xFFFFD800  }
0xb: {  	[tilespmem:s8], [sflag:$0x2] =	stream.linear.gather [hbm4b:s2+s5], $0x2800, $0x38;
	[tilespmem:$0xB180] =	vst v63  }
0xc: {  	_ =	swait.ge [sflag:s30], $0x2800  }
0xd: {  	[sflag:s30] =	ssyncset.done $0x0  }
0xe: {  	v0 =	vimm.f32 $0.0e+00;
	[sflag:s30] =	ssyncadd.s32 $0xFFFFD800  }
0xf: {  	[tilespmem:$0xAA00] =	vst v0  }
0x10: {  	[tilespmem:$0xAA10] =	vst v0  }
0x11: {  	[tilespmem:$0xAA20] =	vst v0  }
0x12: {  	[tilespmem:$0xAA30] =	vst v0  }
0x13: {  	[tilespmem:$0xAA40] =	vst v0  }
0x14: {  	[tilespmem:$0xAA50] =	vst v0  }
0x15: {  	[tilespmem:$0xAA60] =	vst v0  }
0x16: {  	[tilespmem:$0xAA70] =	vst v0  }
0x17: {  	[tilespmem:$0xAA80] =	vst v0  }
0x18: {  	[tilespmem:$0xAA90] =	vst v0  }
0x19: {  	[tilespmem:$0xAAA0] =	vst v0  }
0x1a: {  	[tilespmem:$0xAAB0] =	vst v0  }
0x1b: {  	[tilespmem:$0xAAC0] =	vst v0  }
0x1c: {  	[tilespmem:$0xAAD0] =	vst v0  }
0x1d: {  	[tilespmem:$0xAAE0] =	vst v0  }
0x1e: {  	[tilespmem:$0xAAF0] =	vst v0  }
0x1f: {  	[tilespmem:$0xAB00] =	vst v0  }
0x20: {  	[tilespmem:$0xAB10] =	vst v0  }
0x21: {  	[tilespmem:$0xAB20] =	vst v0  }
0x22: {  	[tilespmem:$0xAB30] =	vst v0  }
0x23: {  	[tilespmem:$0xAB40] =	vst v0  }
0x24: {  	[tilespmem:$0xAB50] =	vst v0  }
0x25: {  	[tilespmem:$0xAB60] =	vst v0  }
0x26: {  	[tilespmem:$0xAB70] =	vst v0  }
0x27: {  	[tilespmem:$0xAB80] =	vst v0  }
0x28: {  	[tilespmem:$0xAB90] =	vst v0  }
0x29: {  	[tilespmem:$0xABA0] =	vst v0  }
0x2a: {  	[tilespmem:$0xABB0] =	vst v0  }
0x2b: {  	[tilespmem:$0xABC0] =	vst v0  }
0x2c: {  	[tilespmem:$0xABD0] =	vst v0  }
0x2d: {  	[tilespmem:$0xABE0] =	vst v0  }
0x2e: {  	[tilespmem:$0xABF0] =	vst v0  }
0x2f: {  	[tilespmem:$0xAC00] =	vst v0  }
0x30: {  	[tilespmem:$0xAC10] =	vst v0  }
0x31: {  	[tilespmem:$0xAC20] =	vst v0  }
0x32: {  	[tilespmem:$0xAC30] =	vst v0  }
0x33: {  	[tilespmem:$0xAC40] =	vst v0  }
0x34: {  	s2 =	smul.u32 $0x280, s0;
	[tilespmem:$0xAC50] =	vst v0  }
0x35: {  	[tilespmem:$0xAC60] =	vst v0  }
0x36: {  	s31 =	simm.s32 $0xAA00;
	s5 =	sadd.s32 s2, s4;
	[tilespmem:$0xAC70] =	vst v0  }
0x37: {  	[spmem:s5] =	stream.linear.scatter [tilespmem:s31], [sflag:$0x2], $0x280, $0x38;
	[tilespmem:$0xB180] =	vst v63  }
0x38: {  	_ =	swait.ge [sflag:s30], $0x280  }
0x39: {  	s3 =	sadd.s32 $0xB600, s3;
	[sflag:s30] =	ssyncset.done $0x0  }
0x3a: {  	s7 =	simm.s32 $0x0;
	s8 =	simm.s32 $0x200;
	v0 =	vimm.f32 $1.000000000e+00;
	[sflag:s30] =	ssyncadd.s32 $0xFFFFFD80  }
.LBB2_1:
0x3b: {  	p0 =	sne.s32 s8, $0x9E00;
	[tilespmem:s7+$0x5070] =	vst v0  }
0x3c: {  	[tilespmem:s7+$0x5000] =	vst v0  }
0x3d: {  	[tilespmem:s7+$0x5010] =	vst v0  }
.Ltmp0:
0x3e: {  	[tilespmem:s7+$0x5020] =	vst v0;
	(pc) =	sbr.rel @p0 .LBB2_1-.Ltmp0, $4  }
0x3f: {  	[tilespmem:s7+$0x5030] =	vst v0  }
0x40: {  	[tilespmem:s7+$0x5040] =	vst v0  }
0x41: {  	[tilespmem:s7+$0x5050] =	vst v0  }
0x42: {  	[tilespmem:s7+$0x5060] =	vst v0;
	s7 =	sshra.s32 s8, $0x2;
	s8 =	sadd.s32 $0x200, s8  }
0x43: {  	[tilespmem:s7+$0x5070] =	vst v0  }
0x44: {  	[tilespmem:s7+$0x5000] =	vst v0  }
0x45: {  	[tilespmem:s7+$0x5010] =	vst v0  }
0x46: {  	[tilespmem:s7+$0x5020] =	vst v0  }
0x47: {  	[tilespmem:s7+$0x5030] =	vst v0  }
0x48: {  	[tilespmem:s7+$0x5040] =	vst v0  }
0x49: {  	[tilespmem:s7+$0x5050] =	vst v0  }
0x4a: {  	[tilespmem:s7+$0x5060] =	vst v0;
	s7 =	simm.s32 $0x80;
	s8 =	simm.s32 $0x200  }
0x4b: {  	s9 =	simm.s32 $0x5000;
	s10 =	simm.s32 $0x2800;
	[bflag:$0x0] =	sbarrier.arrive $0xFFFF  }
.LBB2_3:
0x4c: {  	[spmem:s4] =	stream.indirect.scatter.add.f32 [tilespmem:s9], [sflag:$0x1], $0x1, s10, s7, $0xb8;
	[tilespmem:$0xB180] =	vst v63  }
0x4d: {  	s9 =	smov.u32 s8;
	p0 =	sne.s32 s8, $0x9E00  }
.Ltmp1:
0x4e: {  	s8 =	sadd.s32 $0x200, s8;
	(pc) =	sbr.rel @p0 .LBB2_3-.Ltmp1, $3  }
0x4f: {  	_ =	sdelay $0x1  }
0x50: {  	s10 =	sshra.s32 s9, $0x2  }
0x51: {  	s9 =	sadd.s32 $0x5000, s10;
	s10 =	sadd.s32 $0x2800, s10  }
0x52: {  	[spmem:s4] =	stream.indirect.scatter.add.f32 [tilespmem:s9], [sflag:$0x1], $0x1, s10, s7, $0xb8;
	[tilespmem:$0xB180] =	vst v63  }
0x53: {  	s29 =	simm.s32 $0x1  }
0x54: {  	_ =	swait.ge [sflag:s29], $0x2800  }
0x55: {  	[sflag:s29] =	ssyncset.done $0x0  }
0x56: {  	[sflag:s29] =	ssyncadd.s32 $0xFFFFD800  }
0x57: {  	s30 =	simm.s32 $0xA000;
	s31 =	simm.s32 $0x2;
	[bflag:$0x0] =	sbarrier.arrive $0xFFFF  }
0x58: {  	[tilespmem:s30], [sflag:$0x2] =	stream.linear.gather [spmem:s5], $0x280, $0x38;
	[tilespmem:$0xB180] =	vst v63  }
0x59: {  	_ =	swait.ge [sflag:s31], $0x280  }
0x5a: {  	[sflag:s31] =	ssyncset.done $0x0  }
0x5b: {  	s7 =	simm.s32 $0x0;
	[sflag:s31] =	ssyncadd.s32 $0xFFFFFD80  }
0x5c: {  	v0 =	vld [tilespmem:s7+$0xA000];
	_ =	sdelay $0x4  }
0x5d: {  	v0 =	vmax.f32 v0, $1.000000000e+00  }
0x5e: {  	v1 =	vmul.f32 $2.500000000e-01, v0  }
0x5f: {  	vm0 =	vge.f32 v0, $4.000000000e+00  }
0x60: {  	v2 =	vsel vm0, v1, v0  }
0x61: {  	v0 =	vimm.f32 $1.000000000e+00;
	v3 =	vmul.f32 $2.500000000e-01, v2  }
0x62: {  	v1 =	vimm.f32 $1.000000010e-01;
	v4 =	vsel vm0, $0x3F000000, v0;
	vm0 =	vge.f32 v2, $4.000000000e+00  }
0x63: {  	s8 =	simm.s32 $0x10;
	[tilespmem:s7+$0xA500] =	vst v1;
	v5 =	vmul.f32 $5.000000000e-01, v4;
	v2 =	vsel vm0, v3, v2  }
0x64: {  	v6 =	vld [tilespmem:s8+$0xA000];
	v3 =	vmul.f32 $2.500000000e-01, v2  }
0x65: {  	v4 =	vsel vm0, v5, v4;
	vm0 =	vge.f32 v2, $4.000000000e+00  }
0x66: {  	v5 =	vmul.f32 $5.000000000e-01, v4;
	v2 =	vsel vm0, v3, v2  }
0x67: {  	v3 =	vmul.f32 $2.500000000e-01, v2  }
0x68: {  	v4 =	vsel vm0, v5, v4;
	vm0 =	vge.f32 v2, $4.000000000e+00  }
0x69: {  	v5 =	vmul.f32 $5.000000000e-01, v4;
	v2 =	vsel vm0, v3, v2;
	v3 =	vmax.f32 v6, $1.000000000e+00  }
0x6a: {  	v7 =	vmul.f32 $2.500000000e-01, v3  }
0x6b: {  	v6 =	vmul.f32 $2.500000000e-01, v2;
	vm2 =	vge.f32 v3, $4.000000000e+00;
	v4 =	vsel vm0, v5, v4  }
0x6c: {  	vm1 =	vge.f32 v2, $4.000000000e+00;
	v9 =	vmul.f32 $5.000000000e-01, v4;
	v3 =	vsel vm2, v7, v3  }
0x6d: {  	v2 =	vsel vm1, v6, v2;
	v6 =	vsel vm2, $0x3F000000, v0;
	v7 =	vmul.f32 $2.500000000e-01, v3  }
0x6e: {  	v5 =	vmul.f32 $2.500000000e-01, v2;
	v8 =	vmul.f32 $5.000000000e-01, v6;
	vm2 =	vge.f32 v3, $4.000000000e+00  }
0x6f: {  	vm0 =	vge.f32 v2, $4.000000000e+00;
	v4 =	vsel vm1, v9, v4;
	v3 =	vsel vm2, v7, v3  }
0x70: {  	v2 =	vsel vm0, v5, v2;
	v5 =	vsel vm2, v8, v6;
	v6 =	vmul.f32 $2.500000000e-01, v3  }
0x71: {  	v7 =	vmul.f32 $2.500000000e-01, v2;
	v8 =	vmul.f32 $5.000000000e-01, v5;
	vm2 =	vge.f32 v3, $4.000000000e+00  }
0x72: {  	v10 =	vmul.f32 $5.000000000e-01, v4;
	vm3 =	vge.f32 v2, $4.000000000e+00;
	v3 =	vsel vm2, v6, v3  }
0x73: {  	v2 =	vsel vm3, v7, v2;
	v5 =	vsel vm2, v8, v5;
	v6 =	vmul.f32 $2.500000000e-01, v3  }
0x74: {  	s9 =	simm.s32 $0x20;
	[tilespmem:s8+$0xA500] =	vst v1;
	v7 =	vmul.f32 $2.500000000e-01, v2;
	v8 =	vmul.f32 $5.000000000e-01, v5;
	vm1 =	vge.f32 v3, $4.000000000e+00  }
0x75: {  	v9 =	vld [tilespmem:s9+$0xA000];
	v4 =	vsel vm0, v10, v4;
	vm2 =	vge.f32 v2, $4.000000000e+00;
	v3 =	vsel vm1, v6, v3  }
0x76: {  	v2 =	vsel vm2, v7, v2;
	v5 =	vsel vm1, v8, v5;
	v8 =	vmul.f32 $5.000000000e-01, v4  }
0x77: {  	v6 =	vmul.f32 $2.500000000e-01, v3;
	v7 =	vmul.f32 $2.500000000e-01, v2  }
0x78: {  	vm0 =	vge.f32 v3, $4.000000000e+00;
	vm1 =	vge.f32 v2, $4.000000000e+00  }
0x79: {  	v4 =	vsel vm3, v8, v4;
	v3 =	vsel vm0, v6, v3;
	v2 =	vsel vm1, v7, v2  }
0x7a: {  	v7 =	vmul.f32 $5.000000000e-01, v5;
	v10 =	vmul.f32 $5.000000000e-01, v2;
	v2 =	vmax.f32 v9, $1.000000000e+00  }
0x7b: {  	v11 =	vmul.f32 $5.000000000e-01, v4;
	v9 =	vmul.f32 $2.500000000e-01, v2;
	vm3 =	vge.f32 v2, $4.000000000e+00  }
0x7c: {  	v5 =	vsel vm0, v7, v5;
	v8 =	vmul.f32 $6.000000240e-01, v10;
	v12 =	vsel vm3, $0x3F000000, v0  }
0x7d: {  	v4 =	vsel vm2, v11, v4;
	v2 =	vsel vm3, v9, v2;
	v9 =	vmul.f32 $5.000000000e-01, v12  }
0x7e: {  	v8 =	vmul.f32 $6.000000240e-01, v8;
	vm0 =	vge.f32 v2, $4.000000000e+00;
	v7 =	vmul.f32 $2.500000000e-01, v2  }
0x7f: {  	v11 =	vmul.f32 $5.000000000e-01, v4;
	v9 =	vsel vm0, v9, v12  }
0x80: {  	v8 =	vsub.f32 $1.500000000e+00, v8;
	v7 =	vsel vm0, v7, v2;
	v12 =	vmul.f32 $5.000000000e-01, v9  }
0x81: {  	v6 =	vmul.f32 $2.500000000e-01, v3;
	vm0 =	vge.f32 v7, $4.000000000e+00;
	v13 =	vmul.f32 $2.500000000e-01, v7  }
0x82: {  	v2 =	vsel vm1, v11, v4;
	v8 =	vmul.f32 $6.000000240e-01, v8;
	v4 =	vsel vm0, v12, v9  }
0x83: {  	vm3 =	vge.f32 v3, $4.000000000e+00;
	v7 =	vsel vm0, v13, v7;
	v11 =	vmul.f32 $5.000000000e-01, v4  }
0x84: {  	v12 =	vmul.f32 v8, v10;
	vm0 =	vge.f32 v7, $4.000000000e+00;
	v13 =	vmul.f32 $2.500000000e-01, v7  }
0x85: {  	v3 =	vsel vm3, v6, v3;
	v9 =	vmul.f32 $5.000000000e-01, v5;
	v4 =	vsel vm0, v11, v4  }
0x86: {  	v11 =	vmul.f32 $2.500000000e-01, v3;
	v6 =	vmul.f32 v12, v8;
	v7 =	vsel vm0, v13, v7  }
0x87: {  	vm1 =	vge.f32 v3, $4.000000000e+00;
	v5 =	vsel vm3, v9, v5;
	v9 =	vmul.f32 $2.500000000e-01, v7  }
0x88: {  	v3 =	vsel vm1, v11, v3;
	v11 =	vmul.f32 $5.000000000e-01, v5;
	v6 =	vsub.f32 $1.500000000e+00, v6  }
0x89: {  	s10 =	simm.s32 $0x30;
	[tilespmem:s9+$0xA500] =	vst v1;
	vm2 =	vge.f32 v7, $4.000000000e+00;
	v12 =	vmul.f32 $2.500000000e-01, v3;
	vm3 =	vge.f32 v3, $4.000000000e+00  }
0x8a: {  	v9 =	vsel vm2, v9, v7;
	v7 =	vld [tilespmem:s10+$0xA000];
	v5 =	vsel vm1, v11, v5;
	v6 =	vmul.f32 v6, v8  }
0x8b: {  	v8 =	vmul.f32 $5.000000000e-01, v4;
	v3 =	vsel vm3, v12, v3;
	v14 =	vmul.f32 $5.000000000e-01, v5  }
0x8c: {  	vm0 =	vge.f32 v9, $4.000000000e+00;
	v12 =	vmul.f32 $2.500000000e-01, v3;
	v11 =	vmul.f32 v6, v10  }
0x8d: {  	v13 =	vmul.f32 $2.500000000e-01, v9;
	vm1 =	vge.f32 v3, $4.000000000e+00;
	v8 =	vsel vm2, v8, v4  }
0x8e: {  	v5 =	vsel vm3, v14, v5;
	v3 =	vsel vm1, v12, v3;
	v11 =	vmul.f32 v11, v6  }
0x8f: {  	v13 =	vsel vm0, v13, v9;
	v4 =	vmul.f32 $5.000000000e-01, v3;
	v3 =	vmax.f32 v7, $1.000000000e+00  }
0x90: {  	vm2 =	vge.f32 v3, $4.000000000e+00;
	v7 =	vsub.f32 $1.500000000e+00, v11;
	v11 =	vmul.f32 $2.500000000e-01, v3  }
0x91: {  	v12 =	vmul.f32 $5.000000000e-01, v5;
	v14 =	vmul.f32 $6.000000240e-01, v4;
	v15 =	vsel vm2, $0x3F000000, v0  }
0x92: {  	v6 =	vmul.f32 v7, v6;
	v7 =	vsel vm2, v11, v3;
	v11 =	vmul.f32 $5.000000000e-01, v15  }
0x93: {  	v14 =	vmul.f32 $6.000000240e-01, v14;
	vm2 =	vge.f32 v7, $4.000000000e+00;
	v16 =	vmul.f32 $2.500000000e-01, v7  }
0x94: {  	v3 =	vsel vm1, v12, v5;
	v5 =	vmul.f32 v6, v10;
	v11 =	vsel vm2, v11, v15  }
0x95: {  	v12 =	vsub.f32 $1.500000000e+00, v14;
	v7 =	vsel vm2, v16, v7;
	v14 =	vmul.f32 $5.000000000e-01, v11  }
0x96: {  	v5 =	vmul.f32 v5, v6;
	vm1 =	vge.f32 v7, $4.000000000e+00;
	v15 =	vmul.f32 $2.500000000e-01, v7  }
0x97: {  	v63 =	vmul.f32 $2.500000000e-01, v13;
	v12 =	vmul.f32 $6.000000240e-01, v12;
	v11 =	vsel vm1, v14, v11  }
0x98: {  	v14 =	vmul.f32 $5.000000000e-01, v8;
	v5 =	vsub.f32 $1.500000000e+00, v5;
	v15 =	vsel vm1, v15, v7  }
0x99: {  	v7 =	vmul.f32 $5.000000000e-01, v11;
	v17 =	vmul.f32 $2.500000000e-01, v15  }
0x9a: {  	v62 =	vmul.f32 v12, v4;
	vm1 =	vge.f32 v15, $4.000000000e+00;
	v5 =	vmul.f32 v5, v6  }
0x9b: {  	v6 =	vsel vm1, v7, v11;
	v7 =	vsel vm0, v14, v8;
	v8 =	vsel vm1, v17, v15  }
0x9c: {  	vm3 =	vge.f32 v13, $4.000000000e+00;
	v14 =	vmul.f32 v62, v12;
	v15 =	vmul.f32 $2.500000000e-01, v8  }
0x9d: {  	v13 =	vsel vm3, v63, v13;
	v9 =	vmul.f32 v5, v10;
	vm1 =	vge.f32 v8, $4.000000000e+00  }
0x9e: {  	v11 =	vmul.f32 $5.000000000e-01, v7;
	v8 =	vsel vm1, v15, v8;
	v15 =	vsub.f32 $1.500000000e+00, v14  }
0x9f: {  	vm2 =	vge.f32 v13, $4.000000000e+00;
	v10 =	vmul.f32 v9, v5;
	v14 =	vmul.f32 $2.500000000e-01, v13  }
0xa0: {  	s11 =	simm.s32 $0x100;
	[tilespmem:s10+$0xA500] =	vst v1;
	vm0 =	vge.f32 v8, $4.000000000e+00;
	v9 =	vmul.f32 $2.500000000e-01, v8;
	v12 =	vmul.f32 v15, v12  }
.LBB2_5:
0xa1: {  	s12 =	sshra.s32 s11, $0x2;
	p0 =	sne.s32 s11, $0x9C0;
	s11 =	sadd.s32 $0x40, s11;
	v15 =	vmul.f32 $5.000000000e-01, v6;
	v7 =	vsel vm3, v11, v7;
	v10 =	vsub.f32 $1.500000000e+00, v10  }
0xa2: {  	v11 =	vld [tilespmem:s12+$0xA000];
	[tilespmem:s12+$0xA500] =	vst v1;
	v13 =	vsel vm2, v14, v13;
	v14 =	vmul.f32 $5.000000000e-01, v7;
	v16 =	vmul.f32 v12, v4  }
0xa3: {  	vm3 =	vge.f32 v13, $4.000000000e+00;
	v17 =	vmul.f32 $2.500000000e-01, v13;
	v5 =	vmul.f32 v10, v5  }
0xa4: {  	v10 =	vsel vm1, v15, v6;
	v6 =	vsel vm2, v14, v7;
	v7 =	vmul.f32 v16, v12  }
0xa5: {  	v13 =	vsel vm3, v17, v13;
	v14 =	vmul.f32 $5.000000000e-01, v6;
	v5 =	vmul.f32 v5, v2;
	v2 =	vmovc v3  }
0xa6: {  	v13 =	vmul.f32 $5.000000000e-01, v13;
	v7 =	vsub.f32 $1.500000000e+00, v7  }
0xa7: {  	v11 =	vmax.f32 v11, $1.000000000e+00;
	v3 =	vsel vm3, v14, v6;
	[tilespmem:s7+$0xA280] =	vst v5;
	s7 =	smov.u32 s8;
	s8 =	smov.u32 s9;
	s9 =	smov.u32 s10  }
0xa8: {  	s10 =	smov.u32 s12;
	vm1 =	vge.f32 v11, $4.000000000e+00;
	v5 =	vmul.f32 $2.500000000e-01, v11;
	v6 =	vmul.f32 $6.000000240e-01, v13  }
0xa9: {  	v7 =	vmul.f32 v7, v12;
	v14 =	vsel vm1, $0x3F000000, v0  }
0xaa: {  	v5 =	vsel vm1, v5, v11;
	v11 =	vmul.f32 $5.000000000e-01, v14;
	v6 =	vmul.f32 $6.000000240e-01, v6  }
0xab: {  	v15 =	vmul.f32 v7, v4;
	vm1 =	vge.f32 v5, $4.000000000e+00;
	v12 =	vmul.f32 $2.500000000e-01, v5  }
0xac: {  	v11 =	vsel vm1, v11, v14;
	v6 =	vsub.f32 $1.500000000e+00, v6  }
0xad: {  	v14 =	vmul.f32 v15, v7;
	v5 =	vsel vm1, v12, v5;
	v12 =	vmul.f32 $5.000000000e-01, v11  }
0xae: {  	vm1 =	vge.f32 v5, $4.000000000e+00;
	v15 =	vmul.f32 $2.500000000e-01, v5;
	v16 =	vmul.f32 $6.000000240e-01, v6  }
0xaf: {  	v6 =	vsel vm1, v12, v11;
	v11 =	vmul.f32 $5.000000000e-01, v10;
	v12 =	vsub.f32 $1.500000000e+00, v14  }
0xb0: {  	v14 =	vsel vm1, v15, v5;
	v15 =	vmul.f32 $5.000000000e-01, v6;
	v17 =	vmul.f32 v16, v13  }
0xb1: {  	vm1 =	vge.f32 v14, $4.000000000e+00;
	v18 =	vmul.f32 $2.500000000e-01, v14;
	v5 =	vmul.f32 v12, v7  }
0xb2: {  	v7 =	vsel vm0, v11, v10;
	v6 =	vsel vm1, v15, v6;
	v12 =	vmul.f32 v17, v16  }
0xb3: {  	v15 =	vsel vm0, v9, v8;
	v14 =	vsel vm1, v18, v14;
	v8 =	vmul.f32 v5, v4;
	v4 =	vmovc v13  }
.Ltmp2:
0xb4: {  	v11 =	vmul.f32 $5.000000000e-01, v7;
	vm1 =	vge.f32 v14, $4.000000000e+00;
	v9 =	vmul.f32 $2.500000000e-01, v14;
	(pc) =	sbr.rel @p0 .LBB2_5-.Ltmp2, $4  }
0xb5: {  	vm3 =	vge.f32 v15, $4.000000000e+00;
	v13 =	vmul.f32 $2.500000000e-01, v15;
	v10 =	vmul.f32 v8, v5  }
0xb6: {  	v12 =	vsub.f32 $1.500000000e+00, v12;
	v8 =	vsel vm1, v9, v14  }
0xb7: {  	v13 =	vsel vm3, v13, v15;
	vm0 =	vge.f32 v8, $4.000000000e+00;
	v9 =	vmul.f32 $2.500000000e-01, v8  }
0xb8: {  	vm2 =	vge.f32 v13, $4.000000000e+00;
	v14 =	vmul.f32 $2.500000000e-01, v13;
	v12 =	vmul.f32 v12, v16  }
0xb9: {  	v0 =	vsel vm0, v9, v8  }
0xba: {  	v1 =	vmul.f32 $2.500000000e-01, v0  }
0xbb: {  	vm7 =	vge.f32 v0, $4.000000000e+00  }
0xbc: {  	v0 =	vsel vm7, v1, v0  }
0xbd: {  	v1 =	vmul.f32 $2.500000000e-01, v0  }
0xbe: {  	v43 =	vsel vm2, v14, v13;
	vm6 =	vge.f32 v0, $4.000000000e+00  }
0xbf: {  	v44 =	vmul.f32 $2.500000000e-01, v43;
	v0 =	vsel vm6, v1, v0  }
0xc0: {  	vm5 =	vge.f32 v43, $4.000000000e+00;
	v1 =	vmul.f32 $2.500000000e-01, v0  }
0xc1: {  	v8 =	vsel vm5, v44, v43;
	vm4 =	vge.f32 v0, $4.000000000e+00  }
0xc2: {  	v8 =	vmul.f32 $5.000000000e-01, v8;
	v0 =	vsel vm4, v1, v0  }
0xc3: {  	v0 =	vmul.f32 $5.000000000e-01, v0  }
0xc4: {  	v1 =	vmul.f32 $6.000000240e-01, v8  }
0xc5: {  	v45 =	vmul.f32 $6.000000240e-01, v0  }
0xc6: {  	v1 =	vmul.f32 $6.000000240e-01, v1  }
0xc7: {  	v9 =	vmul.f32 $6.000000240e-01, v45  }
0xc8: {  	v1 =	vsub.f32 $1.500000000e+00, v1  }
0xc9: {  	v9 =	vsub.f32 $1.500000000e+00, v9  }
0xca: {  	v1 =	vmul.f32 $6.000000240e-01, v1  }
0xcb: {  	v9 =	vmul.f32 $6.000000240e-01, v9  }
0xcc: {  	v46 =	vmul.f32 v1, v8  }
0xcd: {  	v47 =	vmul.f32 v9, v0  }
0xce: {  	v13 =	vmul.f32 v46, v1  }
0xcf: {  	v14 =	vmul.f32 v47, v9  }
0xd0: {  	v13 =	vsub.f32 $1.500000000e+00, v13  }
0xd1: {  	v14 =	vsub.f32 $1.500000000e+00, v14  }
0xd2: {  	v1 =	vmul.f32 v13, v1  }
0xd3: {  	v48 =	vmul.f32 v12, v4;
	v9 =	vmul.f32 v14, v9  }
0xd4: {  	v49 =	vmul.f32 v1, v8  }
0xd5: {  	v13 =	vmul.f32 v48, v12;
	v15 =	vmul.f32 v9, v0  }
0xd6: {  	v14 =	vmul.f32 v49, v1  }
0xd7: {  	v13 =	vsub.f32 $1.500000000e+00, v13;
	v15 =	vmul.f32 v15, v9  }
0xd8: {  	v14 =	vsub.f32 $1.500000000e+00, v14  }
0xd9: {  	v50 =	vmul.f32 v13, v12;
	v51 =	vsub.f32 $1.500000000e+00, v15  }
0xda: {  	v1 =	vmul.f32 v14, v1  }
0xdb: {  	v52 =	vmul.f32 v50, v4;
	v9 =	vmul.f32 v51, v9  }
0xdc: {  	v53 =	vmul.f32 v1, v8  }
0xdd: {  	v14 =	vmul.f32 v52, v50;
	v54 =	vmul.f32 v9, v0  }
0xde: {  	v16 =	vmul.f32 $5.000000000e-01, v6;
	v7 =	vsel vm3, v11, v7;
	v13 =	vmul.f32 v53, v1  }
0xdf: {  	v10 =	vsub.f32 $1.500000000e+00, v10;
	v14 =	vsub.f32 $1.500000000e+00, v14;
	v15 =	vmul.f32 v54, v9  }
0xe0: {  	v58 =	vmul.f32 $5.000000000e-01, v7;
	v6 =	vsel vm1, v16, v6;
	v55 =	vsub.f32 $1.500000000e+00, v13  }
0xe1: {  	v56 =	vmul.f32 $5.000000000e-01, v6;
	v12 =	vmul.f32 v14, v50;
	v57 =	vsub.f32 $1.500000000e+00, v15  }
0xe2: {  	v5 =	vmul.f32 v10, v5;
	v1 =	vmul.f32 v55, v1  }
0xe3: {  	v6 =	vsel vm0, v56, v6;
	v59 =	vmul.f32 v12, v4;
	v9 =	vmul.f32 v57, v9  }
0xe4: {  	v13 =	vmul.f32 $5.000000000e-01, v6;
	v8 =	vmul.f32 v1, v8  }
0xe5: {  	v4 =	vmul.f32 v59, v12;
	v0 =	vmul.f32 v9, v0  }
0xe6: {  	v7 =	vsel vm2, v58, v7;
	v6 =	vsel vm7, v13, v6;
	v8 =	vmul.f32 v8, v1  }
0xe7: {  	v60 =	vmul.f32 $5.000000000e-01, v6;
	v4 =	vsub.f32 $1.500000000e+00, v4;
	v0 =	vmul.f32 v0, v9  }
0xe8: {  	v11 =	vmul.f32 $5.000000000e-01, v7;
	v2 =	vmul.f32 v5, v2;
	v61 =	vsub.f32 $1.500000000e+00, v8  }
0xe9: {  	v6 =	vsel vm6, v60, v6;
	v4 =	vmul.f32 v4, v12;
	v0 =	vsub.f32 $1.500000000e+00, v0  }
0xea: {  	v62 =	vmul.f32 $5.000000000e-01, v6;
	v1 =	vmul.f32 v61, v1  }
0xeb: {  	v63 =	vsel vm5, v11, v7;
	v3 =	vmul.f32 v4, v3;
	v0 =	vmul.f32 v0, v9  }
0xec: {  	[tilespmem:s7+$0xA280] =	vst v2;
	v2 =	vsel vm4, v62, v6;
	v1 =	vmul.f32 v1, v63  }
0xed: {  	[tilespmem:s8+$0xA280] =	vst v3;
	v0 =	vmul.f32 v0, v2  }
0xee: {  	[tilespmem:s9+$0xA280] =	vst v1  }
0xef: {  	s29 =	simm.s32 $0xA280;
	s30 =	simm.s32 $0x2;
	s7 =	sadd.s32 s2, s6;
	[tilespmem:s10+$0xA280] =	vst v0  }
0xf0: {  	[spmem:s7] =	stream.linear.scatter [tilespmem:s29], [sflag:$0x2], $0x280, $0x38;
	[tilespmem:$0xB180] =	vst v63  }
0xf1: {  	_ =	swait.ge [sflag:s30], $0x280  }
0xf2: {  	[sflag:s30] =	ssyncset.done $0x0  }
0xf3: {  	s31 =	simm.s32 $0xAA00;
	[sflag:s30] =	ssyncadd.s32 $0xFFFFFD80  }
0xf4: {  	[spmem:s5] =	stream.linear.scatter [tilespmem:s31], [sflag:$0x2], $0x280, $0x38;
	[tilespmem:$0xB180] =	vst v63  }
0xf5: {  	_ =	swait.ge [sflag:s30], $0x280  }
0xf6: {  	[sflag:s30] =	ssyncset.done $0x0  }
0xf7: {  	[sflag:s30] =	ssyncadd.s32 $0xFFFFFD80  }
0xf8: {  	s8 =	simm.s32 $0x7800;
	[bflag:$0x0] =	sbarrier.arrive $0xFFFF  }
0xf9: {  	[tilespmem:s8], [sflag:$0x2] =	stream.linear.gather [spmem:s6], $0x2800, $0x38;
	[tilespmem:$0xB180] =	vst v63  }
0xfa: {  	_ =	swait.ge [sflag:s30], $0x2800  }
0xfb: {  	[sflag:s30] =	ssyncset.done $0x0  }
0xfc: {  	s10 =	simm.s32 $0x0;
	[sflag:s30] =	ssyncadd.s32 $0xFFFFD800  }
0xfd: {  	s11 =	simm.s32 $0x200;
	s9 =	simm.s32 $0x80;
	v0 =	vld [tilespmem:s10+$0x2800]  }
.LBB2_7:
0xfe: {  	p0 =	sne.s32 s11, $0x9E00;
	_ =	sdelay $0x5  }
0xff: {  	v1 =	vld [tilespmem:s10+$0x2810]  }
0x100: {  	v0 =	vld.idx.msk [tilespmem:v0+s8+$0x0], $0xffff;
	_ =	sdelay $0x5  }
0x101: {  	[tilespmem:s10+$0x5000] =	vst v0;
	v0 =	vld [tilespmem:s10+$0x2820]  }
0x102: {  	v1 =	vld.idx.msk [tilespmem:v1+s8+$0x0], $0xffff;
	_ =	sdelay $0x5  }
0x103: {  	[tilespmem:s10+$0x5010] =	vst v1;
	v1 =	vld [tilespmem:s10+$0x2830]  }
0x104: {  	v0 =	vld.idx.msk [tilespmem:v0+s8+$0x0], $0xffff;
	_ =	sdelay $0x5  }
0x105: {  	[tilespmem:s10+$0x5020] =	vst v0;
	v0 =	vld [tilespmem:s10+$0x2840]  }
0x106: {  	v1 =	vld.idx.msk [tilespmem:v1+s8+$0x0], $0xffff;
	_ =	sdelay $0x5  }
0x107: {  	[tilespmem:s10+$0x5030] =	vst v1;
	v1 =	vld [tilespmem:s10+$0x2850]  }
0x108: {  	v0 =	vld.idx.msk [tilespmem:v0+s8+$0x0], $0xffff;
	_ =	sdelay $0x5  }
0x109: {  	[tilespmem:s10+$0x5040] =	vst v0;
	v0 =	vld [tilespmem:s10+$0x2860]  }
0x10a: {  	v1 =	vld.idx.msk [tilespmem:v1+s8+$0x0], $0xffff;
	_ =	sdelay $0x5  }
0x10b: {  	[tilespmem:s10+$0x5050] =	vst v1;
	v1 =	vld [tilespmem:s10+$0x2870]  }
0x10c: {  	v0 =	vld.idx.msk [tilespmem:v0+s8+$0x0], $0xffff;
	_ =	sdelay $0x5  }
0x10d: {  	[tilespmem:s10+$0x5060] =	vst v0  }
0x10e: {  	v0 =	vld.idx.msk [tilespmem:v1+s8+$0x0], $0xffff;
	_ =	sdelay $0x2  }
.Ltmp3:
0x10f: {  	(pc) =	sbr.rel @p0 .LBB2_7-.Ltmp3, $4  }
0x110: {  	_ = 	snop  }
0x111: {  	s12 =	sshra.s32 s11, $0x2;
	s13 =	sadd.s32 $0x5000, s10  }
0x112: {  	[tilespmem:s10+$0x5070] =	vst v0;
	[spmem:s4] =	stream.indirect.scatter.add.f32 [tilespmem:s13], [sflag:$0x1], $0x1, s10, s9, $0xb8  }
0x113: {  	s11 =	sadd.s32 $0x200, s11;
	s10 =	smov.u32 s12;
	v0 =	vld [tilespmem:s12+$0x2800]  }
0x114: {  	_ =	sdelay $0x5  }
0x115: {  	v1 =	vld [tilespmem:s10+$0x2810];
	_ =	sdelay $0x1  }
0x116: {  	v0 =	vld.idx.msk [tilespmem:v0+s8+$0x0], $0xffff;
	_ =	sdelay $0x4  }
0x117: {  	[tilespmem:s10+$0x5000] =	vst v0;
	v0 =	vld [tilespmem:s10+$0x2820]  }
0x118: {  	v1 =	vld.idx.msk [tilespmem:v1+s8+$0x0], $0xffff;
	_ =	sdelay $0x4  }
0x119: {  	[tilespmem:s10+$0x5010] =	vst v1;
	v1 =	vld [tilespmem:s10+$0x2830];
	_ =	sdelay $0x1  }
0x11a: {  	v0 =	vld.idx.msk [tilespmem:v0+s8+$0x0], $0xffff;
	_ =	sdelay $0x4  }
0x11b: {  	[tilespmem:s10+$0x5020] =	vst v0;
	v0 =	vld [tilespmem:s10+$0x2840]  }
0x11c: {  	v1 =	vld.idx.msk [tilespmem:v1+s8+$0x0], $0xffff;
	_ =	sdelay $0x4  }
0x11d: {  	[tilespmem:s10+$0x5030] =	vst v1;
	v1 =	vld [tilespmem:s10+$0x2850];
	_ =	sdelay $0x1  }
0x11e: {  	v0 =	vld.idx.msk [tilespmem:v0+s8+$0x0], $0xffff;
	_ =	sdelay $0x4  }
0x11f: {  	[tilespmem:s10+$0x5040] =	vst v0;
	v0 =	vld [tilespmem:s10+$0x2860]  }
0x120: {  	v1 =	vld.idx.msk [tilespmem:v1+s8+$0x0], $0xffff;
	_ =	sdelay $0x4  }
0x121: {  	[tilespmem:s10+$0x5050] =	vst v1;
	v1 =	vld [tilespmem:s10+$0x2870];
	_ =	sdelay $0x1  }
0x122: {  	v0 =	vld.idx.msk [tilespmem:v0+s8+$0x0], $0xffff;
	_ =	sdelay $0x4  }
0x123: {  	[tilespmem:s10+$0x5060] =	vst v0  }
0x124: {  	v0 =	vld.idx.msk [tilespmem:v1+s8+$0x0], $0xffff;
	_ =	sdelay $0x4  }
0x125: {  	s26 =	sadd.s32 $0x5000, s10;
	s28 =	simm.s32 $0x1;
	[tilespmem:s10+$0x5070] =	vst v0  }
0x126: {  	[spmem:s4] =	stream.indirect.scatter.add.f32 [tilespmem:s26], [sflag:$0x1], $0x1, s10, s9, $0xb8;
	[tilespmem:$0xB180] =	vst v63  }
0x127: {  	_ =	swait.ge [sflag:s28], $0x2800  }
0x128: {  	[sflag:s28] =	ssyncset.done $0x0  }
0x129: {  	[sflag:s28] =	ssyncadd.s32 $0xFFFFD800  }
0x12a: {  	s29 =	simm.s32 $0xA000;
	s30 =	simm.s32 $0x2;
	[bflag:$0x0] =	sbarrier.arrive $0xFFFF  }
0x12b: {  	[tilespmem:s29], [sflag:$0x2] =	stream.linear.gather [spmem:s5], $0x280, $0x38;
	[tilespmem:$0xB180] =	vst v63  }
0x12c: {  	_ =	swait.ge [sflag:s30], $0x280  }
0x12d: {  	[sflag:s30] =	ssyncset.done $0x0  }
0x12e: {  	s31 =	simm.s32 $0xA020;
	[sflag:s30] =	ssyncadd.s32 $0xFFFFFD80  }
0x12f: {  	s11 =	simm.s32 $0xA2A0;
	v0 =	vld [tilespmem:s31+$0xFFFFFFE0]  }
0x130: {  	v1 =	vld [tilespmem:s11+$0xFFFFFFE0];
	_ =	sdelay $0x2  }
0x131: {  	s8 =	simm.s32 $0xA520  }
0x132: {  	v2 =	vld [tilespmem:s8+$0xFFFFFFE0]  }
0x133: {  	v0 =	vmul.f32 v1, v0;
	_ =	sdelay $0x1  }
0x134: {  	v1 =	vmul.f32 $9.000000350e-02, v0;
	_ =	sdelay $0x1  }
0x135: {  	v1 =	vadd.f32 v1, v2;
	_ =	sdelay $0x1  }
0x136: {  	[tilespmem:s8+$0xFFFFFFE0] =	vst v1  }
0x137: {  	v1 =	vld [tilespmem:s11+$0xFFFFFFE0];
	_ =	sdelay $0x4  }
0x138: {  	v0 =	vmul.f32 v1, v0  }
0x139: {  	s9 =	simm.s32 $0xA7A0  }
0x13a: {  	[tilespmem:s9+$0xFFFFFFE0] =	vst v0  }
0x13b: {  	v0 =	vld [tilespmem:s11+$0xFFFFFFF0]  }
0x13c: {  	v1 =	vld [tilespmem:s31+$0xFFFFFFF0];
	_ =	sdelay $0x3  }
0x13d: {  	v2 =	vld [tilespmem:s8+$0xFFFFFFF0]  }
0x13e: {  	v0 =	vmul.f32 v0, v1;
	_ =	sdelay $0x1  }
0x13f: {  	v1 =	vmul.f32 $9.000000350e-02, v0;
	_ =	sdelay $0x1  }
0x140: {  	v1 =	vadd.f32 v1, v2;
	_ =	sdelay $0x1  }
0x141: {  	[tilespmem:s8+$0xFFFFFFF0] =	vst v1  }
0x142: {  	v1 =	vld [tilespmem:s11+$0xFFFFFFF0];
	_ =	sdelay $0x4  }
0x143: {  	v0 =	vmul.f32 v1, v0;
	_ =	sdelay $0x1  }
0x144: {  	[tilespmem:s9+$0xFFFFFFF0] =	vst v0  }
0x145: {  	v0 =	vld [tilespmem:s31+$0x0]  }
0x146: {  	v1 =	vld [tilespmem:s11+$0x0];
	_ =	sdelay $0x3  }
0x147: {  	v2 =	vld [tilespmem:s8+$0x0]  }
0x148: {  	v0 =	vmul.f32 v1, v0;
	_ =	sdelay $0x1  }
0x149: {  	v1 =	vmul.f32 $9.000000350e-02, v0;
	_ =	sdelay $0x1  }
0x14a: {  	v1 =	vadd.f32 v1, v2;
	_ =	sdelay $0x1  }
0x14b: {  	[tilespmem:s8+$0x0] =	vst v1  }
0x14c: {  	v1 =	vld [tilespmem:s11+$0x0];
	_ =	sdelay $0x4  }
0x14d: {  	v0 =	vmul.f32 v1, v0;
	_ =	sdelay $0x1  }
0x14e: {  	[tilespmem:s9+$0x0] =	vst v0  }
0x14f: {  	v0 =	vld [tilespmem:s31+$0x10]  }
0x150: {  	v1 =	vld [tilespmem:s11+$0x10];
	_ =	sdelay $0x3  }
0x151: {  	v2 =	vld [tilespmem:s8+$0x10]  }
0x152: {  	v0 =	vmul.f32 v1, v0;
	_ =	sdelay $0x1  }
0x153: {  	v1 =	vmul.f32 $9.000000350e-02, v0;
	_ =	sdelay $0x1  }
0x154: {  	v1 =	vadd.f32 v1, v2;
	_ =	sdelay $0x1  }
0x155: {  	[tilespmem:s8+$0x10] =	vst v1  }
0x156: {  	v1 =	vld [tilespmem:s11+$0x10];
	_ =	sdelay $0x1  }
0x157: {  	s13 =	simm.s32 $0xA060  }
0x158: {  	s12 =	simm.s32 $0xA7A0;
	s10 =	simm.s32 $0x0;
	s11 =	simm.s32 $0xA2E0  }
.LBB2_9:
0x159: {  	s10 =	sadd.s32 $0x4, s10;
	s9 =	sadd.s32 $0x40, s9;
	s8 =	sadd.s32 $0x40, s8  }
0x15a: {  	p0 =	slt.u32 s10, $0x24;
	v0 =	vmul.f32 v1, v0;
	_ =	sdelay $0x1  }
0x15b: {  	[tilespmem:s12+$0x10] =	vst v0;
	s12 =	smov.u32 s9  }
0x15c: {  	v0 =	vld [tilespmem:s13+$0xFFFFFFE0]  }
0x15d: {  	v1 =	vld [tilespmem:s11+$0xFFFFFFE0];
	_ =	sdelay $0x3  }
0x15e: {  	v2 =	vld [tilespmem:s8+$0xFFFFFFE0]  }
0x15f: {  	v0 =	vmul.f32 v1, v0;
	_ =	sdelay $0x1  }
0x160: {  	v1 =	vmul.f32 $9.000000350e-02, v0;
	_ =	sdelay $0x1  }
0x161: {  	v1 =	vadd.f32 v1, v2;
	_ =	sdelay $0x1  }
0x162: {  	[tilespmem:s8+$0xFFFFFFE0] =	vst v1  }
0x163: {  	v1 =	vld [tilespmem:s11+$0xFFFFFFE0];
	_ =	sdelay $0x4  }
0x164: {  	v0 =	vmul.f32 v1, v0;
	_ =	sdelay $0x1  }
0x165: {  	[tilespmem:s9+$0xFFFFFFE0] =	vst v0  }
0x166: {  	v0 =	vld [tilespmem:s11+$0xFFFFFFF0]  }
0x167: {  	v1 =	vld [tilespmem:s13+$0xFFFFFFF0];
	_ =	sdelay $0x2  }
0x168: {  	v2 =	vld [tilespmem:s8+$0xFFFFFFF0];
	_ =	sdelay $0x1  }
0x169: {  	v0 =	vmul.f32 v0, v1;
	_ =	sdelay $0x1  }
0x16a: {  	v1 =	vmul.f32 $9.000000350e-02, v0;
	_ =	sdelay $0x1  }
0x16b: {  	v1 =	vadd.f32 v1, v2;
	_ =	sdelay $0x1  }
0x16c: {  	[tilespmem:s8+$0xFFFFFFF0] =	vst v1  }
0x16d: {  	v1 =	vld [tilespmem:s11+$0xFFFFFFF0];
	_ =	sdelay $0x4  }
0x16e: {  	v0 =	vmul.f32 v1, v0;
	_ =	sdelay $0x1  }
0x16f: {  	[tilespmem:s9+$0xFFFFFFF0] =	vst v0  }
0x170: {  	v0 =	vld [tilespmem:s13+$0x0]  }
0x171: {  	v1 =	vld [tilespmem:s11+$0x0];
	_ =	sdelay $0x1  }
0x172: {  	v2 =	vld [tilespmem:s8+$0x0];
	_ =	sdelay $0x2  }
0x173: {  	v0 =	vmul.f32 v1, v0;
	_ =	sdelay $0x1  }
0x174: {  	v1 =	vmul.f32 $9.000000350e-02, v0;
	_ =	sdelay $0x1  }
0x175: {  	v1 =	vadd.f32 v1, v2;
	_ =	sdelay $0x1  }
0x176: {  	[tilespmem:s8+$0x0] =	vst v1  }
0x177: {  	v1 =	vld [tilespmem:s11+$0x0];
	_ =	sdelay $0x4  }
0x178: {  	v0 =	vmul.f32 v1, v0;
	_ =	sdelay $0x1  }
0x179: {  	[tilespmem:s9+$0x0] =	vst v0  }
0x17a: {  	v0 =	vld [tilespmem:s13+$0x10]  }
0x17b: {  	v1 =	vld [tilespmem:s11+$0x10]  }
0x17c: {  	v2 =	vld [tilespmem:s8+$0x10];
	_ =	sdelay $0x3  }
0x17d: {  	v0 =	vmul.f32 v1, v0;
	_ =	sdelay $0x1  }
0x17e: {  	v1 =	vmul.f32 $9.000000350e-02, v0;
	_ =	sdelay $0x1  }
0x17f: {  	v1 =	vadd.f32 v1, v2;
	_ =	sdelay $0x1  }
.Ltmp4:
0x180: {  	[tilespmem:s8+$0x10] =	vst v1;
	(pc) =	sbr.rel @p0 .LBB2_9-.Ltmp4, $2  }
0x181: {  	v1 =	vld [tilespmem:s11+$0x10];
	_ =	sdelay $0x2  }
0x182: {  	s13 =	sadd.s32 $0x40, s13;
	s11 =	sadd.s32 $0x40, s11  }
0x183: {  	_ = 	snop  }
0x184: {  	v0 =	vmul.f32 v1, v0;
	_ =	sdelay $0x1  }
0x185: {  	s8 =	simm.s32 $0xA780;
	s9 =	simm.s32 $0x2;
	[tilespmem:s12+$0x10] =	vst v0  }
0x186: {  	[spmem:s7] =	stream.linear.scatter [tilespmem:s8], [sflag:$0x2], $0x280, $0x38;
	[tilespmem:$0xB180] =	vst v63  }
0x187: {  	_ =	swait.ge [sflag:s9], $0x280  }
0x188: {  	[sflag:s9] =	ssyncset.done $0x0  }
0x189: {  	s31 =	simm.s32 $0xAA00;
	[sflag:s9] =	ssyncadd.s32 $0xFFFFFD80  }
0x18a: {  	[spmem:s5] =	stream.linear.scatter [tilespmem:s31], [sflag:$0x2], $0x280, $0x38;
	[tilespmem:$0xB180] =	vst v63  }
0x18b: {  	_ =	swait.ge [sflag:s9], $0x280  }
0x18c: {  	[sflag:s9] =	ssyncset.done $0x0  }
0x18d: {  	[sflag:s9] =	ssyncadd.s32 $0xFFFFFD80  }
0x18e: {  	s8 =	simm.s32 $0x7800;
	[bflag:$0x0] =	sbarrier.arrive $0xFFFF  }
0x18f: {  	[tilespmem:s8], [sflag:$0x2] =	stream.linear.gather [spmem:s6], $0x2800, $0x38;
	[tilespmem:$0xB180] =	vst v63  }
0x190: {  	_ =	swait.ge [sflag:s9], $0x2800  }
0x191: {  	[sflag:s9] =	ssyncset.done $0x0  }
0x192: {  	s10 =	simm.s32 $0x0;
	[sflag:s9] =	ssyncadd.s32 $0xFFFFD800  }
0x193: {  	s11 =	simm.s32 $0x200;
	s9 =	simm.s32 $0x80;
	v0 =	vld [tilespmem:s10+$0x2800]  }
.LBB2_11:
0x194: {  	p0 =	sne.s32 s11, $0x9E00;
	_ =	sdelay $0x5  }
0x195: {  	v1 =	vld [tilespmem:s10+$0x2810]  }
0x196: {  	v0 =	vld.idx.msk [tilespmem:v0+s8+$0x0], $0xffff;
	_ =	sdelay $0x5  }
0x197: {  	[tilespmem:s10+$0x5000] =	vst v0;
	v0 =	vld [tilespmem:s10+$0x2820]  }
0x198: {  	v1 =	vld.idx.msk [tilespmem:v1+s8+$0x0], $0xffff;
	_ =	sdelay $0x5  }
0x199: {  	[tilespmem:s10+$0x5010] =	vst v1;
	v1 =	vld [tilespmem:s10+$0x2830]  }
0x19a: {  	v0 =	vld.idx.msk [tilespmem:v0+s8+$0x0], $0xffff;
	_ =	sdelay $0x5  }
0x19b: {  	[tilespmem:s10+$0x5020] =	vst v0;
	v0 =	vld [tilespmem:s10+$0x2840]  }
0x19c: {  	v1 =	vld.idx.msk [tilespmem:v1+s8+$0x0], $0xffff;
	_ =	sdelay $0x5  }
0x19d: {  	[tilespmem:s10+$0x5030] =	vst v1;
	v1 =	vld [tilespmem:s10+$0x2850]  }
0x19e: {  	v0 =	vld.idx.msk [tilespmem:v0+s8+$0x0], $0xffff;
	_ =	sdelay $0x5  }
0x19f: {  	[tilespmem:s10+$0x5040] =	vst v0;
	v0 =	vld [tilespmem:s10+$0x2860]  }
0x1a0: {  	v1 =	vld.idx.msk [tilespmem:v1+s8+$0x0], $0xffff;
	_ =	sdelay $0x5  }
0x1a1: {  	[tilespmem:s10+$0x5050] =	vst v1;
	v1 =	vld [tilespmem:s10+$0x2870]  }
0x1a2: {  	v0 =	vld.idx.msk [tilespmem:v0+s8+$0x0], $0xffff;
	_ =	sdelay $0x5  }
0x1a3: {  	[tilespmem:s10+$0x5060] =	vst v0  }
0x1a4: {  	v0 =	vld.idx.msk [tilespmem:v1+s8+$0x0], $0xffff;
	_ =	sdelay $0x2  }
.Ltmp5:
0x1a5: {  	(pc) =	sbr.rel @p0 .LBB2_11-.Ltmp5, $4  }
0x1a6: {  	_ = 	snop  }
0x1a7: {  	s12 =	sshra.s32 s11, $0x2;
	s13 =	sadd.s32 $0x5000, s10  }
0x1a8: {  	[tilespmem:s10+$0x5070] =	vst v0;
	[spmem:s4] =	stream.indirect.scatter.add.f32 [tilespmem:s13], [sflag:$0x1], $0x1, s10, s9, $0xb8  }
0x1a9: {  	s11 =	sadd.s32 $0x200, s11;
	s10 =	smov.u32 s12;
	v0 =	vld [tilespmem:s12+$0x2800]  }
0x1aa: {  	_ =	sdelay $0x5  }
0x1ab: {  	v1 =	vld [tilespmem:s10+$0x2810];
	_ =	sdelay $0x1  }
0x1ac: {  	v0 =	vld.idx.msk [tilespmem:v0+s8+$0x0], $0xffff;
	_ =	sdelay $0x4  }
0x1ad: {  	[tilespmem:s10+$0x5000] =	vst v0;
	v0 =	vld [tilespmem:s10+$0x2820]  }
0x1ae: {  	v1 =	vld.idx.msk [tilespmem:v1+s8+$0x0], $0xffff;
	_ =	sdelay $0x4  }
0x1af: {  	[tilespmem:s10+$0x5010] =	vst v1;
	v1 =	vld [tilespmem:s10+$0x2830];
	_ =	sdelay $0x1  }
0x1b0: {  	v0 =	vld.idx.msk [tilespmem:v0+s8+$0x0], $0xffff;
	_ =	sdelay $0x4  }
0x1b1: {  	[tilespmem:s10+$0x5020] =	vst v0;
	v0 =	vld [tilespmem:s10+$0x2840]  }
0x1b2: {  	v1 =	vld.idx.msk [tilespmem:v1+s8+$0x0], $0xffff;
	_ =	sdelay $0x4  }
0x1b3: {  	[tilespmem:s10+$0x5030] =	vst v1;
	v1 =	vld [tilespmem:s10+$0x2850];
	_ =	sdelay $0x1  }
0x1b4: {  	v0 =	vld.idx.msk [tilespmem:v0+s8+$0x0], $0xffff;
	_ =	sdelay $0x4  }
0x1b5: {  	[tilespmem:s10+$0x5040] =	vst v0;
	v0 =	vld [tilespmem:s10+$0x2860]  }
0x1b6: {  	v1 =	vld.idx.msk [tilespmem:v1+s8+$0x0], $0xffff;
	_ =	sdelay $0x4  }
0x1b7: {  	[tilespmem:s10+$0x5050] =	vst v1;
	v1 =	vld [tilespmem:s10+$0x2870];
	_ =	sdelay $0x1  }
0x1b8: {  	v0 =	vld.idx.msk [tilespmem:v0+s8+$0x0], $0xffff;
	_ =	sdelay $0x4  }
0x1b9: {  	[tilespmem:s10+$0x5060] =	vst v0  }
0x1ba: {  	v0 =	vld.idx.msk [tilespmem:v1+s8+$0x0], $0xffff;
	_ =	sdelay $0x4  }
0x1bb: {  	s26 =	sadd.s32 $0x5000, s10;
	s28 =	simm.s32 $0x1;
	[tilespmem:s10+$0x5070] =	vst v0  }
0x1bc: {  	[spmem:s4] =	stream.indirect.scatter.add.f32 [tilespmem:s26], [sflag:$0x1], $0x1, s10, s9, $0xb8;
	[tilespmem:$0xB180] =	vst v63  }
0x1bd: {  	_ =	swait.ge [sflag:s28], $0x2800  }
0x1be: {  	[sflag:s28] =	ssyncset.done $0x0  }
0x1bf: {  	[sflag:s28] =	ssyncadd.s32 $0xFFFFD800  }
0x1c0: {  	s29 =	simm.s32 $0xA000;
	s30 =	simm.s32 $0x2;
	[bflag:$0x0] =	sbarrier.arrive $0xFFFF  }
0x1c1: {  	[tilespmem:s29], [sflag:$0x2] =	stream.linear.gather [spmem:s5], $0x280, $0x38;
	[tilespmem:$0xB180] =	vst v63  }
0x1c2: {  	_ =	swait.ge [sflag:s30], $0x280  }
0x1c3: {  	[sflag:s30] =	ssyncset.done $0x0  }
0x1c4: {  	s31 =	simm.s32 $0xA020;
	[sflag:s30] =	ssyncadd.s32 $0xFFFFFD80  }
0x1c5: {  	s11 =	simm.s32 $0xA2A0;
	v0 =	vld [tilespmem:s31+$0xFFFFFFE0]  }
0x1c6: {  	v1 =	vld [tilespmem:s11+$0xFFFFFFE0];
	_ =	sdelay $0x2  }
0x1c7: {  	s8 =	simm.s32 $0xA520  }
0x1c8: {  	v2 =	vld [tilespmem:s8+$0xFFFFFFE0]  }
0x1c9: {  	v0 =	vmul.f32 v1, v0;
	_ =	sdelay $0x1  }
0x1ca: {  	v1 =	vmul.f32 $8.100000020e-02, v0;
	_ =	sdelay $0x1  }
0x1cb: {  	v1 =	vadd.f32 v1, v2;
	_ =	sdelay $0x1  }
0x1cc: {  	[tilespmem:s8+$0xFFFFFFE0] =	vst v1  }
0x1cd: {  	v1 =	vld [tilespmem:s11+$0xFFFFFFE0];
	_ =	sdelay $0x4  }
0x1ce: {  	v0 =	vmul.f32 v1, v0  }
0x1cf: {  	s9 =	simm.s32 $0xA7A0  }
0x1d0: {  	[tilespmem:s9+$0xFFFFFFE0] =	vst v0  }
0x1d1: {  	v0 =	vld [tilespmem:s11+$0xFFFFFFF0]  }
0x1d2: {  	v1 =	vld [tilespmem:s31+$0xFFFFFFF0];
	_ =	sdelay $0x3  }
0x1d3: {  	v2 =	vld [tilespmem:s8+$0xFFFFFFF0]  }
0x1d4: {  	v0 =	vmul.f32 v0, v1;
	_ =	sdelay $0x1  }
0x1d5: {  	v1 =	vmul.f32 $8.100000020e-02, v0;
	_ =	sdelay $0x1  }
0x1d6: {  	v1 =	vadd.f32 v1, v2;
	_ =	sdelay $0x1  }
0x1d7: {  	[tilespmem:s8+$0xFFFFFFF0] =	vst v1  }
0x1d8: {  	v1 =	vld [tilespmem:s11+$0xFFFFFFF0];
	_ =	sdelay $0x4  }
0x1d9: {  	v0 =	vmul.f32 v1, v0;
	_ =	sdelay $0x1  }
0x1da: {  	[tilespmem:s9+$0xFFFFFFF0] =	vst v0  }
0x1db: {  	v0 =	vld [tilespmem:s31+$0x0]  }
0x1dc: {  	v1 =	vld [tilespmem:s11+$0x0];
	_ =	sdelay $0x3  }
0x1dd: {  	v2 =	vld [tilespmem:s8+$0x0]  }
0x1de: {  	v0 =	vmul.f32 v1, v0;
	_ =	sdelay $0x1  }
0x1df: {  	v1 =	vmul.f32 $8.100000020e-02, v0;
	_ =	sdelay $0x1  }
0x1e0: {  	v1 =	vadd.f32 v1, v2;
	_ =	sdelay $0x1  }
0x1e1: {  	[tilespmem:s8+$0x0] =	vst v1  }
0x1e2: {  	v1 =	vld [tilespmem:s11+$0x0];
	_ =	sdelay $0x4  }
0x1e3: {  	v0 =	vmul.f32 v1, v0;
	_ =	sdelay $0x1  }
0x1e4: {  	[tilespmem:s9+$0x0] =	vst v0  }
0x1e5: {  	v0 =	vld [tilespmem:s31+$0x10]  }
0x1e6: {  	v1 =	vld [tilespmem:s11+$0x10];
	_ =	sdelay $0x3  }
0x1e7: {  	v2 =	vld [tilespmem:s8+$0x10]  }
0x1e8: {  	v0 =	vmul.f32 v1, v0;
	_ =	sdelay $0x1  }
0x1e9: {  	v1 =	vmul.f32 $8.100000020e-02, v0;
	_ =	sdelay $0x1  }
0x1ea: {  	v1 =	vadd.f32 v1, v2;
	_ =	sdelay $0x1  }
0x1eb: {  	[tilespmem:s8+$0x10] =	vst v1  }
0x1ec: {  	v1 =	vld [tilespmem:s11+$0x10];
	_ =	sdelay $0x1  }
0x1ed: {  	s13 =	simm.s32 $0xA060  }
0x1ee: {  	s12 =	simm.s32 $0xA7A0;
	s10 =	simm.s32 $0x0;
	s11 =	simm.s32 $0xA2E0  }
.LBB2_13:
0x1ef: {  	s10 =	sadd.s32 $0x4, s10;
	s9 =	sadd.s32 $0x40, s9;
	s8 =	sadd.s32 $0x40, s8  }
0x1f0: {  	p0 =	slt.u32 s10, $0x24;
	v0 =	vmul.f32 v1, v0;
	_ =	sdelay $0x1  }
0x1f1: {  	[tilespmem:s12+$0x10] =	vst v0;
	s12 =	smov.u32 s9  }
0x1f2: {  	v0 =	vld [tilespmem:s13+$0xFFFFFFE0]  }
0x1f3: {  	v1 =	vld [tilespmem:s11+$0xFFFFFFE0];
	_ =	sdelay $0x3  }
0x1f4: {  	v2 =	vld [tilespmem:s8+$0xFFFFFFE0]  }
0x1f5: {  	v0 =	vmul.f32 v1, v0;
	_ =	sdelay $0x1  }
0x1f6: {  	v1 =	vmul.f32 $8.100000020e-02, v0;
	_ =	sdelay $0x1  }
0x1f7: {  	v1 =	vadd.f32 v1, v2;
	_ =	sdelay $0x1  }
0x1f8: {  	[tilespmem:s8+$0xFFFFFFE0] =	vst v1  }
0x1f9: {  	v1 =	vld [tilespmem:s11+$0xFFFFFFE0];
	_ =	sdelay $0x4  }
0x1fa: {  	v0 =	vmul.f32 v1, v0;
	_ =	sdelay $0x1  }
0x1fb: {  	[tilespmem:s9+$0xFFFFFFE0] =	vst v0  }
0x1fc: {  	v0 =	vld [tilespmem:s11+$0xFFFFFFF0]  }
0x1fd: {  	v1 =	vld [tilespmem:s13+$0xFFFFFFF0];
	_ =	sdelay $0x2  }
0x1fe: {  	v2 =	vld [tilespmem:s8+$0xFFFFFFF0];
	_ =	sdelay $0x1  }
0x1ff: {  	v0 =	vmul.f32 v0, v1;
	_ =	sdelay $0x1  }
0x200: {  	v1 =	vmul.f32 $8.100000020e-02, v0;
	_ =	sdelay $0x1  }
0x201: {  	v1 =	vadd.f32 v1, v2;
	_ =	sdelay $0x1  }
0x202: {  	[tilespmem:s8+$0xFFFFFFF0] =	vst v1  }
0x203: {  	v1 =	vld [tilespmem:s11+$0xFFFFFFF0];
	_ =	sdelay $0x4  }
0x204: {  	v0 =	vmul.f32 v1, v0;
	_ =	sdelay $0x1  }
0x205: {  	[tilespmem:s9+$0xFFFFFFF0] =	vst v0  }
0x206: {  	v0 =	vld [tilespmem:s13+$0x0]  }
0x207: {  	v1 =	vld [tilespmem:s11+$0x0];
	_ =	sdelay $0x1  }
0x208: {  	v2 =	vld [tilespmem:s8+$0x0];
	_ =	sdelay $0x2  }
0x209: {  	v0 =	vmul.f32 v1, v0;
	_ =	sdelay $0x1  }
0x20a: {  	v1 =	vmul.f32 $8.100000020e-02, v0;
	_ =	sdelay $0x1  }
0x20b: {  	v1 =	vadd.f32 v1, v2;
	_ =	sdelay $0x1  }
0x20c: {  	[tilespmem:s8+$0x0] =	vst v1  }
0x20d: {  	v1 =	vld [tilespmem:s11+$0x0];
	_ =	sdelay $0x4  }
0x20e: {  	v0 =	vmul.f32 v1, v0;
	_ =	sdelay $0x1  }
0x20f: {  	[tilespmem:s9+$0x0] =	vst v0  }
0x210: {  	v0 =	vld [tilespmem:s13+$0x10]  }
0x211: {  	v1 =	vld [tilespmem:s11+$0x10]  }
0x212: {  	v2 =	vld [tilespmem:s8+$0x10];
	_ =	sdelay $0x3  }
0x213: {  	v0 =	vmul.f32 v1, v0;
	_ =	sdelay $0x1  }
0x214: {  	v1 =	vmul.f32 $8.100000020e-02, v0;
	_ =	sdelay $0x1  }
0x215: {  	v1 =	vadd.f32 v1, v2;
	_ =	sdelay $0x1  }
.Ltmp6:
0x216: {  	[tilespmem:s8+$0x10] =	vst v1;
	(pc) =	sbr.rel @p0 .LBB2_13-.Ltmp6, $2  }
0x217: {  	v1 =	vld [tilespmem:s11+$0x10];
	_ =	sdelay $0x2  }
0x218: {  	s13 =	sadd.s32 $0x40, s13;
	s11 =	sadd.s32 $0x40, s11  }
0x219: {  	_ = 	snop  }
0x21a: {  	v0 =	vmul.f32 v1, v0;
	_ =	sdelay $0x1  }
0x21b: {  	s8 =	simm.s32 $0xA780;
	s9 =	simm.s32 $0x2;
	[tilespmem:s12+$0x10] =	vst v0  }
0x21c: {  	[spmem:s7] =	stream.linear.scatter [tilespmem:s8], [sflag:$0x2], $0x280, $0x38;
	[tilespmem:$0xB180] =	vst v63  }
0x21d: {  	_ =	swait.ge [sflag:s9], $0x280  }
0x21e: {  	[sflag:s9] =	ssyncset.done $0x0  }
0x21f: {  	s31 =	simm.s32 $0xAA00;
	[sflag:s9] =	ssyncadd.s32 $0xFFFFFD80  }
0x220: {  	[spmem:s5] =	stream.linear.scatter [tilespmem:s31], [sflag:$0x2], $0x280, $0x38;
	[tilespmem:$0xB180] =	vst v63  }
0x221: {  	_ =	swait.ge [sflag:s9], $0x280  }
0x222: {  	[sflag:s9] =	ssyncset.done $0x0  }
0x223: {  	[sflag:s9] =	ssyncadd.s32 $0xFFFFFD80  }
0x224: {  	s8 =	simm.s32 $0x7800;
	[bflag:$0x0] =	sbarrier.arrive $0xFFFF  }
0x225: {  	[tilespmem:s8], [sflag:$0x2] =	stream.linear.gather [spmem:s6], $0x2800, $0x38;
	[tilespmem:$0xB180] =	vst v63  }
0x226: {  	_ =	swait.ge [sflag:s9], $0x2800  }
0x227: {  	[sflag:s9] =	ssyncset.done $0x0  }
0x228: {  	s10 =	simm.s32 $0x0;
	[sflag:s9] =	ssyncadd.s32 $0xFFFFD800  }
0x229: {  	s11 =	simm.s32 $0x200;
	s9 =	simm.s32 $0x80;
	v0 =	vld [tilespmem:s10+$0x2800]  }
.LBB2_15:
0x22a: {  	p0 =	sne.s32 s11, $0x9E00;
	_ =	sdelay $0x5  }
0x22b: {  	v1 =	vld [tilespmem:s10+$0x2810]  }
0x22c: {  	v0 =	vld.idx.msk [tilespmem:v0+s8+$0x0], $0xffff;
	_ =	sdelay $0x5  }
0x22d: {  	[tilespmem:s10+$0x5000] =	vst v0;
	v0 =	vld [tilespmem:s10+$0x2820]  }
0x22e: {  	v1 =	vld.idx.msk [tilespmem:v1+s8+$0x0], $0xffff;
	_ =	sdelay $0x5  }
0x22f: {  	[tilespmem:s10+$0x5010] =	vst v1;
	v1 =	vld [tilespmem:s10+$0x2830]  }
0x230: {  	v0 =	vld.idx.msk [tilespmem:v0+s8+$0x0], $0xffff;
	_ =	sdelay $0x5  }
0x231: {  	[tilespmem:s10+$0x5020] =	vst v0;
	v0 =	vld [tilespmem:s10+$0x2840]  }
0x232: {  	v1 =	vld.idx.msk [tilespmem:v1+s8+$0x0], $0xffff;
	_ =	sdelay $0x5  }
0x233: {  	[tilespmem:s10+$0x5030] =	vst v1;
	v1 =	vld [tilespmem:s10+$0x2850]  }
0x234: {  	v0 =	vld.idx.msk [tilespmem:v0+s8+$0x0], $0xffff;
	_ =	sdelay $0x5  }
0x235: {  	[tilespmem:s10+$0x5040] =	vst v0;
	v0 =	vld [tilespmem:s10+$0x2860]  }
0x236: {  	v1 =	vld.idx.msk [tilespmem:v1+s8+$0x0], $0xffff;
	_ =	sdelay $0x5  }
0x237: {  	[tilespmem:s10+$0x5050] =	vst v1;
	v1 =	vld [tilespmem:s10+$0x2870]  }
0x238: {  	v0 =	vld.idx.msk [tilespmem:v0+s8+$0x0], $0xffff;
	_ =	sdelay $0x5  }
0x239: {  	[tilespmem:s10+$0x5060] =	vst v0  }
0x23a: {  	v0 =	vld.idx.msk [tilespmem:v1+s8+$0x0], $0xffff;
	_ =	sdelay $0x2  }
.Ltmp7:
0x23b: {  	(pc) =	sbr.rel @p0 .LBB2_15-.Ltmp7, $4  }
0x23c: {  	_ = 	snop  }
0x23d: {  	s12 =	sshra.s32 s11, $0x2;
	s13 =	sadd.s32 $0x5000, s10  }
0x23e: {  	[tilespmem:s10+$0x5070] =	vst v0;
	[spmem:s4] =	stream.indirect.scatter.add.f32 [tilespmem:s13], [sflag:$0x1], $0x1, s10, s9, $0xb8  }
0x23f: {  	s11 =	sadd.s32 $0x200, s11;
	s10 =	smov.u32 s12;
	v0 =	vld [tilespmem:s12+$0x2800]  }
0x240: {  	_ =	sdelay $0x5  }
0x241: {  	v1 =	vld [tilespmem:s10+$0x2810];
	_ =	sdelay $0x1  }
0x242: {  	v0 =	vld.idx.msk [tilespmem:v0+s8+$0x0], $0xffff;
	_ =	sdelay $0x4  }
0x243: {  	[tilespmem:s10+$0x5000] =	vst v0;
	v0 =	vld [tilespmem:s10+$0x2820]  }
0x244: {  	v1 =	vld.idx.msk [tilespmem:v1+s8+$0x0], $0xffff;
	_ =	sdelay $0x4  }
0x245: {  	[tilespmem:s10+$0x5010] =	vst v1;
	v1 =	vld [tilespmem:s10+$0x2830];
	_ =	sdelay $0x1  }
0x246: {  	v0 =	vld.idx.msk [tilespmem:v0+s8+$0x0], $0xffff;
	_ =	sdelay $0x4  }
0x247: {  	[tilespmem:s10+$0x5020] =	vst v0;
	v0 =	vld [tilespmem:s10+$0x2840]  }
0x248: {  	v1 =	vld.idx.msk [tilespmem:v1+s8+$0x0], $0xffff;
	_ =	sdelay $0x4  }
0x249: {  	[tilespmem:s10+$0x5030] =	vst v1;
	v1 =	vld [tilespmem:s10+$0x2850];
	_ =	sdelay $0x1  }
0x24a: {  	v0 =	vld.idx.msk [tilespmem:v0+s8+$0x0], $0xffff;
	_ =	sdelay $0x4  }
0x24b: {  	[tilespmem:s10+$0x5040] =	vst v0;
	v0 =	vld [tilespmem:s10+$0x2860]  }
0x24c: {  	v1 =	vld.idx.msk [tilespmem:v1+s8+$0x0], $0xffff;
	_ =	sdelay $0x4  }
0x24d: {  	[tilespmem:s10+$0x5050] =	vst v1;
	v1 =	vld [tilespmem:s10+$0x2870];
	_ =	sdelay $0x1  }
0x24e: {  	v0 =	vld.idx.msk [tilespmem:v0+s8+$0x0], $0xffff;
	_ =	sdelay $0x4  }
0x24f: {  	[tilespmem:s10+$0x5060] =	vst v0  }
0x250: {  	v0 =	vld.idx.msk [tilespmem:v1+s8+$0x0], $0xffff;
	_ =	sdelay $0x4  }
0x251: {  	s26 =	sadd.s32 $0x5000, s10;
	s28 =	simm.s32 $0x1;
	[tilespmem:s10+$0x5070] =	vst v0  }
0x252: {  	[spmem:s4] =	stream.indirect.scatter.add.f32 [tilespmem:s26], [sflag:$0x1], $0x1, s10, s9, $0xb8;
	[tilespmem:$0xB180] =	vst v63  }
0x253: {  	_ =	swait.ge [sflag:s28], $0x2800  }
0x254: {  	[sflag:s28] =	ssyncset.done $0x0  }
0x255: {  	[sflag:s28] =	ssyncadd.s32 $0xFFFFD800  }
0x256: {  	s29 =	simm.s32 $0xA000;
	s30 =	simm.s32 $0x2;
	[bflag:$0x0] =	sbarrier.arrive $0xFFFF  }
0x257: {  	[tilespmem:s29], [sflag:$0x2] =	stream.linear.gather [spmem:s5], $0x280, $0x38;
	[tilespmem:$0xB180] =	vst v63  }
0x258: {  	_ =	swait.ge [sflag:s30], $0x280  }
0x259: {  	[sflag:s30] =	ssyncset.done $0x0  }
0x25a: {  	s31 =	simm.s32 $0xA020;
	[sflag:s30] =	ssyncadd.s32 $0xFFFFFD80  }
0x25b: {  	s11 =	simm.s32 $0xA2A0;
	v0 =	vld [tilespmem:s31+$0xFFFFFFE0]  }
0x25c: {  	v1 =	vld [tilespmem:s11+$0xFFFFFFE0];
	_ =	sdelay $0x2  }
0x25d: {  	s8 =	simm.s32 $0xA520  }
0x25e: {  	v2 =	vld [tilespmem:s8+$0xFFFFFFE0]  }
0x25f: {  	v0 =	vmul.f32 v1, v0;
	_ =	sdelay $0x1  }
0x260: {  	v1 =	vmul.f32 $7.289999720e-02, v0;
	_ =	sdelay $0x1  }
0x261: {  	v1 =	vadd.f32 v1, v2;
	_ =	sdelay $0x1  }
0x262: {  	[tilespmem:s8+$0xFFFFFFE0] =	vst v1  }
0x263: {  	v1 =	vld [tilespmem:s11+$0xFFFFFFE0];
	_ =	sdelay $0x4  }
0x264: {  	v0 =	vmul.f32 v1, v0  }
0x265: {  	s9 =	simm.s32 $0xA7A0  }
0x266: {  	[tilespmem:s9+$0xFFFFFFE0] =	vst v0  }
0x267: {  	v0 =	vld [tilespmem:s11+$0xFFFFFFF0]  }
0x268: {  	v1 =	vld [tilespmem:s31+$0xFFFFFFF0];
	_ =	sdelay $0x3  }
0x269: {  	v2 =	vld [tilespmem:s8+$0xFFFFFFF0]  }
0x26a: {  	v0 =	vmul.f32 v0, v1;
	_ =	sdelay $0x1  }
0x26b: {  	v1 =	vmul.f32 $7.289999720e-02, v0;
	_ =	sdelay $0x1  }
0x26c: {  	v1 =	vadd.f32 v1, v2;
	_ =	sdelay $0x1  }
0x26d: {  	[tilespmem:s8+$0xFFFFFFF0] =	vst v1  }
0x26e: {  	v1 =	vld [tilespmem:s11+$0xFFFFFFF0];
	_ =	sdelay $0x4  }
0x26f: {  	v0 =	vmul.f32 v1, v0;
	_ =	sdelay $0x1  }
0x270: {  	[tilespmem:s9+$0xFFFFFFF0] =	vst v0  }
0x271: {  	v0 =	vld [tilespmem:s31+$0x0]  }
0x272: {  	v1 =	vld [tilespmem:s11+$0x0];
	_ =	sdelay $0x3  }
0x273: {  	v2 =	vld [tilespmem:s8+$0x0]  }
0x274: {  	v0 =	vmul.f32 v1, v0;
	_ =	sdelay $0x1  }
0x275: {  	v1 =	vmul.f32 $7.289999720e-02, v0;
	_ =	sdelay $0x1  }
0x276: {  	v1 =	vadd.f32 v1, v2;
	_ =	sdelay $0x1  }
0x277: {  	[tilespmem:s8+$0x0] =	vst v1  }
0x278: {  	v1 =	vld [tilespmem:s11+$0x0];
	_ =	sdelay $0x4  }
0x279: {  	v0 =	vmul.f32 v1, v0;
	_ =	sdelay $0x1  }
0x27a: {  	[tilespmem:s9+$0x0] =	vst v0  }
0x27b: {  	v0 =	vld [tilespmem:s31+$0x10]  }
0x27c: {  	v1 =	vld [tilespmem:s11+$0x10];
	_ =	sdelay $0x3  }
0x27d: {  	v2 =	vld [tilespmem:s8+$0x10]  }
0x27e: {  	v0 =	vmul.f32 v1, v0;
	_ =	sdelay $0x1  }
0x27f: {  	v1 =	vmul.f32 $7.289999720e-02, v0;
	_ =	sdelay $0x1  }
0x280: {  	v1 =	vadd.f32 v1, v2;
	_ =	sdelay $0x1  }
0x281: {  	[tilespmem:s8+$0x10] =	vst v1  }
0x282: {  	v1 =	vld [tilespmem:s11+$0x10];
	_ =	sdelay $0x1  }
0x283: {  	s13 =	simm.s32 $0xA060  }
0x284: {  	s12 =	simm.s32 $0xA7A0;
	s10 =	simm.s32 $0x0;
	s11 =	simm.s32 $0xA2E0  }
.LBB2_17:
0x285: {  	s10 =	sadd.s32 $0x4, s10;
	s9 =	sadd.s32 $0x40, s9;
	s8 =	sadd.s32 $0x40, s8  }
0x286: {  	p0 =	slt.u32 s10, $0x24;
	v0 =	vmul.f32 v1, v0;
	_ =	sdelay $0x1  }
0x287: {  	[tilespmem:s12+$0x10] =	vst v0;
	s12 =	smov.u32 s9  }
0x288: {  	v0 =	vld [tilespmem:s13+$0xFFFFFFE0]  }
0x289: {  	v1 =	vld [tilespmem:s11+$0xFFFFFFE0];
	_ =	sdelay $0x3  }
0x28a: {  	v2 =	vld [tilespmem:s8+$0xFFFFFFE0]  }
0x28b: {  	v0 =	vmul.f32 v1, v0;
	_ =	sdelay $0x1  }
0x28c: {  	v1 =	vmul.f32 $7.289999720e-02, v0;
	_ =	sdelay $0x1  }
0x28d: {  	v1 =	vadd.f32 v1, v2;
	_ =	sdelay $0x1  }
0x28e: {  	[tilespmem:s8+$0xFFFFFFE0] =	vst v1  }
0x28f: {  	v1 =	vld [tilespmem:s11+$0xFFFFFFE0];
	_ =	sdelay $0x4  }
0x290: {  	v0 =	vmul.f32 v1, v0;
	_ =	sdelay $0x1  }
0x291: {  	[tilespmem:s9+$0xFFFFFFE0] =	vst v0  }
0x292: {  	v0 =	vld [tilespmem:s11+$0xFFFFFFF0]  }
0x293: {  	v1 =	vld [tilespmem:s13+$0xFFFFFFF0];
	_ =	sdelay $0x2  }
0x294: {  	v2 =	vld [tilespmem:s8+$0xFFFFFFF0];
	_ =	sdelay $0x1  }
0x295: {  	v0 =	vmul.f32 v0, v1;
	_ =	sdelay $0x1  }
0x296: {  	v1 =	vmul.f32 $7.289999720e-02, v0;
	_ =	sdelay $0x1  }
0x297: {  	v1 =	vadd.f32 v1, v2;
	_ =	sdelay $0x1  }
0x298: {  	[tilespmem:s8+$0xFFFFFFF0] =	vst v1  }
0x299: {  	v1 =	vld [tilespmem:s11+$0xFFFFFFF0];
	_ =	sdelay $0x4  }
0x29a: {  	v0 =	vmul.f32 v1, v0;
	_ =	sdelay $0x1  }
0x29b: {  	[tilespmem:s9+$0xFFFFFFF0] =	vst v0  }
0x29c: {  	v0 =	vld [tilespmem:s13+$0x0]  }
0x29d: {  	v1 =	vld [tilespmem:s11+$0x0];
	_ =	sdelay $0x1  }
0x29e: {  	v2 =	vld [tilespmem:s8+$0x0];
	_ =	sdelay $0x2  }
0x29f: {  	v0 =	vmul.f32 v1, v0;
	_ =	sdelay $0x1  }
0x2a0: {  	v1 =	vmul.f32 $7.289999720e-02, v0;
	_ =	sdelay $0x1  }
0x2a1: {  	v1 =	vadd.f32 v1, v2;
	_ =	sdelay $0x1  }
0x2a2: {  	[tilespmem:s8+$0x0] =	vst v1  }
0x2a3: {  	v1 =	vld [tilespmem:s11+$0x0];
	_ =	sdelay $0x4  }
0x2a4: {  	v0 =	vmul.f32 v1, v0;
	_ =	sdelay $0x1  }
0x2a5: {  	[tilespmem:s9+$0x0] =	vst v0  }
0x2a6: {  	v0 =	vld [tilespmem:s13+$0x10]  }
0x2a7: {  	v1 =	vld [tilespmem:s11+$0x10]  }
0x2a8: {  	v2 =	vld [tilespmem:s8+$0x10];
	_ =	sdelay $0x3  }
0x2a9: {  	v0 =	vmul.f32 v1, v0;
	_ =	sdelay $0x1  }
0x2aa: {  	v1 =	vmul.f32 $7.289999720e-02, v0;
	_ =	sdelay $0x1  }
0x2ab: {  	v1 =	vadd.f32 v1, v2;
	_ =	sdelay $0x1  }
.Ltmp8:
0x2ac: {  	[tilespmem:s8+$0x10] =	vst v1;
	(pc) =	sbr.rel @p0 .LBB2_17-.Ltmp8, $2  }
0x2ad: {  	v1 =	vld [tilespmem:s11+$0x10];
	_ =	sdelay $0x2  }
0x2ae: {  	s13 =	sadd.s32 $0x40, s13;
	s11 =	sadd.s32 $0x40, s11  }
0x2af: {  	_ = 	snop  }
0x2b0: {  	v0 =	vmul.f32 v1, v0;
	_ =	sdelay $0x1  }
0x2b1: {  	s8 =	simm.s32 $0xA780;
	s9 =	simm.s32 $0x2;
	[tilespmem:s12+$0x10] =	vst v0  }
0x2b2: {  	[spmem:s7] =	stream.linear.scatter [tilespmem:s8], [sflag:$0x2], $0x280, $0x38;
	[tilespmem:$0xB180] =	vst v63  }
0x2b3: {  	_ =	swait.ge [sflag:s9], $0x280  }
0x2b4: {  	[sflag:s9] =	ssyncset.done $0x0  }
0x2b5: {  	s31 =	simm.s32 $0xAA00;
	[sflag:s9] =	ssyncadd.s32 $0xFFFFFD80  }
0x2b6: {  	[spmem:s5] =	stream.linear.scatter [tilespmem:s31], [sflag:$0x2], $0x280, $0x38;
	[tilespmem:$0xB180] =	vst v63  }
0x2b7: {  	_ =	swait.ge [sflag:s9], $0x280  }
0x2b8: {  	[sflag:s9] =	ssyncset.done $0x0  }
0x2b9: {  	[sflag:s9] =	ssyncadd.s32 $0xFFFFFD80  }
0x2ba: {  	s8 =	simm.s32 $0x7800;
	[bflag:$0x0] =	sbarrier.arrive $0xFFFF  }
0x2bb: {  	[tilespmem:s8], [sflag:$0x2] =	stream.linear.gather [spmem:s6], $0x2800, $0x38;
	[tilespmem:$0xB180] =	vst v63  }
0x2bc: {  	_ =	swait.ge [sflag:s9], $0x2800  }
0x2bd: {  	[sflag:s9] =	ssyncset.done $0x0  }
0x2be: {  	s10 =	simm.s32 $0x0;
	[sflag:s9] =	ssyncadd.s32 $0xFFFFD800  }
0x2bf: {  	s11 =	simm.s32 $0x200;
	s9 =	simm.s32 $0x80;
	v0 =	vld [tilespmem:s10+$0x2800]  }
.LBB2_19:
0x2c0: {  	p0 =	sne.s32 s11, $0x9E00;
	_ =	sdelay $0x5  }
0x2c1: {  	v1 =	vld [tilespmem:s10+$0x2810]  }
0x2c2: {  	v0 =	vld.idx.msk [tilespmem:v0+s8+$0x0], $0xffff;
	_ =	sdelay $0x5  }
0x2c3: {  	[tilespmem:s10+$0x5000] =	vst v0;
	v0 =	vld [tilespmem:s10+$0x2820]  }
0x2c4: {  	v1 =	vld.idx.msk [tilespmem:v1+s8+$0x0], $0xffff;
	_ =	sdelay $0x5  }
0x2c5: {  	[tilespmem:s10+$0x5010] =	vst v1;
	v1 =	vld [tilespmem:s10+$0x2830]  }
0x2c6: {  	v0 =	vld.idx.msk [tilespmem:v0+s8+$0x0], $0xffff;
	_ =	sdelay $0x5  }
0x2c7: {  	[tilespmem:s10+$0x5020] =	vst v0;
	v0 =	vld [tilespmem:s10+$0x2840]  }
0x2c8: {  	v1 =	vld.idx.msk [tilespmem:v1+s8+$0x0], $0xffff;
	_ =	sdelay $0x5  }
0x2c9: {  	[tilespmem:s10+$0x5030] =	vst v1;
	v1 =	vld [tilespmem:s10+$0x2850]  }
0x2ca: {  	v0 =	vld.idx.msk [tilespmem:v0+s8+$0x0], $0xffff;
	_ =	sdelay $0x5  }
0x2cb: {  	[tilespmem:s10+$0x5040] =	vst v0;
	v0 =	vld [tilespmem:s10+$0x2860]  }
0x2cc: {  	v1 =	vld.idx.msk [tilespmem:v1+s8+$0x0], $0xffff;
	_ =	sdelay $0x5  }
0x2cd: {  	[tilespmem:s10+$0x5050] =	vst v1;
	v1 =	vld [tilespmem:s10+$0x2870]  }
0x2ce: {  	v0 =	vld.idx.msk [tilespmem:v0+s8+$0x0], $0xffff;
	_ =	sdelay $0x5  }
0x2cf: {  	[tilespmem:s10+$0x5060] =	vst v0  }
0x2d0: {  	v0 =	vld.idx.msk [tilespmem:v1+s8+$0x0], $0xffff;
	_ =	sdelay $0x2  }
.Ltmp9:
0x2d1: {  	(pc) =	sbr.rel @p0 .LBB2_19-.Ltmp9, $4  }
0x2d2: {  	_ = 	snop  }
0x2d3: {  	s12 =	sshra.s32 s11, $0x2;
	s13 =	sadd.s32 $0x5000, s10  }
0x2d4: {  	[tilespmem:s10+$0x5070] =	vst v0;
	[spmem:s4] =	stream.indirect.scatter.add.f32 [tilespmem:s13], [sflag:$0x1], $0x1, s10, s9, $0xb8  }
0x2d5: {  	s11 =	sadd.s32 $0x200, s11;
	s10 =	smov.u32 s12;
	v0 =	vld [tilespmem:s12+$0x2800]  }
0x2d6: {  	_ =	sdelay $0x5  }
0x2d7: {  	v1 =	vld [tilespmem:s10+$0x2810];
	_ =	sdelay $0x1  }
0x2d8: {  	v0 =	vld.idx.msk [tilespmem:v0+s8+$0x0], $0xffff;
	_ =	sdelay $0x4  }
0x2d9: {  	[tilespmem:s10+$0x5000] =	vst v0;
	v0 =	vld [tilespmem:s10+$0x2820]  }
0x2da: {  	v1 =	vld.idx.msk [tilespmem:v1+s8+$0x0], $0xffff;
	_ =	sdelay $0x4  }
0x2db: {  	[tilespmem:s10+$0x5010] =	vst v1;
	v1 =	vld [tilespmem:s10+$0x2830];
	_ =	sdelay $0x1  }
0x2dc: {  	v0 =	vld.idx.msk [tilespmem:v0+s8+$0x0], $0xffff;
	_ =	sdelay $0x4  }
0x2dd: {  	[tilespmem:s10+$0x5020] =	vst v0;
	v0 =	vld [tilespmem:s10+$0x2840]  }
0x2de: {  	v1 =	vld.idx.msk [tilespmem:v1+s8+$0x0], $0xffff;
	_ =	sdelay $0x4  }
0x2df: {  	[tilespmem:s10+$0x5030] =	vst v1;
	v1 =	vld [tilespmem:s10+$0x2850];
	_ =	sdelay $0x1  }
0x2e0: {  	v0 =	vld.idx.msk [tilespmem:v0+s8+$0x0], $0xffff;
	_ =	sdelay $0x4  }
0x2e1: {  	[tilespmem:s10+$0x5040] =	vst v0;
	v0 =	vld [tilespmem:s10+$0x2860]  }
0x2e2: {  	v1 =	vld.idx.msk [tilespmem:v1+s8+$0x0], $0xffff;
	_ =	sdelay $0x4  }
0x2e3: {  	[tilespmem:s10+$0x5050] =	vst v1;
	v1 =	vld [tilespmem:s10+$0x2870];
	_ =	sdelay $0x1  }
0x2e4: {  	v0 =	vld.idx.msk [tilespmem:v0+s8+$0x0], $0xffff;
	_ =	sdelay $0x4  }
0x2e5: {  	[tilespmem:s10+$0x5060] =	vst v0  }
0x2e6: {  	v0 =	vld.idx.msk [tilespmem:v1+s8+$0x0], $0xffff;
	_ =	sdelay $0x4  }
0x2e7: {  	s26 =	sadd.s32 $0x5000, s10;
	s28 =	simm.s32 $0x1;
	[tilespmem:s10+$0x5070] =	vst v0  }
0x2e8: {  	[spmem:s4] =	stream.indirect.scatter.add.f32 [tilespmem:s26], [sflag:$0x1], $0x1, s10, s9, $0xb8;
	[tilespmem:$0xB180] =	vst v63  }
0x2e9: {  	_ =	swait.ge [sflag:s28], $0x2800  }
0x2ea: {  	[sflag:s28] =	ssyncset.done $0x0  }
0x2eb: {  	[sflag:s28] =	ssyncadd.s32 $0xFFFFD800  }
0x2ec: {  	s29 =	simm.s32 $0xA000;
	s30 =	simm.s32 $0x2;
	[bflag:$0x0] =	sbarrier.arrive $0xFFFF  }
0x2ed: {  	[tilespmem:s29], [sflag:$0x2] =	stream.linear.gather [spmem:s5], $0x280, $0x38;
	[tilespmem:$0xB180] =	vst v63  }
0x2ee: {  	_ =	swait.ge [sflag:s30], $0x280  }
0x2ef: {  	[sflag:s30] =	ssyncset.done $0x0  }
0x2f0: {  	s31 =	simm.s32 $0xA020;
	[sflag:s30] =	ssyncadd.s32 $0xFFFFFD80  }
0x2f1: {  	s11 =	simm.s32 $0xA2A0;
	v0 =	vld [tilespmem:s31+$0xFFFFFFE0]  }
0x2f2: {  	v1 =	vld [tilespmem:s11+$0xFFFFFFE0];
	_ =	sdelay $0x2  }
0x2f3: {  	s8 =	simm.s32 $0xA520  }
0x2f4: {  	v2 =	vld [tilespmem:s8+$0xFFFFFFE0]  }
0x2f5: {  	v0 =	vmul.f32 v1, v0;
	_ =	sdelay $0x1  }
0x2f6: {  	v1 =	vmul.f32 $6.560999900e-02, v0;
	_ =	sdelay $0x1  }
0x2f7: {  	v1 =	vadd.f32 v1, v2;
	_ =	sdelay $0x1  }
0x2f8: {  	[tilespmem:s8+$0xFFFFFFE0] =	vst v1  }
0x2f9: {  	v1 =	vld [tilespmem:s11+$0xFFFFFFE0];
	_ =	sdelay $0x4  }
0x2fa: {  	v0 =	vmul.f32 v1, v0  }
0x2fb: {  	s9 =	simm.s32 $0xA7A0  }
0x2fc: {  	[tilespmem:s9+$0xFFFFFFE0] =	vst v0  }
0x2fd: {  	v0 =	vld [tilespmem:s11+$0xFFFFFFF0]  }
0x2fe: {  	v1 =	vld [tilespmem:s31+$0xFFFFFFF0];
	_ =	sdelay $0x3  }
0x2ff: {  	v2 =	vld [tilespmem:s8+$0xFFFFFFF0]  }
0x300: {  	v0 =	vmul.f32 v0, v1;
	_ =	sdelay $0x1  }
0x301: {  	v1 =	vmul.f32 $6.560999900e-02, v0;
	_ =	sdelay $0x1  }
0x302: {  	v1 =	vadd.f32 v1, v2;
	_ =	sdelay $0x1  }
0x303: {  	[tilespmem:s8+$0xFFFFFFF0] =	vst v1  }
0x304: {  	v1 =	vld [tilespmem:s11+$0xFFFFFFF0];
	_ =	sdelay $0x4  }
0x305: {  	v0 =	vmul.f32 v1, v0;
	_ =	sdelay $0x1  }
0x306: {  	[tilespmem:s9+$0xFFFFFFF0] =	vst v0  }
0x307: {  	v0 =	vld [tilespmem:s31+$0x0]  }
0x308: {  	v1 =	vld [tilespmem:s11+$0x0];
	_ =	sdelay $0x3  }
0x309: {  	v2 =	vld [tilespmem:s8+$0x0]  }
0x30a: {  	v0 =	vmul.f32 v1, v0;
	_ =	sdelay $0x1  }
0x30b: {  	v1 =	vmul.f32 $6.560999900e-02, v0;
	_ =	sdelay $0x1  }
0x30c: {  	v1 =	vadd.f32 v1, v2;
	_ =	sdelay $0x1  }
0x30d: {  	[tilespmem:s8+$0x0] =	vst v1  }
0x30e: {  	v1 =	vld [tilespmem:s11+$0x0];
	_ =	sdelay $0x4  }
0x30f: {  	v0 =	vmul.f32 v1, v0;
	_ =	sdelay $0x1  }
0x310: {  	[tilespmem:s9+$0x0] =	vst v0  }
0x311: {  	v0 =	vld [tilespmem:s31+$0x10]  }
0x312: {  	v1 =	vld [tilespmem:s11+$0x10];
	_ =	sdelay $0x3  }
0x313: {  	v2 =	vld [tilespmem:s8+$0x10]  }
0x314: {  	v0 =	vmul.f32 v1, v0;
	_ =	sdelay $0x1  }
0x315: {  	v1 =	vmul.f32 $6.560999900e-02, v0;
	_ =	sdelay $0x1  }
0x316: {  	v1 =	vadd.f32 v1, v2;
	_ =	sdelay $0x1  }
0x317: {  	[tilespmem:s8+$0x10] =	vst v1  }
0x318: {  	v1 =	vld [tilespmem:s11+$0x10];
	_ =	sdelay $0x1  }
0x319: {  	s13 =	simm.s32 $0xA060  }
0x31a: {  	s12 =	simm.s32 $0xA7A0;
	s10 =	simm.s32 $0x0;
	s11 =	simm.s32 $0xA2E0  }
.LBB2_21:
0x31b: {  	s10 =	sadd.s32 $0x4, s10;
	s9 =	sadd.s32 $0x40, s9;
	s8 =	sadd.s32 $0x40, s8  }
0x31c: {  	p0 =	slt.u32 s10, $0x24;
	v0 =	vmul.f32 v1, v0;
	_ =	sdelay $0x1  }
0x31d: {  	[tilespmem:s12+$0x10] =	vst v0;
	s12 =	smov.u32 s9  }
0x31e: {  	v0 =	vld [tilespmem:s13+$0xFFFFFFE0]  }
0x31f: {  	v1 =	vld [tilespmem:s11+$0xFFFFFFE0];
	_ =	sdelay $0x3  }
0x320: {  	v2 =	vld [tilespmem:s8+$0xFFFFFFE0]  }
0x321: {  	v0 =	vmul.f32 v1, v0;
	_ =	sdelay $0x1  }
0x322: {  	v1 =	vmul.f32 $6.560999900e-02, v0;
	_ =	sdelay $0x1  }
0x323: {  	v1 =	vadd.f32 v1, v2;
	_ =	sdelay $0x1  }
0x324: {  	[tilespmem:s8+$0xFFFFFFE0] =	vst v1  }
0x325: {  	v1 =	vld [tilespmem:s11+$0xFFFFFFE0];
	_ =	sdelay $0x4  }
0x326: {  	v0 =	vmul.f32 v1, v0;
	_ =	sdelay $0x1  }
0x327: {  	[tilespmem:s9+$0xFFFFFFE0] =	vst v0  }
0x328: {  	v0 =	vld [tilespmem:s11+$0xFFFFFFF0]  }
0x329: {  	v1 =	vld [tilespmem:s13+$0xFFFFFFF0];
	_ =	sdelay $0x2  }
0x32a: {  	v2 =	vld [tilespmem:s8+$0xFFFFFFF0];
	_ =	sdelay $0x1  }
0x32b: {  	v0 =	vmul.f32 v0, v1;
	_ =	sdelay $0x1  }
0x32c: {  	v1 =	vmul.f32 $6.560999900e-02, v0;
	_ =	sdelay $0x1  }
0x32d: {  	v1 =	vadd.f32 v1, v2;
	_ =	sdelay $0x1  }
0x32e: {  	[tilespmem:s8+$0xFFFFFFF0] =	vst v1  }
0x32f: {  	v1 =	vld [tilespmem:s11+$0xFFFFFFF0];
	_ =	sdelay $0x4  }
0x330: {  	v0 =	vmul.f32 v1, v0;
	_ =	sdelay $0x1  }
0x331: {  	[tilespmem:s9+$0xFFFFFFF0] =	vst v0  }
0x332: {  	v0 =	vld [tilespmem:s13+$0x0]  }
0x333: {  	v1 =	vld [tilespmem:s11+$0x0];
	_ =	sdelay $0x1  }
0x334: {  	v2 =	vld [tilespmem:s8+$0x0];
	_ =	sdelay $0x2  }
0x335: {  	v0 =	vmul.f32 v1, v0;
	_ =	sdelay $0x1  }
0x336: {  	v1 =	vmul.f32 $6.560999900e-02, v0;
	_ =	sdelay $0x1  }
0x337: {  	v1 =	vadd.f32 v1, v2;
	_ =	sdelay $0x1  }
0x338: {  	[tilespmem:s8+$0x0] =	vst v1  }
0x339: {  	v1 =	vld [tilespmem:s11+$0x0];
	_ =	sdelay $0x4  }
0x33a: {  	v0 =	vmul.f32 v1, v0;
	_ =	sdelay $0x1  }
0x33b: {  	[tilespmem:s9+$0x0] =	vst v0  }
0x33c: {  	v0 =	vld [tilespmem:s13+$0x10]  }
0x33d: {  	v1 =	vld [tilespmem:s11+$0x10]  }
0x33e: {  	v2 =	vld [tilespmem:s8+$0x10];
	_ =	sdelay $0x3  }
0x33f: {  	v0 =	vmul.f32 v1, v0;
	_ =	sdelay $0x1  }
0x340: {  	v1 =	vmul.f32 $6.560999900e-02, v0;
	_ =	sdelay $0x1  }
0x341: {  	v1 =	vadd.f32 v1, v2;
	_ =	sdelay $0x1  }
.Ltmp10:
0x342: {  	[tilespmem:s8+$0x10] =	vst v1;
	(pc) =	sbr.rel @p0 .LBB2_21-.Ltmp10, $2  }
0x343: {  	v1 =	vld [tilespmem:s11+$0x10];
	_ =	sdelay $0x2  }
0x344: {  	s13 =	sadd.s32 $0x40, s13;
	s11 =	sadd.s32 $0x40, s11  }
0x345: {  	_ = 	snop  }
0x346: {  	v0 =	vmul.f32 v1, v0;
	_ =	sdelay $0x1  }
0x347: {  	s8 =	simm.s32 $0xA780;
	s9 =	simm.s32 $0x2;
	[tilespmem:s12+$0x10] =	vst v0  }
0x348: {  	[spmem:s7] =	stream.linear.scatter [tilespmem:s8], [sflag:$0x2], $0x280, $0x38;
	[tilespmem:$0xB180] =	vst v63  }
0x349: {  	_ =	swait.ge [sflag:s9], $0x280  }
0x34a: {  	[sflag:s9] =	ssyncset.done $0x0  }
0x34b: {  	s31 =	simm.s32 $0xAA00;
	[sflag:s9] =	ssyncadd.s32 $0xFFFFFD80  }
0x34c: {  	[spmem:s5] =	stream.linear.scatter [tilespmem:s31], [sflag:$0x2], $0x280, $0x38;
	[tilespmem:$0xB180] =	vst v63  }
0x34d: {  	_ =	swait.ge [sflag:s9], $0x280  }
0x34e: {  	[sflag:s9] =	ssyncset.done $0x0  }
0x34f: {  	[sflag:s9] =	ssyncadd.s32 $0xFFFFFD80  }
0x350: {  	s8 =	simm.s32 $0x7800;
	[bflag:$0x0] =	sbarrier.arrive $0xFFFF  }
0x351: {  	[tilespmem:s8], [sflag:$0x2] =	stream.linear.gather [spmem:s6], $0x2800, $0x38;
	[tilespmem:$0xB180] =	vst v63  }
0x352: {  	_ =	swait.ge [sflag:s9], $0x2800  }
0x353: {  	[sflag:s9] =	ssyncset.done $0x0  }
0x354: {  	s10 =	simm.s32 $0x0;
	[sflag:s9] =	ssyncadd.s32 $0xFFFFD800  }
0x355: {  	s11 =	simm.s32 $0x200;
	s9 =	simm.s32 $0x80;
	v0 =	vld [tilespmem:s10+$0x2800]  }
.LBB2_23:
0x356: {  	p0 =	sne.s32 s11, $0x9E00;
	_ =	sdelay $0x5  }
0x357: {  	v1 =	vld [tilespmem:s10+$0x2810]  }
0x358: {  	v0 =	vld.idx.msk [tilespmem:v0+s8+$0x0], $0xffff;
	_ =	sdelay $0x5  }
0x359: {  	[tilespmem:s10+$0x5000] =	vst v0;
	v0 =	vld [tilespmem:s10+$0x2820]  }
0x35a: {  	v1 =	vld.idx.msk [tilespmem:v1+s8+$0x0], $0xffff;
	_ =	sdelay $0x5  }
0x35b: {  	[tilespmem:s10+$0x5010] =	vst v1;
	v1 =	vld [tilespmem:s10+$0x2830]  }
0x35c: {  	v0 =	vld.idx.msk [tilespmem:v0+s8+$0x0], $0xffff;
	_ =	sdelay $0x5  }
0x35d: {  	[tilespmem:s10+$0x5020] =	vst v0;
	v0 =	vld [tilespmem:s10+$0x2840]  }
0x35e: {  	v1 =	vld.idx.msk [tilespmem:v1+s8+$0x0], $0xffff;
	_ =	sdelay $0x5  }
0x35f: {  	[tilespmem:s10+$0x5030] =	vst v1;
	v1 =	vld [tilespmem:s10+$0x2850]  }
0x360: {  	v0 =	vld.idx.msk [tilespmem:v0+s8+$0x0], $0xffff;
	_ =	sdelay $0x5  }
0x361: {  	[tilespmem:s10+$0x5040] =	vst v0;
	v0 =	vld [tilespmem:s10+$0x2860]  }
0x362: {  	v1 =	vld.idx.msk [tilespmem:v1+s8+$0x0], $0xffff;
	_ =	sdelay $0x5  }
0x363: {  	[tilespmem:s10+$0x5050] =	vst v1;
	v1 =	vld [tilespmem:s10+$0x2870]  }
0x364: {  	v0 =	vld.idx.msk [tilespmem:v0+s8+$0x0], $0xffff;
	_ =	sdelay $0x5  }
0x365: {  	[tilespmem:s10+$0x5060] =	vst v0  }
0x366: {  	v0 =	vld.idx.msk [tilespmem:v1+s8+$0x0], $0xffff;
	_ =	sdelay $0x2  }
.Ltmp11:
0x367: {  	(pc) =	sbr.rel @p0 .LBB2_23-.Ltmp11, $4  }
0x368: {  	_ = 	snop  }
0x369: {  	s12 =	sshra.s32 s11, $0x2;
	s13 =	sadd.s32 $0x5000, s10  }
0x36a: {  	[tilespmem:s10+$0x5070] =	vst v0;
	[spmem:s4] =	stream.indirect.scatter.add.f32 [tilespmem:s13], [sflag:$0x1], $0x1, s10, s9, $0xb8  }
0x36b: {  	s11 =	sadd.s32 $0x200, s11;
	s10 =	smov.u32 s12;
	v0 =	vld [tilespmem:s12+$0x2800]  }
0x36c: {  	_ =	sdelay $0x5  }
0x36d: {  	v1 =	vld [tilespmem:s10+$0x2810];
	_ =	sdelay $0x1  }
0x36e: {  	v0 =	vld.idx.msk [tilespmem:v0+s8+$0x0], $0xffff;
	_ =	sdelay $0x4  }
0x36f: {  	[tilespmem:s10+$0x5000] =	vst v0;
	v0 =	vld [tilespmem:s10+$0x2820]  }
0x370: {  	v1 =	vld.idx.msk [tilespmem:v1+s8+$0x0], $0xffff;
	_ =	sdelay $0x4  }
0x371: {  	[tilespmem:s10+$0x5010] =	vst v1;
	v1 =	vld [tilespmem:s10+$0x2830];
	_ =	sdelay $0x1  }
0x372: {  	v0 =	vld.idx.msk [tilespmem:v0+s8+$0x0], $0xffff;
	_ =	sdelay $0x4  }
0x373: {  	[tilespmem:s10+$0x5020] =	vst v0;
	v0 =	vld [tilespmem:s10+$0x2840]  }
0x374: {  	v1 =	vld.idx.msk [tilespmem:v1+s8+$0x0], $0xffff;
	_ =	sdelay $0x4  }
0x375: {  	[tilespmem:s10+$0x5030] =	vst v1;
	v1 =	vld [tilespmem:s10+$0x2850];
	_ =	sdelay $0x1  }
0x376: {  	v0 =	vld.idx.msk [tilespmem:v0+s8+$0x0], $0xffff;
	_ =	sdelay $0x4  }
0x377: {  	[tilespmem:s10+$0x5040] =	vst v0;
	v0 =	vld [tilespmem:s10+$0x2860]  }
0x378: {  	v1 =	vld.idx.msk [tilespmem:v1+s8+$0x0], $0xffff;
	_ =	sdelay $0x4  }
0x379: {  	[tilespmem:s10+$0x5050] =	vst v1;
	v1 =	vld [tilespmem:s10+$0x2870];
	_ =	sdelay $0x1  }
0x37a: {  	v0 =	vld.idx.msk [tilespmem:v0+s8+$0x0], $0xffff;
	_ =	sdelay $0x4  }
0x37b: {  	[tilespmem:s10+$0x5060] =	vst v0  }
0x37c: {  	v0 =	vld.idx.msk [tilespmem:v1+s8+$0x0], $0xffff;
	_ =	sdelay $0x4  }
0x37d: {  	s26 =	sadd.s32 $0x5000, s10;
	s28 =	simm.s32 $0x1;
	[tilespmem:s10+$0x5070] =	vst v0  }
0x37e: {  	[spmem:s4] =	stream.indirect.scatter.add.f32 [tilespmem:s26], [sflag:$0x1], $0x1, s10, s9, $0xb8;
	[tilespmem:$0xB180] =	vst v63  }
0x37f: {  	_ =	swait.ge [sflag:s28], $0x2800  }
0x380: {  	[sflag:s28] =	ssyncset.done $0x0  }
0x381: {  	[sflag:s28] =	ssyncadd.s32 $0xFFFFD800  }
0x382: {  	s29 =	simm.s32 $0xA000;
	s30 =	simm.s32 $0x2;
	[bflag:$0x0] =	sbarrier.arrive $0xFFFF  }
0x383: {  	[tilespmem:s29], [sflag:$0x2] =	stream.linear.gather [spmem:s5], $0x280, $0x38;
	[tilespmem:$0xB180] =	vst v63  }
0x384: {  	_ =	swait.ge [sflag:s30], $0x280  }
0x385: {  	[sflag:s30] =	ssyncset.done $0x0  }
0x386: {  	s31 =	simm.s32 $0xA020;
	[sflag:s30] =	ssyncadd.s32 $0xFFFFFD80  }
0x387: {  	s11 =	simm.s32 $0xA2A0;
	v0 =	vld [tilespmem:s31+$0xFFFFFFE0]  }
0x388: {  	v1 =	vld [tilespmem:s11+$0xFFFFFFE0];
	_ =	sdelay $0x2  }
0x389: {  	s8 =	simm.s32 $0xA520  }
0x38a: {  	v2 =	vld [tilespmem:s8+$0xFFFFFFE0]  }
0x38b: {  	v0 =	vmul.f32 v1, v0;
	_ =	sdelay $0x1  }
0x38c: {  	v1 =	vmul.f32 $5.904899910e-02, v0;
	_ =	sdelay $0x1  }
0x38d: {  	v1 =	vadd.f32 v1, v2;
	_ =	sdelay $0x1  }
0x38e: {  	[tilespmem:s8+$0xFFFFFFE0] =	vst v1  }
0x38f: {  	v1 =	vld [tilespmem:s11+$0xFFFFFFE0];
	_ =	sdelay $0x4  }
0x390: {  	v0 =	vmul.f32 v1, v0  }
0x391: {  	s9 =	simm.s32 $0xA7A0  }
0x392: {  	[tilespmem:s9+$0xFFFFFFE0] =	vst v0  }
0x393: {  	v0 =	vld [tilespmem:s11+$0xFFFFFFF0]  }
0x394: {  	v1 =	vld [tilespmem:s31+$0xFFFFFFF0];
	_ =	sdelay $0x3  }
0x395: {  	v2 =	vld [tilespmem:s8+$0xFFFFFFF0]  }
0x396: {  	v0 =	vmul.f32 v0, v1;
	_ =	sdelay $0x1  }
0x397: {  	v1 =	vmul.f32 $5.904899910e-02, v0;
	_ =	sdelay $0x1  }
0x398: {  	v1 =	vadd.f32 v1, v2;
	_ =	sdelay $0x1  }
0x399: {  	[tilespmem:s8+$0xFFFFFFF0] =	vst v1  }
0x39a: {  	v1 =	vld [tilespmem:s11+$0xFFFFFFF0];
	_ =	sdelay $0x4  }
0x39b: {  	v0 =	vmul.f32 v1, v0;
	_ =	sdelay $0x1  }
0x39c: {  	[tilespmem:s9+$0xFFFFFFF0] =	vst v0  }
0x39d: {  	v0 =	vld [tilespmem:s31+$0x0]  }
0x39e: {  	v1 =	vld [tilespmem:s11+$0x0];
	_ =	sdelay $0x3  }
0x39f: {  	v2 =	vld [tilespmem:s8+$0x0]  }
0x3a0: {  	v0 =	vmul.f32 v1, v0;
	_ =	sdelay $0x1  }
0x3a1: {  	v1 =	vmul.f32 $5.904899910e-02, v0;
	_ =	sdelay $0x1  }
0x3a2: {  	v1 =	vadd.f32 v1, v2;
	_ =	sdelay $0x1  }
0x3a3: {  	[tilespmem:s8+$0x0] =	vst v1  }
0x3a4: {  	v1 =	vld [tilespmem:s11+$0x0];
	_ =	sdelay $0x4  }
0x3a5: {  	v0 =	vmul.f32 v1, v0;
	_ =	sdelay $0x1  }
0x3a6: {  	[tilespmem:s9+$0x0] =	vst v0  }
0x3a7: {  	v0 =	vld [tilespmem:s31+$0x10]  }
0x3a8: {  	v1 =	vld [tilespmem:s11+$0x10];
	_ =	sdelay $0x3  }
0x3a9: {  	v2 =	vld [tilespmem:s8+$0x10]  }
0x3aa: {  	v0 =	vmul.f32 v1, v0;
	_ =	sdelay $0x1  }
0x3ab: {  	v1 =	vmul.f32 $5.904899910e-02, v0;
	_ =	sdelay $0x1  }
0x3ac: {  	v1 =	vadd.f32 v1, v2;
	_ =	sdelay $0x1  }
0x3ad: {  	[tilespmem:s8+$0x10] =	vst v1  }
0x3ae: {  	v1 =	vld [tilespmem:s11+$0x10];
	_ =	sdelay $0x1  }
0x3af: {  	s13 =	simm.s32 $0xA060  }
0x3b0: {  	s12 =	simm.s32 $0xA7A0;
	s10 =	simm.s32 $0x0;
	s11 =	simm.s32 $0xA2E0  }
.LBB2_25:
0x3b1: {  	s10 =	sadd.s32 $0x4, s10;
	s9 =	sadd.s32 $0x40, s9;
	s8 =	sadd.s32 $0x40, s8  }
0x3b2: {  	p0 =	slt.u32 s10, $0x24;
	v0 =	vmul.f32 v1, v0;
	_ =	sdelay $0x1  }
0x3b3: {  	[tilespmem:s12+$0x10] =	vst v0;
	s12 =	smov.u32 s9  }
0x3b4: {  	v0 =	vld [tilespmem:s13+$0xFFFFFFE0]  }
0x3b5: {  	v1 =	vld [tilespmem:s11+$0xFFFFFFE0];
	_ =	sdelay $0x3  }
0x3b6: {  	v2 =	vld [tilespmem:s8+$0xFFFFFFE0]  }
0x3b7: {  	v0 =	vmul.f32 v1, v0;
	_ =	sdelay $0x1  }
0x3b8: {  	v1 =	vmul.f32 $5.904899910e-02, v0;
	_ =	sdelay $0x1  }
0x3b9: {  	v1 =	vadd.f32 v1, v2;
	_ =	sdelay $0x1  }
0x3ba: {  	[tilespmem:s8+$0xFFFFFFE0] =	vst v1  }
0x3bb: {  	v1 =	vld [tilespmem:s11+$0xFFFFFFE0];
	_ =	sdelay $0x4  }
0x3bc: {  	v0 =	vmul.f32 v1, v0;
	_ =	sdelay $0x1  }
0x3bd: {  	[tilespmem:s9+$0xFFFFFFE0] =	vst v0  }
0x3be: {  	v0 =	vld [tilespmem:s11+$0xFFFFFFF0]  }
0x3bf: {  	v1 =	vld [tilespmem:s13+$0xFFFFFFF0];
	_ =	sdelay $0x2  }
0x3c0: {  	v2 =	vld [tilespmem:s8+$0xFFFFFFF0];
	_ =	sdelay $0x1  }
0x3c1: {  	v0 =	vmul.f32 v0, v1;
	_ =	sdelay $0x1  }
0x3c2: {  	v1 =	vmul.f32 $5.904899910e-02, v0;
	_ =	sdelay $0x1  }
0x3c3: {  	v1 =	vadd.f32 v1, v2;
	_ =	sdelay $0x1  }
0x3c4: {  	[tilespmem:s8+$0xFFFFFFF0] =	vst v1  }
0x3c5: {  	v1 =	vld [tilespmem:s11+$0xFFFFFFF0];
	_ =	sdelay $0x4  }
0x3c6: {  	v0 =	vmul.f32 v1, v0;
	_ =	sdelay $0x1  }
0x3c7: {  	[tilespmem:s9+$0xFFFFFFF0] =	vst v0  }
0x3c8: {  	v0 =	vld [tilespmem:s13+$0x0]  }
0x3c9: {  	v1 =	vld [tilespmem:s11+$0x0];
	_ =	sdelay $0x1  }
0x3ca: {  	v2 =	vld [tilespmem:s8+$0x0];
	_ =	sdelay $0x2  }
0x3cb: {  	v0 =	vmul.f32 v1, v0;
	_ =	sdelay $0x1  }
0x3cc: {  	v1 =	vmul.f32 $5.904899910e-02, v0;
	_ =	sdelay $0x1  }
0x3cd: {  	v1 =	vadd.f32 v1, v2;
	_ =	sdelay $0x1  }
0x3ce: {  	[tilespmem:s8+$0x0] =	vst v1  }
0x3cf: {  	v1 =	vld [tilespmem:s11+$0x0];
	_ =	sdelay $0x4  }
0x3d0: {  	v0 =	vmul.f32 v1, v0;
	_ =	sdelay $0x1  }
0x3d1: {  	[tilespmem:s9+$0x0] =	vst v0  }
0x3d2: {  	v0 =	vld [tilespmem:s13+$0x10]  }
0x3d3: {  	v1 =	vld [tilespmem:s11+$0x10]  }
0x3d4: {  	v2 =	vld [tilespmem:s8+$0x10];
	_ =	sdelay $0x3  }
0x3d5: {  	v0 =	vmul.f32 v1, v0;
	_ =	sdelay $0x1  }
0x3d6: {  	v1 =	vmul.f32 $5.904899910e-02, v0;
	_ =	sdelay $0x1  }
0x3d7: {  	v1 =	vadd.f32 v1, v2;
	_ =	sdelay $0x1  }
.Ltmp12:
0x3d8: {  	[tilespmem:s8+$0x10] =	vst v1;
	(pc) =	sbr.rel @p0 .LBB2_25-.Ltmp12, $2  }
0x3d9: {  	v1 =	vld [tilespmem:s11+$0x10];
	_ =	sdelay $0x2  }
0x3da: {  	s13 =	sadd.s32 $0x40, s13;
	s11 =	sadd.s32 $0x40, s11  }
0x3db: {  	_ = 	snop  }
0x3dc: {  	v0 =	vmul.f32 v1, v0;
	_ =	sdelay $0x1  }
0x3dd: {  	s8 =	simm.s32 $0xA780;
	s9 =	simm.s32 $0x2;
	[tilespmem:s12+$0x10] =	vst v0  }
0x3de: {  	[spmem:s7] =	stream.linear.scatter [tilespmem:s8], [sflag:$0x2], $0x280, $0x38;
	[tilespmem:$0xB180] =	vst v63  }
0x3df: {  	_ =	swait.ge [sflag:s9], $0x280  }
0x3e0: {  	[sflag:s9] =	ssyncset.done $0x0  }
0x3e1: {  	s31 =	simm.s32 $0xAA00;
	[sflag:s9] =	ssyncadd.s32 $0xFFFFFD80  }
0x3e2: {  	[spmem:s5] =	stream.linear.scatter [tilespmem:s31], [sflag:$0x2], $0x280, $0x38;
	[tilespmem:$0xB180] =	vst v63  }
0x3e3: {  	_ =	swait.ge [sflag:s9], $0x280  }
0x3e4: {  	[sflag:s9] =	ssyncset.done $0x0  }
0x3e5: {  	[sflag:s9] =	ssyncadd.s32 $0xFFFFFD80  }
0x3e6: {  	s8 =	simm.s32 $0x7800;
	[bflag:$0x0] =	sbarrier.arrive $0xFFFF  }
0x3e7: {  	[tilespmem:s8], [sflag:$0x2] =	stream.linear.gather [spmem:s6], $0x2800, $0x38;
	[tilespmem:$0xB180] =	vst v63  }
0x3e8: {  	_ =	swait.ge [sflag:s9], $0x2800  }
0x3e9: {  	[sflag:s9] =	ssyncset.done $0x0  }
0x3ea: {  	s10 =	simm.s32 $0x0;
	[sflag:s9] =	ssyncadd.s32 $0xFFFFD800  }
0x3eb: {  	s11 =	simm.s32 $0x200;
	s9 =	simm.s32 $0x80;
	v0 =	vld [tilespmem:s10+$0x2800]  }
.LBB2_27:
0x3ec: {  	p0 =	sne.s32 s11, $0x9E00;
	_ =	sdelay $0x5  }
0x3ed: {  	v1 =	vld [tilespmem:s10+$0x2810]  }
0x3ee: {  	v0 =	vld.idx.msk [tilespmem:v0+s8+$0x0], $0xffff;
	_ =	sdelay $0x5  }
0x3ef: {  	[tilespmem:s10+$0x5000] =	vst v0;
	v0 =	vld [tilespmem:s10+$0x2820]  }
0x3f0: {  	v1 =	vld.idx.msk [tilespmem:v1+s8+$0x0], $0xffff;
	_ =	sdelay $0x5  }
0x3f1: {  	[tilespmem:s10+$0x5010] =	vst v1;
	v1 =	vld [tilespmem:s10+$0x2830]  }
0x3f2: {  	v0 =	vld.idx.msk [tilespmem:v0+s8+$0x0], $0xffff;
	_ =	sdelay $0x5  }
0x3f3: {  	[tilespmem:s10+$0x5020] =	vst v0;
	v0 =	vld [tilespmem:s10+$0x2840]  }
0x3f4: {  	v1 =	vld.idx.msk [tilespmem:v1+s8+$0x0], $0xffff;
	_ =	sdelay $0x5  }
0x3f5: {  	[tilespmem:s10+$0x5030] =	vst v1;
	v1 =	vld [tilespmem:s10+$0x2850]  }
0x3f6: {  	v0 =	vld.idx.msk [tilespmem:v0+s8+$0x0], $0xffff;
	_ =	sdelay $0x5  }
0x3f7: {  	[tilespmem:s10+$0x5040] =	vst v0;
	v0 =	vld [tilespmem:s10+$0x2860]  }
0x3f8: {  	v1 =	vld.idx.msk [tilespmem:v1+s8+$0x0], $0xffff;
	_ =	sdelay $0x5  }
0x3f9: {  	[tilespmem:s10+$0x5050] =	vst v1;
	v1 =	vld [tilespmem:s10+$0x2870]  }
0x3fa: {  	v0 =	vld.idx.msk [tilespmem:v0+s8+$0x0], $0xffff;
	_ =	sdelay $0x5  }
0x3fb: {  	[tilespmem:s10+$0x5060] =	vst v0  }
0x3fc: {  	v0 =	vld.idx.msk [tilespmem:v1+s8+$0x0], $0xffff;
	_ =	sdelay $0x2  }
.Ltmp13:
0x3fd: {  	(pc) =	sbr.rel @p0 .LBB2_27-.Ltmp13, $4  }
0x3fe: {  	_ = 	snop  }
0x3ff: {  	s12 =	sshra.s32 s11, $0x2;
	s13 =	sadd.s32 $0x5000, s10  }
0x400: {  	[tilespmem:s10+$0x5070] =	vst v0;
	[spmem:s4] =	stream.indirect.scatter.add.f32 [tilespmem:s13], [sflag:$0x1], $0x1, s10, s9, $0xb8  }
0x401: {  	s11 =	sadd.s32 $0x200, s11;
	s10 =	smov.u32 s12;
	v0 =	vld [tilespmem:s12+$0x2800]  }
0x402: {  	_ =	sdelay $0x5  }
0x403: {  	v1 =	vld [tilespmem:s10+$0x2810];
	_ =	sdelay $0x1  }
0x404: {  	v0 =	vld.idx.msk [tilespmem:v0+s8+$0x0], $0xffff;
	_ =	sdelay $0x4  }
0x405: {  	[tilespmem:s10+$0x5000] =	vst v0;
	v0 =	vld [tilespmem:s10+$0x2820]  }
0x406: {  	v1 =	vld.idx.msk [tilespmem:v1+s8+$0x0], $0xffff;
	_ =	sdelay $0x4  }
0x407: {  	[tilespmem:s10+$0x5010] =	vst v1;
	v1 =	vld [tilespmem:s10+$0x2830];
	_ =	sdelay $0x1  }
0x408: {  	v0 =	vld.idx.msk [tilespmem:v0+s8+$0x0], $0xffff;
	_ =	sdelay $0x4  }
0x409: {  	[tilespmem:s10+$0x5020] =	vst v0;
	v0 =	vld [tilespmem:s10+$0x2840]  }
0x40a: {  	v1 =	vld.idx.msk [tilespmem:v1+s8+$0x0], $0xffff;
	_ =	sdelay $0x4  }
0x40b: {  	[tilespmem:s10+$0x5030] =	vst v1;
	v1 =	vld [tilespmem:s10+$0x2850];
	_ =	sdelay $0x1  }
0x40c: {  	v0 =	vld.idx.msk [tilespmem:v0+s8+$0x0], $0xffff;
	_ =	sdelay $0x4  }
0x40d: {  	[tilespmem:s10+$0x5040] =	vst v0;
	v0 =	vld [tilespmem:s10+$0x2860]  }
0x40e: {  	v1 =	vld.idx.msk [tilespmem:v1+s8+$0x0], $0xffff;
	_ =	sdelay $0x4  }
0x40f: {  	[tilespmem:s10+$0x5050] =	vst v1;
	v1 =	vld [tilespmem:s10+$0x2870];
	_ =	sdelay $0x1  }
0x410: {  	v0 =	vld.idx.msk [tilespmem:v0+s8+$0x0], $0xffff;
	_ =	sdelay $0x4  }
0x411: {  	[tilespmem:s10+$0x5060] =	vst v0  }
0x412: {  	v0 =	vld.idx.msk [tilespmem:v1+s8+$0x0], $0xffff;
	_ =	sdelay $0x4  }
0x413: {  	s26 =	sadd.s32 $0x5000, s10;
	s28 =	simm.s32 $0x1;
	[tilespmem:s10+$0x5070] =	vst v0  }
0x414: {  	[spmem:s4] =	stream.indirect.scatter.add.f32 [tilespmem:s26], [sflag:$0x1], $0x1, s10, s9, $0xb8;
	[tilespmem:$0xB180] =	vst v63  }
0x415: {  	_ =	swait.ge [sflag:s28], $0x2800  }
0x416: {  	[sflag:s28] =	ssyncset.done $0x0  }
0x417: {  	[sflag:s28] =	ssyncadd.s32 $0xFFFFD800  }
0x418: {  	s29 =	simm.s32 $0xA000;
	s30 =	simm.s32 $0x2;
	[bflag:$0x0] =	sbarrier.arrive $0xFFFF  }
0x419: {  	[tilespmem:s29], [sflag:$0x2] =	stream.linear.gather [spmem:s5], $0x280, $0x38;
	[tilespmem:$0xB180] =	vst v63  }
0x41a: {  	_ =	swait.ge [sflag:s30], $0x280  }
0x41b: {  	[sflag:s30] =	ssyncset.done $0x0  }
0x41c: {  	s31 =	simm.s32 $0xA020;
	[sflag:s30] =	ssyncadd.s32 $0xFFFFFD80  }
0x41d: {  	s11 =	simm.s32 $0xA2A0;
	v0 =	vld [tilespmem:s31+$0xFFFFFFE0]  }
0x41e: {  	v1 =	vld [tilespmem:s11+$0xFFFFFFE0];
	_ =	sdelay $0x2  }
0x41f: {  	s8 =	simm.s32 $0xA520  }
0x420: {  	v2 =	vld [tilespmem:s8+$0xFFFFFFE0]  }
0x421: {  	v0 =	vmul.f32 v1, v0;
	_ =	sdelay $0x1  }
0x422: {  	v1 =	vmul.f32 $5.314410110e-02, v0;
	_ =	sdelay $0x1  }
0x423: {  	v1 =	vadd.f32 v1, v2;
	_ =	sdelay $0x1  }
0x424: {  	[tilespmem:s8+$0xFFFFFFE0] =	vst v1  }
0x425: {  	v1 =	vld [tilespmem:s11+$0xFFFFFFE0];
	_ =	sdelay $0x4  }
0x426: {  	v0 =	vmul.f32 v1, v0  }
0x427: {  	s9 =	simm.s32 $0xA7A0  }
0x428: {  	[tilespmem:s9+$0xFFFFFFE0] =	vst v0  }
0x429: {  	v0 =	vld [tilespmem:s11+$0xFFFFFFF0]  }
0x42a: {  	v1 =	vld [tilespmem:s31+$0xFFFFFFF0];
	_ =	sdelay $0x3  }
0x42b: {  	v2 =	vld [tilespmem:s8+$0xFFFFFFF0]  }
0x42c: {  	v0 =	vmul.f32 v0, v1;
	_ =	sdelay $0x1  }
0x42d: {  	v1 =	vmul.f32 $5.314410110e-02, v0;
	_ =	sdelay $0x1  }
0x42e: {  	v1 =	vadd.f32 v1, v2;
	_ =	sdelay $0x1  }
0x42f: {  	[tilespmem:s8+$0xFFFFFFF0] =	vst v1  }
0x430: {  	v1 =	vld [tilespmem:s11+$0xFFFFFFF0];
	_ =	sdelay $0x4  }
0x431: {  	v0 =	vmul.f32 v1, v0;
	_ =	sdelay $0x1  }
0x432: {  	[tilespmem:s9+$0xFFFFFFF0] =	vst v0  }
0x433: {  	v0 =	vld [tilespmem:s31+$0x0]  }
0x434: {  	v1 =	vld [tilespmem:s11+$0x0];
	_ =	sdelay $0x3  }
0x435: {  	v2 =	vld [tilespmem:s8+$0x0]  }
0x436: {  	v0 =	vmul.f32 v1, v0;
	_ =	sdelay $0x1  }
0x437: {  	v1 =	vmul.f32 $5.314410110e-02, v0;
	_ =	sdelay $0x1  }
0x438: {  	v1 =	vadd.f32 v1, v2;
	_ =	sdelay $0x1  }
0x439: {  	[tilespmem:s8+$0x0] =	vst v1  }
0x43a: {  	v1 =	vld [tilespmem:s11+$0x0];
	_ =	sdelay $0x4  }
0x43b: {  	v0 =	vmul.f32 v1, v0;
	_ =	sdelay $0x1  }
0x43c: {  	[tilespmem:s9+$0x0] =	vst v0  }
0x43d: {  	v0 =	vld [tilespmem:s31+$0x10]  }
0x43e: {  	v1 =	vld [tilespmem:s11+$0x10];
	_ =	sdelay $0x3  }
0x43f: {  	v2 =	vld [tilespmem:s8+$0x10]  }
0x440: {  	v0 =	vmul.f32 v1, v0;
	_ =	sdelay $0x1  }
0x441: {  	v1 =	vmul.f32 $5.314410110e-02, v0;
	_ =	sdelay $0x1  }
0x442: {  	v1 =	vadd.f32 v1, v2;
	_ =	sdelay $0x1  }
0x443: {  	[tilespmem:s8+$0x10] =	vst v1  }
0x444: {  	v1 =	vld [tilespmem:s11+$0x10];
	_ =	sdelay $0x1  }
0x445: {  	s13 =	simm.s32 $0xA060  }
0x446: {  	s12 =	simm.s32 $0xA7A0;
	s10 =	simm.s32 $0x0;
	s11 =	simm.s32 $0xA2E0  }
.LBB2_29:
0x447: {  	s10 =	sadd.s32 $0x4, s10;
	s9 =	sadd.s32 $0x40, s9;
	s8 =	sadd.s32 $0x40, s8  }
0x448: {  	p0 =	slt.u32 s10, $0x24;
	v0 =	vmul.f32 v1, v0;
	_ =	sdelay $0x1  }
0x449: {  	[tilespmem:s12+$0x10] =	vst v0;
	s12 =	smov.u32 s9  }
0x44a: {  	v0 =	vld [tilespmem:s13+$0xFFFFFFE0]  }
0x44b: {  	v1 =	vld [tilespmem:s11+$0xFFFFFFE0];
	_ =	sdelay $0x3  }
0x44c: {  	v2 =	vld [tilespmem:s8+$0xFFFFFFE0]  }
0x44d: {  	v0 =	vmul.f32 v1, v0;
	_ =	sdelay $0x1  }
0x44e: {  	v1 =	vmul.f32 $5.314410110e-02, v0;
	_ =	sdelay $0x1  }
0x44f: {  	v1 =	vadd.f32 v1, v2;
	_ =	sdelay $0x1  }
0x450: {  	[tilespmem:s8+$0xFFFFFFE0] =	vst v1  }
0x451: {  	v1 =	vld [tilespmem:s11+$0xFFFFFFE0];
	_ =	sdelay $0x4  }
0x452: {  	v0 =	vmul.f32 v1, v0;
	_ =	sdelay $0x1  }
0x453: {  	[tilespmem:s9+$0xFFFFFFE0] =	vst v0  }
0x454: {  	v0 =	vld [tilespmem:s11+$0xFFFFFFF0]  }
0x455: {  	v1 =	vld [tilespmem:s13+$0xFFFFFFF0];
	_ =	sdelay $0x2  }
0x456: {  	v2 =	vld [tilespmem:s8+$0xFFFFFFF0];
	_ =	sdelay $0x1  }
0x457: {  	v0 =	vmul.f32 v0, v1;
	_ =	sdelay $0x1  }
0x458: {  	v1 =	vmul.f32 $5.314410110e-02, v0;
	_ =	sdelay $0x1  }
0x459: {  	v1 =	vadd.f32 v1, v2;
	_ =	sdelay $0x1  }
0x45a: {  	[tilespmem:s8+$0xFFFFFFF0] =	vst v1  }
0x45b: {  	v1 =	vld [tilespmem:s11+$0xFFFFFFF0];
	_ =	sdelay $0x4  }
0x45c: {  	v0 =	vmul.f32 v1, v0;
	_ =	sdelay $0x1  }
0x45d: {  	[tilespmem:s9+$0xFFFFFFF0] =	vst v0  }
0x45e: {  	v0 =	vld [tilespmem:s13+$0x0]  }
0x45f: {  	v1 =	vld [tilespmem:s11+$0x0];
	_ =	sdelay $0x1  }
0x460: {  	v2 =	vld [tilespmem:s8+$0x0];
	_ =	sdelay $0x2  }
0x461: {  	v0 =	vmul.f32 v1, v0;
	_ =	sdelay $0x1  }
0x462: {  	v1 =	vmul.f32 $5.314410110e-02, v0;
	_ =	sdelay $0x1  }
0x463: {  	v1 =	vadd.f32 v1, v2;
	_ =	sdelay $0x1  }
0x464: {  	[tilespmem:s8+$0x0] =	vst v1  }
0x465: {  	v1 =	vld [tilespmem:s11+$0x0];
	_ =	sdelay $0x4  }
0x466: {  	v0 =	vmul.f32 v1, v0;
	_ =	sdelay $0x1  }
0x467: {  	[tilespmem:s9+$0x0] =	vst v0  }
0x468: {  	v0 =	vld [tilespmem:s13+$0x10]  }
0x469: {  	v1 =	vld [tilespmem:s11+$0x10]  }
0x46a: {  	v2 =	vld [tilespmem:s8+$0x10];
	_ =	sdelay $0x3  }
0x46b: {  	v0 =	vmul.f32 v1, v0;
	_ =	sdelay $0x1  }
0x46c: {  	v1 =	vmul.f32 $5.314410110e-02, v0;
	_ =	sdelay $0x1  }
0x46d: {  	v1 =	vadd.f32 v1, v2;
	_ =	sdelay $0x1  }
.Ltmp14:
0x46e: {  	[tilespmem:s8+$0x10] =	vst v1;
	(pc) =	sbr.rel @p0 .LBB2_29-.Ltmp14, $2  }
0x46f: {  	v1 =	vld [tilespmem:s11+$0x10];
	_ =	sdelay $0x2  }
0x470: {  	s13 =	sadd.s32 $0x40, s13;
	s11 =	sadd.s32 $0x40, s11  }
0x471: {  	_ = 	snop  }
0x472: {  	v0 =	vmul.f32 v1, v0;
	_ =	sdelay $0x1  }
0x473: {  	s8 =	simm.s32 $0xA780;
	s9 =	simm.s32 $0x2;
	[tilespmem:s12+$0x10] =	vst v0  }
0x474: {  	[spmem:s7] =	stream.linear.scatter [tilespmem:s8], [sflag:$0x2], $0x280, $0x38;
	[tilespmem:$0xB180] =	vst v63  }
0x475: {  	_ =	swait.ge [sflag:s9], $0x280  }
0x476: {  	[sflag:s9] =	ssyncset.done $0x0  }
0x477: {  	s31 =	simm.s32 $0xAA00;
	[sflag:s9] =	ssyncadd.s32 $0xFFFFFD80  }
0x478: {  	[spmem:s5] =	stream.linear.scatter [tilespmem:s31], [sflag:$0x2], $0x280, $0x38;
	[tilespmem:$0xB180] =	vst v63  }
0x479: {  	_ =	swait.ge [sflag:s9], $0x280  }
0x47a: {  	[sflag:s9] =	ssyncset.done $0x0  }
0x47b: {  	[sflag:s9] =	ssyncadd.s32 $0xFFFFFD80  }
0x47c: {  	s8 =	simm.s32 $0x7800;
	[bflag:$0x0] =	sbarrier.arrive $0xFFFF  }
0x47d: {  	[tilespmem:s8], [sflag:$0x2] =	stream.linear.gather [spmem:s6], $0x2800, $0x38;
	[tilespmem:$0xB180] =	vst v63  }
0x47e: {  	_ =	swait.ge [sflag:s9], $0x2800  }
0x47f: {  	[sflag:s9] =	ssyncset.done $0x0  }
0x480: {  	s10 =	simm.s32 $0x0;
	[sflag:s9] =	ssyncadd.s32 $0xFFFFD800  }
0x481: {  	s11 =	simm.s32 $0x200;
	s9 =	simm.s32 $0x80;
	v0 =	vld [tilespmem:s10+$0x2800]  }
.LBB2_31:
0x482: {  	p0 =	sne.s32 s11, $0x9E00;
	_ =	sdelay $0x5  }
0x483: {  	v1 =	vld [tilespmem:s10+$0x2810]  }
0x484: {  	v0 =	vld.idx.msk [tilespmem:v0+s8+$0x0], $0xffff;
	_ =	sdelay $0x5  }
0x485: {  	[tilespmem:s10+$0x5000] =	vst v0;
	v0 =	vld [tilespmem:s10+$0x2820]  }
0x486: {  	v1 =	vld.idx.msk [tilespmem:v1+s8+$0x0], $0xffff;
	_ =	sdelay $0x5  }
0x487: {  	[tilespmem:s10+$0x5010] =	vst v1;
	v1 =	vld [tilespmem:s10+$0x2830]  }
0x488: {  	v0 =	vld.idx.msk [tilespmem:v0+s8+$0x0], $0xffff;
	_ =	sdelay $0x5  }
0x489: {  	[tilespmem:s10+$0x5020] =	vst v0;
	v0 =	vld [tilespmem:s10+$0x2840]  }
0x48a: {  	v1 =	vld.idx.msk [tilespmem:v1+s8+$0x0], $0xffff;
	_ =	sdelay $0x5  }
0x48b: {  	[tilespmem:s10+$0x5030] =	vst v1;
	v1 =	vld [tilespmem:s10+$0x2850]  }
0x48c: {  	v0 =	vld.idx.msk [tilespmem:v0+s8+$0x0], $0xffff;
	_ =	sdelay $0x5  }
0x48d: {  	[tilespmem:s10+$0x5040] =	vst v0;
	v0 =	vld [tilespmem:s10+$0x2860]  }
0x48e: {  	v1 =	vld.idx.msk [tilespmem:v1+s8+$0x0], $0xffff;
	_ =	sdelay $0x5  }
0x48f: {  	[tilespmem:s10+$0x5050] =	vst v1;
	v1 =	vld [tilespmem:s10+$0x2870]  }
0x490: {  	v0 =	vld.idx.msk [tilespmem:v0+s8+$0x0], $0xffff;
	_ =	sdelay $0x5  }
0x491: {  	[tilespmem:s10+$0x5060] =	vst v0  }
0x492: {  	v0 =	vld.idx.msk [tilespmem:v1+s8+$0x0], $0xffff;
	_ =	sdelay $0x2  }
.Ltmp15:
0x493: {  	(pc) =	sbr.rel @p0 .LBB2_31-.Ltmp15, $4  }
0x494: {  	_ = 	snop  }
0x495: {  	s12 =	sshra.s32 s11, $0x2;
	s13 =	sadd.s32 $0x5000, s10  }
0x496: {  	[tilespmem:s10+$0x5070] =	vst v0;
	[spmem:s4] =	stream.indirect.scatter.add.f32 [tilespmem:s13], [sflag:$0x1], $0x1, s10, s9, $0xb8  }
0x497: {  	s11 =	sadd.s32 $0x200, s11;
	s10 =	smov.u32 s12;
	v0 =	vld [tilespmem:s12+$0x2800]  }
0x498: {  	_ =	sdelay $0x5  }
0x499: {  	v1 =	vld [tilespmem:s10+$0x2810];
	_ =	sdelay $0x1  }
0x49a: {  	v0 =	vld.idx.msk [tilespmem:v0+s8+$0x0], $0xffff;
	_ =	sdelay $0x4  }
0x49b: {  	[tilespmem:s10+$0x5000] =	vst v0;
	v0 =	vld [tilespmem:s10+$0x2820]  }
0x49c: {  	v1 =	vld.idx.msk [tilespmem:v1+s8+$0x0], $0xffff;
	_ =	sdelay $0x4  }
0x49d: {  	[tilespmem:s10+$0x5010] =	vst v1;
	v1 =	vld [tilespmem:s10+$0x2830];
	_ =	sdelay $0x1  }
0x49e: {  	v0 =	vld.idx.msk [tilespmem:v0+s8+$0x0], $0xffff;
	_ =	sdelay $0x4  }
0x49f: {  	[tilespmem:s10+$0x5020] =	vst v0;
	v0 =	vld [tilespmem:s10+$0x2840]  }
0x4a0: {  	v1 =	vld.idx.msk [tilespmem:v1+s8+$0x0], $0xffff;
	_ =	sdelay $0x4  }
0x4a1: {  	[tilespmem:s10+$0x5030] =	vst v1;
	v1 =	vld [tilespmem:s10+$0x2850];
	_ =	sdelay $0x1  }
0x4a2: {  	v0 =	vld.idx.msk [tilespmem:v0+s8+$0x0], $0xffff;
	_ =	sdelay $0x4  }
0x4a3: {  	[tilespmem:s10+$0x5040] =	vst v0;
	v0 =	vld [tilespmem:s10+$0x2860]  }
0x4a4: {  	v1 =	vld.idx.msk [tilespmem:v1+s8+$0x0], $0xffff;
	_ =	sdelay $0x4  }
0x4a5: {  	[tilespmem:s10+$0x5050] =	vst v1;
	v1 =	vld [tilespmem:s10+$0x2870];
	_ =	sdelay $0x1  }
0x4a6: {  	v0 =	vld.idx.msk [tilespmem:v0+s8+$0x0], $0xffff;
	_ =	sdelay $0x4  }
0x4a7: {  	[tilespmem:s10+$0x5060] =	vst v0  }
0x4a8: {  	v0 =	vld.idx.msk [tilespmem:v1+s8+$0x0], $0xffff;
	_ =	sdelay $0x4  }
0x4a9: {  	s26 =	sadd.s32 $0x5000, s10;
	s28 =	simm.s32 $0x1;
	[tilespmem:s10+$0x5070] =	vst v0  }
0x4aa: {  	[spmem:s4] =	stream.indirect.scatter.add.f32 [tilespmem:s26], [sflag:$0x1], $0x1, s10, s9, $0xb8;
	[tilespmem:$0xB180] =	vst v63  }
0x4ab: {  	_ =	swait.ge [sflag:s28], $0x2800  }
0x4ac: {  	[sflag:s28] =	ssyncset.done $0x0  }
0x4ad: {  	[sflag:s28] =	ssyncadd.s32 $0xFFFFD800  }
0x4ae: {  	s29 =	simm.s32 $0xA000;
	s30 =	simm.s32 $0x2;
	[bflag:$0x0] =	sbarrier.arrive $0xFFFF  }
0x4af: {  	[tilespmem:s29], [sflag:$0x2] =	stream.linear.gather [spmem:s5], $0x280, $0x38;
	[tilespmem:$0xB180] =	vst v63  }
0x4b0: {  	_ =	swait.ge [sflag:s30], $0x280  }
0x4b1: {  	[sflag:s30] =	ssyncset.done $0x0  }
0x4b2: {  	s31 =	simm.s32 $0xA020;
	[sflag:s30] =	ssyncadd.s32 $0xFFFFFD80  }
0x4b3: {  	s11 =	simm.s32 $0xA2A0;
	v0 =	vld [tilespmem:s31+$0xFFFFFFE0]  }
0x4b4: {  	v1 =	vld [tilespmem:s11+$0xFFFFFFE0];
	_ =	sdelay $0x2  }
0x4b5: {  	s8 =	simm.s32 $0xA520  }
0x4b6: {  	v2 =	vld [tilespmem:s8+$0xFFFFFFE0]  }
0x4b7: {  	v0 =	vmul.f32 v1, v0;
	_ =	sdelay $0x1  }
0x4b8: {  	v1 =	vmul.f32 $4.782969130e-02, v0;
	_ =	sdelay $0x1  }
0x4b9: {  	v1 =	vadd.f32 v1, v2;
	_ =	sdelay $0x1  }
0x4ba: {  	[tilespmem:s8+$0xFFFFFFE0] =	vst v1  }
0x4bb: {  	v1 =	vld [tilespmem:s11+$0xFFFFFFE0];
	_ =	sdelay $0x4  }
0x4bc: {  	v0 =	vmul.f32 v1, v0  }
0x4bd: {  	s9 =	simm.s32 $0xA7A0  }
0x4be: {  	[tilespmem:s9+$0xFFFFFFE0] =	vst v0  }
0x4bf: {  	v0 =	vld [tilespmem:s11+$0xFFFFFFF0]  }
0x4c0: {  	v1 =	vld [tilespmem:s31+$0xFFFFFFF0];
	_ =	sdelay $0x3  }
0x4c1: {  	v2 =	vld [tilespmem:s8+$0xFFFFFFF0]  }
0x4c2: {  	v0 =	vmul.f32 v0, v1;
	_ =	sdelay $0x1  }
0x4c3: {  	v1 =	vmul.f32 $4.782969130e-02, v0;
	_ =	sdelay $0x1  }
0x4c4: {  	v1 =	vadd.f32 v1, v2;
	_ =	sdelay $0x1  }
0x4c5: {  	[tilespmem:s8+$0xFFFFFFF0] =	vst v1  }
0x4c6: {  	v1 =	vld [tilespmem:s11+$0xFFFFFFF0];
	_ =	sdelay $0x4  }
0x4c7: {  	v0 =	vmul.f32 v1, v0;
	_ =	sdelay $0x1  }
0x4c8: {  	[tilespmem:s9+$0xFFFFFFF0] =	vst v0  }
0x4c9: {  	v0 =	vld [tilespmem:s31+$0x0]  }
0x4ca: {  	v1 =	vld [tilespmem:s11+$0x0];
	_ =	sdelay $0x3  }
0x4cb: {  	v2 =	vld [tilespmem:s8+$0x0]  }
0x4cc: {  	v0 =	vmul.f32 v1, v0;
	_ =	sdelay $0x1  }
0x4cd: {  	v1 =	vmul.f32 $4.782969130e-02, v0;
	_ =	sdelay $0x1  }
0x4ce: {  	v1 =	vadd.f32 v1, v2;
	_ =	sdelay $0x1  }
0x4cf: {  	[tilespmem:s8+$0x0] =	vst v1  }
0x4d0: {  	v1 =	vld [tilespmem:s11+$0x0];
	_ =	sdelay $0x4  }
0x4d1: {  	v0 =	vmul.f32 v1, v0;
	_ =	sdelay $0x1  }
0x4d2: {  	[tilespmem:s9+$0x0] =	vst v0  }
0x4d3: {  	v0 =	vld [tilespmem:s31+$0x10]  }
0x4d4: {  	v1 =	vld [tilespmem:s11+$0x10];
	_ =	sdelay $0x3  }
0x4d5: {  	v2 =	vld [tilespmem:s8+$0x10]  }
0x4d6: {  	v0 =	vmul.f32 v1, v0;
	_ =	sdelay $0x1  }
0x4d7: {  	v1 =	vmul.f32 $4.782969130e-02, v0;
	_ =	sdelay $0x1  }
0x4d8: {  	v1 =	vadd.f32 v1, v2;
	_ =	sdelay $0x1  }
0x4d9: {  	[tilespmem:s8+$0x10] =	vst v1  }
0x4da: {  	v1 =	vld [tilespmem:s11+$0x10];
	_ =	sdelay $0x1  }
0x4db: {  	s13 =	simm.s32 $0xA060  }
0x4dc: {  	s12 =	simm.s32 $0xA7A0;
	s10 =	simm.s32 $0x0;
	s11 =	simm.s32 $0xA2E0  }
.LBB2_33:
0x4dd: {  	s10 =	sadd.s32 $0x4, s10;
	s9 =	sadd.s32 $0x40, s9;
	s8 =	sadd.s32 $0x40, s8  }
0x4de: {  	p0 =	slt.u32 s10, $0x24;
	v0 =	vmul.f32 v1, v0;
	_ =	sdelay $0x1  }
0x4df: {  	[tilespmem:s12+$0x10] =	vst v0;
	s12 =	smov.u32 s9  }
0x4e0: {  	v0 =	vld [tilespmem:s13+$0xFFFFFFE0]  }
0x4e1: {  	v1 =	vld [tilespmem:s11+$0xFFFFFFE0];
	_ =	sdelay $0x3  }
0x4e2: {  	v2 =	vld [tilespmem:s8+$0xFFFFFFE0]  }
0x4e3: {  	v0 =	vmul.f32 v1, v0;
	_ =	sdelay $0x1  }
0x4e4: {  	v1 =	vmul.f32 $4.782969130e-02, v0;
	_ =	sdelay $0x1  }
0x4e5: {  	v1 =	vadd.f32 v1, v2;
	_ =	sdelay $0x1  }
0x4e6: {  	[tilespmem:s8+$0xFFFFFFE0] =	vst v1  }
0x4e7: {  	v1 =	vld [tilespmem:s11+$0xFFFFFFE0];
	_ =	sdelay $0x4  }
0x4e8: {  	v0 =	vmul.f32 v1, v0;
	_ =	sdelay $0x1  }
0x4e9: {  	[tilespmem:s9+$0xFFFFFFE0] =	vst v0  }
0x4ea: {  	v0 =	vld [tilespmem:s11+$0xFFFFFFF0]  }
0x4eb: {  	v1 =	vld [tilespmem:s13+$0xFFFFFFF0];
	_ =	sdelay $0x2  }
0x4ec: {  	v2 =	vld [tilespmem:s8+$0xFFFFFFF0];
	_ =	sdelay $0x1  }
0x4ed: {  	v0 =	vmul.f32 v0, v1;
	_ =	sdelay $0x1  }
0x4ee: {  	v1 =	vmul.f32 $4.782969130e-02, v0;
	_ =	sdelay $0x1  }
0x4ef: {  	v1 =	vadd.f32 v1, v2;
	_ =	sdelay $0x1  }
0x4f0: {  	[tilespmem:s8+$0xFFFFFFF0] =	vst v1  }
0x4f1: {  	v1 =	vld [tilespmem:s11+$0xFFFFFFF0];
	_ =	sdelay $0x4  }
0x4f2: {  	v0 =	vmul.f32 v1, v0;
	_ =	sdelay $0x1  }
0x4f3: {  	[tilespmem:s9+$0xFFFFFFF0] =	vst v0  }
0x4f4: {  	v0 =	vld [tilespmem:s13+$0x0]  }
0x4f5: {  	v1 =	vld [tilespmem:s11+$0x0];
	_ =	sdelay $0x1  }
0x4f6: {  	v2 =	vld [tilespmem:s8+$0x0];
	_ =	sdelay $0x2  }
0x4f7: {  	v0 =	vmul.f32 v1, v0;
	_ =	sdelay $0x1  }
0x4f8: {  	v1 =	vmul.f32 $4.782969130e-02, v0;
	_ =	sdelay $0x1  }
0x4f9: {  	v1 =	vadd.f32 v1, v2;
	_ =	sdelay $0x1  }
0x4fa: {  	[tilespmem:s8+$0x0] =	vst v1  }
0x4fb: {  	v1 =	vld [tilespmem:s11+$0x0];
	_ =	sdelay $0x4  }
0x4fc: {  	v0 =	vmul.f32 v1, v0;
	_ =	sdelay $0x1  }
0x4fd: {  	[tilespmem:s9+$0x0] =	vst v0  }
0x4fe: {  	v0 =	vld [tilespmem:s13+$0x10]  }
0x4ff: {  	v1 =	vld [tilespmem:s11+$0x10]  }
0x500: {  	v2 =	vld [tilespmem:s8+$0x10];
	_ =	sdelay $0x3  }
0x501: {  	v0 =	vmul.f32 v1, v0;
	_ =	sdelay $0x1  }
0x502: {  	v1 =	vmul.f32 $4.782969130e-02, v0;
	_ =	sdelay $0x1  }
0x503: {  	v1 =	vadd.f32 v1, v2;
	_ =	sdelay $0x1  }
.Ltmp16:
0x504: {  	[tilespmem:s8+$0x10] =	vst v1;
	(pc) =	sbr.rel @p0 .LBB2_33-.Ltmp16, $2  }
0x505: {  	v1 =	vld [tilespmem:s11+$0x10];
	_ =	sdelay $0x2  }
0x506: {  	s13 =	sadd.s32 $0x40, s13;
	s11 =	sadd.s32 $0x40, s11  }
0x507: {  	_ = 	snop  }
0x508: {  	v0 =	vmul.f32 v1, v0;
	_ =	sdelay $0x1  }
0x509: {  	s8 =	simm.s32 $0xA780;
	s9 =	simm.s32 $0x2;
	[tilespmem:s12+$0x10] =	vst v0  }
0x50a: {  	[spmem:s7] =	stream.linear.scatter [tilespmem:s8], [sflag:$0x2], $0x280, $0x38;
	[tilespmem:$0xB180] =	vst v63  }
0x50b: {  	_ =	swait.ge [sflag:s9], $0x280  }
0x50c: {  	[sflag:s9] =	ssyncset.done $0x0  }
0x50d: {  	s31 =	simm.s32 $0xAA00;
	[sflag:s9] =	ssyncadd.s32 $0xFFFFFD80  }
0x50e: {  	[spmem:s5] =	stream.linear.scatter [tilespmem:s31], [sflag:$0x2], $0x280, $0x38;
	[tilespmem:$0xB180] =	vst v63  }
0x50f: {  	_ =	swait.ge [sflag:s9], $0x280  }
0x510: {  	[sflag:s9] =	ssyncset.done $0x0  }
0x511: {  	[sflag:s9] =	ssyncadd.s32 $0xFFFFFD80  }
0x512: {  	s8 =	simm.s32 $0x7800;
	[bflag:$0x0] =	sbarrier.arrive $0xFFFF  }
0x513: {  	[tilespmem:s8], [sflag:$0x2] =	stream.linear.gather [spmem:s6], $0x2800, $0x38;
	[tilespmem:$0xB180] =	vst v63  }
0x514: {  	_ =	swait.ge [sflag:s9], $0x2800  }
0x515: {  	[sflag:s9] =	ssyncset.done $0x0  }
0x516: {  	s10 =	simm.s32 $0x0;
	[sflag:s9] =	ssyncadd.s32 $0xFFFFD800  }
0x517: {  	s11 =	simm.s32 $0x200;
	s9 =	simm.s32 $0x80;
	v0 =	vld [tilespmem:s10+$0x2800]  }
.LBB2_35:
0x518: {  	p0 =	sne.s32 s11, $0x9E00;
	_ =	sdelay $0x5  }
0x519: {  	v1 =	vld [tilespmem:s10+$0x2810]  }
0x51a: {  	v0 =	vld.idx.msk [tilespmem:v0+s8+$0x0], $0xffff;
	_ =	sdelay $0x5  }
0x51b: {  	[tilespmem:s10+$0x5000] =	vst v0;
	v0 =	vld [tilespmem:s10+$0x2820]  }
0x51c: {  	v1 =	vld.idx.msk [tilespmem:v1+s8+$0x0], $0xffff;
	_ =	sdelay $0x5  }
0x51d: {  	[tilespmem:s10+$0x5010] =	vst v1;
	v1 =	vld [tilespmem:s10+$0x2830]  }
0x51e: {  	v0 =	vld.idx.msk [tilespmem:v0+s8+$0x0], $0xffff;
	_ =	sdelay $0x5  }
0x51f: {  	[tilespmem:s10+$0x5020] =	vst v0;
	v0 =	vld [tilespmem:s10+$0x2840]  }
0x520: {  	v1 =	vld.idx.msk [tilespmem:v1+s8+$0x0], $0xffff;
	_ =	sdelay $0x5  }
0x521: {  	[tilespmem:s10+$0x5030] =	vst v1;
	v1 =	vld [tilespmem:s10+$0x2850]  }
0x522: {  	v0 =	vld.idx.msk [tilespmem:v0+s8+$0x0], $0xffff;
	_ =	sdelay $0x5  }
0x523: {  	[tilespmem:s10+$0x5040] =	vst v0;
	v0 =	vld [tilespmem:s10+$0x2860]  }
0x524: {  	v1 =	vld.idx.msk [tilespmem:v1+s8+$0x0], $0xffff;
	_ =	sdelay $0x5  }
0x525: {  	[tilespmem:s10+$0x5050] =	vst v1;
	v1 =	vld [tilespmem:s10+$0x2870]  }
0x526: {  	v0 =	vld.idx.msk [tilespmem:v0+s8+$0x0], $0xffff;
	_ =	sdelay $0x5  }
0x527: {  	[tilespmem:s10+$0x5060] =	vst v0  }
0x528: {  	v0 =	vld.idx.msk [tilespmem:v1+s8+$0x0], $0xffff;
	_ =	sdelay $0x2  }
.Ltmp17:
0x529: {  	(pc) =	sbr.rel @p0 .LBB2_35-.Ltmp17, $4  }
0x52a: {  	_ = 	snop  }
0x52b: {  	s12 =	sshra.s32 s11, $0x2;
	s13 =	sadd.s32 $0x5000, s10  }
0x52c: {  	[tilespmem:s10+$0x5070] =	vst v0;
	[spmem:s4] =	stream.indirect.scatter.add.f32 [tilespmem:s13], [sflag:$0x1], $0x1, s10, s9, $0xb8  }
0x52d: {  	s11 =	sadd.s32 $0x200, s11;
	s10 =	smov.u32 s12;
	v0 =	vld [tilespmem:s12+$0x2800]  }
0x52e: {  	_ =	sdelay $0x5  }
0x52f: {  	v1 =	vld [tilespmem:s10+$0x2810];
	_ =	sdelay $0x1  }
0x530: {  	v0 =	vld.idx.msk [tilespmem:v0+s8+$0x0], $0xffff;
	_ =	sdelay $0x4  }
0x531: {  	[tilespmem:s10+$0x5000] =	vst v0;
	v0 =	vld [tilespmem:s10+$0x2820]  }
0x532: {  	v1 =	vld.idx.msk [tilespmem:v1+s8+$0x0], $0xffff;
	_ =	sdelay $0x4  }
0x533: {  	[tilespmem:s10+$0x5010] =	vst v1;
	v1 =	vld [tilespmem:s10+$0x2830];
	_ =	sdelay $0x1  }
0x534: {  	v0 =	vld.idx.msk [tilespmem:v0+s8+$0x0], $0xffff;
	_ =	sdelay $0x4  }
0x535: {  	[tilespmem:s10+$0x5020] =	vst v0;
	v0 =	vld [tilespmem:s10+$0x2840]  }
0x536: {  	v1 =	vld.idx.msk [tilespmem:v1+s8+$0x0], $0xffff;
	_ =	sdelay $0x4  }
0x537: {  	[tilespmem:s10+$0x5030] =	vst v1;
	v1 =	vld [tilespmem:s10+$0x2850];
	_ =	sdelay $0x1  }
0x538: {  	v0 =	vld.idx.msk [tilespmem:v0+s8+$0x0], $0xffff;
	_ =	sdelay $0x4  }
0x539: {  	[tilespmem:s10+$0x5040] =	vst v0;
	v0 =	vld [tilespmem:s10+$0x2860]  }
0x53a: {  	v1 =	vld.idx.msk [tilespmem:v1+s8+$0x0], $0xffff;
	_ =	sdelay $0x4  }
0x53b: {  	[tilespmem:s10+$0x5050] =	vst v1;
	v1 =	vld [tilespmem:s10+$0x2870];
	_ =	sdelay $0x1  }
0x53c: {  	v0 =	vld.idx.msk [tilespmem:v0+s8+$0x0], $0xffff;
	_ =	sdelay $0x4  }
0x53d: {  	[tilespmem:s10+$0x5060] =	vst v0  }
0x53e: {  	v0 =	vld.idx.msk [tilespmem:v1+s8+$0x0], $0xffff;
	_ =	sdelay $0x4  }
0x53f: {  	s26 =	sadd.s32 $0x5000, s10;
	s28 =	simm.s32 $0x1;
	[tilespmem:s10+$0x5070] =	vst v0  }
0x540: {  	[spmem:s4] =	stream.indirect.scatter.add.f32 [tilespmem:s26], [sflag:$0x1], $0x1, s10, s9, $0xb8;
	[tilespmem:$0xB180] =	vst v63  }
0x541: {  	_ =	swait.ge [sflag:s28], $0x2800  }
0x542: {  	[sflag:s28] =	ssyncset.done $0x0  }
0x543: {  	[sflag:s28] =	ssyncadd.s32 $0xFFFFD800  }
0x544: {  	s29 =	simm.s32 $0xA000;
	s30 =	simm.s32 $0x2;
	[bflag:$0x0] =	sbarrier.arrive $0xFFFF  }
0x545: {  	[tilespmem:s29], [sflag:$0x2] =	stream.linear.gather [spmem:s5], $0x280, $0x38;
	[tilespmem:$0xB180] =	vst v63  }
0x546: {  	_ =	swait.ge [sflag:s30], $0x280  }
0x547: {  	[sflag:s30] =	ssyncset.done $0x0  }
0x548: {  	s31 =	simm.s32 $0xA020;
	[sflag:s30] =	ssyncadd.s32 $0xFFFFFD80  }
0x549: {  	s11 =	simm.s32 $0xA2A0;
	v0 =	vld [tilespmem:s31+$0xFFFFFFE0]  }
0x54a: {  	v1 =	vld [tilespmem:s11+$0xFFFFFFE0];
	_ =	sdelay $0x2  }
0x54b: {  	s8 =	simm.s32 $0xA520  }
0x54c: {  	v2 =	vld [tilespmem:s8+$0xFFFFFFE0]  }
0x54d: {  	v0 =	vmul.f32 v1, v0;
	_ =	sdelay $0x1  }
0x54e: {  	v1 =	vmul.f32 $4.304672030e-02, v0;
	_ =	sdelay $0x1  }
0x54f: {  	v1 =	vadd.f32 v1, v2;
	_ =	sdelay $0x1  }
0x550: {  	[tilespmem:s8+$0xFFFFFFE0] =	vst v1  }
0x551: {  	v1 =	vld [tilespmem:s11+$0xFFFFFFE0];
	_ =	sdelay $0x4  }
0x552: {  	v0 =	vmul.f32 v1, v0  }
0x553: {  	s9 =	simm.s32 $0xA7A0  }
0x554: {  	[tilespmem:s9+$0xFFFFFFE0] =	vst v0  }
0x555: {  	v0 =	vld [tilespmem:s11+$0xFFFFFFF0]  }
0x556: {  	v1 =	vld [tilespmem:s31+$0xFFFFFFF0];
	_ =	sdelay $0x3  }
0x557: {  	v2 =	vld [tilespmem:s8+$0xFFFFFFF0]  }
0x558: {  	v0 =	vmul.f32 v0, v1;
	_ =	sdelay $0x1  }
0x559: {  	v1 =	vmul.f32 $4.304672030e-02, v0;
	_ =	sdelay $0x1  }
0x55a: {  	v1 =	vadd.f32 v1, v2;
	_ =	sdelay $0x1  }
0x55b: {  	[tilespmem:s8+$0xFFFFFFF0] =	vst v1  }
0x55c: {  	v1 =	vld [tilespmem:s11+$0xFFFFFFF0];
	_ =	sdelay $0x4  }
0x55d: {  	v0 =	vmul.f32 v1, v0;
	_ =	sdelay $0x1  }
0x55e: {  	[tilespmem:s9+$0xFFFFFFF0] =	vst v0  }
0x55f: {  	v0 =	vld [tilespmem:s31+$0x0]  }
0x560: {  	v1 =	vld [tilespmem:s11+$0x0];
	_ =	sdelay $0x3  }
0x561: {  	v2 =	vld [tilespmem:s8+$0x0]  }
0x562: {  	v0 =	vmul.f32 v1, v0;
	_ =	sdelay $0x1  }
0x563: {  	v1 =	vmul.f32 $4.304672030e-02, v0;
	_ =	sdelay $0x1  }
0x564: {  	v1 =	vadd.f32 v1, v2;
	_ =	sdelay $0x1  }
0x565: {  	[tilespmem:s8+$0x0] =	vst v1  }
0x566: {  	v1 =	vld [tilespmem:s11+$0x0];
	_ =	sdelay $0x4  }
0x567: {  	v0 =	vmul.f32 v1, v0;
	_ =	sdelay $0x1  }
0x568: {  	[tilespmem:s9+$0x0] =	vst v0  }
0x569: {  	v0 =	vld [tilespmem:s31+$0x10]  }
0x56a: {  	v1 =	vld [tilespmem:s11+$0x10];
	_ =	sdelay $0x3  }
0x56b: {  	v2 =	vld [tilespmem:s8+$0x10]  }
0x56c: {  	v0 =	vmul.f32 v1, v0;
	_ =	sdelay $0x1  }
0x56d: {  	v1 =	vmul.f32 $4.304672030e-02, v0;
	_ =	sdelay $0x1  }
0x56e: {  	v1 =	vadd.f32 v1, v2;
	_ =	sdelay $0x1  }
0x56f: {  	[tilespmem:s8+$0x10] =	vst v1  }
0x570: {  	v1 =	vld [tilespmem:s11+$0x10];
	_ =	sdelay $0x1  }
0x571: {  	s13 =	simm.s32 $0xA060  }
0x572: {  	s12 =	simm.s32 $0xA7A0;
	s10 =	simm.s32 $0x0;
	s11 =	simm.s32 $0xA2E0  }
.LBB2_37:
0x573: {  	s10 =	sadd.s32 $0x4, s10;
	s9 =	sadd.s32 $0x40, s9;
	s8 =	sadd.s32 $0x40, s8  }
0x574: {  	p0 =	slt.u32 s10, $0x24;
	v0 =	vmul.f32 v1, v0;
	_ =	sdelay $0x1  }
0x575: {  	[tilespmem:s12+$0x10] =	vst v0;
	s12 =	smov.u32 s9  }
0x576: {  	v0 =	vld [tilespmem:s13+$0xFFFFFFE0]  }
0x577: {  	v1 =	vld [tilespmem:s11+$0xFFFFFFE0];
	_ =	sdelay $0x3  }
0x578: {  	v2 =	vld [tilespmem:s8+$0xFFFFFFE0]  }
0x579: {  	v0 =	vmul.f32 v1, v0;
	_ =	sdelay $0x1  }
0x57a: {  	v1 =	vmul.f32 $4.304672030e-02, v0;
	_ =	sdelay $0x1  }
0x57b: {  	v1 =	vadd.f32 v1, v2;
	_ =	sdelay $0x1  }
0x57c: {  	[tilespmem:s8+$0xFFFFFFE0] =	vst v1  }
0x57d: {  	v1 =	vld [tilespmem:s11+$0xFFFFFFE0];
	_ =	sdelay $0x4  }
0x57e: {  	v0 =	vmul.f32 v1, v0;
	_ =	sdelay $0x1  }
0x57f: {  	[tilespmem:s9+$0xFFFFFFE0] =	vst v0  }
0x580: {  	v0 =	vld [tilespmem:s11+$0xFFFFFFF0]  }
0x581: {  	v1 =	vld [tilespmem:s13+$0xFFFFFFF0];
	_ =	sdelay $0x2  }
0x582: {  	v2 =	vld [tilespmem:s8+$0xFFFFFFF0];
	_ =	sdelay $0x1  }
0x583: {  	v0 =	vmul.f32 v0, v1;
	_ =	sdelay $0x1  }
0x584: {  	v1 =	vmul.f32 $4.304672030e-02, v0;
	_ =	sdelay $0x1  }
0x585: {  	v1 =	vadd.f32 v1, v2;
	_ =	sdelay $0x1  }
0x586: {  	[tilespmem:s8+$0xFFFFFFF0] =	vst v1  }
0x587: {  	v1 =	vld [tilespmem:s11+$0xFFFFFFF0];
	_ =	sdelay $0x4  }
0x588: {  	v0 =	vmul.f32 v1, v0;
	_ =	sdelay $0x1  }
0x589: {  	[tilespmem:s9+$0xFFFFFFF0] =	vst v0  }
0x58a: {  	v0 =	vld [tilespmem:s13+$0x0]  }
0x58b: {  	v1 =	vld [tilespmem:s11+$0x0];
	_ =	sdelay $0x1  }
0x58c: {  	v2 =	vld [tilespmem:s8+$0x0];
	_ =	sdelay $0x2  }
0x58d: {  	v0 =	vmul.f32 v1, v0;
	_ =	sdelay $0x1  }
0x58e: {  	v1 =	vmul.f32 $4.304672030e-02, v0;
	_ =	sdelay $0x1  }
0x58f: {  	v1 =	vadd.f32 v1, v2;
	_ =	sdelay $0x1  }
0x590: {  	[tilespmem:s8+$0x0] =	vst v1  }
0x591: {  	v1 =	vld [tilespmem:s11+$0x0];
	_ =	sdelay $0x4  }
0x592: {  	v0 =	vmul.f32 v1, v0;
	_ =	sdelay $0x1  }
0x593: {  	[tilespmem:s9+$0x0] =	vst v0  }
0x594: {  	v0 =	vld [tilespmem:s13+$0x10]  }
0x595: {  	v1 =	vld [tilespmem:s11+$0x10]  }
0x596: {  	v2 =	vld [tilespmem:s8+$0x10];
	_ =	sdelay $0x3  }
0x597: {  	v0 =	vmul.f32 v1, v0;
	_ =	sdelay $0x1  }
0x598: {  	v1 =	vmul.f32 $4.304672030e-02, v0;
	_ =	sdelay $0x1  }
0x599: {  	v1 =	vadd.f32 v1, v2;
	_ =	sdelay $0x1  }
.Ltmp18:
0x59a: {  	[tilespmem:s8+$0x10] =	vst v1;
	(pc) =	sbr.rel @p0 .LBB2_37-.Ltmp18, $2  }
0x59b: {  	v1 =	vld [tilespmem:s11+$0x10];
	_ =	sdelay $0x2  }
0x59c: {  	s13 =	sadd.s32 $0x40, s13;
	s11 =	sadd.s32 $0x40, s11  }
0x59d: {  	_ = 	snop  }
0x59e: {  	v0 =	vmul.f32 v1, v0;
	_ =	sdelay $0x1  }
0x59f: {  	s8 =	simm.s32 $0xA780;
	s9 =	simm.s32 $0x2;
	[tilespmem:s12+$0x10] =	vst v0  }
0x5a0: {  	[spmem:s7] =	stream.linear.scatter [tilespmem:s8], [sflag:$0x2], $0x280, $0x38;
	[tilespmem:$0xB180] =	vst v63  }
0x5a1: {  	_ =	swait.ge [sflag:s9], $0x280  }
0x5a2: {  	[sflag:s9] =	ssyncset.done $0x0  }
0x5a3: {  	s31 =	simm.s32 $0xAA00;
	[sflag:s9] =	ssyncadd.s32 $0xFFFFFD80  }
0x5a4: {  	[spmem:s5] =	stream.linear.scatter [tilespmem:s31], [sflag:$0x2], $0x280, $0x38;
	[tilespmem:$0xB180] =	vst v63  }
0x5a5: {  	_ =	swait.ge [sflag:s9], $0x280  }
0x5a6: {  	[sflag:s9] =	ssyncset.done $0x0  }
0x5a7: {  	[sflag:s9] =	ssyncadd.s32 $0xFFFFFD80  }
0x5a8: {  	s8 =	simm.s32 $0x7800;
	[bflag:$0x0] =	sbarrier.arrive $0xFFFF  }
0x5a9: {  	[tilespmem:s8], [sflag:$0x2] =	stream.linear.gather [spmem:s6], $0x2800, $0x38;
	[tilespmem:$0xB180] =	vst v63  }
0x5aa: {  	_ =	swait.ge [sflag:s9], $0x2800  }
0x5ab: {  	[sflag:s9] =	ssyncset.done $0x0  }
0x5ac: {  	s10 =	simm.s32 $0x0;
	[sflag:s9] =	ssyncadd.s32 $0xFFFFD800  }
0x5ad: {  	s11 =	simm.s32 $0x200;
	s9 =	simm.s32 $0x80;
	v0 =	vld [tilespmem:s10+$0x2800]  }
.LBB2_39:
0x5ae: {  	p0 =	sne.s32 s11, $0x9E00;
	_ =	sdelay $0x5  }
0x5af: {  	v1 =	vld [tilespmem:s10+$0x2810]  }
0x5b0: {  	v0 =	vld.idx.msk [tilespmem:v0+s8+$0x0], $0xffff;
	_ =	sdelay $0x5  }
0x5b1: {  	[tilespmem:s10+$0x5000] =	vst v0;
	v0 =	vld [tilespmem:s10+$0x2820]  }
0x5b2: {  	v1 =	vld.idx.msk [tilespmem:v1+s8+$0x0], $0xffff;
	_ =	sdelay $0x5  }
0x5b3: {  	[tilespmem:s10+$0x5010] =	vst v1;
	v1 =	vld [tilespmem:s10+$0x2830]  }
0x5b4: {  	v0 =	vld.idx.msk [tilespmem:v0+s8+$0x0], $0xffff;
	_ =	sdelay $0x5  }
0x5b5: {  	[tilespmem:s10+$0x5020] =	vst v0;
	v0 =	vld [tilespmem:s10+$0x2840]  }
0x5b6: {  	v1 =	vld.idx.msk [tilespmem:v1+s8+$0x0], $0xffff;
	_ =	sdelay $0x5  }
0x5b7: {  	[tilespmem:s10+$0x5030] =	vst v1;
	v1 =	vld [tilespmem:s10+$0x2850]  }
0x5b8: {  	v0 =	vld.idx.msk [tilespmem:v0+s8+$0x0], $0xffff;
	_ =	sdelay $0x5  }
0x5b9: {  	[tilespmem:s10+$0x5040] =	vst v0;
	v0 =	vld [tilespmem:s10+$0x2860]  }
0x5ba: {  	v1 =	vld.idx.msk [tilespmem:v1+s8+$0x0], $0xffff;
	_ =	sdelay $0x5  }
0x5bb: {  	[tilespmem:s10+$0x5050] =	vst v1;
	v1 =	vld [tilespmem:s10+$0x2870]  }
0x5bc: {  	v0 =	vld.idx.msk [tilespmem:v0+s8+$0x0], $0xffff;
	_ =	sdelay $0x5  }
0x5bd: {  	[tilespmem:s10+$0x5060] =	vst v0  }
0x5be: {  	v0 =	vld.idx.msk [tilespmem:v1+s8+$0x0], $0xffff;
	_ =	sdelay $0x2  }
.Ltmp19:
0x5bf: {  	(pc) =	sbr.rel @p0 .LBB2_39-.Ltmp19, $4  }
0x5c0: {  	_ = 	snop  }
0x5c1: {  	s12 =	sshra.s32 s11, $0x2;
	s13 =	sadd.s32 $0x5000, s10  }
0x5c2: {  	[tilespmem:s10+$0x5070] =	vst v0;
	[spmem:s4] =	stream.indirect.scatter.add.f32 [tilespmem:s13], [sflag:$0x1], $0x1, s10, s9, $0xb8  }
0x5c3: {  	s11 =	sadd.s32 $0x200, s11;
	s10 =	smov.u32 s12;
	v0 =	vld [tilespmem:s12+$0x2800]  }
0x5c4: {  	_ =	sdelay $0x5  }
0x5c5: {  	v1 =	vld [tilespmem:s10+$0x2810];
	_ =	sdelay $0x1  }
0x5c6: {  	v0 =	vld.idx.msk [tilespmem:v0+s8+$0x0], $0xffff;
	_ =	sdelay $0x4  }
0x5c7: {  	[tilespmem:s10+$0x5000] =	vst v0;
	v0 =	vld [tilespmem:s10+$0x2820]  }
0x5c8: {  	v1 =	vld.idx.msk [tilespmem:v1+s8+$0x0], $0xffff;
	_ =	sdelay $0x4  }
0x5c9: {  	[tilespmem:s10+$0x5010] =	vst v1;
	v1 =	vld [tilespmem:s10+$0x2830];
	_ =	sdelay $0x1  }
0x5ca: {  	v0 =	vld.idx.msk [tilespmem:v0+s8+$0x0], $0xffff;
	_ =	sdelay $0x4  }
0x5cb: {  	[tilespmem:s10+$0x5020] =	vst v0;
	v0 =	vld [tilespmem:s10+$0x2840]  }
0x5cc: {  	v1 =	vld.idx.msk [tilespmem:v1+s8+$0x0], $0xffff;
	_ =	sdelay $0x4  }
0x5cd: {  	[tilespmem:s10+$0x5030] =	vst v1;
	v1 =	vld [tilespmem:s10+$0x2850];
	_ =	sdelay $0x1  }
0x5ce: {  	v0 =	vld.idx.msk [tilespmem:v0+s8+$0x0], $0xffff;
	_ =	sdelay $0x4  }
0x5cf: {  	[tilespmem:s10+$0x5040] =	vst v0;
	v0 =	vld [tilespmem:s10+$0x2860]  }
0x5d0: {  	v1 =	vld.idx.msk [tilespmem:v1+s8+$0x0], $0xffff;
	_ =	sdelay $0x4  }
0x5d1: {  	[tilespmem:s10+$0x5050] =	vst v1;
	v1 =	vld [tilespmem:s10+$0x2870];
	_ =	sdelay $0x1  }
0x5d2: {  	v0 =	vld.idx.msk [tilespmem:v0+s8+$0x0], $0xffff;
	_ =	sdelay $0x4  }
0x5d3: {  	[tilespmem:s10+$0x5060] =	vst v0  }
0x5d4: {  	v0 =	vld.idx.msk [tilespmem:v1+s8+$0x0], $0xffff;
	_ =	sdelay $0x4  }
0x5d5: {  	s26 =	sadd.s32 $0x5000, s10;
	s28 =	simm.s32 $0x1;
	[tilespmem:s10+$0x5070] =	vst v0  }
0x5d6: {  	[spmem:s4] =	stream.indirect.scatter.add.f32 [tilespmem:s26], [sflag:$0x1], $0x1, s10, s9, $0xb8;
	[tilespmem:$0xB180] =	vst v63  }
0x5d7: {  	_ =	swait.ge [sflag:s28], $0x2800  }
0x5d8: {  	[sflag:s28] =	ssyncset.done $0x0  }
0x5d9: {  	[sflag:s28] =	ssyncadd.s32 $0xFFFFD800  }
0x5da: {  	s29 =	simm.s32 $0xA000;
	s30 =	simm.s32 $0x2;
	[bflag:$0x0] =	sbarrier.arrive $0xFFFF  }
0x5db: {  	[tilespmem:s29], [sflag:$0x2] =	stream.linear.gather [spmem:s5], $0x280, $0x38;
	[tilespmem:$0xB180] =	vst v63  }
0x5dc: {  	_ =	swait.ge [sflag:s30], $0x280  }
0x5dd: {  	[sflag:s30] =	ssyncset.done $0x0  }
0x5de: {  	s31 =	simm.s32 $0xA020;
	[sflag:s30] =	ssyncadd.s32 $0xFFFFFD80  }
0x5df: {  	s11 =	simm.s32 $0xA2A0;
	v0 =	vld [tilespmem:s31+$0xFFFFFFE0]  }
0x5e0: {  	v1 =	vld [tilespmem:s11+$0xFFFFFFE0];
	_ =	sdelay $0x2  }
0x5e1: {  	s8 =	simm.s32 $0xA520  }
0x5e2: {  	v2 =	vld [tilespmem:s8+$0xFFFFFFE0]  }
0x5e3: {  	v0 =	vmul.f32 v1, v0;
	_ =	sdelay $0x1  }
0x5e4: {  	v1 =	vmul.f32 $3.874205050e-02, v0;
	_ =	sdelay $0x1  }
0x5e5: {  	v1 =	vadd.f32 v1, v2;
	_ =	sdelay $0x1  }
0x5e6: {  	[tilespmem:s8+$0xFFFFFFE0] =	vst v1  }
0x5e7: {  	v1 =	vld [tilespmem:s11+$0xFFFFFFE0];
	_ =	sdelay $0x4  }
0x5e8: {  	v0 =	vmul.f32 v1, v0  }
0x5e9: {  	s9 =	simm.s32 $0xA7A0  }
0x5ea: {  	[tilespmem:s9+$0xFFFFFFE0] =	vst v0  }
0x5eb: {  	v0 =	vld [tilespmem:s11+$0xFFFFFFF0]  }
0x5ec: {  	v1 =	vld [tilespmem:s31+$0xFFFFFFF0];
	_ =	sdelay $0x3  }
0x5ed: {  	v2 =	vld [tilespmem:s8+$0xFFFFFFF0]  }
0x5ee: {  	v0 =	vmul.f32 v0, v1;
	_ =	sdelay $0x1  }
0x5ef: {  	v1 =	vmul.f32 $3.874205050e-02, v0;
	_ =	sdelay $0x1  }
0x5f0: {  	v1 =	vadd.f32 v1, v2;
	_ =	sdelay $0x1  }
0x5f1: {  	[tilespmem:s8+$0xFFFFFFF0] =	vst v1  }
0x5f2: {  	v1 =	vld [tilespmem:s11+$0xFFFFFFF0];
	_ =	sdelay $0x4  }
0x5f3: {  	v0 =	vmul.f32 v1, v0;
	_ =	sdelay $0x1  }
0x5f4: {  	[tilespmem:s9+$0xFFFFFFF0] =	vst v0  }
0x5f5: {  	v0 =	vld [tilespmem:s31+$0x0]  }
0x5f6: {  	v1 =	vld [tilespmem:s11+$0x0];
	_ =	sdelay $0x3  }
0x5f7: {  	v2 =	vld [tilespmem:s8+$0x0]  }
0x5f8: {  	v0 =	vmul.f32 v1, v0;
	_ =	sdelay $0x1  }
0x5f9: {  	v1 =	vmul.f32 $3.874205050e-02, v0;
	_ =	sdelay $0x1  }
0x5fa: {  	v1 =	vadd.f32 v1, v2;
	_ =	sdelay $0x1  }
0x5fb: {  	[tilespmem:s8+$0x0] =	vst v1  }
0x5fc: {  	v1 =	vld [tilespmem:s11+$0x0];
	_ =	sdelay $0x4  }
0x5fd: {  	v0 =	vmul.f32 v1, v0;
	_ =	sdelay $0x1  }
0x5fe: {  	[tilespmem:s9+$0x0] =	vst v0  }
0x5ff: {  	v0 =	vld [tilespmem:s31+$0x10]  }
0x600: {  	v1 =	vld [tilespmem:s11+$0x10];
	_ =	sdelay $0x3  }
0x601: {  	v2 =	vld [tilespmem:s8+$0x10]  }
0x602: {  	v0 =	vmul.f32 v1, v0;
	_ =	sdelay $0x1  }
0x603: {  	v1 =	vmul.f32 $3.874205050e-02, v0;
	_ =	sdelay $0x1  }
0x604: {  	v1 =	vadd.f32 v1, v2;
	_ =	sdelay $0x1  }
0x605: {  	[tilespmem:s8+$0x10] =	vst v1  }
0x606: {  	v1 =	vld [tilespmem:s11+$0x10];
	_ =	sdelay $0x1  }
0x607: {  	s13 =	simm.s32 $0xA060  }
0x608: {  	s12 =	simm.s32 $0xA7A0;
	s10 =	simm.s32 $0x0;
	s11 =	simm.s32 $0xA2E0  }
.LBB2_41:
0x609: {  	s10 =	sadd.s32 $0x4, s10;
	s9 =	sadd.s32 $0x40, s9;
	s8 =	sadd.s32 $0x40, s8  }
0x60a: {  	p0 =	slt.u32 s10, $0x24;
	v0 =	vmul.f32 v1, v0;
	_ =	sdelay $0x1  }
0x60b: {  	[tilespmem:s12+$0x10] =	vst v0;
	s12 =	smov.u32 s9  }
0x60c: {  	v0 =	vld [tilespmem:s13+$0xFFFFFFE0]  }
0x60d: {  	v1 =	vld [tilespmem:s11+$0xFFFFFFE0];
	_ =	sdelay $0x3  }
0x60e: {  	v2 =	vld [tilespmem:s8+$0xFFFFFFE0]  }
0x60f: {  	v0 =	vmul.f32 v1, v0;
	_ =	sdelay $0x1  }
0x610: {  	v1 =	vmul.f32 $3.874205050e-02, v0;
	_ =	sdelay $0x1  }
0x611: {  	v1 =	vadd.f32 v1, v2;
	_ =	sdelay $0x1  }
0x612: {  	[tilespmem:s8+$0xFFFFFFE0] =	vst v1  }
0x613: {  	v1 =	vld [tilespmem:s11+$0xFFFFFFE0];
	_ =	sdelay $0x4  }
0x614: {  	v0 =	vmul.f32 v1, v0;
	_ =	sdelay $0x1  }
0x615: {  	[tilespmem:s9+$0xFFFFFFE0] =	vst v0  }
0x616: {  	v0 =	vld [tilespmem:s11+$0xFFFFFFF0]  }
0x617: {  	v1 =	vld [tilespmem:s13+$0xFFFFFFF0];
	_ =	sdelay $0x2  }
0x618: {  	v2 =	vld [tilespmem:s8+$0xFFFFFFF0];
	_ =	sdelay $0x1  }
0x619: {  	v0 =	vmul.f32 v0, v1;
	_ =	sdelay $0x1  }
0x61a: {  	v1 =	vmul.f32 $3.874205050e-02, v0;
	_ =	sdelay $0x1  }
0x61b: {  	v1 =	vadd.f32 v1, v2;
	_ =	sdelay $0x1  }
0x61c: {  	[tilespmem:s8+$0xFFFFFFF0] =	vst v1  }
0x61d: {  	v1 =	vld [tilespmem:s11+$0xFFFFFFF0];
	_ =	sdelay $0x4  }
0x61e: {  	v0 =	vmul.f32 v1, v0;
	_ =	sdelay $0x1  }
0x61f: {  	[tilespmem:s9+$0xFFFFFFF0] =	vst v0  }
0x620: {  	v0 =	vld [tilespmem:s13+$0x0]  }
0x621: {  	v1 =	vld [tilespmem:s11+$0x0];
	_ =	sdelay $0x1  }
0x622: {  	v2 =	vld [tilespmem:s8+$0x0];
	_ =	sdelay $0x2  }
0x623: {  	v0 =	vmul.f32 v1, v0;
	_ =	sdelay $0x1  }
0x624: {  	v1 =	vmul.f32 $3.874205050e-02, v0;
	_ =	sdelay $0x1  }
0x625: {  	v1 =	vadd.f32 v1, v2;
	_ =	sdelay $0x1  }
0x626: {  	[tilespmem:s8+$0x0] =	vst v1  }
0x627: {  	v1 =	vld [tilespmem:s11+$0x0];
	_ =	sdelay $0x4  }
0x628: {  	v0 =	vmul.f32 v1, v0;
	_ =	sdelay $0x1  }
0x629: {  	[tilespmem:s9+$0x0] =	vst v0  }
0x62a: {  	v0 =	vld [tilespmem:s13+$0x10]  }
0x62b: {  	v1 =	vld [tilespmem:s11+$0x10]  }
0x62c: {  	v2 =	vld [tilespmem:s8+$0x10];
	_ =	sdelay $0x3  }
0x62d: {  	v0 =	vmul.f32 v1, v0;
	_ =	sdelay $0x1  }
0x62e: {  	v1 =	vmul.f32 $3.874205050e-02, v0;
	_ =	sdelay $0x1  }
0x62f: {  	v1 =	vadd.f32 v1, v2;
	_ =	sdelay $0x1  }
.Ltmp20:
0x630: {  	[tilespmem:s8+$0x10] =	vst v1;
	(pc) =	sbr.rel @p0 .LBB2_41-.Ltmp20, $2  }
0x631: {  	v1 =	vld [tilespmem:s11+$0x10];
	_ =	sdelay $0x2  }
0x632: {  	s13 =	sadd.s32 $0x40, s13;
	s11 =	sadd.s32 $0x40, s11  }
0x633: {  	_ = 	snop  }
0x634: {  	v0 =	vmul.f32 v1, v0;
	_ =	sdelay $0x1  }
0x635: {  	s8 =	simm.s32 $0xA780;
	s30 =	simm.s32 $0x2;
	[tilespmem:s12+$0x10] =	vst v0  }
0x636: {  	[spmem:s7] =	stream.linear.scatter [tilespmem:s8], [sflag:$0x2], $0x280, $0x38;
	[tilespmem:$0xB180] =	vst v63  }
0x637: {  	_ =	swait.ge [sflag:s30], $0x280  }
0x638: {  	[sflag:s30] =	ssyncset.done $0x0  }
0x639: {  	s31 =	simm.s32 $0xAA00;
	[sflag:s30] =	ssyncadd.s32 $0xFFFFFD80  }
0x63a: {  	[spmem:s5] =	stream.linear.scatter [tilespmem:s31], [sflag:$0x2], $0x280, $0x38;
	[tilespmem:$0xB180] =	vst v63  }
0x63b: {  	_ =	swait.ge [sflag:s30], $0x280  }
0x63c: {  	[sflag:s30] =	ssyncset.done $0x0  }
0x63d: {  	[sflag:s30] =	ssyncadd.s32 $0xFFFFFD80  }
0x63e: {  	s7 =	simm.s32 $0x7800;
	[bflag:$0x0] =	sbarrier.arrive $0xFFFF  }
0x63f: {  	[tilespmem:s7], [sflag:$0x2] =	stream.linear.gather [spmem:s6], $0x2800, $0x38;
	[tilespmem:$0xB180] =	vst v63  }
0x640: {  	_ =	swait.ge [sflag:s30], $0x2800  }
0x641: {  	[sflag:s30] =	ssyncset.done $0x0  }
0x642: {  	s8 =	simm.s32 $0x0;
	[sflag:s30] =	ssyncadd.s32 $0xFFFFD800  }
0x643: {  	s9 =	simm.s32 $0x200;
	s6 =	simm.s32 $0x80;
	v0 =	vld [tilespmem:s8+$0x2800]  }
.LBB2_43:
0x644: {  	p0 =	sne.s32 s9, $0x9E00;
	_ =	sdelay $0x5  }
0x645: {  	v1 =	vld [tilespmem:s8+$0x2810]  }
0x646: {  	v0 =	vld.idx.msk [tilespmem:v0+s7+$0x0], $0xffff;
	_ =	sdelay $0x5  }
0x647: {  	[tilespmem:s8+$0x5000] =	vst v0;
	v0 =	vld [tilespmem:s8+$0x2820]  }
0x648: {  	v1 =	vld.idx.msk [tilespmem:v1+s7+$0x0], $0xffff;
	_ =	sdelay $0x5  }
0x649: {  	[tilespmem:s8+$0x5010] =	vst v1;
	v1 =	vld [tilespmem:s8+$0x2830]  }
0x64a: {  	v0 =	vld.idx.msk [tilespmem:v0+s7+$0x0], $0xffff;
	_ =	sdelay $0x5  }
0x64b: {  	[tilespmem:s8+$0x5020] =	vst v0;
	v0 =	vld [tilespmem:s8+$0x2840]  }
0x64c: {  	v1 =	vld.idx.msk [tilespmem:v1+s7+$0x0], $0xffff;
	_ =	sdelay $0x5  }
0x64d: {  	[tilespmem:s8+$0x5030] =	vst v1;
	v1 =	vld [tilespmem:s8+$0x2850]  }
0x64e: {  	v0 =	vld.idx.msk [tilespmem:v0+s7+$0x0], $0xffff;
	_ =	sdelay $0x5  }
0x64f: {  	[tilespmem:s8+$0x5040] =	vst v0;
	v0 =	vld [tilespmem:s8+$0x2860]  }
0x650: {  	v1 =	vld.idx.msk [tilespmem:v1+s7+$0x0], $0xffff;
	_ =	sdelay $0x5  }
0x651: {  	[tilespmem:s8+$0x5050] =	vst v1;
	v1 =	vld [tilespmem:s8+$0x2870]  }
0x652: {  	v0 =	vld.idx.msk [tilespmem:v0+s7+$0x0], $0xffff;
	_ =	sdelay $0x5  }
0x653: {  	[tilespmem:s8+$0x5060] =	vst v0  }
0x654: {  	v0 =	vld.idx.msk [tilespmem:v1+s7+$0x0], $0xffff;
	_ =	sdelay $0x2  }
.Ltmp21:
0x655: {  	(pc) =	sbr.rel @p0 .LBB2_43-.Ltmp21, $4  }
0x656: {  	_ = 	snop  }
0x657: {  	s10 =	sshra.s32 s9, $0x2;
	s11 =	sadd.s32 $0x5000, s8  }
0x658: {  	[tilespmem:s8+$0x5070] =	vst v0;
	[spmem:s4] =	stream.indirect.scatter.add.f32 [tilespmem:s11], [sflag:$0x1], $0x1, s8, s6, $0xb8  }
0x659: {  	s9 =	sadd.s32 $0x200, s9;
	s8 =	smov.u32 s10;
	v0 =	vld [tilespmem:s10+$0x2800]  }
0x65a: {  	_ =	sdelay $0x5  }
0x65b: {  	v1 =	vld [tilespmem:s8+$0x2810];
	_ =	sdelay $0x1  }
0x65c: {  	v0 =	vld.idx.msk [tilespmem:v0+s7+$0x0], $0xffff;
	_ =	sdelay $0x4  }
0x65d: {  	[tilespmem:s8+$0x5000] =	vst v0;
	v0 =	vld [tilespmem:s8+$0x2820]  }
0x65e: {  	v1 =	vld.idx.msk [tilespmem:v1+s7+$0x0], $0xffff;
	_ =	sdelay $0x4  }
0x65f: {  	[tilespmem:s8+$0x5010] =	vst v1;
	v1 =	vld [tilespmem:s8+$0x2830];
	_ =	sdelay $0x1  }
0x660: {  	v0 =	vld.idx.msk [tilespmem:v0+s7+$0x0], $0xffff;
	_ =	sdelay $0x4  }
0x661: {  	[tilespmem:s8+$0x5020] =	vst v0;
	v0 =	vld [tilespmem:s8+$0x2840]  }
0x662: {  	v1 =	vld.idx.msk [tilespmem:v1+s7+$0x0], $0xffff;
	_ =	sdelay $0x4  }
0x663: {  	[tilespmem:s8+$0x5030] =	vst v1;
	v1 =	vld [tilespmem:s8+$0x2850];
	_ =	sdelay $0x1  }
0x664: {  	v0 =	vld.idx.msk [tilespmem:v0+s7+$0x0], $0xffff;
	_ =	sdelay $0x4  }
0x665: {  	[tilespmem:s8+$0x5040] =	vst v0;
	v0 =	vld [tilespmem:s8+$0x2860]  }
0x666: {  	v1 =	vld.idx.msk [tilespmem:v1+s7+$0x0], $0xffff;
	_ =	sdelay $0x4  }
0x667: {  	[tilespmem:s8+$0x5050] =	vst v1;
	v1 =	vld [tilespmem:s8+$0x2870];
	_ =	sdelay $0x1  }
0x668: {  	v0 =	vld.idx.msk [tilespmem:v0+s7+$0x0], $0xffff;
	_ =	sdelay $0x4  }
0x669: {  	[tilespmem:s8+$0x5060] =	vst v0  }
0x66a: {  	v0 =	vld.idx.msk [tilespmem:v1+s7+$0x0], $0xffff;
	_ =	sdelay $0x4  }
0x66b: {  	s25 =	sadd.s32 $0x5000, s8;
	s26 =	simm.s32 $0x1;
	[tilespmem:s8+$0x5070] =	vst v0  }
0x66c: {  	[spmem:s4] =	stream.indirect.scatter.add.f32 [tilespmem:s25], [sflag:$0x1], $0x1, s8, s6, $0xb8;
	[tilespmem:$0xB180] =	vst v63  }
0x66d: {  	_ =	swait.ge [sflag:s26], $0x2800  }
0x66e: {  	[sflag:s26] =	ssyncset.done $0x0  }
0x66f: {  	[sflag:s26] =	ssyncadd.s32 $0xFFFFD800  }
0x670: {  	s28 =	simm.s32 $0xA000;
	s29 =	simm.s32 $0x2;
	[bflag:$0x0] =	sbarrier.arrive $0xFFFF  }
0x671: {  	[tilespmem:s28], [sflag:$0x2] =	stream.linear.gather [spmem:s5], $0x280, $0x38;
	[tilespmem:$0xB180] =	vst v63  }
0x672: {  	_ =	swait.ge [sflag:s29], $0x280  }
0x673: {  	[sflag:s29] =	ssyncset.done $0x0  }
0x674: {  	s30 =	simm.s32 $0xA020;
	[sflag:s29] =	ssyncadd.s32 $0xFFFFFD80  }
0x675: {  	s31 =	simm.s32 $0xA2A0;
	v0 =	vld [tilespmem:s30+$0xFFFFFFE0]  }
0x676: {  	v1 =	vld [tilespmem:s31+$0xFFFFFFE0];
	_ =	sdelay $0x2  }
0x677: {  	s4 =	simm.s32 $0xA520  }
0x678: {  	v2 =	vld [tilespmem:s4+$0xFFFFFFE0]  }
0x679: {  	v0 =	vmul.f32 v1, v0;
	_ =	sdelay $0x1  }
0x67a: {  	v1 =	vmul.f32 $3.486784400e-01, v0;
	_ =	sdelay $0x1  }
0x67b: {  	v1 =	vadd.f32 v1, v2;
	_ =	sdelay $0x1  }
0x67c: {  	[tilespmem:s4+$0xFFFFFFE0] =	vst v1  }
0x67d: {  	v1 =	vld [tilespmem:s31+$0xFFFFFFE0];
	_ =	sdelay $0x4  }
0x67e: {  	v0 =	vmul.f32 v1, v0  }
0x67f: {  	s5 =	simm.s32 $0xA7A0  }
0x680: {  	[tilespmem:s5+$0xFFFFFFE0] =	vst v0  }
0x681: {  	v0 =	vld [tilespmem:s31+$0xFFFFFFF0]  }
0x682: {  	v1 =	vld [tilespmem:s30+$0xFFFFFFF0];
	_ =	sdelay $0x3  }
0x683: {  	v2 =	vld [tilespmem:s4+$0xFFFFFFF0]  }
0x684: {  	v0 =	vmul.f32 v0, v1;
	_ =	sdelay $0x1  }
0x685: {  	v1 =	vmul.f32 $3.486784400e-01, v0;
	_ =	sdelay $0x1  }
0x686: {  	v1 =	vadd.f32 v1, v2;
	_ =	sdelay $0x1  }
0x687: {  	[tilespmem:s4+$0xFFFFFFF0] =	vst v1  }
0x688: {  	v1 =	vld [tilespmem:s31+$0xFFFFFFF0];
	_ =	sdelay $0x4  }
0x689: {  	v0 =	vmul.f32 v1, v0;
	_ =	sdelay $0x1  }
0x68a: {  	[tilespmem:s5+$0xFFFFFFF0] =	vst v0  }
0x68b: {  	v0 =	vld [tilespmem:s30+$0x0]  }
0x68c: {  	v1 =	vld [tilespmem:s31+$0x0];
	_ =	sdelay $0x3  }
0x68d: {  	v2 =	vld [tilespmem:s4+$0x0]  }
0x68e: {  	v0 =	vmul.f32 v1, v0;
	_ =	sdelay $0x1  }
0x68f: {  	v1 =	vmul.f32 $3.486784400e-01, v0;
	_ =	sdelay $0x1  }
0x690: {  	v1 =	vadd.f32 v1, v2;
	_ =	sdelay $0x1  }
0x691: {  	[tilespmem:s4+$0x0] =	vst v1  }
0x692: {  	v1 =	vld [tilespmem:s31+$0x0];
	_ =	sdelay $0x4  }
0x693: {  	v0 =	vmul.f32 v1, v0;
	_ =	sdelay $0x1  }
0x694: {  	[tilespmem:s5+$0x0] =	vst v0  }
0x695: {  	v0 =	vld [tilespmem:s30+$0x10]  }
0x696: {  	v1 =	vld [tilespmem:s31+$0x10];
	_ =	sdelay $0x3  }
0x697: {  	v2 =	vld [tilespmem:s4+$0x10]  }
0x698: {  	v0 =	vmul.f32 v1, v0;
	_ =	sdelay $0x1  }
0x699: {  	v1 =	vmul.f32 $3.486784400e-01, v0;
	_ =	sdelay $0x1  }
0x69a: {  	v1 =	vadd.f32 v1, v2;
	_ =	sdelay $0x1  }
0x69b: {  	[tilespmem:s4+$0x10] =	vst v1  }
0x69c: {  	v1 =	vld [tilespmem:s31+$0x10];
	_ =	sdelay $0x1  }
0x69d: {  	s9 =	simm.s32 $0xA060  }
0x69e: {  	s7 =	simm.s32 $0xA2E0;
	s6 =	simm.s32 $0x0;
	s8 =	simm.s32 $0xA7A0  }
.LBB2_45:
0x69f: {  	s6 =	sadd.s32 $0x4, s6;
	s5 =	sadd.s32 $0x40, s5;
	s4 =	sadd.s32 $0x40, s4  }
0x6a0: {  	p0 =	slt.u32 s6, $0x24;
	v0 =	vmul.f32 v1, v0;
	_ =	sdelay $0x1  }
0x6a1: {  	[tilespmem:s8+$0x10] =	vst v0;
	s8 =	smov.u32 s5  }
0x6a2: {  	v0 =	vld [tilespmem:s9+$0xFFFFFFE0]  }
0x6a3: {  	v1 =	vld [tilespmem:s7+$0xFFFFFFE0];
	_ =	sdelay $0x3  }
0x6a4: {  	v2 =	vld [tilespmem:s4+$0xFFFFFFE0]  }
0x6a5: {  	v0 =	vmul.f32 v1, v0;
	_ =	sdelay $0x1  }
0x6a6: {  	v1 =	vmul.f32 $3.486784400e-01, v0;
	_ =	sdelay $0x1  }
0x6a7: {  	v1 =	vadd.f32 v1, v2;
	_ =	sdelay $0x1  }
0x6a8: {  	[tilespmem:s4+$0xFFFFFFE0] =	vst v1  }
0x6a9: {  	v1 =	vld [tilespmem:s7+$0xFFFFFFE0];
	_ =	sdelay $0x4  }
0x6aa: {  	v0 =	vmul.f32 v1, v0;
	_ =	sdelay $0x1  }
0x6ab: {  	[tilespmem:s5+$0xFFFFFFE0] =	vst v0  }
0x6ac: {  	v0 =	vld [tilespmem:s7+$0xFFFFFFF0]  }
0x6ad: {  	v1 =	vld [tilespmem:s9+$0xFFFFFFF0];
	_ =	sdelay $0x2  }
0x6ae: {  	v2 =	vld [tilespmem:s4+$0xFFFFFFF0];
	_ =	sdelay $0x1  }
0x6af: {  	v0 =	vmul.f32 v0, v1;
	_ =	sdelay $0x1  }
0x6b0: {  	v1 =	vmul.f32 $3.486784400e-01, v0;
	_ =	sdelay $0x1  }
0x6b1: {  	v1 =	vadd.f32 v1, v2;
	_ =	sdelay $0x1  }
0x6b2: {  	[tilespmem:s4+$0xFFFFFFF0] =	vst v1  }
0x6b3: {  	v1 =	vld [tilespmem:s7+$0xFFFFFFF0];
	_ =	sdelay $0x4  }
0x6b4: {  	v0 =	vmul.f32 v1, v0;
	_ =	sdelay $0x1  }
0x6b5: {  	[tilespmem:s5+$0xFFFFFFF0] =	vst v0  }
0x6b6: {  	v0 =	vld [tilespmem:s9+$0x0]  }
0x6b7: {  	v1 =	vld [tilespmem:s7+$0x0];
	_ =	sdelay $0x1  }
0x6b8: {  	v2 =	vld [tilespmem:s4+$0x0];
	_ =	sdelay $0x2  }
0x6b9: {  	v0 =	vmul.f32 v1, v0;
	_ =	sdelay $0x1  }
0x6ba: {  	v1 =	vmul.f32 $3.486784400e-01, v0;
	_ =	sdelay $0x1  }
0x6bb: {  	v1 =	vadd.f32 v1, v2;
	_ =	sdelay $0x1  }
0x6bc: {  	[tilespmem:s4+$0x0] =	vst v1  }
0x6bd: {  	v1 =	vld [tilespmem:s7+$0x0];
	_ =	sdelay $0x4  }
0x6be: {  	v0 =	vmul.f32 v1, v0;
	_ =	sdelay $0x1  }
0x6bf: {  	[tilespmem:s5+$0x0] =	vst v0  }
0x6c0: {  	v0 =	vld [tilespmem:s9+$0x10]  }
0x6c1: {  	v1 =	vld [tilespmem:s7+$0x10]  }
0x6c2: {  	v2 =	vld [tilespmem:s4+$0x10];
	_ =	sdelay $0x3  }
0x6c3: {  	v0 =	vmul.f32 v1, v0;
	_ =	sdelay $0x1  }
0x6c4: {  	v1 =	vmul.f32 $3.486784400e-01, v0;
	_ =	sdelay $0x1  }
0x6c5: {  	v1 =	vadd.f32 v1, v2;
	_ =	sdelay $0x1  }
.Ltmp22:
0x6c6: {  	[tilespmem:s4+$0x10] =	vst v1;
	(pc) =	sbr.rel @p0 .LBB2_45-.Ltmp22, $2  }
0x6c7: {  	v1 =	vld [tilespmem:s7+$0x10];
	_ =	sdelay $0x2  }
0x6c8: {  	s9 =	sadd.s32 $0x40, s9;
	s7 =	sadd.s32 $0x40, s7  }
0x6c9: {  	_ = 	snop  }
0x6ca: {  	v0 =	vmul.f32 v1, v0;
	_ =	sdelay $0x1  }
0x6cb: {  	s5 =	simm.s32 $0x0;
	[tilespmem:s8+$0x10] =	vst v0  }
0x6cc: {  	v0 =	vld [tilespmem:s5+$0xA500];
	_ =	sdelay $0x3  }
0x6cd: {  	p0 =	slt.u32 s2, $0x2710  }
0x6ce: {  	v0 =	vpsel !p0, $0x0, v0  }
0x6cf: {  	s4 =	simm.s32 $0x10;
	s6 =	simm.s32 $0x80;
	[tilespmem:s5+$0xA500] =	vst v0;
	s5 =	smov.u32 s2  }
.LBB2_47:
0x6d0: {  	p0 =	sne.s32 s6, $0x9C0;
	v0 =	vld [tilespmem:s4+$0xA500];
	_ =	sdelay $0x1  }
.Ltmp23:
0x6d1: {  	(pc) =	sbr.rel @p0 .LBB2_47-.Ltmp23, $4  }
0x6d2: {  	s5 =	sadd.s32 $0x10, s5  }
0x6d3: {  	p1 =	slt.u32 s5, $0x2710  }
0x6d4: {  	v0 =	vpsel !p1, $0x0, v0  }
0x6d5: {  	[tilespmem:s4+$0xA500] =	vst v0;
	s4 =	sshra.s32 s6, $0x2;
	s6 =	sadd.s32 $0x40, s6  }
0x6d6: {  	v0 =	vld [tilespmem:s4+$0xA500];
	_ =	sdelay $0x2  }
0x6d7: {  	s5 =	sadd.s32 $0x10, s5  }
0x6d8: {  	p0 =	slt.u32 s5, $0x2710  }
0x6d9: {  	s2 =	sshrl.u32 s2, $0x3;
	s29 =	simm.s32 $0x0;
	v0 =	vpsel !p0, $0x0, v0  }
0x6da: {  	s30 =	simm.s32 $0xA500;
	s31 =	simm.s32 $0x2;
	s2 =	sadd.s32 s3, s2;
	[tilespmem:s4+$0xA500] =	vst v0  }
0x6db: {  	[hbm4b:s2+s29] =	stream.linear.scatter [tilespmem:s30], [sflag:$0x2], $0x280, $0x38;
	[tilespmem:$0xB180] =	vst v63  }
0x6dc: {  	_ =	swait.ge [sflag:s31], $0x280  }
0x6dd: {  	[sflag:s31] =	ssyncset.done $0x0  }
0x6de: {  	[sflag:s31] =	ssyncadd.s32 $0xFFFFFD80  }
0x6df: {  	_ =	sfence.sel $0x180000  }
0x6e0: {  	[bflag:$0x0] =	sbarrier.arrive $0xFFFF  }
0x6e1: {  	p0 =	sne.s32 s0, $0x0;
	_ =	strace $0x90000047  }
0x6e2: {  	s0 =	sadd.s32 @!p0 $0x100000, s1;
	[bflag:$0x2] =	sbarrier.arrive $0xFFFF  }
0x6e3: {  	[sflag:s0] =	ssyncadd.tile.s32 @!p0 $0x1;
	_ =	shalt  }
.Lfunc_end2:
_tile_overlayer_lowered:
.L_overlay_start_2:
0x6e4: {  	(tag) =	ssettag $0x2  }
0x6e5: {  	s0 =	rddreg [dreg:$0x0];
	s2 =	stileid.u32  }
0x6e6: {  	s1 =	rddreg [dreg:$0x1];
	p0 =	sne.s32 s2, $0x0  }
0x6e7: {  	s3 =	rddreg [dreg:$0x2];
	[bflag:$0x3] =	sbarrier.arrive $0xFFFF;
	s2 =	simm.s32 @!p0 $0x1C02  }
0x6e8: {  	[timem:s3], [sflag:s2] =	dma.local @!p0 [hbm:s0], s1  }
0x6e9: {  	s0 =	simm.s32 @!p0 $0x2  }
0x6ea: {  	_ =	swait.ge @!p0 [sflag:s0], s1  }
0x6eb: {  	s1 =	ssub.s32 @!p0 $0x0, s1;
	[sflag:s0] =	ssyncset.done @!p0 $0x0  }
0x6ec: {  	[sflag:s0] =	ssyncadd.s32 @!p0 s1  }
0x6ed: {  	[bflag:$0x3] =	sbarrier.arrive $0xFFFF  }
0x6ee: {  	_ =	shalt  }

</sc_bundles>
